<compile_context>
chip_gen: v7x
topology: tpu7x:2x2x1
jax: 0.10.2.dev20260603
libtpu: 0.0.44.dev20260713+nightly
codegen_flags: <defaults>
</compile_context>

<pallas_src>
import functools

import jax
import jax.numpy as jnp
from jax import lax
from jax.experimental import pallas as pl
from jax.experimental.pallas import tpu as pltpu
from jax.experimental.pallas import tpu_sc as plsc

_BATCH = 32
_OBS_DIM = 12
_VOCAB = 10
_EMBED = 16
_OUT = 128
_NPAIR = _OBS_DIM // 2
_PAIR_ROWS = _VOCAB * _VOCAB
_TAB_ROWS = _NPAIR * _PAIR_ROWS
_NTILES = 32
_ROWS_PER_TILE = _OBS_DIM
_IDX_PER_TILE = _ROWS_PER_TILE * _NPAIR


def _tc_table_body(obs_ref, emb_ref, w_ref, b_ref, qp_ref, idx_ref):
    emb = emb_ref[...]
    for p in range(_NPAIR):
        j1, j2 = p, p + _NPAIR
        q1 = jax.lax.dot_general(
            emb, w_ref[_EMBED * j1:_EMBED * (j1 + 1), :],
            (((1,), (0,)), ((), ())), preferred_element_type=jnp.float32)
        q2 = jax.lax.dot_general(
            emb, w_ref[_EMBED * j2:_EMBED * (j2 + 1), :],
            (((1,), (0,)), ((), ())), preferred_element_type=jnp.float32)
        q1r = jnp.broadcast_to(q1[:, None, :], (_VOCAB, _VOCAB, _OUT))
        q2t = jnp.broadcast_to(q2[None, :, :], (_VOCAB, _VOCAB, _OUT))
        blk = (q1r + q2t).reshape(_PAIR_ROWS, _OUT)
        if p == 0:
            blk = blk + b_ref[...]
        qp_ref[_PAIR_ROWS * p:_PAIR_ROWS * (p + 1), :] = blk

    obs3 = obs_ref[...]
    jot = lax.broadcasted_iota(jnp.int32, (_BATCH, _OBS_DIM, _NPAIR), 2)
    pidx = (obs3[:, :, 0:_NPAIR] * _VOCAB + obs3[:, :, _NPAIR:_OBS_DIM]
            + jot * _PAIR_ROWS)
    flat = pidx.reshape(_BATCH, 1, _IDX_PER_TILE)
    idx_ref[:, :, 0:_IDX_PER_TILE] = flat


def _build_table(obs, emb_table, W, b):
    return pl.pallas_call(
        _tc_table_body,
        out_shape=[
            jax.ShapeDtypeStruct((_TAB_ROWS, _OUT), jnp.float32),
            jax.ShapeDtypeStruct((_NTILES, 1, 128), jnp.int32),
        ],
    )(obs, emb_table, W, b.reshape(1, _OUT))


_sc_mesh = plsc.VectorSubcoreMesh(core_axis_name="c", subcore_axis_name="s")


@functools.partial(
    pl.kernel,
    out_type=jax.ShapeDtypeStruct((_BATCH, _OBS_DIM, _OUT), jnp.float32),
    mesh=_sc_mesh,
    scratch_types=[
        pltpu.VMEM((1, 128), jnp.int32),
        pltpu.VMEM((_IDX_PER_TILE, _OUT), jnp.float32),
        pltpu.VMEM((_ROWS_PER_TILE, _OUT), jnp.float32),
        pltpu.SemaphoreType.DMA,
        pltpu.SemaphoreType.DMA,
    ],
)
def _sc_gather_sum(qp_hbm, idx_hbm, out_hbm, idx_v, rows_v, out_v, sem_a,
                   sem_b):
    wid = lax.axis_index("s") * 2 + lax.axis_index("c")
    split = 8
    ga = split * _NPAIR
    gb = _IDX_PER_TILE - ga
    pltpu.sync_copy(idx_hbm.at[wid], idx_v)
    cp_a = pltpu.async_copy(
        qp_hbm.at[idx_v.at[0, pl.ds(0, ga)]],
        rows_v.at[pl.ds(0, ga)], sem_a)
    cp_b = pltpu.async_copy(
        qp_hbm.at[idx_v.at[0, pl.ds(ga, gb)]],
        rows_v.at[pl.ds(ga, gb)], sem_b)

    def _reduce_rows(r0, r1):
        for r in range(r0, r1):
            for c in range(_OUT // 16):
                s = pl.ds(16 * c, 16)
                acc = rows_v[_NPAIR * r, s]
                for t in range(1, _NPAIR):
                    acc = acc + rows_v[_NPAIR * r + t, s]
                out_v[r, s] = acc

    cp_a.wait()
    _reduce_rows(0, split)
    cp_out_a = pltpu.async_copy(
        out_v.at[pl.ds(0, split)],
        out_hbm.at[wid, pl.ds(0, split)], sem_a)
    cp_b.wait()
    _reduce_rows(split, _ROWS_PER_TILE)
    pltpu.sync_copy(out_v.at[pl.ds(split, _ROWS_PER_TILE - split)],
                    out_hbm.at[wid, pl.ds(split, _ROWS_PER_TILE - split)])
    cp_out_a.wait()


def kernel(obs, emb_table, W, b):
    qp, idx5 = _build_table(obs.astype(jnp.int32), emb_table, W, b)
    return _sc_gather_sum(qp, idx5)

# --- scband reference (transcript-rebuilt; emitter-appended) ---
"""Pipeline reference for scband-observation-embedding-representation-4741643895571 (READ-ONLY COPY).

The authoritative reference and input builder live on the scoring server;
editing this copy changes nothing except your own understanding.
"""

import jax, jax.numpy as jnp
import numpy as np

BATCH = 32
OBS_DIM = 12
VOCAB = 10
EMBED_SIZE = 16
EMBED_DIM = 128

def setup_inputs(seed: int = 0) -> dict:
    key = jax.random.key(seed)
    k1, k2, k3, k4 = jax.random.split(key, 4)
    obs = jax.random.randint(k1, (BATCH, OBS_DIM, OBS_DIM), 0, VOCAB, dtype=jnp.int64 if jax.config.jax_enable_x64 else jnp.int32)
    emb_table = jax.random.normal(k2, (VOCAB, EMBED_SIZE), dtype=jnp.float32)
    fan_in = EMBED_SIZE * OBS_DIM
    bound = 1.0 / np.sqrt(fan_in)
    W = jax.random.uniform(k3, (fan_in, EMBED_DIM), minval=-bound, maxval=bound, dtype=jnp.float32)
    b = jax.random.uniform(k4, (EMBED_DIM,), minval=-bound, maxval=bound, dtype=jnp.float32)
    return {"obs": obs, "emb_table": emb_table, "W": W, "b": b}

def reference(obs, emb_table, W, b):
    # nn.Embedding: gather rows
    e = jnp.take(emb_table, obs, axis=0)  # [B, OBS_DIM, OBS_DIM, EMBED_SIZE]
    # nn.Flatten(start_dim=-2): merge last two dims
    flat = e.reshape(e.shape[0], e.shape[1], e.shape[2] * e.shape[3])  # [B, OBS_DIM, OBS_DIM*EMBED_SIZE]
    # nn.Linear
    out = flat @ W + b  # [B, OBS_DIM, EMBED_DIM]
    # reshape(batch, obs_dim, -1)
    return out.reshape(BATCH, OBS_DIM, -1)

if __name__ == "__main__":
    import jax
    _d = setup_inputs()
    print(jax.jit(kernel)(*tuple(_d.values())))

</pallas_src>

<mosaic_0001>
#map = affine_map<(d0, d1) -> (0, 0)>
#map1 = affine_map<(d0, d1) -> (0, 0, 0)>
module attributes {stable_mosaic.version = 14 : i64} {
  func.func @_sc_gather_sum(%arg0: i32, %arg1: i32, %arg2: memref<600x128xf32, #tpu.memory_space<hbm>>, %arg3: memref<32x1x128xi32, #tpu.memory_space<hbm>>, %arg4: memref<32x12x128xf32, #tpu.memory_space<hbm>>, %arg5: memref<1x128xi32, #tpu.memory_space<vmem>>, %arg6: memref<72x128xf32, #tpu.memory_space<vmem>>, %arg7: memref<12x128xf32, #tpu.memory_space<vmem>>, %arg8: memref<!tpu.dma_semaphore, #tpu.memory_space<semaphore_mem>>, %arg9: memref<!tpu.dma_semaphore, #tpu.memory_space<semaphore_mem>>) attributes {dimension_semantics = [#tpu.dimension_semantics<core_parallel>, #tpu.dimension_semantics<subcore_parallel>], iteration_bounds = array<i64: 2, 16>, scalar_prefetch = 0 : i64, scratch_operands = 5 : i64, tpu.core_type = #tpu.core_type<sc_vector_subcore>, window_params = [{transform_indices = #map}, {transform_indices = #map1}, {transform_indices = #map1}]} {
    %mul3A = arith.constant 2 : i32
    %mul3A_0 = arith.muli %arg1, %mul3A : i32
    %add3A = arith.addi %mul3A_0, %arg0 : i32
    "tpu.region"() ({
      %run_scoped3A = tpu.sem_alloc : memref<!tpu.dma_semaphore, #tpu.memory_space<semaphore_mem>>
      %dma_start3A_4001 = arith.constant 0 : i32
      %dma_start3A_4002 = arith.constant 0 : i32
      %dma_start3A_4003 = tpu.memref_slice %arg3[%add3A, %dma_start3A_4001, %dma_start3A_4002] : memref<32x1x128xi32, #tpu.memory_space<hbm>> -> memref<1x1x128xi32, #tpu.memory_space<hbm>>
      %dma_start3A_4004 = tpu.memref_squeeze %dma_start3A_4003 : memref<1x1x128xi32, #tpu.memory_space<hbm>> -> memref<1x128xi32, #tpu.memory_space<hbm>>
      %dma_start3A_4005 = arith.constant 0 : i32
      %dma_start3A_4006 = arith.constant 0 : i32
      %dma_start3A_4007 = tpu.memref_slice %arg3[%add3A, %dma_start3A_4005, %dma_start3A_4006] : memref<32x1x128xi32, #tpu.memory_space<hbm>> -> memref<1x1x128xi32, #tpu.memory_space<hbm>>
      %dma_start3A_4008 = tpu.memref_squeeze %dma_start3A_4007 : memref<1x1x128xi32, #tpu.memory_space<hbm>> -> memref<1x128xi32, #tpu.memory_space<hbm>>
      tpu.enqueue_dma source(%dma_start3A_4008 : memref<1x128xi32, #tpu.memory_space<hbm>>) target(%arg5 : memref<1x128xi32, #tpu.memory_space<vmem>>) target_semaphore(%run_scoped3A : memref<!tpu.dma_semaphore, #tpu.memory_space<semaphore_mem>>)
      %dma_wait3A_4009 = arith.constant 0 : i32
      %dma_wait3A_4010 = arith.constant 0 : i32
      %dma_wait3A_4011 = tpu.memref_slice %arg3[%add3A, %dma_wait3A_4009, %dma_wait3A_4010] : memref<32x1x128xi32, #tpu.memory_space<hbm>> -> memref<1x1x128xi32, #tpu.memory_space<hbm>>
      %dma_wait3A_4012 = tpu.memref_squeeze %dma_wait3A_4011 : memref<1x1x128xi32, #tpu.memory_space<hbm>> -> memref<1x128xi32, #tpu.memory_space<hbm>>
      %dma_wait3A_4013 = arith.constant 0 : i32
      %dma_wait3A_4014 = arith.constant 0 : i32
      %dma_wait3A_4015 = tpu.memref_slice %arg3[%add3A, %dma_wait3A_4013, %dma_wait3A_4014] : memref<32x1x128xi32, #tpu.memory_space<hbm>> -> memref<1x1x128xi32, #tpu.memory_space<hbm>>
      %dma_wait3A_4016 = tpu.memref_squeeze %dma_wait3A_4015 : memref<1x1x128xi32, #tpu.memory_space<hbm>> -> memref<1x128xi32, #tpu.memory_space<hbm>>
      tpu.wait_dma2 semaphore(%run_scoped3A : memref<!tpu.dma_semaphore, #tpu.memory_space<semaphore_mem>>) src(%dma_wait3A_4016 : memref<1x128xi32, #tpu.memory_space<hbm>>) dst(%arg5 : memref<1x128xi32, #tpu.memory_space<vmem>>)
      tpu.yield
    }) : () -> ()
    %dma_start3A = arith.constant 0 : i32
    %dma_start3A_1 = arith.constant 0 : i32
    %dma_start3A_2 = arith.constant 0 : i32
    %dma_start3A_3 = tpu.memref_slice %arg6[%dma_start3A_1, %dma_start3A_2] : memref<72x128xf32, #tpu.memory_space<vmem>> -> memref<48x128xf32, #tpu.memory_space<vmem>>
    %dma_start3A_4 = arith.constant 0 : i32
    %dma_start3A_5 = tpu.memref_slice %arg5[%dma_start3A, %dma_start3A_4] : memref<1x128xi32, #tpu.memory_space<vmem>> -> memref<1x48xi32, #tpu.memory_space<vmem>>
    %dma_start3A_6 = tpu.memref_squeeze %dma_start3A_5 : memref<1x48xi32, #tpu.memory_space<vmem>> -> memref<48xi32, #tpu.memory_space<vmem>>
    %dma_start3A_7 = arith.constant 0 : i32
    %dma_start3A_8 = arith.constant 0 : i32
    %dma_start3A_9 = tpu.memref_slice %arg2[%dma_start3A_7, %dma_start3A_8] : memref<600x128xf32, #tpu.memory_space<hbm>> -> memref<600x128xf32, #tpu.memory_space<hbm>>
    tpu.enqueue_indirect_dma source(%dma_start3A_9 : memref<600x128xf32, #tpu.memory_space<hbm>>) target(%dma_start3A_3 : memref<48x128xf32, #tpu.memory_space<vmem>>) offsets(%dma_start3A_6 : memref<48xi32, #tpu.memory_space<vmem>>) semaphore(%arg8 : memref<!tpu.dma_semaphore, #tpu.memory_space<semaphore_mem>>)
    %dma_start3A_10 = arith.constant 0 : i32
    %dma_start3A_11 = arith.constant 48 : i32
    %dma_start3A_12 = arith.constant 0 : i32
    %dma_start3A_13 = tpu.memref_slice %arg6[%dma_start3A_11, %dma_start3A_12] : memref<72x128xf32, #tpu.memory_space<vmem>> -> memref<24x128xf32, #tpu.memory_space<vmem>>
    %dma_start3A_14 = arith.constant 48 : i32
    %dma_start3A_15 = tpu.memref_slice %arg5[%dma_start3A_10, %dma_start3A_14] : memref<1x128xi32, #tpu.memory_space<vmem>> -> memref<1x24xi32, #tpu.memory_space<vmem>>
    %dma_start3A_16 = tpu.memref_squeeze %dma_start3A_15 : memref<1x24xi32, #tpu.memory_space<vmem>> -> memref<24xi32, #tpu.memory_space<vmem>>
    %dma_start3A_17 = arith.constant 0 : i32
    %dma_start3A_18 = arith.constant 0 : i32
    %dma_start3A_19 = tpu.memref_slice %arg2[%dma_start3A_17, %dma_start3A_18] : memref<600x128xf32, #tpu.memory_space<hbm>> -> memref<600x128xf32, #tpu.memory_space<hbm>>
    tpu.enqueue_indirect_dma source(%dma_start3A_19 : memref<600x128xf32, #tpu.memory_space<hbm>>) target(%dma_start3A_13 : memref<24x128xf32, #tpu.memory_space<vmem>>) offsets(%dma_start3A_16 : memref<24xi32, #tpu.memory_space<vmem>>) semaphore(%arg9 : memref<!tpu.dma_semaphore, #tpu.memory_space<semaphore_mem>>)
    %dma_wait3A = arith.constant 0 : i32
    %dma_wait3A_20 = arith.constant 0 : i32
    %dma_wait3A_21 = arith.constant 0 : i32
    %dma_wait3A_22 = tpu.memref_slice %arg6[%dma_wait3A_20, %dma_wait3A_21] : memref<72x128xf32, #tpu.memory_space<vmem>> -> memref<48x128xf32, #tpu.memory_space<vmem>>
    %dma_wait3A_23 = arith.constant 0 : i32
    %dma_wait3A_24 = tpu.memref_slice %arg5[%dma_wait3A, %dma_wait3A_23] : memref<1x128xi32, #tpu.memory_space<vmem>> -> memref<1x48xi32, #tpu.memory_space<vmem>>
    %dma_wait3A_25 = tpu.memref_squeeze %dma_wait3A_24 : memref<1x48xi32, #tpu.memory_space<vmem>> -> memref<48xi32, #tpu.memory_space<vmem>>
    %dma_wait3A_26 = arith.constant 0 : i32
    %dma_wait3A_27 = arith.constant 0 : i32
    %dma_wait3A_28 = tpu.memref_slice %arg2[%dma_wait3A_26, %dma_wait3A_27] : memref<600x128xf32, #tpu.memory_space<hbm>> -> memref<600x128xf32, #tpu.memory_space<hbm>>
    tpu.wait_indirect_dma semaphore(%arg8 : memref<!tpu.dma_semaphore, #tpu.memory_space<semaphore_mem>>) src(%dma_wait3A_28 : memref<600x128xf32, #tpu.memory_space<hbm>>) dst(%dma_wait3A_22 : memref<48x128xf32, #tpu.memory_space<vmem>>)
    %get3A = arith.constant 0 : i32
    %get3A_29 = arith.index_cast %get3A : i32 to index
    %get3A_30 = arith.constant 0 : index
    %get3A_31 = tpu.vector_load %arg6[%get3A_29, %get3A_30] {strides = array<i32>} : memref<72x128xf32, #tpu.memory_space<vmem>>, vector<1x16xf32>,
    %get3A_32 = vector.shape_cast %get3A_31 : vector<1x16xf32> to vector<16xf32>
    %get3A_33 = arith.constant 1 : i32
    %get3A_34 = arith.index_cast %get3A_33 : i32 to index
    %get3A_35 = arith.constant 0 : index
    %get3A_36 = tpu.vector_load %arg6[%get3A_34, %get3A_35] {strides = array<i32>} : memref<72x128xf32, #tpu.memory_space<vmem>>, vector<1x16xf32>,
    %get3A_37 = vector.shape_cast %get3A_36 : vector<1x16xf32> to vector<16xf32>
    %add3A_38 = arith.addf %get3A_32, %get3A_37 : vector<16xf32>
    %get3A_39 = arith.constant 2 : i32
    %get3A_40 = arith.index_cast %get3A_39 : i32 to index
    %get3A_41 = arith.constant 0 : index
    %get3A_42 = tpu.vector_load %arg6[%get3A_40, %get3A_41] {strides = array<i32>} : memref<72x128xf32, #tpu.memory_space<vmem>>, vector<1x16xf32>,
    %get3A_43 = vector.shape_cast %get3A_42 : vector<1x16xf32> to vector<16xf32>
    %add3A_44 = arith.addf %add3A_38, %get3A_43 : vector<16xf32>
    %get3A_45 = arith.constant 3 : i32
    %get3A_46 = arith.index_cast %get3A_45 : i32 to index
    %get3A_47 = arith.constant 0 : index
    %get3A_48 = tpu.vector_load %arg6[%get3A_46, %get3A_47] {strides = array<i32>} : memref<72x128xf32, #tpu.memory_space<vmem>>, vector<1x16xf32>,
    %get3A_49 = vector.shape_cast %get3A_48 : vector<1x16xf32> to vector<16xf32>
    %add3A_50 = arith.addf %add3A_44, %get3A_49 : vector<16xf32>
    %get3A_51 = arith.constant 4 : i32
    %get3A_52 = arith.index_cast %get3A_51 : i32 to index
    %get3A_53 = arith.constant 0 : index
    %get3A_54 = tpu.vector_load %arg6[%get3A_52, %get3A_53] {strides = array<i32>} : memref<72x128xf32, #tpu.memory_space<vmem>>, vector<1x16xf32>,
    %get3A_55 = vector.shape_cast %get3A_54 : vector<1x16xf32> to vector<16xf32>
    %add3A_56 = arith.addf %add3A_50, %get3A_55 : vector<16xf32>
    %get3A_57 = arith.constant 5 : i32
    %get3A_58 = arith.index_cast %get3A_57 : i32 to index
    %get3A_59 = arith.constant 0 : index
    %get3A_60 = tpu.vector_load %arg6[%get3A_58, %get3A_59] {strides = array<i32>} : memref<72x128xf32, #tpu.memory_space<vmem>>, vector<1x16xf32>,
    %get3A_61 = vector.shape_cast %get3A_60 : vector<1x16xf32> to vector<16xf32>
    %add3A_62 = arith.addf %add3A_56, %get3A_61 : vector<16xf32>
    %swap3A = arith.constant 0 : i32
    %swap3A_63 = arith.index_cast %swap3A : i32 to index
    %swap3A_64 = arith.constant 0 : index
    %swap3A_65 = tpu.vector_load %arg7[%swap3A_63, %swap3A_64] {strides = array<i32>} : memref<12x128xf32, #tpu.memory_space<vmem>>, vector<1x16xf32>,
    %swap3A_66 = vector.shape_cast %swap3A_65 : vector<1x16xf32> to vector<16xf32>
    %swap3A_67 = vector.shape_cast %add3A_62 : vector<16xf32> to vector<1x16xf32>
    tpu.vector_store %arg7[%swap3A_63, %swap3A_64], %swap3A_67 {strides = array<i32>} : memref<12x128xf32, #tpu.memory_space<vmem>>, vector<1x16xf32>,
    %get3A_68 = arith.constant 0 : i32
    %get3A_69 = arith.index_cast %get3A_68 : i32 to index
    %get3A_70 = arith.constant 16 : index
    %get3A_71 = tpu.vector_load %arg6[%get3A_69, %get3A_70] {strides = array<i32>} : memref<72x128xf32, #tpu.memory_space<vmem>>, vector<1x16xf32>,
    %get3A_72 = vector.shape_cast %get3A_71 : vector<1x16xf32> to vector<16xf32>
    %get3A_73 = arith.constant 1 : i32
    %get3A_74 = arith.index_cast %get3A_73 : i32 to index
    %get3A_75 = arith.constant 16 : index
    %get3A_76 = tpu.vector_load %arg6[%get3A_74, %get3A_75] {strides = array<i32>} : memref<72x128xf32, #tpu.memory_space<vmem>>, vector<1x16xf32>,
    %get3A_77 = vector.shape_cast %get3A_76 : vector<1x16xf32> to vector<16xf32>
    %add3A_78 = arith.addf %get3A_72, %get3A_77 : vector<16xf32>
    %get3A_79 = arith.constant 2 : i32
    %get3A_80 = arith.index_cast %get3A_79 : i32 to index
    %get3A_81 = arith.constant 16 : index
    %get3A_82 = tpu.vector_load %arg6[%get3A_80, %get3A_81] {strides = array<i32>} : memref<72x128xf32, #tpu.memory_space<vmem>>, vector<1x16xf32>,
    %get3A_83 = vector.shape_cast %get3A_82 : vector<1x16xf32> to vector<16xf32>
    %add3A_84 = arith.addf %add3A_78, %get3A_83 : vector<16xf32>
    %get3A_85 = arith.constant 3 : i32
    %get3A_86 = arith.index_cast %get3A_85 : i32 to index
    %get3A_87 = arith.constant 16 : index
    %get3A_88 = tpu.vector_load %arg6[%get3A_86, %get3A_87] {strides = array<i32>} : memref<72x128xf32, #tpu.memory_space<vmem>>, vector<1x16xf32>,
    %get3A_89 = vector.shape_cast %get3A_88 : vector<1x16xf32> to vector<16xf32>
    %add3A_90 = arith.addf %add3A_84, %get3A_89 : vector<16xf32>
    %get3A_91 = arith.constant 4 : i32
    %get3A_92 = arith.index_cast %get3A_91 : i32 to index
    %get3A_93 = arith.constant 16 : index
    %get3A_94 = tpu.vector_load %arg6[%get3A_92, %get3A_93] {strides = array<i32>} : memref<72x128xf32, #tpu.memory_space<vmem>>, vector<1x16xf32>,
    %get3A_95 = vector.shape_cast %get3A_94 : vector<1x16xf32> to vector<16xf32>
    %add3A_96 = arith.addf %add3A_90, %get3A_95 : vector<16xf32>
    %get3A_97 = arith.constant 5 : i32
    %get3A_98 = arith.index_cast %get3A_97 : i32 to index
    %get3A_99 = arith.constant 16 : index
    %get3A_100 = tpu.vector_load %arg6[%get3A_98, %get3A_99] {strides = array<i32>} : memref<72x128xf32, #tpu.memory_space<vmem>>, vector<1x16xf32>,
    %get3A_101 = vector.shape_cast %get3A_100 : vector<1x16xf32> to vector<16xf32>
    %add3A_102 = arith.addf %add3A_96, %get3A_101 : vector<16xf32>
    %swap3A_103 = arith.constant 0 : i32
    %swap3A_104 = arith.index_cast %swap3A_103 : i32 to index
    %swap3A_105 = arith.constant 16 : index
    %swap3A_106 = tpu.vector_load %arg7[%swap3A_104, %swap3A_105] {strides = array<i32>} : memref<12x128xf32, #tpu.memory_space<vmem>>, vector<1x16xf32>,
    %swap3A_107 = vector.shape_cast %swap3A_106 : vector<1x16xf32> to vector<16xf32>
    %swap3A_108 = vector.shape_cast %add3A_102 : vector<16xf32> to vector<1x16xf32>
    tpu.vector_store %arg7[%swap3A_104, %swap3A_105], %swap3A_108 {strides = array<i32>} : memref<12x128xf32, #tpu.memory_space<vmem>>, vector<1x16xf32>,
    %get3A_109 = arith.constant 0 : i32
    %get3A_110 = arith.index_cast %get3A_109 : i32 to index
    %get3A_111 = arith.constant 32 : index
    %get3A_112 = tpu.vector_load %arg6[%get3A_110, %get3A_111] {strides = array<i32>} : memref<72x128xf32, #tpu.memory_space<vmem>>, vector<1x16xf32>,
    %get3A_113 = vector.shape_cast %get3A_112 : vector<1x16xf32> to vector<16xf32>
    %get3A_114 = arith.constant 1 : i32
    %get3A_115 = arith.index_cast %get3A_114 : i32 to index
    %get3A_116 = arith.constant 32 : index
    %get3A_117 = tpu.vector_load %arg6[%get3A_115, %get3A_116] {strides = array<i32>} : memref<72x128xf32, #tpu.memory_space<vmem>>, vector<1x16xf32>,
    %get3A_118 = vector.shape_cast %get3A_117 : vector<1x16xf32> to vector<16xf32>
    %add3A_119 = arith.addf %get3A_113, %get3A_118 : vector<16xf32>
    %get3A_120 = arith.constant 2 : i32
    %get3A_121 = arith.index_cast %get3A_120 : i32 to index
    %get3A_122 = arith.constant 32 : index
    %get3A_123 = tpu.vector_load %arg6[%get3A_121, %get3A_122] {strides = array<i32>} : memref<72x128xf32, #tpu.memory_space<vmem>>, vector<1x16xf32>,
    %get3A_124 = vector.shape_cast %get3A_123 : vector<1x16xf32> to vector<16xf32>
    %add3A_125 = arith.addf %add3A_119, %get3A_124 : vector<16xf32>
    %get3A_126 = arith.constant 3 : i32
    %get3A_127 = arith.index_cast %get3A_126 : i32 to index
    %get3A_128 = arith.constant 32 : index
    %get3A_129 = tpu.vector_load %arg6[%get3A_127, %get3A_128] {strides = array<i32>} : memref<72x128xf32, #tpu.memory_space<vmem>>, vector<1x16xf32>,
    %get3A_130 = vector.shape_cast %get3A_129 : vector<1x16xf32> to vector<16xf32>
    %add3A_131 = arith.addf %add3A_125, %get3A_130 : vector<16xf32>
    %get3A_132 = arith.constant 4 : i32
    %get3A_133 = arith.index_cast %get3A_132 : i32 to index
    %get3A_134 = arith.constant 32 : index
    %get3A_135 = tpu.vector_load %arg6[%get3A_133, %get3A_134] {strides = array<i32>} : memref<72x128xf32, #tpu.memory_space<vmem>>, vector<1x16xf32>,
    %get3A_136 = vector.shape_cast %get3A_135 : vector<1x16xf32> to vector<16xf32>
    %add3A_137 = arith.addf %add3A_131, %get3A_136 : vector<16xf32>
    %get3A_138 = arith.constant 5 : i32
    %get3A_139 = arith.index_cast %get3A_138 : i32 to index
    %get3A_140 = arith.constant 32 : index
    %get3A_141 = tpu.vector_load %arg6[%get3A_139, %get3A_140] {strides = array<i32>} : memref<72x128xf32, #tpu.memory_space<vmem>>, vector<1x16xf32>,
    %get3A_142 = vector.shape_cast %get3A_141 : vector<1x16xf32> to vector<16xf32>
    %add3A_143 = arith.addf %add3A_137, %get3A_142 : vector<16xf32>
    %swap3A_144 = arith.constant 0 : i32
    %swap3A_145 = arith.index_cast %swap3A_144 : i32 to index
    %swap3A_146 = arith.constant 32 : index
    %swap3A_147 = tpu.vector_load %arg7[%swap3A_145, %swap3A_146] {strides = array<i32>} : memref<12x128xf32, #tpu.memory_space<vmem>>, vector<1x16xf32>,
    %swap3A_148 = vector.shape_cast %swap3A_147 : vector<1x16xf32> to vector<16xf32>
    %swap3A_149 = vector.shape_cast %add3A_143 : vector<16xf32> to vector<1x16xf32>
    tpu.vector_store %arg7[%swap3A_145, %swap3A_146], %swap3A_149 {strides = array<i32>} : memref<12x128xf32, #tpu.memory_space<vmem>>, vector<1x16xf32>,
    %get3A_150 = arith.constant 0 : i32
    %get3A_151 = arith.index_cast %get3A_150 : i32 to index
    %get3A_152 = arith.constant 48 : index
    %get3A_153 = tpu.vector_load %arg6[%get3A_151, %get3A_152] {strides = array<i32>} : memref<72x128xf32, #tpu.memory_space<vmem>>, vector<1x16xf32>,
    %get3A_154 = vector.shape_cast %get3A_153 : vector<1x16xf32> to vector<16xf32>
    %get3A_155 = arith.constant 1 : i32
    %get3A_156 = arith.index_cast %get3A_155 : i32 to index
    %get3A_157 = arith.constant 48 : index
    %get3A_158 = tpu.vector_load %arg6[%get3A_156, %get3A_157] {strides = array<i32>} : memref<72x128xf32, #tpu.memory_space<vmem>>, vector<1x16xf32>,
    %get3A_159 = vector.shape_cast %get3A_158 : vector<1x16xf32> to vector<16xf32>
    %add3A_160 = arith.addf %get3A_154, %get3A_159 : vector<16xf32>
    %get3A_161 = arith.constant 2 : i32
    %get3A_162 = arith.index_cast %get3A_161 : i32 to index
    %get3A_163 = arith.constant 48 : index
    %get3A_164 = tpu.vector_load %arg6[%get3A_162, %get3A_163] {strides = array<i32>} : memref<72x128xf32, #tpu.memory_space<vmem>>, vector<1x16xf32>,
    %get3A_165 = vector.shape_cast %get3A_164 : vector<1x16xf32> to vector<16xf32>
    %add3A_166 = arith.addf %add3A_160, %get3A_165 : vector<16xf32>
    %get3A_167 = arith.constant 3 : i32
    %get3A_168 = arith.index_cast %get3A_167 : i32 to index
    %get3A_169 = arith.constant 48 : index
    %get3A_170 = tpu.vector_load %arg6[%get3A_168, %get3A_169] {strides = array<i32>} : memref<72x128xf32, #tpu.memory_space<vmem>>, vector<1x16xf32>,
    %get3A_171 = vector.shape_cast %get3A_170 : vector<1x16xf32> to vector<16xf32>
    %add3A_172 = arith.addf %add3A_166, %get3A_171 : vector<16xf32>
    %get3A_173 = arith.constant 4 : i32
    %get3A_174 = arith.index_cast %get3A_173 : i32 to index
    %get3A_175 = arith.constant 48 : index
    %get3A_176 = tpu.vector_load %arg6[%get3A_174, %get3A_175] {strides = array<i32>} : memref<72x128xf32, #tpu.memory_space<vmem>>, vector<1x16xf32>,
    %get3A_177 = vector.shape_cast %get3A_176 : vector<1x16xf32> to vector<16xf32>
    %add3A_178 = arith.addf %add3A_172, %get3A_177 : vector<16xf32>
    %get3A_179 = arith.constant 5 : i32
    %get3A_180 = arith.index_cast %get3A_179 : i32 to index
    %get3A_181 = arith.constant 48 : index
    %get3A_182 = tpu.vector_load %arg6[%get3A_180, %get3A_181] {strides = array<i32>} : memref<72x128xf32, #tpu.memory_space<vmem>>, vector<1x16xf32>,
    %get3A_183 = vector.shape_cast %get3A_182 : vector<1x16xf32> to vector<16xf32>
    %add3A_184 = arith.addf %add3A_178, %get3A_183 : vector<16xf32>
    %swap3A_185 = arith.constant 0 : i32
    %swap3A_186 = arith.index_cast %swap3A_185 : i32 to index
    %swap3A_187 = arith.constant 48 : index
    %swap3A_188 = tpu.vector_load %arg7[%swap3A_186, %swap3A_187] {strides = array<i32>} : memref<12x128xf32, #tpu.memory_space<vmem>>, vector<1x16xf32>,
    %swap3A_189 = vector.shape_cast %swap3A_188 : vector<1x16xf32> to vector<16xf32>
    %swap3A_190 = vector.shape_cast %add3A_184 : vector<16xf32> to vector<1x16xf32>
    tpu.vector_store %arg7[%swap3A_186, %swap3A_187], %swap3A_190 {strides = array<i32>} : memref<12x128xf32, #tpu.memory_space<vmem>>, vector<1x16xf32>,
    %get3A_191 = arith.constant 0 : i32
    %get3A_192 = arith.index_cast %get3A_191 : i32 to index
    %get3A_193 = arith.constant 64 : index
    %get3A_194 = tpu.vector_load %arg6[%get3A_192, %get3A_193] {strides = array<i32>} : memref<72x128xf32, #tpu.memory_space<vmem>>, vector<1x16xf32>,
    %get3A_195 = vector.shape_cast %get3A_194 : vector<1x16xf32> to vector<16xf32>
    %get3A_196 = arith.constant 1 : i32
    %get3A_197 = arith.index_cast %get3A_196 : i32 to index
    %get3A_198 = arith.constant 64 : index
    %get3A_199 = tpu.vector_load %arg6[%get3A_197, %get3A_198] {strides = array<i32>} : memref<72x128xf32, #tpu.memory_space<vmem>>, vector<1x16xf32>,
    %get3A_200 = vector.shape_cast %get3A_199 : vector<1x16xf32> to vector<16xf32>
    %add3A_201 = arith.addf %get3A_195, %get3A_200 : vector<16xf32>
    %get3A_202 = arith.constant 2 : i32
    %get3A_203 = arith.index_cast %get3A_202 : i32 to index
    %get3A_204 = arith.constant 64 : index
    %get3A_205 = tpu.vector_load %arg6[%get3A_203, %get3A_204] {strides = array<i32>} : memref<72x128xf32, #tpu.memory_space<vmem>>, vector<1x16xf32>,
    %get3A_206 = vector.shape_cast %get3A_205 : vector<1x16xf32> to vector<16xf32>
    %add3A_207 = arith.addf %add3A_201, %get3A_206 : vector<16xf32>
    %get3A_208 = arith.constant 3 : i32
    %get3A_209 = arith.index_cast %get3A_208 : i32 to index
    %get3A_210 = arith.constant 64 : index
    %get3A_211 = tpu.vector_load %arg6[%get3A_209, %get3A_210] {strides = array<i32>} : memref<72x128xf32, #tpu.memory_space<vmem>>, vector<1x16xf32>,
    %get3A_212 = vector.shape_cast %get3A_211 : vector<1x16xf32> to vector<16xf32>
    %add3A_213 = arith.addf %add3A_207, %get3A_212 : vector<16xf32>
    %get3A_214 = arith.constant 4 : i32
    %get3A_215 = arith.index_cast %get3A_214 : i32 to index
    %get3A_216 = arith.constant 64 : index
    %get3A_217 = tpu.vector_load %arg6[%get3A_215, %get3A_216] {strides = array<i32>} : memref<72x128xf32, #tpu.memory_space<vmem>>, vector<1x16xf32>,
    %get3A_218 = vector.shape_cast %get3A_217 : vector<1x16xf32> to vector<16xf32>
    %add3A_219 = arith.addf %add3A_213, %get3A_218 : vector<16xf32>
    %get3A_220 = arith.constant 5 : i32
    %get3A_221 = arith.index_cast %get3A_220 : i32 to index
    %get3A_222 = arith.constant 64 : index
    %get3A_223 = tpu.vector_load %arg6[%get3A_221, %get3A_222] {strides = array<i32>} : memref<72x128xf32, #tpu.memory_space<vmem>>, vector<1x16xf32>,
    %get3A_224 = vector.shape_cast %get3A_223 : vector<1x16xf32> to vector<16xf32>
    %add3A_225 = arith.addf %add3A_219, %get3A_224 : vector<16xf32>
    %swap3A_226 = arith.constant 0 : i32
    %swap3A_227 = arith.index_cast %swap3A_226 : i32 to index
    %swap3A_228 = arith.constant 64 : index
    %swap3A_229 = tpu.vector_load %arg7[%swap3A_227, %swap3A_228] {strides = array<i32>} : memref<12x128xf32, #tpu.memory_space<vmem>>, vector<1x16xf32>,
    %swap3A_230 = vector.shape_cast %swap3A_229 : vector<1x16xf32> to vector<16xf32>
    %swap3A_231 = vector.shape_cast %add3A_225 : vector<16xf32> to vector<1x16xf32>
    tpu.vector_store %arg7[%swap3A_227, %swap3A_228], %swap3A_231 {strides = array<i32>} : memref<12x128xf32, #tpu.memory_space<vmem>>, vector<1x16xf32>,
    %get3A_232 = arith.constant 0 : i32
    %get3A_233 = arith.index_cast %get3A_232 : i32 to index
    %get3A_234 = arith.constant 80 : index
    %get3A_235 = tpu.vector_load %arg6[%get3A_233, %get3A_234] {strides = array<i32>} : memref<72x128xf32, #tpu.memory_space<vmem>>, vector<1x16xf32>,
    %get3A_236 = vector.shape_cast %get3A_235 : vector<1x16xf32> to vector<16xf32>
    %get3A_237 = arith.constant 1 : i32
    %get3A_238 = arith.index_cast %get3A_237 : i32 to index
    %get3A_239 = arith.constant 80 : index
    %get3A_240 = tpu.vector_load %arg6[%get3A_238, %get3A_239] {strides = array<i32>} : memref<72x128xf32, #tpu.memory_space<vmem>>, vector<1x16xf32>,
    %get3A_241 = vector.shape_cast %get3A_240 : vector<1x16xf32> to vector<16xf32>
    %add3A_242 = arith.addf %get3A_236, %get3A_241 : vector<16xf32>
    %get3A_243 = arith.constant 2 : i32
    %get3A_244 = arith.index_cast %get3A_243 : i32 to index
    %get3A_245 = arith.constant 80 : index
    %get3A_246 = tpu.vector_load %arg6[%get3A_244, %get3A_245] {strides = array<i32>} : memref<72x128xf32, #tpu.memory_space<vmem>>, vector<1x16xf32>,
    %get3A_247 = vector.shape_cast %get3A_246 : vector<1x16xf32> to vector<16xf32>
    %add3A_248 = arith.addf %add3A_242, %get3A_247 : vector<16xf32>
    %get3A_249 = arith.constant 3 : i32
    %get3A_250 = arith.index_cast %get3A_249 : i32 to index
    %get3A_251 = arith.constant 80 : index
    %get3A_252 = tpu.vector_load %arg6[%get3A_250, %get3A_251] {strides = array<i32>} : memref<72x128xf32, #tpu.memory_space<vmem>>, vector<1x16xf32>,
    %get3A_253 = vector.shape_cast %get3A_252 : vector<1x16xf32> to vector<16xf32>
    %add3A_254 = arith.addf %add3A_248, %get3A_253 : vector<16xf32>
    %get3A_255 = arith.constant 4 : i32
    %get3A_256 = arith.index_cast %get3A_255 : i32 to index
    %get3A_257 = arith.constant 80 : index
    %get3A_258 = tpu.vector_load %arg6[%get3A_256, %get3A_257] {strides = array<i32>} : memref<72x128xf32, #tpu.memory_space<vmem>>, vector<1x16xf32>,
    %get3A_259 = vector.shape_cast %get3A_258 : vector<1x16xf32> to vector<16xf32>
    %add3A_260 = arith.addf %add3A_254, %get3A_259 : vector<16xf32>
    %get3A_261 = arith.constant 5 : i32
    %get3A_262 = arith.index_cast %get3A_261 : i32 to index
    %get3A_263 = arith.constant 80 : index
    %get3A_264 = tpu.vector_load %arg6[%get3A_262, %get3A_263] {strides = array<i32>} : memref<72x128xf32, #tpu.memory_space<vmem>>, vector<1x16xf32>,
    %get3A_265 = vector.shape_cast %get3A_264 : vector<1x16xf32> to vector<16xf32>
    %add3A_266 = arith.addf %add3A_260, %get3A_265 : vector<16xf32>
    %swap3A_267 = arith.constant 0 : i32
    %swap3A_268 = arith.index_cast %swap3A_267 : i32 to index
    %swap3A_269 = arith.constant 80 : index
    %swap3A_270 = tpu.vector_load %arg7[%swap3A_268, %swap3A_269] {strides = array<i32>} : memref<12x128xf32, #tpu.memory_space<vmem>>, vector<1x16xf32>,
    %swap3A_271 = vector.shape_cast %swap3A_270 : vector<1x16xf32> to vector<16xf32>
    %swap3A_272 = vector.shape_cast %add3A_266 : vector<16xf32> to vector<1x16xf32>
    tpu.vector_store %arg7[%swap3A_268, %swap3A_269], %swap3A_272 {strides = array<i32>} : memref<12x128xf32, #tpu.memory_space<vmem>>, vector<1x16xf32>,
    %get3A_273 = arith.constant 0 : i32
    %get3A_274 = arith.index_cast %get3A_273 : i32 to index
    %get3A_275 = arith.constant 96 : index
    %get3A_276 = tpu.vector_load %arg6[%get3A_274, %get3A_275] {strides = array<i32>} : memref<72x128xf32, #tpu.memory_space<vmem>>, vector<1x16xf32>,
    %get3A_277 = vector.shape_cast %get3A_276 : vector<1x16xf32> to vector<16xf32>
    %get3A_278 = arith.constant 1 : i32
    %get3A_279 = arith.index_cast %get3A_278 : i32 to index
    %get3A_280 = arith.constant 96 : index
    %get3A_281 = tpu.vector_load %arg6[%get3A_279, %get3A_280] {strides = array<i32>} : memref<72x128xf32, #tpu.memory_space<vmem>>, vector<1x16xf32>,
    %get3A_282 = vector.shape_cast %get3A_281 : vector<1x16xf32> to vector<16xf32>
    %add3A_283 = arith.addf %get3A_277, %get3A_282 : vector<16xf32>
    %get3A_284 = arith.constant 2 : i32
    %get3A_285 = arith.index_cast %get3A_284 : i32 to index
    %get3A_286 = arith.constant 96 : index
    %get3A_287 = tpu.vector_load %arg6[%get3A_285, %get3A_286] {strides = array<i32>} : memref<72x128xf32, #tpu.memory_space<vmem>>, vector<1x16xf32>,
    %get3A_288 = vector.shape_cast %get3A_287 : vector<1x16xf32> to vector<16xf32>
    %add3A_289 = arith.addf %add3A_283, %get3A_288 : vector<16xf32>
    %get3A_290 = arith.constant 3 : i32
    %get3A_291 = arith.index_cast %get3A_290 : i32 to index
    %get3A_292 = arith.constant 96 : index
    %get3A_293 = tpu.vector_load %arg6[%get3A_291, %get3A_292] {strides = array<i32>} : memref<72x128xf32, #tpu.memory_space<vmem>>, vector<1x16xf32>,
    %get3A_294 = vector.shape_cast %get3A_293 : vector<1x16xf32> to vector<16xf32>
    %add3A_295 = arith.addf %add3A_289, %get3A_294 : vector<16xf32>
    %get3A_296 = arith.constant 4 : i32
    %get3A_297 = arith.index_cast %get3A_296 : i32 to index
    %get3A_298 = arith.constant 96 : index
    %get3A_299 = tpu.vector_load %arg6[%get3A_297, %get3A_298] {strides = array<i32>} : memref<72x128xf32, #tpu.memory_space<vmem>>, vector<1x16xf32>,
    %get3A_300 = vector.shape_cast %get3A_299 : vector<1x16xf32> to vector<16xf32>
    %add3A_301 = arith.addf %add3A_295, %get3A_300 : vector<16xf32>
    %get3A_302 = arith.constant 5 : i32
    %get3A_303 = arith.index_cast %get3A_302 : i32 to index
    %get3A_304 = arith.constant 96 : index
    %get3A_305 = tpu.vector_load %arg6[%get3A_303, %get3A_304] {strides = array<i32>} : memref<72x128xf32, #tpu.memory_space<vmem>>, vector<1x16xf32>,
    %get3A_306 = vector.shape_cast %get3A_305 : vector<1x16xf32> to vector<16xf32>
    %add3A_307 = arith.addf %add3A_301, %get3A_306 : vector<16xf32>
    %swap3A_308 = arith.constant 0 : i32
    %swap3A_309 = arith.index_cast %swap3A_308 : i32 to index
    %swap3A_310 = arith.constant 96 : index
    %swap3A_311 = tpu.vector_load %arg7[%swap3A_309, %swap3A_310] {strides = array<i32>} : memref<12x128xf32, #tpu.memory_space<vmem>>, vector<1x16xf32>,
    %swap3A_312 = vector.shape_cast %swap3A_311 : vector<1x16xf32> to vector<16xf32>
    %swap3A_313 = vector.shape_cast %add3A_307 : vector<16xf32> to vector<1x16xf32>
    tpu.vector_store %arg7[%swap3A_309, %swap3A_310], %swap3A_313 {strides = array<i32>} : memref<12x128xf32, #tpu.memory_space<vmem>>, vector<1x16xf32>,
    %get3A_314 = arith.constant 0 : i32
    %get3A_315 = arith.index_cast %get3A_314 : i32 to index
    %get3A_316 = arith.constant 112 : index
    %get3A_317 = tpu.vector_load %arg6[%get3A_315, %get3A_316] {strides = array<i32>} : memref<72x128xf32, #tpu.memory_space<vmem>>, vector<1x16xf32>,
    %get3A_318 = vector.shape_cast %get3A_317 : vector<1x16xf32> to vector<16xf32>
    %get3A_319 = arith.constant 1 : i32
    %get3A_320 = arith.index_cast %get3A_319 : i32 to index
    %get3A_321 = arith.constant 112 : index
    %get3A_322 = tpu.vector_load %arg6[%get3A_320, %get3A_321] {strides = array<i32>} : memref<72x128xf32, #tpu.memory_space<vmem>>, vector<1x16xf32>,
    %get3A_323 = vector.shape_cast %get3A_322 : vector<1x16xf32> to vector<16xf32>
    %add3A_324 = arith.addf %get3A_318, %get3A_323 : vector<16xf32>
    %get3A_325 = arith.constant 2 : i32
    %get3A_326 = arith.index_cast %get3A_325 : i32 to index
    %get3A_327 = arith.constant 112 : index
    %get3A_328 = tpu.vector_load %arg6[%get3A_326, %get3A_327] {strides = array<i32>} : memref<72x128xf32, #tpu.memory_space<vmem>>, vector<1x16xf32>,
    %get3A_329 = vector.shape_cast %get3A_328 : vector<1x16xf32> to vector<16xf32>
    %add3A_330 = arith.addf %add3A_324, %get3A_329 : vector<16xf32>
    %get3A_331 = arith.constant 3 : i32
    %get3A_332 = arith.index_cast %get3A_331 : i32 to index
    %get3A_333 = arith.constant 112 : index
    %get3A_334 = tpu.vector_load %arg6[%get3A_332, %get3A_333] {strides = array<i32>} : memref<72x128xf32, #tpu.memory_space<vmem>>, vector<1x16xf32>,
    %get3A_335 = vector.shape_cast %get3A_334 : vector<1x16xf32> to vector<16xf32>
    %add3A_336 = arith.addf %add3A_330, %get3A_335 : vector<16xf32>
    %get3A_337 = arith.constant 4 : i32
    %get3A_338 = arith.index_cast %get3A_337 : i32 to index
    %get3A_339 = arith.constant 112 : index
    %get3A_340 = tpu.vector_load %arg6[%get3A_338, %get3A_339] {strides = array<i32>} : memref<72x128xf32, #tpu.memory_space<vmem>>, vector<1x16xf32>,
    %get3A_341 = vector.shape_cast %get3A_340 : vector<1x16xf32> to vector<16xf32>
    %add3A_342 = arith.addf %add3A_336, %get3A_341 : vector<16xf32>
    %get3A_343 = arith.constant 5 : i32
    %get3A_344 = arith.index_cast %get3A_343 : i32 to index
    %get3A_345 = arith.constant 112 : index
    %get3A_346 = tpu.vector_load %arg6[%get3A_344, %get3A_345] {strides = array<i32>} : memref<72x128xf32, #tpu.memory_space<vmem>>, vector<1x16xf32>,
    %get3A_347 = vector.shape_cast %get3A_346 : vector<1x16xf32> to vector<16xf32>
    %add3A_348 = arith.addf %add3A_342, %get3A_347 : vector<16xf32>
    %swap3A_349 = arith.constant 0 : i32
    %swap3A_350 = arith.index_cast %swap3A_349 : i32 to index
    %swap3A_351 = arith.constant 112 : index
    %swap3A_352 = tpu.vector_load %arg7[%swap3A_350, %swap3A_351] {strides = array<i32>} : memref<12x128xf32, #tpu.memory_space<vmem>>, vector<1x16xf32>,
    %swap3A_353 = vector.shape_cast %swap3A_352 : vector<1x16xf32> to vector<16xf32>
    %swap3A_354 = vector.shape_cast %add3A_348 : vector<16xf32> to vector<1x16xf32>
    tpu.vector_store %arg7[%swap3A_350, %swap3A_351], %swap3A_354 {strides = array<i32>} : memref<12x128xf32, #tpu.memory_space<vmem>>, vector<1x16xf32>,
    %get3A_355 = arith.constant 6 : i32
    %get3A_356 = arith.index_cast %get3A_355 : i32 to index
    %get3A_357 = arith.constant 0 : index
    %get3A_358 = tpu.vector_load %arg6[%get3A_356, %get3A_357] {strides = array<i32>} : memref<72x128xf32, #tpu.memory_space<vmem>>, vector<1x16xf32>,
    %get3A_359 = vector.shape_cast %get3A_358 : vector<1x16xf32> to vector<16xf32>
    %get3A_360 = arith.constant 7 : i32
    %get3A_361 = arith.index_cast %get3A_360 : i32 to index
    %get3A_362 = arith.constant 0 : index
    %get3A_363 = tpu.vector_load %arg6[%get3A_361, %get3A_362] {strides = array<i32>} : memref<72x128xf32, #tpu.memory_space<vmem>>, vector<1x16xf32>,
    %get3A_364 = vector.shape_cast %get3A_363 : vector<1x16xf32> to vector<16xf32>
    %add3A_365 = arith.addf %get3A_359, %get3A_364 : vector<16xf32>
    %get3A_366 = arith.constant 8 : i32
    %get3A_367 = arith.index_cast %get3A_366 : i32 to index
    %get3A_368 = arith.constant 0 : index
    %get3A_369 = tpu.vector_load %arg6[%get3A_367, %get3A_368] {strides = array<i32>} : memref<72x128xf32, #tpu.memory_space<vmem>>, vector<1x16xf32>,
    %get3A_370 = vector.shape_cast %get3A_369 : vector<1x16xf32> to vector<16xf32>
    %add3A_371 = arith.addf %add3A_365, %get3A_370 : vector<16xf32>
    %get3A_372 = arith.constant 9 : i32
    %get3A_373 = arith.index_cast %get3A_372 : i32 to index
    %get3A_374 = arith.constant 0 : index
    %get3A_375 = tpu.vector_load %arg6[%get3A_373, %get3A_374] {strides = array<i32>} : memref<72x128xf32, #tpu.memory_space<vmem>>, vector<1x16xf32>,
    %get3A_376 = vector.shape_cast %get3A_375 : vector<1x16xf32> to vector<16xf32>
    %add3A_377 = arith.addf %add3A_371, %get3A_376 : vector<16xf32>
    %get3A_378 = arith.constant 10 : i32
    %get3A_379 = arith.index_cast %get3A_378 : i32 to index
    %get3A_380 = arith.constant 0 : index
    %get3A_381 = tpu.vector_load %arg6[%get3A_379, %get3A_380] {strides = array<i32>} : memref<72x128xf32, #tpu.memory_space<vmem>>, vector<1x16xf32>,
    %get3A_382 = vector.shape_cast %get3A_381 : vector<1x16xf32> to vector<16xf32>
    %add3A_383 = arith.addf %add3A_377, %get3A_382 : vector<16xf32>
    %get3A_384 = arith.constant 11 : i32
    %get3A_385 = arith.index_cast %get3A_384 : i32 to index
    %get3A_386 = arith.constant 0 : index
    %get3A_387 = tpu.vector_load %arg6[%get3A_385, %get3A_386] {strides = array<i32>} : memref<72x128xf32, #tpu.memory_space<vmem>>, vector<1x16xf32>,
    %get3A_388 = vector.shape_cast %get3A_387 : vector<1x16xf32> to vector<16xf32>
    %add3A_389 = arith.addf %add3A_383, %get3A_388 : vector<16xf32>
    %swap3A_390 = arith.constant 1 : i32
    %swap3A_391 = arith.index_cast %swap3A_390 : i32 to index
    %swap3A_392 = arith.constant 0 : index
    %swap3A_393 = tpu.vector_load %arg7[%swap3A_391, %swap3A_392] {strides = array<i32>} : memref<12x128xf32, #tpu.memory_space<vmem>>, vector<1x16xf32>,
    %swap3A_394 = vector.shape_cast %swap3A_393 : vector<1x16xf32> to vector<16xf32>
    %swap3A_395 = vector.shape_cast %add3A_389 : vector<16xf32> to vector<1x16xf32>
    tpu.vector_store %arg7[%swap3A_391, %swap3A_392], %swap3A_395 {strides = array<i32>} : memref<12x128xf32, #tpu.memory_space<vmem>>, vector<1x16xf32>,
    %get3A_396 = arith.constant 6 : i32
    %get3A_397 = arith.index_cast %get3A_396 : i32 to index
    %get3A_398 = arith.constant 16 : index
    %get3A_399 = tpu.vector_load %arg6[%get3A_397, %get3A_398] {strides = array<i32>} : memref<72x128xf32, #tpu.memory_space<vmem>>, vector<1x16xf32>,
    %get3A_400 = vector.shape_cast %get3A_399 : vector<1x16xf32> to vector<16xf32>
    %get3A_401 = arith.constant 7 : i32
    %get3A_402 = arith.index_cast %get3A_401 : i32 to index
    %get3A_403 = arith.constant 16 : index
    %get3A_404 = tpu.vector_load %arg6[%get3A_402, %get3A_403] {strides = array<i32>} : memref<72x128xf32, #tpu.memory_space<vmem>>, vector<1x16xf32>,
    %get3A_405 = vector.shape_cast %get3A_404 : vector<1x16xf32> to vector<16xf32>
    %add3A_406 = arith.addf %get3A_400, %get3A_405 : vector<16xf32>
    %get3A_407 = arith.constant 8 : i32
    %get3A_408 = arith.index_cast %get3A_407 : i32 to index
    %get3A_409 = arith.constant 16 : index
    %get3A_410 = tpu.vector_load %arg6[%get3A_408, %get3A_409] {strides = array<i32>} : memref<72x128xf32, #tpu.memory_space<vmem>>, vector<1x16xf32>,
    %get3A_411 = vector.shape_cast %get3A_410 : vector<1x16xf32> to vector<16xf32>
    %add3A_412 = arith.addf %add3A_406, %get3A_411 : vector<16xf32>
    %get3A_413 = arith.constant 9 : i32
    %get3A_414 = arith.index_cast %get3A_413 : i32 to index
    %get3A_415 = arith.constant 16 : index
    %get3A_416 = tpu.vector_load %arg6[%get3A_414, %get3A_415] {strides = array<i32>} : memref<72x128xf32, #tpu.memory_space<vmem>>, vector<1x16xf32>,
    %get3A_417 = vector.shape_cast %get3A_416 : vector<1x16xf32> to vector<16xf32>
    %add3A_418 = arith.addf %add3A_412, %get3A_417 : vector<16xf32>
    %get3A_419 = arith.constant 10 : i32
    %get3A_420 = arith.index_cast %get3A_419 : i32 to index
    %get3A_421 = arith.constant 16 : index
    %get3A_422 = tpu.vector_load %arg6[%get3A_420, %get3A_421] {strides = array<i32>} : memref<72x128xf32, #tpu.memory_space<vmem>>, vector<1x16xf32>,
    %get3A_423 = vector.shape_cast %get3A_422 : vector<1x16xf32> to vector<16xf32>
    %add3A_424 = arith.addf %add3A_418, %get3A_423 : vector<16xf32>
    %get3A_425 = arith.constant 11 : i32
    %get3A_426 = arith.index_cast %get3A_425 : i32 to index
    %get3A_427 = arith.constant 16 : index
    %get3A_428 = tpu.vector_load %arg6[%get3A_426, %get3A_427] {strides = array<i32>} : memref<72x128xf32, #tpu.memory_space<vmem>>, vector<1x16xf32>,
    %get3A_429 = vector.shape_cast %get3A_428 : vector<1x16xf32> to vector<16xf32>
    %add3A_430 = arith.addf %add3A_424, %get3A_429 : vector<16xf32>
    %swap3A_431 = arith.constant 1 : i32
    %swap3A_432 = arith.index_cast %swap3A_431 : i32 to index
    %swap3A_433 = arith.constant 16 : index
    %swap3A_434 = tpu.vector_load %arg7[%swap3A_432, %swap3A_433] {strides = array<i32>} : memref<12x128xf32, #tpu.memory_space<vmem>>, vector<1x16xf32>,
    %swap3A_435 = vector.shape_cast %swap3A_434 : vector<1x16xf32> to vector<16xf32>
    %swap3A_436 = vector.shape_cast %add3A_430 : vector<16xf32> to vector<1x16xf32>
    tpu.vector_store %arg7[%swap3A_432, %swap3A_433], %swap3A_436 {strides = array<i32>} : memref<12x128xf32, #tpu.memory_space<vmem>>, vector<1x16xf32>,
    %get3A_437 = arith.constant 6 : i32
    %get3A_438 = arith.index_cast %get3A_437 : i32 to index
    %get3A_439 = arith.constant 32 : index
    %get3A_440 = tpu.vector_load %arg6[%get3A_438, %get3A_439] {strides = array<i32>} : memref<72x128xf32, #tpu.memory_space<vmem>>, vector<1x16xf32>,
    %get3A_441 = vector.shape_cast %get3A_440 : vector<1x16xf32> to vector<16xf32>
    %get3A_442 = arith.constant 7 : i32
    %get3A_443 = arith.index_cast %get3A_442 : i32 to index
    %get3A_444 = arith.constant 32 : index
    %get3A_445 = tpu.vector_load %arg6[%get3A_443, %get3A_444] {strides = array<i32>} : memref<72x128xf32, #tpu.memory_space<vmem>>, vector<1x16xf32>,
    %get3A_446 = vector.shape_cast %get3A_445 : vector<1x16xf32> to vector<16xf32>
    %add3A_447 = arith.addf %get3A_441, %get3A_446 : vector<16xf32>
    %get3A_448 = arith.constant 8 : i32
    %get3A_449 = arith.index_cast %get3A_448 : i32 to index
    %get3A_450 = arith.constant 32 : index
    %get3A_451 = tpu.vector_load %arg6[%get3A_449, %get3A_450] {strides = array<i32>} : memref<72x128xf32, #tpu.memory_space<vmem>>, vector<1x16xf32>,
    %get3A_452 = vector.shape_cast %get3A_451 : vector<1x16xf32> to vector<16xf32>
    %add3A_453 = arith.addf %add3A_447, %get3A_452 : vector<16xf32>
    %get3A_454 = arith.constant 9 : i32
    %get3A_455 = arith.index_cast %get3A_454 : i32 to index
    %get3A_456 = arith.constant 32 : index
    %get3A_457 = tpu.vector_load %arg6[%get3A_455, %get3A_456] {strides = array<i32>} : memref<72x128xf32, #tpu.memory_space<vmem>>, vector<1x16xf32>,
    %get3A_458 = vector.shape_cast %get3A_457 : vector<1x16xf32> to vector<16xf32>
    %add3A_459 = arith.addf %add3A_453, %get3A_458 : vector<16xf32>
    %get3A_460 = arith.constant 10 : i32
    %get3A_461 = arith.index_cast %get3A_460 : i32 to index
    %get3A_462 = arith.constant 32 : index
    %get3A_463 = tpu.vector_load %arg6[%get3A_461, %get3A_462] {strides = array<i32>} : memref<72x128xf32, #tpu.memory_space<vmem>>, vector<1x16xf32>,
    %get3A_464 = vector.shape_cast %get3A_463 : vector<1x16xf32> to vector<16xf32>
    %add3A_465 = arith.addf %add3A_459, %get3A_464 : vector<16xf32>
    %get3A_466 = arith.constant 11 : i32
    %get3A_467 = arith.index_cast %get3A_466 : i32 to index
    %get3A_468 = arith.constant 32 : index
    %get3A_469 = tpu.vector_load %arg6[%get3A_467, %get3A_468] {strides = array<i32>} : memref<72x128xf32, #tpu.memory_space<vmem>>, vector<1x16xf32>,
    %get3A_470 = vector.shape_cast %get3A_469 : vector<1x16xf32> to vector<16xf32>
    %add3A_471 = arith.addf %add3A_465, %get3A_470 : vector<16xf32>
    %swap3A_472 = arith.constant 1 : i32
    %swap3A_473 = arith.index_cast %swap3A_472 : i32 to index
    %swap3A_474 = arith.constant 32 : index
    %swap3A_475 = tpu.vector_load %arg7[%swap3A_473, %swap3A_474] {strides = array<i32>} : memref<12x128xf32, #tpu.memory_space<vmem>>, vector<1x16xf32>,
    %swap3A_476 = vector.shape_cast %swap3A_475 : vector<1x16xf32> to vector<16xf32>
    %swap3A_477 = vector.shape_cast %add3A_471 : vector<16xf32> to vector<1x16xf32>
    tpu.vector_store %arg7[%swap3A_473, %swap3A_474], %swap3A_477 {strides = array<i32>} : memref<12x128xf32, #tpu.memory_space<vmem>>, vector<1x16xf32>,
    %get3A_478 = arith.constant 6 : i32
    %get3A_479 = arith.index_cast %get3A_478 : i32 to index
    %get3A_480 = arith.constant 48 : index
    %get3A_481 = tpu.vector_load %arg6[%get3A_479, %get3A_480] {strides = array<i32>} : memref<72x128xf32, #tpu.memory_space<vmem>>, vector<1x16xf32>,
    %get3A_482 = vector.shape_cast %get3A_481 : vector<1x16xf32> to vector<16xf32>
    %get3A_483 = arith.constant 7 : i32
    %get3A_484 = arith.index_cast %get3A_483 : i32 to index
    %get3A_485 = arith.constant 48 : index
    %get3A_486 = tpu.vector_load %arg6[%get3A_484, %get3A_485] {strides = array<i32>} : memref<72x128xf32, #tpu.memory_space<vmem>>, vector<1x16xf32>,
    %get3A_487 = vector.shape_cast %get3A_486 : vector<1x16xf32> to vector<16xf32>
    %add3A_488 = arith.addf %get3A_482, %get3A_487 : vector<16xf32>
    %get3A_489 = arith.constant 8 : i32
    %get3A_490 = arith.index_cast %get3A_489 : i32 to index
    %get3A_491 = arith.constant 48 : index
    %get3A_492 = tpu.vector_load %arg6[%get3A_490, %get3A_491] {strides = array<i32>} : memref<72x128xf32, #tpu.memory_space<vmem>>, vector<1x16xf32>,
    %get3A_493 = vector.shape_cast %get3A_492 : vector<1x16xf32> to vector<16xf32>
    %add3A_494 = arith.addf %add3A_488, %get3A_493 : vector<16xf32>
    %get3A_495 = arith.constant 9 : i32
    %get3A_496 = arith.index_cast %get3A_495 : i32 to index
    %get3A_497 = arith.constant 48 : index
    %get3A_498 = tpu.vector_load %arg6[%get3A_496, %get3A_497] {strides = array<i32>} : memref<72x128xf32, #tpu.memory_space<vmem>>, vector<1x16xf32>,
    %get3A_499 = vector.shape_cast %get3A_498 : vector<1x16xf32> to vector<16xf32>
    %add3A_500 = arith.addf %add3A_494, %get3A_499 : vector<16xf32>
    %get3A_501 = arith.constant 10 : i32
    %get3A_502 = arith.index_cast %get3A_501 : i32 to index
    %get3A_503 = arith.constant 48 : index
    %get3A_504 = tpu.vector_load %arg6[%get3A_502, %get3A_503] {strides = array<i32>} : memref<72x128xf32, #tpu.memory_space<vmem>>, vector<1x16xf32>,
    %get3A_505 = vector.shape_cast %get3A_504 : vector<1x16xf32> to vector<16xf32>
    %add3A_506 = arith.addf %add3A_500, %get3A_505 : vector<16xf32>
    %get3A_507 = arith.constant 11 : i32
    %get3A_508 = arith.index_cast %get3A_507 : i32 to index
    %get3A_509 = arith.constant 48 : index
    %get3A_510 = tpu.vector_load %arg6[%get3A_508, %get3A_509] {strides = array<i32>} : memref<72x128xf32, #tpu.memory_space<vmem>>, vector<1x16xf32>,
    %get3A_511 = vector.shape_cast %get3A_510 : vector<1x16xf32> to vector<16xf32>
    %add3A_512 = arith.addf %add3A_506, %get3A_511 : vector<16xf32>
    %swap3A_513 = arith.constant 1 : i32
    %swap3A_514 = arith.index_cast %swap3A_513 : i32 to index
    %swap3A_515 = arith.constant 48 : index
    %swap3A_516 = tpu.vector_load %arg7[%swap3A_514, %swap3A_515] {strides = array<i32>} : memref<12x128xf32, #tpu.memory_space<vmem>>, vector<1x16xf32>,
    %swap3A_517 = vector.shape_cast %swap3A_516 : vector<1x16xf32> to vector<16xf32>
    %swap3A_518 = vector.shape_cast %add3A_512 : vector<16xf32> to vector<1x16xf32>
    tpu.vector_store %arg7[%swap3A_514, %swap3A_515], %swap3A_518 {strides = array<i32>} : memref<12x128xf32, #tpu.memory_space<vmem>>, vector<1x16xf32>,
    %get3A_519 = arith.constant 6 : i32
    %get3A_520 = arith.index_cast %get3A_519 : i32 to index
    %get3A_521 = arith.constant 64 : index
    %get3A_522 = tpu.vector_load %arg6[%get3A_520, %get3A_521] {strides = array<i32>} : memref<72x128xf32, #tpu.memory_space<vmem>>, vector<1x16xf32>,
    %get3A_523 = vector.shape_cast %get3A_522 : vector<1x16xf32> to vector<16xf32>
    %get3A_524 = arith.constant 7 : i32
    %get3A_525 = arith.index_cast %get3A_524 : i32 to index
    %get3A_526 = arith.constant 64 : index
    %get3A_527 = tpu.vector_load %arg6[%get3A_525, %get3A_526] {strides = array<i32>} : memref<72x128xf32, #tpu.memory_space<vmem>>, vector<1x16xf32>,
    %get3A_528 = vector.shape_cast %get3A_527 : vector<1x16xf32> to vector<16xf32>
    %add3A_529 = arith.addf %get3A_523, %get3A_528 : vector<16xf32>
    %get3A_530 = arith.constant 8 : i32
    %get3A_531 = arith.index_cast %get3A_530 : i32 to index
    %get3A_532 = arith.constant 64 : index
    %get3A_533 = tpu.vector_load %arg6[%get3A_531, %get3A_532] {strides = array<i32>} : memref<72x128xf32, #tpu.memory_space<vmem>>, vector<1x16xf32>,
    %get3A_534 = vector.shape_cast %get3A_533 : vector<1x16xf32> to vector<16xf32>
    %add3A_535 = arith.addf %add3A_529, %get3A_534 : vector<16xf32>
    %get3A_536 = arith.constant 9 : i32
    %get3A_537 = arith.index_cast %get3A_536 : i32 to index
    %get3A_538 = arith.constant 64 : index
    %get3A_539 = tpu.vector_load %arg6[%get3A_537, %get3A_538] {strides = array<i32>} : memref<72x128xf32, #tpu.memory_space<vmem>>, vector<1x16xf32>,
    %get3A_540 = vector.shape_cast %get3A_539 : vector<1x16xf32> to vector<16xf32>
    %add3A_541 = arith.addf %add3A_535, %get3A_540 : vector<16xf32>
    %get3A_542 = arith.constant 10 : i32
    %get3A_543 = arith.index_cast %get3A_542 : i32 to index
    %get3A_544 = arith.constant 64 : index
    %get3A_545 = tpu.vector_load %arg6[%get3A_543, %get3A_544] {strides = array<i32>} : memref<72x128xf32, #tpu.memory_space<vmem>>, vector<1x16xf32>,
    %get3A_546 = vector.shape_cast %get3A_545 : vector<1x16xf32> to vector<16xf32>
    %add3A_547 = arith.addf %add3A_541, %get3A_546 : vector<16xf32>
    %get3A_548 = arith.constant 11 : i32
    %get3A_549 = arith.index_cast %get3A_548 : i32 to index
    %get3A_550 = arith.constant 64 : index
    %get3A_551 = tpu.vector_load %arg6[%get3A_549, %get3A_550] {strides = array<i32>} : memref<72x128xf32, #tpu.memory_space<vmem>>, vector<1x16xf32>,
    %get3A_552 = vector.shape_cast %get3A_551 : vector<1x16xf32> to vector<16xf32>
    %add3A_553 = arith.addf %add3A_547, %get3A_552 : vector<16xf32>
    %swap3A_554 = arith.constant 1 : i32
    %swap3A_555 = arith.index_cast %swap3A_554 : i32 to index
    %swap3A_556 = arith.constant 64 : index
    %swap3A_557 = tpu.vector_load %arg7[%swap3A_555, %swap3A_556] {strides = array<i32>} : memref<12x128xf32, #tpu.memory_space<vmem>>, vector<1x16xf32>,
    %swap3A_558 = vector.shape_cast %swap3A_557 : vector<1x16xf32> to vector<16xf32>
    %swap3A_559 = vector.shape_cast %add3A_553 : vector<16xf32> to vector<1x16xf32>
    tpu.vector_store %arg7[%swap3A_555, %swap3A_556], %swap3A_559 {strides = array<i32>} : memref<12x128xf32, #tpu.memory_space<vmem>>, vector<1x16xf32>,
    %get3A_560 = arith.constant 6 : i32
    %get3A_561 = arith.index_cast %get3A_560 : i32 to index
    %get3A_562 = arith.constant 80 : index
    %get3A_563 = tpu.vector_load %arg6[%get3A_561, %get3A_562] {strides = array<i32>} : memref<72x128xf32, #tpu.memory_space<vmem>>, vector<1x16xf32>,
    %get3A_564 = vector.shape_cast %get3A_563 : vector<1x16xf32> to vector<16xf32>
    %get3A_565 = arith.constant 7 : i32
    %get3A_566 = arith.index_cast %get3A_565 : i32 to index
    %get3A_567 = arith.constant 80 : index
    %get3A_568 = tpu.vector_load %arg6[%get3A_566, %get3A_567] {strides = array<i32>} : memref<72x128xf32, #tpu.memory_space<vmem>>, vector<1x16xf32>,
    %get3A_569 = vector.shape_cast %get3A_568 : vector<1x16xf32> to vector<16xf32>
    %add3A_570 = arith.addf %get3A_564, %get3A_569 : vector<16xf32>
    %get3A_571 = arith.constant 8 : i32
    %get3A_572 = arith.index_cast %get3A_571 : i32 to index
    %get3A_573 = arith.constant 80 : index
    %get3A_574 = tpu.vector_load %arg6[%get3A_572, %get3A_573] {strides = array<i32>} : memref<72x128xf32, #tpu.memory_space<vmem>>, vector<1x16xf32>,
    %get3A_575 = vector.shape_cast %get3A_574 : vector<1x16xf32> to vector<16xf32>
    %add3A_576 = arith.addf %add3A_570, %get3A_575 : vector<16xf32>
    %get3A_577 = arith.constant 9 : i32
    %get3A_578 = arith.index_cast %get3A_577 : i32 to index
    %get3A_579 = arith.constant 80 : index
    %get3A_580 = tpu.vector_load %arg6[%get3A_578, %get3A_579] {strides = array<i32>} : memref<72x128xf32, #tpu.memory_space<vmem>>, vector<1x16xf32>,
    %get3A_581 = vector.shape_cast %get3A_580 : vector<1x16xf32> to vector<16xf32>
    %add3A_582 = arith.addf %add3A_576, %get3A_581 : vector<16xf32>
    %get3A_583 = arith.constant 10 : i32
    %get3A_584 = arith.index_cast %get3A_583 : i32 to index
    %get3A_585 = arith.constant 80 : index
    %get3A_586 = tpu.vector_load %arg6[%get3A_584, %get3A_585] {strides = array<i32>} : memref<72x128xf32, #tpu.memory_space<vmem>>, vector<1x16xf32>,
    %get3A_587 = vector.shape_cast %get3A_586 : vector<1x16xf32> to vector<16xf32>
    %add3A_588 = arith.addf %add3A_582, %get3A_587 : vector<16xf32>
    %get3A_589 = arith.constant 11 : i32
    %get3A_590 = arith.index_cast %get3A_589 : i32 to index
    %get3A_591 = arith.constant 80 : index
    %get3A_592 = tpu.vector_load %arg6[%get3A_590, %get3A_591] {strides = array<i32>} : memref<72x128xf32, #tpu.memory_space<vmem>>, vector<1x16xf32>,
    %get3A_593 = vector.shape_cast %get3A_592 : vector<1x16xf32> to vector<16xf32>
    %add3A_594 = arith.addf %add3A_588, %get3A_593 : vector<16xf32>
    %swap3A_595 = arith.constant 1 : i32
    %swap3A_596 = arith.index_cast %swap3A_595 : i32 to index
    %swap3A_597 = arith.constant 80 : index
    %swap3A_598 = tpu.vector_load %arg7[%swap3A_596, %swap3A_597] {strides = array<i32>} : memref<12x128xf32, #tpu.memory_space<vmem>>, vector<1x16xf32>,
    %swap3A_599 = vector.shape_cast %swap3A_598 : vector<1x16xf32> to vector<16xf32>
    %swap3A_600 = vector.shape_cast %add3A_594 : vector<16xf32> to vector<1x16xf32>
    tpu.vector_store %arg7[%swap3A_596, %swap3A_597], %swap3A_600 {strides = array<i32>} : memref<12x128xf32, #tpu.memory_space<vmem>>, vector<1x16xf32>,
    %get3A_601 = arith.constant 6 : i32
    %get3A_602 = arith.index_cast %get3A_601 : i32 to index
    %get3A_603 = arith.constant 96 : index
    %get3A_604 = tpu.vector_load %arg6[%get3A_602, %get3A_603] {strides = array<i32>} : memref<72x128xf32, #tpu.memory_space<vmem>>, vector<1x16xf32>,
    %get3A_605 = vector.shape_cast %get3A_604 : vector<1x16xf32> to vector<16xf32>
    %get3A_606 = arith.constant 7 : i32
    %get3A_607 = arith.index_cast %get3A_606 : i32 to index
    %get3A_608 = arith.constant 96 : index
    %get3A_609 = tpu.vector_load %arg6[%get3A_607, %get3A_608] {strides = array<i32>} : memref<72x128xf32, #tpu.memory_space<vmem>>, vector<1x16xf32>,
    %get3A_610 = vector.shape_cast %get3A_609 : vector<1x16xf32> to vector<16xf32>
    %add3A_611 = arith.addf %get3A_605, %get3A_610 : vector<16xf32>
    %get3A_612 = arith.constant 8 : i32
    %get3A_613 = arith.index_cast %get3A_612 : i32 to index
    %get3A_614 = arith.constant 96 : index
    %get3A_615 = tpu.vector_load %arg6[%get3A_613, %get3A_614] {strides = array<i32>} : memref<72x128xf32, #tpu.memory_space<vmem>>, vector<1x16xf32>,
    %get3A_616 = vector.shape_cast %get3A_615 : vector<1x16xf32> to vector<16xf32>
    %add3A_617 = arith.addf %add3A_611, %get3A_616 : vector<16xf32>
    %get3A_618 = arith.constant 9 : i32
    %get3A_619 = arith.index_cast %get3A_618 : i32 to index
    %get3A_620 = arith.constant 96 : index
    %get3A_621 = tpu.vector_load %arg6[%get3A_619, %get3A_620] {strides = array<i32>} : memref<72x128xf32, #tpu.memory_space<vmem>>, vector<1x16xf32>,
    %get3A_622 = vector.shape_cast %get3A_621 : vector<1x16xf32> to vector<16xf32>
    %add3A_623 = arith.addf %add3A_617, %get3A_622 : vector<16xf32>
    %get3A_624 = arith.constant 10 : i32
    %get3A_625 = arith.index_cast %get3A_624 : i32 to index
    %get3A_626 = arith.constant 96 : index
    %get3A_627 = tpu.vector_load %arg6[%get3A_625, %get3A_626] {strides = array<i32>} : memref<72x128xf32, #tpu.memory_space<vmem>>, vector<1x16xf32>,
    %get3A_628 = vector.shape_cast %get3A_627 : vector<1x16xf32> to vector<16xf32>
    %add3A_629 = arith.addf %add3A_623, %get3A_628 : vector<16xf32>
    %get3A_630 = arith.constant 11 : i32
    %get3A_631 = arith.index_cast %get3A_630 : i32 to index
    %get3A_632 = arith.constant 96 : index
    %get3A_633 = tpu.vector_load %arg6[%get3A_631, %get3A_632] {strides = array<i32>} : memref<72x128xf32, #tpu.memory_space<vmem>>, vector<1x16xf32>,
    %get3A_634 = vector.shape_cast %get3A_633 : vector<1x16xf32> to vector<16xf32>
    %add3A_635 = arith.addf %add3A_629, %get3A_634 : vector<16xf32>
    %swap3A_636 = arith.constant 1 : i32
    %swap3A_637 = arith.index_cast %swap3A_636 : i32 to index
    %swap3A_638 = arith.constant 96 : index
    %swap3A_639 = tpu.vector_load %arg7[%swap3A_637, %swap3A_638] {strides = array<i32>} : memref<12x128xf32, #tpu.memory_space<vmem>>, vector<1x16xf32>,
    %swap3A_640 = vector.shape_cast %swap3A_639 : vector<1x16xf32> to vector<16xf32>
    %swap3A_641 = vector.shape_cast %add3A_635 : vector<16xf32> to vector<1x16xf32>
    tpu.vector_store %arg7[%swap3A_637, %swap3A_638], %swap3A_641 {strides = array<i32>} : memref<12x128xf32, #tpu.memory_space<vmem>>, vector<1x16xf32>,
    %get3A_642 = arith.constant 6 : i32
    %get3A_643 = arith.index_cast %get3A_642 : i32 to index
    %get3A_644 = arith.constant 112 : index
    %get3A_645 = tpu.vector_load %arg6[%get3A_643, %get3A_644] {strides = array<i32>} : memref<72x128xf32, #tpu.memory_space<vmem>>, vector<1x16xf32>,
    %get3A_646 = vector.shape_cast %get3A_645 : vector<1x16xf32> to vector<16xf32>
    %get3A_647 = arith.constant 7 : i32
    %get3A_648 = arith.index_cast %get3A_647 : i32 to index
    %get3A_649 = arith.constant 112 : index
    %get3A_650 = tpu.vector_load %arg6[%get3A_648, %get3A_649] {strides = array<i32>} : memref<72x128xf32, #tpu.memory_space<vmem>>, vector<1x16xf32>,
    %get3A_651 = vector.shape_cast %get3A_650 : vector<1x16xf32> to vector<16xf32>
    %add3A_652 = arith.addf %get3A_646, %get3A_651 : vector<16xf32>
    %get3A_653 = arith.constant 8 : i32
    %get3A_654 = arith.index_cast %get3A_653 : i32 to index
    %get3A_655 = arith.constant 112 : index
    %get3A_656 = tpu.vector_load %arg6[%get3A_654, %get3A_655] {strides = array<i32>} : memref<72x128xf32, #tpu.memory_space<vmem>>, vector<1x16xf32>,
    %get3A_657 = vector.shape_cast %get3A_656 : vector<1x16xf32> to vector<16xf32>
    %add3A_658 = arith.addf %add3A_652, %get3A_657 : vector<16xf32>
    %get3A_659 = arith.constant 9 : i32
    %get3A_660 = arith.index_cast %get3A_659 : i32 to index
    %get3A_661 = arith.constant 112 : index
    %get3A_662 = tpu.vector_load %arg6[%get3A_660, %get3A_661] {strides = array<i32>} : memref<72x128xf32, #tpu.memory_space<vmem>>, vector<1x16xf32>,
    %get3A_663 = vector.shape_cast %get3A_662 : vector<1x16xf32> to vector<16xf32>
    %add3A_664 = arith.addf %add3A_658, %get3A_663 : vector<16xf32>
    %get3A_665 = arith.constant 10 : i32
    %get3A_666 = arith.index_cast %get3A_665 : i32 to index
    %get3A_667 = arith.constant 112 : index
    %get3A_668 = tpu.vector_load %arg6[%get3A_666, %get3A_667] {strides = array<i32>} : memref<72x128xf32, #tpu.memory_space<vmem>>, vector<1x16xf32>,
    %get3A_669 = vector.shape_cast %get3A_668 : vector<1x16xf32> to vector<16xf32>
    %add3A_670 = arith.addf %add3A_664, %get3A_669 : vector<16xf32>
    %get3A_671 = arith.constant 11 : i32
    %get3A_672 = arith.index_cast %get3A_671 : i32 to index
    %get3A_673 = arith.constant 112 : index
    %get3A_674 = tpu.vector_load %arg6[%get3A_672, %get3A_673] {strides = array<i32>} : memref<72x128xf32, #tpu.memory_space<vmem>>, vector<1x16xf32>,
    %get3A_675 = vector.shape_cast %get3A_674 : vector<1x16xf32> to vector<16xf32>
    %add3A_676 = arith.addf %add3A_670, %get3A_675 : vector<16xf32>
    %swap3A_677 = arith.constant 1 : i32
    %swap3A_678 = arith.index_cast %swap3A_677 : i32 to index
    %swap3A_679 = arith.constant 112 : index
    %swap3A_680 = tpu.vector_load %arg7[%swap3A_678, %swap3A_679] {strides = array<i32>} : memref<12x128xf32, #tpu.memory_space<vmem>>, vector<1x16xf32>,
    %swap3A_681 = vector.shape_cast %swap3A_680 : vector<1x16xf32> to vector<16xf32>
    %swap3A_682 = vector.shape_cast %add3A_676 : vector<16xf32> to vector<1x16xf32>
    tpu.vector_store %arg7[%swap3A_678, %swap3A_679], %swap3A_682 {strides = array<i32>} : memref<12x128xf32, #tpu.memory_space<vmem>>, vector<1x16xf32>,
    %get3A_683 = arith.constant 12 : i32
    %get3A_684 = arith.index_cast %get3A_683 : i32 to index
    %get3A_685 = arith.constant 0 : index
    %get3A_686 = tpu.vector_load %arg6[%get3A_684, %get3A_685] {strides = array<i32>} : memref<72x128xf32, #tpu.memory_space<vmem>>, vector<1x16xf32>,
    %get3A_687 = vector.shape_cast %get3A_686 : vector<1x16xf32> to vector<16xf32>
    %get3A_688 = arith.constant 13 : i32
    %get3A_689 = arith.index_cast %get3A_688 : i32 to index
    %get3A_690 = arith.constant 0 : index
    %get3A_691 = tpu.vector_load %arg6[%get3A_689, %get3A_690] {strides = array<i32>} : memref<72x128xf32, #tpu.memory_space<vmem>>, vector<1x16xf32>,
    %get3A_692 = vector.shape_cast %get3A_691 : vector<1x16xf32> to vector<16xf32>
    %add3A_693 = arith.addf %get3A_687, %get3A_692 : vector<16xf32>
    %get3A_694 = arith.constant 14 : i32
    %get3A_695 = arith.index_cast %get3A_694 : i32 to index
    %get3A_696 = arith.constant 0 : index
    %get3A_697 = tpu.vector_load %arg6[%get3A_695, %get3A_696] {strides = array<i32>} : memref<72x128xf32, #tpu.memory_space<vmem>>, vector<1x16xf32>,
    %get3A_698 = vector.shape_cast %get3A_697 : vector<1x16xf32> to vector<16xf32>
    %add3A_699 = arith.addf %add3A_693, %get3A_698 : vector<16xf32>
    %get3A_700 = arith.constant 15 : i32
    %get3A_701 = arith.index_cast %get3A_700 : i32 to index
    %get3A_702 = arith.constant 0 : index
    %get3A_703 = tpu.vector_load %arg6[%get3A_701, %get3A_702] {strides = array<i32>} : memref<72x128xf32, #tpu.memory_space<vmem>>, vector<1x16xf32>,
    %get3A_704 = vector.shape_cast %get3A_703 : vector<1x16xf32> to vector<16xf32>
    %add3A_705 = arith.addf %add3A_699, %get3A_704 : vector<16xf32>
    %get3A_706 = arith.constant 16 : i32
    %get3A_707 = arith.index_cast %get3A_706 : i32 to index
    %get3A_708 = arith.constant 0 : index
    %get3A_709 = tpu.vector_load %arg6[%get3A_707, %get3A_708] {strides = array<i32>} : memref<72x128xf32, #tpu.memory_space<vmem>>, vector<1x16xf32>,
    %get3A_710 = vector.shape_cast %get3A_709 : vector<1x16xf32> to vector<16xf32>
    %add3A_711 = arith.addf %add3A_705, %get3A_710 : vector<16xf32>
    %get3A_712 = arith.constant 17 : i32
    %get3A_713 = arith.index_cast %get3A_712 : i32 to index
    %get3A_714 = arith.constant 0 : index
    %get3A_715 = tpu.vector_load %arg6[%get3A_713, %get3A_714] {strides = array<i32>} : memref<72x128xf32, #tpu.memory_space<vmem>>, vector<1x16xf32>,
    %get3A_716 = vector.shape_cast %get3A_715 : vector<1x16xf32> to vector<16xf32>
    %add3A_717 = arith.addf %add3A_711, %get3A_716 : vector<16xf32>
    %swap3A_718 = arith.constant 2 : i32
    %swap3A_719 = arith.index_cast %swap3A_718 : i32 to index
    %swap3A_720 = arith.constant 0 : index
    %swap3A_721 = tpu.vector_load %arg7[%swap3A_719, %swap3A_720] {strides = array<i32>} : memref<12x128xf32, #tpu.memory_space<vmem>>, vector<1x16xf32>,
    %swap3A_722 = vector.shape_cast %swap3A_721 : vector<1x16xf32> to vector<16xf32>
    %swap3A_723 = vector.shape_cast %add3A_717 : vector<16xf32> to vector<1x16xf32>
    tpu.vector_store %arg7[%swap3A_719, %swap3A_720], %swap3A_723 {strides = array<i32>} : memref<12x128xf32, #tpu.memory_space<vmem>>, vector<1x16xf32>,
    %get3A_724 = arith.constant 12 : i32
    %get3A_725 = arith.index_cast %get3A_724 : i32 to index
    %get3A_726 = arith.constant 16 : index
    %get3A_727 = tpu.vector_load %arg6[%get3A_725, %get3A_726] {strides = array<i32>} : memref<72x128xf32, #tpu.memory_space<vmem>>, vector<1x16xf32>,
    %get3A_728 = vector.shape_cast %get3A_727 : vector<1x16xf32> to vector<16xf32>
    %get3A_729 = arith.constant 13 : i32
    %get3A_730 = arith.index_cast %get3A_729 : i32 to index
    %get3A_731 = arith.constant 16 : index
    %get3A_732 = tpu.vector_load %arg6[%get3A_730, %get3A_731] {strides = array<i32>} : memref<72x128xf32, #tpu.memory_space<vmem>>, vector<1x16xf32>,
    %get3A_733 = vector.shape_cast %get3A_732 : vector<1x16xf32> to vector<16xf32>
    %add3A_734 = arith.addf %get3A_728, %get3A_733 : vector<16xf32>
    %get3A_735 = arith.constant 14 : i32
    %get3A_736 = arith.index_cast %get3A_735 : i32 to index
    %get3A_737 = arith.constant 16 : index
    %get3A_738 = tpu.vector_load %arg6[%get3A_736, %get3A_737] {strides = array<i32>} : memref<72x128xf32, #tpu.memory_space<vmem>>, vector<1x16xf32>,
    %get3A_739 = vector.shape_cast %get3A_738 : vector<1x16xf32> to vector<16xf32>
    %add3A_740 = arith.addf %add3A_734, %get3A_739 : vector<16xf32>
    %get3A_741 = arith.constant 15 : i32
    %get3A_742 = arith.index_cast %get3A_741 : i32 to index
    %get3A_743 = arith.constant 16 : index
    %get3A_744 = tpu.vector_load %arg6[%get3A_742, %get3A_743] {strides = array<i32>} : memref<72x128xf32, #tpu.memory_space<vmem>>, vector<1x16xf32>,
    %get3A_745 = vector.shape_cast %get3A_744 : vector<1x16xf32> to vector<16xf32>
    %add3A_746 = arith.addf %add3A_740, %get3A_745 : vector<16xf32>
    %get3A_747 = arith.constant 16 : i32
    %get3A_748 = arith.index_cast %get3A_747 : i32 to index
    %get3A_749 = arith.constant 16 : index
    %get3A_750 = tpu.vector_load %arg6[%get3A_748, %get3A_749] {strides = array<i32>} : memref<72x128xf32, #tpu.memory_space<vmem>>, vector<1x16xf32>,
    %get3A_751 = vector.shape_cast %get3A_750 : vector<1x16xf32> to vector<16xf32>
    %add3A_752 = arith.addf %add3A_746, %get3A_751 : vector<16xf32>
    %get3A_753 = arith.constant 17 : i32
    %get3A_754 = arith.index_cast %get3A_753 : i32 to index
    %get3A_755 = arith.constant 16 : index
    %get3A_756 = tpu.vector_load %arg6[%get3A_754, %get3A_755] {strides = array<i32>} : memref<72x128xf32, #tpu.memory_space<vmem>>, vector<1x16xf32>,
    %get3A_757 = vector.shape_cast %get3A_756 : vector<1x16xf32> to vector<16xf32>
    %add3A_758 = arith.addf %add3A_752, %get3A_757 : vector<16xf32>
    %swap3A_759 = arith.constant 2 : i32
    %swap3A_760 = arith.index_cast %swap3A_759 : i32 to index
    %swap3A_761 = arith.constant 16 : index
    %swap3A_762 = tpu.vector_load %arg7[%swap3A_760, %swap3A_761] {strides = array<i32>} : memref<12x128xf32, #tpu.memory_space<vmem>>, vector<1x16xf32>,
    %swap3A_763 = vector.shape_cast %swap3A_762 : vector<1x16xf32> to vector<16xf32>
    %swap3A_764 = vector.shape_cast %add3A_758 : vector<16xf32> to vector<1x16xf32>
    tpu.vector_store %arg7[%swap3A_760, %swap3A_761], %swap3A_764 {strides = array<i32>} : memref<12x128xf32, #tpu.memory_space<vmem>>, vector<1x16xf32>,
    %get3A_765 = arith.constant 12 : i32
    %get3A_766 = arith.index_cast %get3A_765 : i32 to index
    %get3A_767 = arith.constant 32 : index
    %get3A_768 = tpu.vector_load %arg6[%get3A_766, %get3A_767] {strides = array<i32>} : memref<72x128xf32, #tpu.memory_space<vmem>>, vector<1x16xf32>,
    %get3A_769 = vector.shape_cast %get3A_768 : vector<1x16xf32> to vector<16xf32>
    %get3A_770 = arith.constant 13 : i32
    %get3A_771 = arith.index_cast %get3A_770 : i32 to index
    %get3A_772 = arith.constant 32 : index
    %get3A_773 = tpu.vector_load %arg6[%get3A_771, %get3A_772] {strides = array<i32>} : memref<72x128xf32, #tpu.memory_space<vmem>>, vector<1x16xf32>,
    %get3A_774 = vector.shape_cast %get3A_773 : vector<1x16xf32> to vector<16xf32>
    %add3A_775 = arith.addf %get3A_769, %get3A_774 : vector<16xf32>
    %get3A_776 = arith.constant 14 : i32
    %get3A_777 = arith.index_cast %get3A_776 : i32 to index
    %get3A_778 = arith.constant 32 : index
    %get3A_779 = tpu.vector_load %arg6[%get3A_777, %get3A_778] {strides = array<i32>} : memref<72x128xf32, #tpu.memory_space<vmem>>, vector<1x16xf32>,
    %get3A_780 = vector.shape_cast %get3A_779 : vector<1x16xf32> to vector<16xf32>
    %add3A_781 = arith.addf %add3A_775, %get3A_780 : vector<16xf32>
    %get3A_782 = arith.constant 15 : i32
    %get3A_783 = arith.index_cast %get3A_782 : i32 to index
    %get3A_784 = arith.constant 32 : index
    %get3A_785 = tpu.vector_load %arg6[%get3A_783, %get3A_784] {strides = array<i32>} : memref<72x128xf32, #tpu.memory_space<vmem>>, vector<1x16xf32>,
    %get3A_786 = vector.shape_cast %get3A_785 : vector<1x16xf32> to vector<16xf32>
    %add3A_787 = arith.addf %add3A_781, %get3A_786 : vector<16xf32>
    %get3A_788 = arith.constant 16 : i32
    %get3A_789 = arith.index_cast %get3A_788 : i32 to index
    %get3A_790 = arith.constant 32 : index
    %get3A_791 = tpu.vector_load %arg6[%get3A_789, %get3A_790] {strides = array<i32>} : memref<72x128xf32, #tpu.memory_space<vmem>>, vector<1x16xf32>,
    %get3A_792 = vector.shape_cast %get3A_791 : vector<1x16xf32> to vector<16xf32>
    %add3A_793 = arith.addf %add3A_787, %get3A_792 : vector<16xf32>
    %get3A_794 = arith.constant 17 : i32
    %get3A_795 = arith.index_cast %get3A_794 : i32 to index
    %get3A_796 = arith.constant 32 : index
    %get3A_797 = tpu.vector_load %arg6[%get3A_795, %get3A_796] {strides = array<i32>} : memref<72x128xf32, #tpu.memory_space<vmem>>, vector<1x16xf32>,
    %get3A_798 = vector.shape_cast %get3A_797 : vector<1x16xf32> to vector<16xf32>
    %add3A_799 = arith.addf %add3A_793, %get3A_798 : vector<16xf32>
    %swap3A_800 = arith.constant 2 : i32
    %swap3A_801 = arith.index_cast %swap3A_800 : i32 to index
    %swap3A_802 = arith.constant 32 : index
    %swap3A_803 = tpu.vector_load %arg7[%swap3A_801, %swap3A_802] {strides = array<i32>} : memref<12x128xf32, #tpu.memory_space<vmem>>, vector<1x16xf32>,
    %swap3A_804 = vector.shape_cast %swap3A_803 : vector<1x16xf32> to vector<16xf32>
    %swap3A_805 = vector.shape_cast %add3A_799 : vector<16xf32> to vector<1x16xf32>
    tpu.vector_store %arg7[%swap3A_801, %swap3A_802], %swap3A_805 {strides = array<i32>} : memref<12x128xf32, #tpu.memory_space<vmem>>, vector<1x16xf32>,
    %get3A_806 = arith.constant 12 : i32
    %get3A_807 = arith.index_cast %get3A_806 : i32 to index
    %get3A_808 = arith.constant 48 : index
    %get3A_809 = tpu.vector_load %arg6[%get3A_807, %get3A_808] {strides = array<i32>} : memref<72x128xf32, #tpu.memory_space<vmem>>, vector<1x16xf32>,
    %get3A_810 = vector.shape_cast %get3A_809 : vector<1x16xf32> to vector<16xf32>
    %get3A_811 = arith.constant 13 : i32
    %get3A_812 = arith.index_cast %get3A_811 : i32 to index
    %get3A_813 = arith.constant 48 : index
    %get3A_814 = tpu.vector_load %arg6[%get3A_812, %get3A_813] {strides = array<i32>} : memref<72x128xf32, #tpu.memory_space<vmem>>, vector<1x16xf32>,
    %get3A_815 = vector.shape_cast %get3A_814 : vector<1x16xf32> to vector<16xf32>
    %add3A_816 = arith.addf %get3A_810, %get3A_815 : vector<16xf32>
    %get3A_817 = arith.constant 14 : i32
    %get3A_818 = arith.index_cast %get3A_817 : i32 to index
    %get3A_819 = arith.constant 48 : index
    %get3A_820 = tpu.vector_load %arg6[%get3A_818, %get3A_819] {strides = array<i32>} : memref<72x128xf32, #tpu.memory_space<vmem>>, vector<1x16xf32>,
    %get3A_821 = vector.shape_cast %get3A_820 : vector<1x16xf32> to vector<16xf32>
    %add3A_822 = arith.addf %add3A_816, %get3A_821 : vector<16xf32>
    %get3A_823 = arith.constant 15 : i32
    %get3A_824 = arith.index_cast %get3A_823 : i32 to index
    %get3A_825 = arith.constant 48 : index
    %get3A_826 = tpu.vector_load %arg6[%get3A_824, %get3A_825] {strides = array<i32>} : memref<72x128xf32, #tpu.memory_space<vmem>>, vector<1x16xf32>,
    %get3A_827 = vector.shape_cast %get3A_826 : vector<1x16xf32> to vector<16xf32>
    %add3A_828 = arith.addf %add3A_822, %get3A_827 : vector<16xf32>
    %get3A_829 = arith.constant 16 : i32
    %get3A_830 = arith.index_cast %get3A_829 : i32 to index
    %get3A_831 = arith.constant 48 : index
    %get3A_832 = tpu.vector_load %arg6[%get3A_830, %get3A_831] {strides = array<i32>} : memref<72x128xf32, #tpu.memory_space<vmem>>, vector<1x16xf32>,
    %get3A_833 = vector.shape_cast %get3A_832 : vector<1x16xf32> to vector<16xf32>
    %add3A_834 = arith.addf %add3A_828, %get3A_833 : vector<16xf32>
    %get3A_835 = arith.constant 17 : i32
    %get3A_836 = arith.index_cast %get3A_835 : i32 to index
    %get3A_837 = arith.constant 48 : index
    %get3A_838 = tpu.vector_load %arg6[%get3A_836, %get3A_837] {strides = array<i32>} : memref<72x128xf32, #tpu.memory_space<vmem>>, vector<1x16xf32>,
    %get3A_839 = vector.shape_cast %get3A_838 : vector<1x16xf32> to vector<16xf32>
    %add3A_840 = arith.addf %add3A_834, %get3A_839 : vector<16xf32>
    %swap3A_841 = arith.constant 2 : i32
    %swap3A_842 = arith.index_cast %swap3A_841 : i32 to index
    %swap3A_843 = arith.constant 48 : index
    %swap3A_844 = tpu.vector_load %arg7[%swap3A_842, %swap3A_843] {strides = array<i32>} : memref<12x128xf32, #tpu.memory_space<vmem>>, vector<1x16xf32>,
    %swap3A_845 = vector.shape_cast %swap3A_844 : vector<1x16xf32> to vector<16xf32>
    %swap3A_846 = vector.shape_cast %add3A_840 : vector<16xf32> to vector<1x16xf32>
    tpu.vector_store %arg7[%swap3A_842, %swap3A_843], %swap3A_846 {strides = array<i32>} : memref<12x128xf32, #tpu.memory_space<vmem>>, vector<1x16xf32>,
    %get3A_847 = arith.constant 12 : i32
    %get3A_848 = arith.index_cast %get3A_847 : i32 to index
    %get3A_849 = arith.constant 64 : index
    %get3A_850 = tpu.vector_load %arg6[%get3A_848, %get3A_849] {strides = array<i32>} : memref<72x128xf32, #tpu.memory_space<vmem>>, vector<1x16xf32>,
    %get3A_851 = vector.shape_cast %get3A_850 : vector<1x16xf32> to vector<16xf32>
    %get3A_852 = arith.constant 13 : i32
    %get3A_853 = arith.index_cast %get3A_852 : i32 to index
    %get3A_854 = arith.constant 64 : index
    %get3A_855 = tpu.vector_load %arg6[%get3A_853, %get3A_854] {strides = array<i32>} : memref<72x128xf32, #tpu.memory_space<vmem>>, vector<1x16xf32>,
    %get3A_856 = vector.shape_cast %get3A_855 : vector<1x16xf32> to vector<16xf32>
    %add3A_857 = arith.addf %get3A_851, %get3A_856 : vector<16xf32>
    %get3A_858 = arith.constant 14 : i32
    %get3A_859 = arith.index_cast %get3A_858 : i32 to index
    %get3A_860 = arith.constant 64 : index
    %get3A_861 = tpu.vector_load %arg6[%get3A_859, %get3A_860] {strides = array<i32>} : memref<72x128xf32, #tpu.memory_space<vmem>>, vector<1x16xf32>,
    %get3A_862 = vector.shape_cast %get3A_861 : vector<1x16xf32> to vector<16xf32>
    %add3A_863 = arith.addf %add3A_857, %get3A_862 : vector<16xf32>
    %get3A_864 = arith.constant 15 : i32
    %get3A_865 = arith.index_cast %get3A_864 : i32 to index
    %get3A_866 = arith.constant 64 : index
    %get3A_867 = tpu.vector_load %arg6[%get3A_865, %get3A_866] {strides = array<i32>} : memref<72x128xf32, #tpu.memory_space<vmem>>, vector<1x16xf32>,
    %get3A_868 = vector.shape_cast %get3A_867 : vector<1x16xf32> to vector<16xf32>
    %add3A_869 = arith.addf %add3A_863, %get3A_868 : vector<16xf32>
    %get3A_870 = arith.constant 16 : i32
    %get3A_871 = arith.index_cast %get3A_870 : i32 to index
    %get3A_872 = arith.constant 64 : index
    %get3A_873 = tpu.vector_load %arg6[%get3A_871, %get3A_872] {strides = array<i32>} : memref<72x128xf32, #tpu.memory_space<vmem>>, vector<1x16xf32>,
    %get3A_874 = vector.shape_cast %get3A_873 : vector<1x16xf32> to vector<16xf32>
    %add3A_875 = arith.addf %add3A_869, %get3A_874 : vector<16xf32>
    %get3A_876 = arith.constant 17 : i32
    %get3A_877 = arith.index_cast %get3A_876 : i32 to index
    %get3A_878 = arith.constant 64 : index
    %get3A_879 = tpu.vector_load %arg6[%get3A_877, %get3A_878] {strides = array<i32>} : memref<72x128xf32, #tpu.memory_space<vmem>>, vector<1x16xf32>,
    %get3A_880 = vector.shape_cast %get3A_879 : vector<1x16xf32> to vector<16xf32>
    %add3A_881 = arith.addf %add3A_875, %get3A_880 : vector<16xf32>
    %swap3A_882 = arith.constant 2 : i32
    %swap3A_883 = arith.index_cast %swap3A_882 : i32 to index
    %swap3A_884 = arith.constant 64 : index
    %swap3A_885 = tpu.vector_load %arg7[%swap3A_883, %swap3A_884] {strides = array<i32>} : memref<12x128xf32, #tpu.memory_space<vmem>>, vector<1x16xf32>,
    %swap3A_886 = vector.shape_cast %swap3A_885 : vector<1x16xf32> to vector<16xf32>
    %swap3A_887 = vector.shape_cast %add3A_881 : vector<16xf32> to vector<1x16xf32>
    tpu.vector_store %arg7[%swap3A_883, %swap3A_884], %swap3A_887 {strides = array<i32>} : memref<12x128xf32, #tpu.memory_space<vmem>>, vector<1x16xf32>,
    %get3A_888 = arith.constant 12 : i32
    %get3A_889 = arith.index_cast %get3A_888 : i32 to index
    %get3A_890 = arith.constant 80 : index
    %get3A_891 = tpu.vector_load %arg6[%get3A_889, %get3A_890] {strides = array<i32>} : memref<72x128xf32, #tpu.memory_space<vmem>>, vector<1x16xf32>,
    %get3A_892 = vector.shape_cast %get3A_891 : vector<1x16xf32> to vector<16xf32>
    %get3A_893 = arith.constant 13 : i32
    %get3A_894 = arith.index_cast %get3A_893 : i32 to index
    %get3A_895 = arith.constant 80 : index
    %get3A_896 = tpu.vector_load %arg6[%get3A_894, %get3A_895] {strides = array<i32>} : memref<72x128xf32, #tpu.memory_space<vmem>>, vector<1x16xf32>,
    %get3A_897 = vector.shape_cast %get3A_896 : vector<1x16xf32> to vector<16xf32>
    %add3A_898 = arith.addf %get3A_892, %get3A_897 : vector<16xf32>
    %get3A_899 = arith.constant 14 : i32
    %get3A_900 = arith.index_cast %get3A_899 : i32 to index
    %get3A_901 = arith.constant 80 : index
    %get3A_902 = tpu.vector_load %arg6[%get3A_900, %get3A_901] {strides = array<i32>} : memref<72x128xf32, #tpu.memory_space<vmem>>, vector<1x16xf32>,
    %get3A_903 = vector.shape_cast %get3A_902 : vector<1x16xf32> to vector<16xf32>
    %add3A_904 = arith.addf %add3A_898, %get3A_903 : vector<16xf32>
    %get3A_905 = arith.constant 15 : i32
    %get3A_906 = arith.index_cast %get3A_905 : i32 to index
    %get3A_907 = arith.constant 80 : index
    %get3A_908 = tpu.vector_load %arg6[%get3A_906, %get3A_907] {strides = array<i32>} : memref<72x128xf32, #tpu.memory_space<vmem>>, vector<1x16xf32>,
    %get3A_909 = vector.shape_cast %get3A_908 : vector<1x16xf32> to vector<16xf32>
    %add3A_910 = arith.addf %add3A_904, %get3A_909 : vector<16xf32>
    %get3A_911 = arith.constant 16 : i32
    %get3A_912 = arith.index_cast %get3A_911 : i32 to index
    %get3A_913 = arith.constant 80 : index
    %get3A_914 = tpu.vector_load %arg6[%get3A_912, %get3A_913] {strides = array<i32>} : memref<72x128xf32, #tpu.memory_space<vmem>>, vector<1x16xf32>,
    %get3A_915 = vector.shape_cast %get3A_914 : vector<1x16xf32> to vector<16xf32>
    %add3A_916 = arith.addf %add3A_910, %get3A_915 : vector<16xf32>
    %get3A_917 = arith.constant 17 : i32
    %get3A_918 = arith.index_cast %get3A_917 : i32 to index
    %get3A_919 = arith.constant 80 : index
    %get3A_920 = tpu.vector_load %arg6[%get3A_918, %get3A_919] {strides = array<i32>} : memref<72x128xf32, #tpu.memory_space<vmem>>, vector<1x16xf32>,
    %get3A_921 = vector.shape_cast %get3A_920 : vector<1x16xf32> to vector<16xf32>
    %add3A_922 = arith.addf %add3A_916, %get3A_921 : vector<16xf32>
    %swap3A_923 = arith.constant 2 : i32
    %swap3A_924 = arith.index_cast %swap3A_923 : i32 to index
    %swap3A_925 = arith.constant 80 : index
    %swap3A_926 = tpu.vector_load %arg7[%swap3A_924, %swap3A_925] {strides = array<i32>} : memref<12x128xf32, #tpu.memory_space<vmem>>, vector<1x16xf32>,
    %swap3A_927 = vector.shape_cast %swap3A_926 : vector<1x16xf32> to vector<16xf32>
    %swap3A_928 = vector.shape_cast %add3A_922 : vector<16xf32> to vector<1x16xf32>
    tpu.vector_store %arg7[%swap3A_924, %swap3A_925], %swap3A_928 {strides = array<i32>} : memref<12x128xf32, #tpu.memory_space<vmem>>, vector<1x16xf32>,
    %get3A_929 = arith.constant 12 : i32
    %get3A_930 = arith.index_cast %get3A_929 : i32 to index
    %get3A_931 = arith.constant 96 : index
    %get3A_932 = tpu.vector_load %arg6[%get3A_930, %get3A_931] {strides = array<i32>} : memref<72x128xf32, #tpu.memory_space<vmem>>, vector<1x16xf32>,
    %get3A_933 = vector.shape_cast %get3A_932 : vector<1x16xf32> to vector<16xf32>
    %get3A_934 = arith.constant 13 : i32
    %get3A_935 = arith.index_cast %get3A_934 : i32 to index
    %get3A_936 = arith.constant 96 : index
    %get3A_937 = tpu.vector_load %arg6[%get3A_935, %get3A_936] {strides = array<i32>} : memref<72x128xf32, #tpu.memory_space<vmem>>, vector<1x16xf32>,
    %get3A_938 = vector.shape_cast %get3A_937 : vector<1x16xf32> to vector<16xf32>
    %add3A_939 = arith.addf %get3A_933, %get3A_938 : vector<16xf32>
    %get3A_940 = arith.constant 14 : i32
    %get3A_941 = arith.index_cast %get3A_940 : i32 to index
    %get3A_942 = arith.constant 96 : index
    %get3A_943 = tpu.vector_load %arg6[%get3A_941, %get3A_942] {strides = array<i32>} : memref<72x128xf32, #tpu.memory_space<vmem>>, vector<1x16xf32>,
    %get3A_944 = vector.shape_cast %get3A_943 : vector<1x16xf32> to vector<16xf32>
    %add3A_945 = arith.addf %add3A_939, %get3A_944 : vector<16xf32>
    %get3A_946 = arith.constant 15 : i32
    %get3A_947 = arith.index_cast %get3A_946 : i32 to index
    %get3A_948 = arith.constant 96 : index
    %get3A_949 = tpu.vector_load %arg6[%get3A_947, %get3A_948] {strides = array<i32>} : memref<72x128xf32, #tpu.memory_space<vmem>>, vector<1x16xf32>,
    %get3A_950 = vector.shape_cast %get3A_949 : vector<1x16xf32> to vector<16xf32>
    %add3A_951 = arith.addf %add3A_945, %get3A_950 : vector<16xf32>
    %get3A_952 = arith.constant 16 : i32
    %get3A_953 = arith.index_cast %get3A_952 : i32 to index
    %get3A_954 = arith.constant 96 : index
    %get3A_955 = tpu.vector_load %arg6[%get3A_953, %get3A_954] {strides = array<i32>} : memref<72x128xf32, #tpu.memory_space<vmem>>, vector<1x16xf32>,
    %get3A_956 = vector.shape_cast %get3A_955 : vector<1x16xf32> to vector<16xf32>
    %add3A_957 = arith.addf %add3A_951, %get3A_956 : vector<16xf32>
    %get3A_958 = arith.constant 17 : i32
    %get3A_959 = arith.index_cast %get3A_958 : i32 to index
    %get3A_960 = arith.constant 96 : index
    %get3A_961 = tpu.vector_load %arg6[%get3A_959, %get3A_960] {strides = array<i32>} : memref<72x128xf32, #tpu.memory_space<vmem>>, vector<1x16xf32>,
    %get3A_962 = vector.shape_cast %get3A_961 : vector<1x16xf32> to vector<16xf32>
    %add3A_963 = arith.addf %add3A_957, %get3A_962 : vector<16xf32>
    %swap3A_964 = arith.constant 2 : i32
    %swap3A_965 = arith.index_cast %swap3A_964 : i32 to index
    %swap3A_966 = arith.constant 96 : index
    %swap3A_967 = tpu.vector_load %arg7[%swap3A_965, %swap3A_966] {strides = array<i32>} : memref<12x128xf32, #tpu.memory_space<vmem>>, vector<1x16xf32>,
    %swap3A_968 = vector.shape_cast %swap3A_967 : vector<1x16xf32> to vector<16xf32>
    %swap3A_969 = vector.shape_cast %add3A_963 : vector<16xf32> to vector<1x16xf32>
    tpu.vector_store %arg7[%swap3A_965, %swap3A_966], %swap3A_969 {strides = array<i32>} : memref<12x128xf32, #tpu.memory_space<vmem>>, vector<1x16xf32>,
    %get3A_970 = arith.constant 12 : i32
    %get3A_971 = arith.index_cast %get3A_970 : i32 to index
    %get3A_972 = arith.constant 112 : index
    %get3A_973 = tpu.vector_load %arg6[%get3A_971, %get3A_972] {strides = array<i32>} : memref<72x128xf32, #tpu.memory_space<vmem>>, vector<1x16xf32>,
    %get3A_974 = vector.shape_cast %get3A_973 : vector<1x16xf32> to vector<16xf32>
    %get3A_975 = arith.constant 13 : i32
    %get3A_976 = arith.index_cast %get3A_975 : i32 to index
    %get3A_977 = arith.constant 112 : index
    %get3A_978 = tpu.vector_load %arg6[%get3A_976, %get3A_977] {strides = array<i32>} : memref<72x128xf32, #tpu.memory_space<vmem>>, vector<1x16xf32>,
    %get3A_979 = vector.shape_cast %get3A_978 : vector<1x16xf32> to vector<16xf32>
    %add3A_980 = arith.addf %get3A_974, %get3A_979 : vector<16xf32>
    %get3A_981 = arith.constant 14 : i32
    %get3A_982 = arith.index_cast %get3A_981 : i32 to index
    %get3A_983 = arith.constant 112 : index
    %get3A_984 = tpu.vector_load %arg6[%get3A_982, %get3A_983] {strides = array<i32>} : memref<72x128xf32, #tpu.memory_space<vmem>>, vector<1x16xf32>,
    %get3A_985 = vector.shape_cast %get3A_984 : vector<1x16xf32> to vector<16xf32>
    %add3A_986 = arith.addf %add3A_980, %get3A_985 : vector<16xf32>
    %get3A_987 = arith.constant 15 : i32
    %get3A_988 = arith.index_cast %get3A_987 : i32 to index
    %get3A_989 = arith.constant 112 : index
    %get3A_990 = tpu.vector_load %arg6[%get3A_988, %get3A_989] {strides = array<i32>} : memref<72x128xf32, #tpu.memory_space<vmem>>, vector<1x16xf32>,
    %get3A_991 = vector.shape_cast %get3A_990 : vector<1x16xf32> to vector<16xf32>
    %add3A_992 = arith.addf %add3A_986, %get3A_991 : vector<16xf32>
    %get3A_993 = arith.constant 16 : i32
    %get3A_994 = arith.index_cast %get3A_993 : i32 to index
    %get3A_995 = arith.constant 112 : index
    %get3A_996 = tpu.vector_load %arg6[%get3A_994, %get3A_995] {strides = array<i32>} : memref<72x128xf32, #tpu.memory_space<vmem>>, vector<1x16xf32>,
    %get3A_997 = vector.shape_cast %get3A_996 : vector<1x16xf32> to vector<16xf32>
    %add3A_998 = arith.addf %add3A_992, %get3A_997 : vector<16xf32>
    %get3A_999 = arith.constant 17 : i32
    %get3A_1000 = arith.index_cast %get3A_999 : i32 to index
    %get3A_1001 = arith.constant 112 : index
    %get3A_1002 = tpu.vector_load %arg6[%get3A_1000, %get3A_1001] {strides = array<i32>} : memref<72x128xf32, #tpu.memory_space<vmem>>, vector<1x16xf32>,
    %get3A_1003 = vector.shape_cast %get3A_1002 : vector<1x16xf32> to vector<16xf32>
    %add3A_1004 = arith.addf %add3A_998, %get3A_1003 : vector<16xf32>
    %swap3A_1005 = arith.constant 2 : i32
    %swap3A_1006 = arith.index_cast %swap3A_1005 : i32 to index
    %swap3A_1007 = arith.constant 112 : index
    %swap3A_1008 = tpu.vector_load %arg7[%swap3A_1006, %swap3A_1007] {strides = array<i32>} : memref<12x128xf32, #tpu.memory_space<vmem>>, vector<1x16xf32>,
    %swap3A_1009 = vector.shape_cast %swap3A_1008 : vector<1x16xf32> to vector<16xf32>
    %swap3A_1010 = vector.shape_cast %add3A_1004 : vector<16xf32> to vector<1x16xf32>
    tpu.vector_store %arg7[%swap3A_1006, %swap3A_1007], %swap3A_1010 {strides = array<i32>} : memref<12x128xf32, #tpu.memory_space<vmem>>, vector<1x16xf32>,
    %get3A_1011 = arith.constant 18 : i32
    %get3A_1012 = arith.index_cast %get3A_1011 : i32 to index
    %get3A_1013 = arith.constant 0 : index
    %get3A_1014 = tpu.vector_load %arg6[%get3A_1012, %get3A_1013] {strides = array<i32>} : memref<72x128xf32, #tpu.memory_space<vmem>>, vector<1x16xf32>,
    %get3A_1015 = vector.shape_cast %get3A_1014 : vector<1x16xf32> to vector<16xf32>
    %get3A_1016 = arith.constant 19 : i32
    %get3A_1017 = arith.index_cast %get3A_1016 : i32 to index
    %get3A_1018 = arith.constant 0 : index
    %get3A_1019 = tpu.vector_load %arg6[%get3A_1017, %get3A_1018] {strides = array<i32>} : memref<72x128xf32, #tpu.memory_space<vmem>>, vector<1x16xf32>,
    %get3A_1020 = vector.shape_cast %get3A_1019 : vector<1x16xf32> to vector<16xf32>
    %add3A_1021 = arith.addf %get3A_1015, %get3A_1020 : vector<16xf32>
    %get3A_1022 = arith.constant 20 : i32
    %get3A_1023 = arith.index_cast %get3A_1022 : i32 to index
    %get3A_1024 = arith.constant 0 : index
    %get3A_1025 = tpu.vector_load %arg6[%get3A_1023, %get3A_1024] {strides = array<i32>} : memref<72x128xf32, #tpu.memory_space<vmem>>, vector<1x16xf32>,
    %get3A_1026 = vector.shape_cast %get3A_1025 : vector<1x16xf32> to vector<16xf32>
    %add3A_1027 = arith.addf %add3A_1021, %get3A_1026 : vector<16xf32>
    %get3A_1028 = arith.constant 21 : i32
    %get3A_1029 = arith.index_cast %get3A_1028 : i32 to index
    %get3A_1030 = arith.constant 0 : index
    %get3A_1031 = tpu.vector_load %arg6[%get3A_1029, %get3A_1030] {strides = array<i32>} : memref<72x128xf32, #tpu.memory_space<vmem>>, vector<1x16xf32>,
    %get3A_1032 = vector.shape_cast %get3A_1031 : vector<1x16xf32> to vector<16xf32>
    %add3A_1033 = arith.addf %add3A_1027, %get3A_1032 : vector<16xf32>
    %get3A_1034 = arith.constant 22 : i32
    %get3A_1035 = arith.index_cast %get3A_1034 : i32 to index
    %get3A_1036 = arith.constant 0 : index
    %get3A_1037 = tpu.vector_load %arg6[%get3A_1035, %get3A_1036] {strides = array<i32>} : memref<72x128xf32, #tpu.memory_space<vmem>>, vector<1x16xf32>,
    %get3A_1038 = vector.shape_cast %get3A_1037 : vector<1x16xf32> to vector<16xf32>
    %add3A_1039 = arith.addf %add3A_1033, %get3A_1038 : vector<16xf32>
    %get3A_1040 = arith.constant 23 : i32
    %get3A_1041 = arith.index_cast %get3A_1040 : i32 to index
    %get3A_1042 = arith.constant 0 : index
    %get3A_1043 = tpu.vector_load %arg6[%get3A_1041, %get3A_1042] {strides = array<i32>} : memref<72x128xf32, #tpu.memory_space<vmem>>, vector<1x16xf32>,
    %get3A_1044 = vector.shape_cast %get3A_1043 : vector<1x16xf32> to vector<16xf32>
    %add3A_1045 = arith.addf %add3A_1039, %get3A_1044 : vector<16xf32>
    %swap3A_1046 = arith.constant 3 : i32
    %swap3A_1047 = arith.index_cast %swap3A_1046 : i32 to index
    %swap3A_1048 = arith.constant 0 : index
    %swap3A_1049 = tpu.vector_load %arg7[%swap3A_1047, %swap3A_1048] {strides = array<i32>} : memref<12x128xf32, #tpu.memory_space<vmem>>, vector<1x16xf32>,
    %swap3A_1050 = vector.shape_cast %swap3A_1049 : vector<1x16xf32> to vector<16xf32>
    %swap3A_1051 = vector.shape_cast %add3A_1045 : vector<16xf32> to vector<1x16xf32>
    tpu.vector_store %arg7[%swap3A_1047, %swap3A_1048], %swap3A_1051 {strides = array<i32>} : memref<12x128xf32, #tpu.memory_space<vmem>>, vector<1x16xf32>,
    %get3A_1052 = arith.constant 18 : i32
    %get3A_1053 = arith.index_cast %get3A_1052 : i32 to index
    %get3A_1054 = arith.constant 16 : index
    %get3A_1055 = tpu.vector_load %arg6[%get3A_1053, %get3A_1054] {strides = array<i32>} : memref<72x128xf32, #tpu.memory_space<vmem>>, vector<1x16xf32>,
    %get3A_1056 = vector.shape_cast %get3A_1055 : vector<1x16xf32> to vector<16xf32>
    %get3A_1057 = arith.constant 19 : i32
    %get3A_1058 = arith.index_cast %get3A_1057 : i32 to index
    %get3A_1059 = arith.constant 16 : index
    %get3A_1060 = tpu.vector_load %arg6[%get3A_1058, %get3A_1059] {strides = array<i32>} : memref<72x128xf32, #tpu.memory_space<vmem>>, vector<1x16xf32>,
    %get3A_1061 = vector.shape_cast %get3A_1060 : vector<1x16xf32> to vector<16xf32>
    %add3A_1062 = arith.addf %get3A_1056, %get3A_1061 : vector<16xf32>
    %get3A_1063 = arith.constant 20 : i32
    %get3A_1064 = arith.index_cast %get3A_1063 : i32 to index
    %get3A_1065 = arith.constant 16 : index
    %get3A_1066 = tpu.vector_load %arg6[%get3A_1064, %get3A_1065] {strides = array<i32>} : memref<72x128xf32, #tpu.memory_space<vmem>>, vector<1x16xf32>,
    %get3A_1067 = vector.shape_cast %get3A_1066 : vector<1x16xf32> to vector<16xf32>
    %add3A_1068 = arith.addf %add3A_1062, %get3A_1067 : vector<16xf32>
    %get3A_1069 = arith.constant 21 : i32
    %get3A_1070 = arith.index_cast %get3A_1069 : i32 to index
    %get3A_1071 = arith.constant 16 : index
    %get3A_1072 = tpu.vector_load %arg6[%get3A_1070, %get3A_1071] {strides = array<i32>} : memref<72x128xf32, #tpu.memory_space<vmem>>, vector<1x16xf32>,
    %get3A_1073 = vector.shape_cast %get3A_1072 : vector<1x16xf32> to vector<16xf32>
    %add3A_1074 = arith.addf %add3A_1068, %get3A_1073 : vector<16xf32>
    %get3A_1075 = arith.constant 22 : i32
    %get3A_1076 = arith.index_cast %get3A_1075 : i32 to index
    %get3A_1077 = arith.constant 16 : index
    %get3A_1078 = tpu.vector_load %arg6[%get3A_1076, %get3A_1077] {strides = array<i32>} : memref<72x128xf32, #tpu.memory_space<vmem>>, vector<1x16xf32>,
    %get3A_1079 = vector.shape_cast %get3A_1078 : vector<1x16xf32> to vector<16xf32>
    %add3A_1080 = arith.addf %add3A_1074, %get3A_1079 : vector<16xf32>
    %get3A_1081 = arith.constant 23 : i32
    %get3A_1082 = arith.index_cast %get3A_1081 : i32 to index
    %get3A_1083 = arith.constant 16 : index
    %get3A_1084 = tpu.vector_load %arg6[%get3A_1082, %get3A_1083] {strides = array<i32>} : memref<72x128xf32, #tpu.memory_space<vmem>>, vector<1x16xf32>,
    %get3A_1085 = vector.shape_cast %get3A_1084 : vector<1x16xf32> to vector<16xf32>
    %add3A_1086 = arith.addf %add3A_1080, %get3A_1085 : vector<16xf32>
    %swap3A_1087 = arith.constant 3 : i32
    %swap3A_1088 = arith.index_cast %swap3A_1087 : i32 to index
    %swap3A_1089 = arith.constant 16 : index
    %swap3A_1090 = tpu.vector_load %arg7[%swap3A_1088, %swap3A_1089] {strides = array<i32>} : memref<12x128xf32, #tpu.memory_space<vmem>>, vector<1x16xf32>,
    %swap3A_1091 = vector.shape_cast %swap3A_1090 : vector<1x16xf32> to vector<16xf32>
    %swap3A_1092 = vector.shape_cast %add3A_1086 : vector<16xf32> to vector<1x16xf32>
    tpu.vector_store %arg7[%swap3A_1088, %swap3A_1089], %swap3A_1092 {strides = array<i32>} : memref<12x128xf32, #tpu.memory_space<vmem>>, vector<1x16xf32>,
    %get3A_1093 = arith.constant 18 : i32
    %get3A_1094 = arith.index_cast %get3A_1093 : i32 to index
    %get3A_1095 = arith.constant 32 : index
    %get3A_1096 = tpu.vector_load %arg6[%get3A_1094, %get3A_1095] {strides = array<i32>} : memref<72x128xf32, #tpu.memory_space<vmem>>, vector<1x16xf32>,
    %get3A_1097 = vector.shape_cast %get3A_1096 : vector<1x16xf32> to vector<16xf32>
    %get3A_1098 = arith.constant 19 : i32
    %get3A_1099 = arith.index_cast %get3A_1098 : i32 to index
    %get3A_1100 = arith.constant 32 : index
    %get3A_1101 = tpu.vector_load %arg6[%get3A_1099, %get3A_1100] {strides = array<i32>} : memref<72x128xf32, #tpu.memory_space<vmem>>, vector<1x16xf32>,
    %get3A_1102 = vector.shape_cast %get3A_1101 : vector<1x16xf32> to vector<16xf32>
    %add3A_1103 = arith.addf %get3A_1097, %get3A_1102 : vector<16xf32>
    %get3A_1104 = arith.constant 20 : i32
    %get3A_1105 = arith.index_cast %get3A_1104 : i32 to index
    %get3A_1106 = arith.constant 32 : index
    %get3A_1107 = tpu.vector_load %arg6[%get3A_1105, %get3A_1106] {strides = array<i32>} : memref<72x128xf32, #tpu.memory_space<vmem>>, vector<1x16xf32>,
    %get3A_1108 = vector.shape_cast %get3A_1107 : vector<1x16xf32> to vector<16xf32>
    %add3A_1109 = arith.addf %add3A_1103, %get3A_1108 : vector<16xf32>
    %get3A_1110 = arith.constant 21 : i32
    %get3A_1111 = arith.index_cast %get3A_1110 : i32 to index
    %get3A_1112 = arith.constant 32 : index
    %get3A_1113 = tpu.vector_load %arg6[%get3A_1111, %get3A_1112] {strides = array<i32>} : memref<72x128xf32, #tpu.memory_space<vmem>>, vector<1x16xf32>,
    %get3A_1114 = vector.shape_cast %get3A_1113 : vector<1x16xf32> to vector<16xf32>
    %add3A_1115 = arith.addf %add3A_1109, %get3A_1114 : vector<16xf32>
    %get3A_1116 = arith.constant 22 : i32
    %get3A_1117 = arith.index_cast %get3A_1116 : i32 to index
    %get3A_1118 = arith.constant 32 : index
    %get3A_1119 = tpu.vector_load %arg6[%get3A_1117, %get3A_1118] {strides = array<i32>} : memref<72x128xf32, #tpu.memory_space<vmem>>, vector<1x16xf32>,
    %get3A_1120 = vector.shape_cast %get3A_1119 : vector<1x16xf32> to vector<16xf32>
    %add3A_1121 = arith.addf %add3A_1115, %get3A_1120 : vector<16xf32>
    %get3A_1122 = arith.constant 23 : i32
    %get3A_1123 = arith.index_cast %get3A_1122 : i32 to index
    %get3A_1124 = arith.constant 32 : index
    %get3A_1125 = tpu.vector_load %arg6[%get3A_1123, %get3A_1124] {strides = array<i32>} : memref<72x128xf32, #tpu.memory_space<vmem>>, vector<1x16xf32>,
    %get3A_1126 = vector.shape_cast %get3A_1125 : vector<1x16xf32> to vector<16xf32>
    %add3A_1127 = arith.addf %add3A_1121, %get3A_1126 : vector<16xf32>
    %swap3A_1128 = arith.constant 3 : i32
    %swap3A_1129 = arith.index_cast %swap3A_1128 : i32 to index
    %swap3A_1130 = arith.constant 32 : index
    %swap3A_1131 = tpu.vector_load %arg7[%swap3A_1129, %swap3A_1130] {strides = array<i32>} : memref<12x128xf32, #tpu.memory_space<vmem>>, vector<1x16xf32>,
    %swap3A_1132 = vector.shape_cast %swap3A_1131 : vector<1x16xf32> to vector<16xf32>
    %swap3A_1133 = vector.shape_cast %add3A_1127 : vector<16xf32> to vector<1x16xf32>
    tpu.vector_store %arg7[%swap3A_1129, %swap3A_1130], %swap3A_1133 {strides = array<i32>} : memref<12x128xf32, #tpu.memory_space<vmem>>, vector<1x16xf32>,
    %get3A_1134 = arith.constant 18 : i32
    %get3A_1135 = arith.index_cast %get3A_1134 : i32 to index
    %get3A_1136 = arith.constant 48 : index
    %get3A_1137 = tpu.vector_load %arg6[%get3A_1135, %get3A_1136] {strides = array<i32>} : memref<72x128xf32, #tpu.memory_space<vmem>>, vector<1x16xf32>,
    %get3A_1138 = vector.shape_cast %get3A_1137 : vector<1x16xf32> to vector<16xf32>
    %get3A_1139 = arith.constant 19 : i32
    %get3A_1140 = arith.index_cast %get3A_1139 : i32 to index
    %get3A_1141 = arith.constant 48 : index
    %get3A_1142 = tpu.vector_load %arg6[%get3A_1140, %get3A_1141] {strides = array<i32>} : memref<72x128xf32, #tpu.memory_space<vmem>>, vector<1x16xf32>,
    %get3A_1143 = vector.shape_cast %get3A_1142 : vector<1x16xf32> to vector<16xf32>
    %add3A_1144 = arith.addf %get3A_1138, %get3A_1143 : vector<16xf32>
    %get3A_1145 = arith.constant 20 : i32
    %get3A_1146 = arith.index_cast %get3A_1145 : i32 to index
    %get3A_1147 = arith.constant 48 : index
    %get3A_1148 = tpu.vector_load %arg6[%get3A_1146, %get3A_1147] {strides = array<i32>} : memref<72x128xf32, #tpu.memory_space<vmem>>, vector<1x16xf32>,
    %get3A_1149 = vector.shape_cast %get3A_1148 : vector<1x16xf32> to vector<16xf32>
    %add3A_1150 = arith.addf %add3A_1144, %get3A_1149 : vector<16xf32>
    %get3A_1151 = arith.constant 21 : i32
    %get3A_1152 = arith.index_cast %get3A_1151 : i32 to index
    %get3A_1153 = arith.constant 48 : index
    %get3A_1154 = tpu.vector_load %arg6[%get3A_1152, %get3A_1153] {strides = array<i32>} : memref<72x128xf32, #tpu.memory_space<vmem>>, vector<1x16xf32>,
    %get3A_1155 = vector.shape_cast %get3A_1154 : vector<1x16xf32> to vector<16xf32>
    %add3A_1156 = arith.addf %add3A_1150, %get3A_1155 : vector<16xf32>
    %get3A_1157 = arith.constant 22 : i32
    %get3A_1158 = arith.index_cast %get3A_1157 : i32 to index
    %get3A_1159 = arith.constant 48 : index
    %get3A_1160 = tpu.vector_load %arg6[%get3A_1158, %get3A_1159] {strides = array<i32>} : memref<72x128xf32, #tpu.memory_space<vmem>>, vector<1x16xf32>,
    %get3A_1161 = vector.shape_cast %get3A_1160 : vector<1x16xf32> to vector<16xf32>
    %add3A_1162 = arith.addf %add3A_1156, %get3A_1161 : vector<16xf32>
    %get3A_1163 = arith.constant 23 : i32
    %get3A_1164 = arith.index_cast %get3A_1163 : i32 to index
    %get3A_1165 = arith.constant 48 : index
    %get3A_1166 = tpu.vector_load %arg6[%get3A_1164, %get3A_1165] {strides = array<i32>} : memref<72x128xf32, #tpu.memory_space<vmem>>, vector<1x16xf32>,
    %get3A_1167 = vector.shape_cast %get3A_1166 : vector<1x16xf32> to vector<16xf32>
    %add3A_1168 = arith.addf %add3A_1162, %get3A_1167 : vector<16xf32>
    %swap3A_1169 = arith.constant 3 : i32
    %swap3A_1170 = arith.index_cast %swap3A_1169 : i32 to index
    %swap3A_1171 = arith.constant 48 : index
    %swap3A_1172 = tpu.vector_load %arg7[%swap3A_1170, %swap3A_1171] {strides = array<i32>} : memref<12x128xf32, #tpu.memory_space<vmem>>, vector<1x16xf32>,
    %swap3A_1173 = vector.shape_cast %swap3A_1172 : vector<1x16xf32> to vector<16xf32>
    %swap3A_1174 = vector.shape_cast %add3A_1168 : vector<16xf32> to vector<1x16xf32>
    tpu.vector_store %arg7[%swap3A_1170, %swap3A_1171], %swap3A_1174 {strides = array<i32>} : memref<12x128xf32, #tpu.memory_space<vmem>>, vector<1x16xf32>,
    %get3A_1175 = arith.constant 18 : i32
    %get3A_1176 = arith.index_cast %get3A_1175 : i32 to index
    %get3A_1177 = arith.constant 64 : index
    %get3A_1178 = tpu.vector_load %arg6[%get3A_1176, %get3A_1177] {strides = array<i32>} : memref<72x128xf32, #tpu.memory_space<vmem>>, vector<1x16xf32>,
    %get3A_1179 = vector.shape_cast %get3A_1178 : vector<1x16xf32> to vector<16xf32>
    %get3A_1180 = arith.constant 19 : i32
    %get3A_1181 = arith.index_cast %get3A_1180 : i32 to index
    %get3A_1182 = arith.constant 64 : index
    %get3A_1183 = tpu.vector_load %arg6[%get3A_1181, %get3A_1182] {strides = array<i32>} : memref<72x128xf32, #tpu.memory_space<vmem>>, vector<1x16xf32>,
    %get3A_1184 = vector.shape_cast %get3A_1183 : vector<1x16xf32> to vector<16xf32>
    %add3A_1185 = arith.addf %get3A_1179, %get3A_1184 : vector<16xf32>
    %get3A_1186 = arith.constant 20 : i32
    %get3A_1187 = arith.index_cast %get3A_1186 : i32 to index
    %get3A_1188 = arith.constant 64 : index
    %get3A_1189 = tpu.vector_load %arg6[%get3A_1187, %get3A_1188] {strides = array<i32>} : memref<72x128xf32, #tpu.memory_space<vmem>>, vector<1x16xf32>,
    %get3A_1190 = vector.shape_cast %get3A_1189 : vector<1x16xf32> to vector<16xf32>
    %add3A_1191 = arith.addf %add3A_1185, %get3A_1190 : vector<16xf32>
    %get3A_1192 = arith.constant 21 : i32
    %get3A_1193 = arith.index_cast %get3A_1192 : i32 to index
    %get3A_1194 = arith.constant 64 : index
    %get3A_1195 = tpu.vector_load %arg6[%get3A_1193, %get3A_1194] {strides = array<i32>} : memref<72x128xf32, #tpu.memory_space<vmem>>, vector<1x16xf32>,
    %get3A_1196 = vector.shape_cast %get3A_1195 : vector<1x16xf32> to vector<16xf32>
    %add3A_1197 = arith.addf %add3A_1191, %get3A_1196 : vector<16xf32>
    %get3A_1198 = arith.constant 22 : i32
    %get3A_1199 = arith.index_cast %get3A_1198 : i32 to index
    %get3A_1200 = arith.constant 64 : index
    %get3A_1201 = tpu.vector_load %arg6[%get3A_1199, %get3A_1200] {strides = array<i32>} : memref<72x128xf32, #tpu.memory_space<vmem>>, vector<1x16xf32>,
    %get3A_1202 = vector.shape_cast %get3A_1201 : vector<1x16xf32> to vector<16xf32>
    %add3A_1203 = arith.addf %add3A_1197, %get3A_1202 : vector<16xf32>
    %get3A_1204 = arith.constant 23 : i32
    %get3A_1205 = arith.index_cast %get3A_1204 : i32 to index
    %get3A_1206 = arith.constant 64 : index
    %get3A_1207 = tpu.vector_load %arg6[%get3A_1205, %get3A_1206] {strides = array<i32>} : memref<72x128xf32, #tpu.memory_space<vmem>>, vector<1x16xf32>,
    %get3A_1208 = vector.shape_cast %get3A_1207 : vector<1x16xf32> to vector<16xf32>
    %add3A_1209 = arith.addf %add3A_1203, %get3A_1208 : vector<16xf32>
    %swap3A_1210 = arith.constant 3 : i32
    %swap3A_1211 = arith.index_cast %swap3A_1210 : i32 to index
    %swap3A_1212 = arith.constant 64 : index
    %swap3A_1213 = tpu.vector_load %arg7[%swap3A_1211, %swap3A_1212] {strides = array<i32>} : memref<12x128xf32, #tpu.memory_space<vmem>>, vector<1x16xf32>,
    %swap3A_1214 = vector.shape_cast %swap3A_1213 : vector<1x16xf32> to vector<16xf32>
    %swap3A_1215 = vector.shape_cast %add3A_1209 : vector<16xf32> to vector<1x16xf32>
    tpu.vector_store %arg7[%swap3A_1211, %swap3A_1212], %swap3A_1215 {strides = array<i32>} : memref<12x128xf32, #tpu.memory_space<vmem>>, vector<1x16xf32>,
    %get3A_1216 = arith.constant 18 : i32
    %get3A_1217 = arith.index_cast %get3A_1216 : i32 to index
    %get3A_1218 = arith.constant 80 : index
    %get3A_1219 = tpu.vector_load %arg6[%get3A_1217, %get3A_1218] {strides = array<i32>} : memref<72x128xf32, #tpu.memory_space<vmem>>, vector<1x16xf32>,
    %get3A_1220 = vector.shape_cast %get3A_1219 : vector<1x16xf32> to vector<16xf32>
    %get3A_1221 = arith.constant 19 : i32
    %get3A_1222 = arith.index_cast %get3A_1221 : i32 to index
    %get3A_1223 = arith.constant 80 : index
    %get3A_1224 = tpu.vector_load %arg6[%get3A_1222, %get3A_1223] {strides = array<i32>} : memref<72x128xf32, #tpu.memory_space<vmem>>, vector<1x16xf32>,
    %get3A_1225 = vector.shape_cast %get3A_1224 : vector<1x16xf32> to vector<16xf32>
    %add3A_1226 = arith.addf %get3A_1220, %get3A_1225 : vector<16xf32>
    %get3A_1227 = arith.constant 20 : i32
    %get3A_1228 = arith.index_cast %get3A_1227 : i32 to index
    %get3A_1229 = arith.constant 80 : index
    %get3A_1230 = tpu.vector_load %arg6[%get3A_1228, %get3A_1229] {strides = array<i32>} : memref<72x128xf32, #tpu.memory_space<vmem>>, vector<1x16xf32>,
    %get3A_1231 = vector.shape_cast %get3A_1230 : vector<1x16xf32> to vector<16xf32>
    %add3A_1232 = arith.addf %add3A_1226, %get3A_1231 : vector<16xf32>
    %get3A_1233 = arith.constant 21 : i32
    %get3A_1234 = arith.index_cast %get3A_1233 : i32 to index
    %get3A_1235 = arith.constant 80 : index
    %get3A_1236 = tpu.vector_load %arg6[%get3A_1234, %get3A_1235] {strides = array<i32>} : memref<72x128xf32, #tpu.memory_space<vmem>>, vector<1x16xf32>,
    %get3A_1237 = vector.shape_cast %get3A_1236 : vector<1x16xf32> to vector<16xf32>
    %add3A_1238 = arith.addf %add3A_1232, %get3A_1237 : vector<16xf32>
    %get3A_1239 = arith.constant 22 : i32
    %get3A_1240 = arith.index_cast %get3A_1239 : i32 to index
    %get3A_1241 = arith.constant 80 : index
    %get3A_1242 = tpu.vector_load %arg6[%get3A_1240, %get3A_1241] {strides = array<i32>} : memref<72x128xf32, #tpu.memory_space<vmem>>, vector<1x16xf32>,
    %get3A_1243 = vector.shape_cast %get3A_1242 : vector<1x16xf32> to vector<16xf32>
    %add3A_1244 = arith.addf %add3A_1238, %get3A_1243 : vector<16xf32>
    %get3A_1245 = arith.constant 23 : i32
    %get3A_1246 = arith.index_cast %get3A_1245 : i32 to index
    %get3A_1247 = arith.constant 80 : index
    %get3A_1248 = tpu.vector_load %arg6[%get3A_1246, %get3A_1247] {strides = array<i32>} : memref<72x128xf32, #tpu.memory_space<vmem>>, vector<1x16xf32>,
    %get3A_1249 = vector.shape_cast %get3A_1248 : vector<1x16xf32> to vector<16xf32>
    %add3A_1250 = arith.addf %add3A_1244, %get3A_1249 : vector<16xf32>
    %swap3A_1251 = arith.constant 3 : i32
    %swap3A_1252 = arith.index_cast %swap3A_1251 : i32 to index
    %swap3A_1253 = arith.constant 80 : index
    %swap3A_1254 = tpu.vector_load %arg7[%swap3A_1252, %swap3A_1253] {strides = array<i32>} : memref<12x128xf32, #tpu.memory_space<vmem>>, vector<1x16xf32>,
    %swap3A_1255 = vector.shape_cast %swap3A_1254 : vector<1x16xf32> to vector<16xf32>
    %swap3A_1256 = vector.shape_cast %add3A_1250 : vector<16xf32> to vector<1x16xf32>
    tpu.vector_store %arg7[%swap3A_1252, %swap3A_1253], %swap3A_1256 {strides = array<i32>} : memref<12x128xf32, #tpu.memory_space<vmem>>, vector<1x16xf32>,
    %get3A_1257 = arith.constant 18 : i32
    %get3A_1258 = arith.index_cast %get3A_1257 : i32 to index
    %get3A_1259 = arith.constant 96 : index
    %get3A_1260 = tpu.vector_load %arg6[%get3A_1258, %get3A_1259] {strides = array<i32>} : memref<72x128xf32, #tpu.memory_space<vmem>>, vector<1x16xf32>,
    %get3A_1261 = vector.shape_cast %get3A_1260 : vector<1x16xf32> to vector<16xf32>
    %get3A_1262 = arith.constant 19 : i32
    %get3A_1263 = arith.index_cast %get3A_1262 : i32 to index
    %get3A_1264 = arith.constant 96 : index
    %get3A_1265 = tpu.vector_load %arg6[%get3A_1263, %get3A_1264] {strides = array<i32>} : memref<72x128xf32, #tpu.memory_space<vmem>>, vector<1x16xf32>,
    %get3A_1266 = vector.shape_cast %get3A_1265 : vector<1x16xf32> to vector<16xf32>
    %add3A_1267 = arith.addf %get3A_1261, %get3A_1266 : vector<16xf32>
    %get3A_1268 = arith.constant 20 : i32
    %get3A_1269 = arith.index_cast %get3A_1268 : i32 to index
    %get3A_1270 = arith.constant 96 : index
    %get3A_1271 = tpu.vector_load %arg6[%get3A_1269, %get3A_1270] {strides = array<i32>} : memref<72x128xf32, #tpu.memory_space<vmem>>, vector<1x16xf32>,
    %get3A_1272 = vector.shape_cast %get3A_1271 : vector<1x16xf32> to vector<16xf32>
    %add3A_1273 = arith.addf %add3A_1267, %get3A_1272 : vector<16xf32>
    %get3A_1274 = arith.constant 21 : i32
    %get3A_1275 = arith.index_cast %get3A_1274 : i32 to index
    %get3A_1276 = arith.constant 96 : index
    %get3A_1277 = tpu.vector_load %arg6[%get3A_1275, %get3A_1276] {strides = array<i32>} : memref<72x128xf32, #tpu.memory_space<vmem>>, vector<1x16xf32>,
    %get3A_1278 = vector.shape_cast %get3A_1277 : vector<1x16xf32> to vector<16xf32>
    %add3A_1279 = arith.addf %add3A_1273, %get3A_1278 : vector<16xf32>
    %get3A_1280 = arith.constant 22 : i32
    %get3A_1281 = arith.index_cast %get3A_1280 : i32 to index
    %get3A_1282 = arith.constant 96 : index
    %get3A_1283 = tpu.vector_load %arg6[%get3A_1281, %get3A_1282] {strides = array<i32>} : memref<72x128xf32, #tpu.memory_space<vmem>>, vector<1x16xf32>,
    %get3A_1284 = vector.shape_cast %get3A_1283 : vector<1x16xf32> to vector<16xf32>
    %add3A_1285 = arith.addf %add3A_1279, %get3A_1284 : vector<16xf32>
    %get3A_1286 = arith.constant 23 : i32
    %get3A_1287 = arith.index_cast %get3A_1286 : i32 to index
    %get3A_1288 = arith.constant 96 : index
    %get3A_1289 = tpu.vector_load %arg6[%get3A_1287, %get3A_1288] {strides = array<i32>} : memref<72x128xf32, #tpu.memory_space<vmem>>, vector<1x16xf32>,
    %get3A_1290 = vector.shape_cast %get3A_1289 : vector<1x16xf32> to vector<16xf32>
    %add3A_1291 = arith.addf %add3A_1285, %get3A_1290 : vector<16xf32>
    %swap3A_1292 = arith.constant 3 : i32
    %swap3A_1293 = arith.index_cast %swap3A_1292 : i32 to index
    %swap3A_1294 = arith.constant 96 : index
    %swap3A_1295 = tpu.vector_load %arg7[%swap3A_1293, %swap3A_1294] {strides = array<i32>} : memref<12x128xf32, #tpu.memory_space<vmem>>, vector<1x16xf32>,
    %swap3A_1296 = vector.shape_cast %swap3A_1295 : vector<1x16xf32> to vector<16xf32>
    %swap3A_1297 = vector.shape_cast %add3A_1291 : vector<16xf32> to vector<1x16xf32>
    tpu.vector_store %arg7[%swap3A_1293, %swap3A_1294], %swap3A_1297 {strides = array<i32>} : memref<12x128xf32, #tpu.memory_space<vmem>>, vector<1x16xf32>,
    %get3A_1298 = arith.constant 18 : i32
    %get3A_1299 = arith.index_cast %get3A_1298 : i32 to index
    %get3A_1300 = arith.constant 112 : index
    %get3A_1301 = tpu.vector_load %arg6[%get3A_1299, %get3A_1300] {strides = array<i32>} : memref<72x128xf32, #tpu.memory_space<vmem>>, vector<1x16xf32>,
    %get3A_1302 = vector.shape_cast %get3A_1301 : vector<1x16xf32> to vector<16xf32>
    %get3A_1303 = arith.constant 19 : i32
    %get3A_1304 = arith.index_cast %get3A_1303 : i32 to index
    %get3A_1305 = arith.constant 112 : index
    %get3A_1306 = tpu.vector_load %arg6[%get3A_1304, %get3A_1305] {strides = array<i32>} : memref<72x128xf32, #tpu.memory_space<vmem>>, vector<1x16xf32>,
    %get3A_1307 = vector.shape_cast %get3A_1306 : vector<1x16xf32> to vector<16xf32>
    %add3A_1308 = arith.addf %get3A_1302, %get3A_1307 : vector<16xf32>
    %get3A_1309 = arith.constant 20 : i32
    %get3A_1310 = arith.index_cast %get3A_1309 : i32 to index
    %get3A_1311 = arith.constant 112 : index
    %get3A_1312 = tpu.vector_load %arg6[%get3A_1310, %get3A_1311] {strides = array<i32>} : memref<72x128xf32, #tpu.memory_space<vmem>>, vector<1x16xf32>,
    %get3A_1313 = vector.shape_cast %get3A_1312 : vector<1x16xf32> to vector<16xf32>
    %add3A_1314 = arith.addf %add3A_1308, %get3A_1313 : vector<16xf32>
    %get3A_1315 = arith.constant 21 : i32
    %get3A_1316 = arith.index_cast %get3A_1315 : i32 to index
    %get3A_1317 = arith.constant 112 : index
    %get3A_1318 = tpu.vector_load %arg6[%get3A_1316, %get3A_1317] {strides = array<i32>} : memref<72x128xf32, #tpu.memory_space<vmem>>, vector<1x16xf32>,
    %get3A_1319 = vector.shape_cast %get3A_1318 : vector<1x16xf32> to vector<16xf32>
    %add3A_1320 = arith.addf %add3A_1314, %get3A_1319 : vector<16xf32>
    %get3A_1321 = arith.constant 22 : i32
    %get3A_1322 = arith.index_cast %get3A_1321 : i32 to index
    %get3A_1323 = arith.constant 112 : index
    %get3A_1324 = tpu.vector_load %arg6[%get3A_1322, %get3A_1323] {strides = array<i32>} : memref<72x128xf32, #tpu.memory_space<vmem>>, vector<1x16xf32>,
    %get3A_1325 = vector.shape_cast %get3A_1324 : vector<1x16xf32> to vector<16xf32>
    %add3A_1326 = arith.addf %add3A_1320, %get3A_1325 : vector<16xf32>
    %get3A_1327 = arith.constant 23 : i32
    %get3A_1328 = arith.index_cast %get3A_1327 : i32 to index
    %get3A_1329 = arith.constant 112 : index
    %get3A_1330 = tpu.vector_load %arg6[%get3A_1328, %get3A_1329] {strides = array<i32>} : memref<72x128xf32, #tpu.memory_space<vmem>>, vector<1x16xf32>,
    %get3A_1331 = vector.shape_cast %get3A_1330 : vector<1x16xf32> to vector<16xf32>
    %add3A_1332 = arith.addf %add3A_1326, %get3A_1331 : vector<16xf32>
    %swap3A_1333 = arith.constant 3 : i32
    %swap3A_1334 = arith.index_cast %swap3A_1333 : i32 to index
    %swap3A_1335 = arith.constant 112 : index
    %swap3A_1336 = tpu.vector_load %arg7[%swap3A_1334, %swap3A_1335] {strides = array<i32>} : memref<12x128xf32, #tpu.memory_space<vmem>>, vector<1x16xf32>,
    %swap3A_1337 = vector.shape_cast %swap3A_1336 : vector<1x16xf32> to vector<16xf32>
    %swap3A_1338 = vector.shape_cast %add3A_1332 : vector<16xf32> to vector<1x16xf32>
    tpu.vector_store %arg7[%swap3A_1334, %swap3A_1335], %swap3A_1338 {strides = array<i32>} : memref<12x128xf32, #tpu.memory_space<vmem>>, vector<1x16xf32>,
    %get3A_1339 = arith.constant 24 : i32
    %get3A_1340 = arith.index_cast %get3A_1339 : i32 to index
    %get3A_1341 = arith.constant 0 : index
    %get3A_1342 = tpu.vector_load %arg6[%get3A_1340, %get3A_1341] {strides = array<i32>} : memref<72x128xf32, #tpu.memory_space<vmem>>, vector<1x16xf32>,
    %get3A_1343 = vector.shape_cast %get3A_1342 : vector<1x16xf32> to vector<16xf32>
    %get3A_1344 = arith.constant 25 : i32
    %get3A_1345 = arith.index_cast %get3A_1344 : i32 to index
    %get3A_1346 = arith.constant 0 : index
    %get3A_1347 = tpu.vector_load %arg6[%get3A_1345, %get3A_1346] {strides = array<i32>} : memref<72x128xf32, #tpu.memory_space<vmem>>, vector<1x16xf32>,
    %get3A_1348 = vector.shape_cast %get3A_1347 : vector<1x16xf32> to vector<16xf32>
    %add3A_1349 = arith.addf %get3A_1343, %get3A_1348 : vector<16xf32>
    %get3A_1350 = arith.constant 26 : i32
    %get3A_1351 = arith.index_cast %get3A_1350 : i32 to index
    %get3A_1352 = arith.constant 0 : index
    %get3A_1353 = tpu.vector_load %arg6[%get3A_1351, %get3A_1352] {strides = array<i32>} : memref<72x128xf32, #tpu.memory_space<vmem>>, vector<1x16xf32>,
    %get3A_1354 = vector.shape_cast %get3A_1353 : vector<1x16xf32> to vector<16xf32>
    %add3A_1355 = arith.addf %add3A_1349, %get3A_1354 : vector<16xf32>
    %get3A_1356 = arith.constant 27 : i32
    %get3A_1357 = arith.index_cast %get3A_1356 : i32 to index
    %get3A_1358 = arith.constant 0 : index
    %get3A_1359 = tpu.vector_load %arg6[%get3A_1357, %get3A_1358] {strides = array<i32>} : memref<72x128xf32, #tpu.memory_space<vmem>>, vector<1x16xf32>,
    %get3A_1360 = vector.shape_cast %get3A_1359 : vector<1x16xf32> to vector<16xf32>
    %add3A_1361 = arith.addf %add3A_1355, %get3A_1360 : vector<16xf32>
    %get3A_1362 = arith.constant 28 : i32
    %get3A_1363 = arith.index_cast %get3A_1362 : i32 to index
    %get3A_1364 = arith.constant 0 : index
    %get3A_1365 = tpu.vector_load %arg6[%get3A_1363, %get3A_1364] {strides = array<i32>} : memref<72x128xf32, #tpu.memory_space<vmem>>, vector<1x16xf32>,
    %get3A_1366 = vector.shape_cast %get3A_1365 : vector<1x16xf32> to vector<16xf32>
    %add3A_1367 = arith.addf %add3A_1361, %get3A_1366 : vector<16xf32>
    %get3A_1368 = arith.constant 29 : i32
    %get3A_1369 = arith.index_cast %get3A_1368 : i32 to index
    %get3A_1370 = arith.constant 0 : index
    %get3A_1371 = tpu.vector_load %arg6[%get3A_1369, %get3A_1370] {strides = array<i32>} : memref<72x128xf32, #tpu.memory_space<vmem>>, vector<1x16xf32>,
    %get3A_1372 = vector.shape_cast %get3A_1371 : vector<1x16xf32> to vector<16xf32>
    %add3A_1373 = arith.addf %add3A_1367, %get3A_1372 : vector<16xf32>
    %swap3A_1374 = arith.constant 4 : i32
    %swap3A_1375 = arith.index_cast %swap3A_1374 : i32 to index
    %swap3A_1376 = arith.constant 0 : index
    %swap3A_1377 = tpu.vector_load %arg7[%swap3A_1375, %swap3A_1376] {strides = array<i32>} : memref<12x128xf32, #tpu.memory_space<vmem>>, vector<1x16xf32>,
    %swap3A_1378 = vector.shape_cast %swap3A_1377 : vector<1x16xf32> to vector<16xf32>
    %swap3A_1379 = vector.shape_cast %add3A_1373 : vector<16xf32> to vector<1x16xf32>
    tpu.vector_store %arg7[%swap3A_1375, %swap3A_1376], %swap3A_1379 {strides = array<i32>} : memref<12x128xf32, #tpu.memory_space<vmem>>, vector<1x16xf32>,
    %get3A_1380 = arith.constant 24 : i32
    %get3A_1381 = arith.index_cast %get3A_1380 : i32 to index
    %get3A_1382 = arith.constant 16 : index
    %get3A_1383 = tpu.vector_load %arg6[%get3A_1381, %get3A_1382] {strides = array<i32>} : memref<72x128xf32, #tpu.memory_space<vmem>>, vector<1x16xf32>,
    %get3A_1384 = vector.shape_cast %get3A_1383 : vector<1x16xf32> to vector<16xf32>
    %get3A_1385 = arith.constant 25 : i32
    %get3A_1386 = arith.index_cast %get3A_1385 : i32 to index
    %get3A_1387 = arith.constant 16 : index
    %get3A_1388 = tpu.vector_load %arg6[%get3A_1386, %get3A_1387] {strides = array<i32>} : memref<72x128xf32, #tpu.memory_space<vmem>>, vector<1x16xf32>,
    %get3A_1389 = vector.shape_cast %get3A_1388 : vector<1x16xf32> to vector<16xf32>
    %add3A_1390 = arith.addf %get3A_1384, %get3A_1389 : vector<16xf32>
    %get3A_1391 = arith.constant 26 : i32
    %get3A_1392 = arith.index_cast %get3A_1391 : i32 to index
    %get3A_1393 = arith.constant 16 : index
    %get3A_1394 = tpu.vector_load %arg6[%get3A_1392, %get3A_1393] {strides = array<i32>} : memref<72x128xf32, #tpu.memory_space<vmem>>, vector<1x16xf32>,
    %get3A_1395 = vector.shape_cast %get3A_1394 : vector<1x16xf32> to vector<16xf32>
    %add3A_1396 = arith.addf %add3A_1390, %get3A_1395 : vector<16xf32>
    %get3A_1397 = arith.constant 27 : i32
    %get3A_1398 = arith.index_cast %get3A_1397 : i32 to index
    %get3A_1399 = arith.constant 16 : index
    %get3A_1400 = tpu.vector_load %arg6[%get3A_1398, %get3A_1399] {strides = array<i32>} : memref<72x128xf32, #tpu.memory_space<vmem>>, vector<1x16xf32>,
    %get3A_1401 = vector.shape_cast %get3A_1400 : vector<1x16xf32> to vector<16xf32>
    %add3A_1402 = arith.addf %add3A_1396, %get3A_1401 : vector<16xf32>
    %get3A_1403 = arith.constant 28 : i32
    %get3A_1404 = arith.index_cast %get3A_1403 : i32 to index
    %get3A_1405 = arith.constant 16 : index
    %get3A_1406 = tpu.vector_load %arg6[%get3A_1404, %get3A_1405] {strides = array<i32>} : memref<72x128xf32, #tpu.memory_space<vmem>>, vector<1x16xf32>,
    %get3A_1407 = vector.shape_cast %get3A_1406 : vector<1x16xf32> to vector<16xf32>
    %add3A_1408 = arith.addf %add3A_1402, %get3A_1407 : vector<16xf32>
    %get3A_1409 = arith.constant 29 : i32
    %get3A_1410 = arith.index_cast %get3A_1409 : i32 to index
    %get3A_1411 = arith.constant 16 : index
    %get3A_1412 = tpu.vector_load %arg6[%get3A_1410, %get3A_1411] {strides = array<i32>} : memref<72x128xf32, #tpu.memory_space<vmem>>, vector<1x16xf32>,
    %get3A_1413 = vector.shape_cast %get3A_1412 : vector<1x16xf32> to vector<16xf32>
    %add3A_1414 = arith.addf %add3A_1408, %get3A_1413 : vector<16xf32>
    %swap3A_1415 = arith.constant 4 : i32
    %swap3A_1416 = arith.index_cast %swap3A_1415 : i32 to index
    %swap3A_1417 = arith.constant 16 : index
    %swap3A_1418 = tpu.vector_load %arg7[%swap3A_1416, %swap3A_1417] {strides = array<i32>} : memref<12x128xf32, #tpu.memory_space<vmem>>, vector<1x16xf32>,
    %swap3A_1419 = vector.shape_cast %swap3A_1418 : vector<1x16xf32> to vector<16xf32>
    %swap3A_1420 = vector.shape_cast %add3A_1414 : vector<16xf32> to vector<1x16xf32>
    tpu.vector_store %arg7[%swap3A_1416, %swap3A_1417], %swap3A_1420 {strides = array<i32>} : memref<12x128xf32, #tpu.memory_space<vmem>>, vector<1x16xf32>,
    %get3A_1421 = arith.constant 24 : i32
    %get3A_1422 = arith.index_cast %get3A_1421 : i32 to index
    %get3A_1423 = arith.constant 32 : index
    %get3A_1424 = tpu.vector_load %arg6[%get3A_1422, %get3A_1423] {strides = array<i32>} : memref<72x128xf32, #tpu.memory_space<vmem>>, vector<1x16xf32>,
    %get3A_1425 = vector.shape_cast %get3A_1424 : vector<1x16xf32> to vector<16xf32>
    %get3A_1426 = arith.constant 25 : i32
    %get3A_1427 = arith.index_cast %get3A_1426 : i32 to index
    %get3A_1428 = arith.constant 32 : index
    %get3A_1429 = tpu.vector_load %arg6[%get3A_1427, %get3A_1428] {strides = array<i32>} : memref<72x128xf32, #tpu.memory_space<vmem>>, vector<1x16xf32>,
    %get3A_1430 = vector.shape_cast %get3A_1429 : vector<1x16xf32> to vector<16xf32>
    %add3A_1431 = arith.addf %get3A_1425, %get3A_1430 : vector<16xf32>
    %get3A_1432 = arith.constant 26 : i32
    %get3A_1433 = arith.index_cast %get3A_1432 : i32 to index
    %get3A_1434 = arith.constant 32 : index
    %get3A_1435 = tpu.vector_load %arg6[%get3A_1433, %get3A_1434] {strides = array<i32>} : memref<72x128xf32, #tpu.memory_space<vmem>>, vector<1x16xf32>,
    %get3A_1436 = vector.shape_cast %get3A_1435 : vector<1x16xf32> to vector<16xf32>
    %add3A_1437 = arith.addf %add3A_1431, %get3A_1436 : vector<16xf32>
    %get3A_1438 = arith.constant 27 : i32
    %get3A_1439 = arith.index_cast %get3A_1438 : i32 to index
    %get3A_1440 = arith.constant 32 : index
    %get3A_1441 = tpu.vector_load %arg6[%get3A_1439, %get3A_1440] {strides = array<i32>} : memref<72x128xf32, #tpu.memory_space<vmem>>, vector<1x16xf32>,
    %get3A_1442 = vector.shape_cast %get3A_1441 : vector<1x16xf32> to vector<16xf32>
    %add3A_1443 = arith.addf %add3A_1437, %get3A_1442 : vector<16xf32>
    %get3A_1444 = arith.constant 28 : i32
    %get3A_1445 = arith.index_cast %get3A_1444 : i32 to index
    %get3A_1446 = arith.constant 32 : index
    %get3A_1447 = tpu.vector_load %arg6[%get3A_1445, %get3A_1446] {strides = array<i32>} : memref<72x128xf32, #tpu.memory_space<vmem>>, vector<1x16xf32>,
    %get3A_1448 = vector.shape_cast %get3A_1447 : vector<1x16xf32> to vector<16xf32>
    %add3A_1449 = arith.addf %add3A_1443, %get3A_1448 : vector<16xf32>
    %get3A_1450 = arith.constant 29 : i32
    %get3A_1451 = arith.index_cast %get3A_1450 : i32 to index
    %get3A_1452 = arith.constant 32 : index
    %get3A_1453 = tpu.vector_load %arg6[%get3A_1451, %get3A_1452] {strides = array<i32>} : memref<72x128xf32, #tpu.memory_space<vmem>>, vector<1x16xf32>,
    %get3A_1454 = vector.shape_cast %get3A_1453 : vector<1x16xf32> to vector<16xf32>
    %add3A_1455 = arith.addf %add3A_1449, %get3A_1454 : vector<16xf32>
    %swap3A_1456 = arith.constant 4 : i32
    %swap3A_1457 = arith.index_cast %swap3A_1456 : i32 to index
    %swap3A_1458 = arith.constant 32 : index
    %swap3A_1459 = tpu.vector_load %arg7[%swap3A_1457, %swap3A_1458] {strides = array<i32>} : memref<12x128xf32, #tpu.memory_space<vmem>>, vector<1x16xf32>,
    %swap3A_1460 = vector.shape_cast %swap3A_1459 : vector<1x16xf32> to vector<16xf32>
    %swap3A_1461 = vector.shape_cast %add3A_1455 : vector<16xf32> to vector<1x16xf32>
    tpu.vector_store %arg7[%swap3A_1457, %swap3A_1458], %swap3A_1461 {strides = array<i32>} : memref<12x128xf32, #tpu.memory_space<vmem>>, vector<1x16xf32>,
    %get3A_1462 = arith.constant 24 : i32
    %get3A_1463 = arith.index_cast %get3A_1462 : i32 to index
    %get3A_1464 = arith.constant 48 : index
    %get3A_1465 = tpu.vector_load %arg6[%get3A_1463, %get3A_1464] {strides = array<i32>} : memref<72x128xf32, #tpu.memory_space<vmem>>, vector<1x16xf32>,
    %get3A_1466 = vector.shape_cast %get3A_1465 : vector<1x16xf32> to vector<16xf32>
    %get3A_1467 = arith.constant 25 : i32
    %get3A_1468 = arith.index_cast %get3A_1467 : i32 to index
    %get3A_1469 = arith.constant 48 : index
    %get3A_1470 = tpu.vector_load %arg6[%get3A_1468, %get3A_1469] {strides = array<i32>} : memref<72x128xf32, #tpu.memory_space<vmem>>, vector<1x16xf32>,
    %get3A_1471 = vector.shape_cast %get3A_1470 : vector<1x16xf32> to vector<16xf32>
    %add3A_1472 = arith.addf %get3A_1466, %get3A_1471 : vector<16xf32>
    %get3A_1473 = arith.constant 26 : i32
    %get3A_1474 = arith.index_cast %get3A_1473 : i32 to index
    %get3A_1475 = arith.constant 48 : index
    %get3A_1476 = tpu.vector_load %arg6[%get3A_1474, %get3A_1475] {strides = array<i32>} : memref<72x128xf32, #tpu.memory_space<vmem>>, vector<1x16xf32>,
    %get3A_1477 = vector.shape_cast %get3A_1476 : vector<1x16xf32> to vector<16xf32>
    %add3A_1478 = arith.addf %add3A_1472, %get3A_1477 : vector<16xf32>
    %get3A_1479 = arith.constant 27 : i32
    %get3A_1480 = arith.index_cast %get3A_1479 : i32 to index
    %get3A_1481 = arith.constant 48 : index
    %get3A_1482 = tpu.vector_load %arg6[%get3A_1480, %get3A_1481] {strides = array<i32>} : memref<72x128xf32, #tpu.memory_space<vmem>>, vector<1x16xf32>,
    %get3A_1483 = vector.shape_cast %get3A_1482 : vector<1x16xf32> to vector<16xf32>
    %add3A_1484 = arith.addf %add3A_1478, %get3A_1483 : vector<16xf32>
    %get3A_1485 = arith.constant 28 : i32
    %get3A_1486 = arith.index_cast %get3A_1485 : i32 to index
    %get3A_1487 = arith.constant 48 : index
    %get3A_1488 = tpu.vector_load %arg6[%get3A_1486, %get3A_1487] {strides = array<i32>} : memref<72x128xf32, #tpu.memory_space<vmem>>, vector<1x16xf32>,
    %get3A_1489 = vector.shape_cast %get3A_1488 : vector<1x16xf32> to vector<16xf32>
    %add3A_1490 = arith.addf %add3A_1484, %get3A_1489 : vector<16xf32>
    %get3A_1491 = arith.constant 29 : i32
    %get3A_1492 = arith.index_cast %get3A_1491 : i32 to index
    %get3A_1493 = arith.constant 48 : index
    %get3A_1494 = tpu.vector_load %arg6[%get3A_1492, %get3A_1493] {strides = array<i32>} : memref<72x128xf32, #tpu.memory_space<vmem>>, vector<1x16xf32>,
    %get3A_1495 = vector.shape_cast %get3A_1494 : vector<1x16xf32> to vector<16xf32>
    %add3A_1496 = arith.addf %add3A_1490, %get3A_1495 : vector<16xf32>
    %swap3A_1497 = arith.constant 4 : i32
    %swap3A_1498 = arith.index_cast %swap3A_1497 : i32 to index
    %swap3A_1499 = arith.constant 48 : index
    %swap3A_1500 = tpu.vector_load %arg7[%swap3A_1498, %swap3A_1499] {strides = array<i32>} : memref<12x128xf32, #tpu.memory_space<vmem>>, vector<1x16xf32>,
    %swap3A_1501 = vector.shape_cast %swap3A_1500 : vector<1x16xf32> to vector<16xf32>
    %swap3A_1502 = vector.shape_cast %add3A_1496 : vector<16xf32> to vector<1x16xf32>
    tpu.vector_store %arg7[%swap3A_1498, %swap3A_1499], %swap3A_1502 {strides = array<i32>} : memref<12x128xf32, #tpu.memory_space<vmem>>, vector<1x16xf32>,
    %get3A_1503 = arith.constant 24 : i32
    %get3A_1504 = arith.index_cast %get3A_1503 : i32 to index
    %get3A_1505 = arith.constant 64 : index
    %get3A_1506 = tpu.vector_load %arg6[%get3A_1504, %get3A_1505] {strides = array<i32>} : memref<72x128xf32, #tpu.memory_space<vmem>>, vector<1x16xf32>,
    %get3A_1507 = vector.shape_cast %get3A_1506 : vector<1x16xf32> to vector<16xf32>
    %get3A_1508 = arith.constant 25 : i32
    %get3A_1509 = arith.index_cast %get3A_1508 : i32 to index
    %get3A_1510 = arith.constant 64 : index
    %get3A_1511 = tpu.vector_load %arg6[%get3A_1509, %get3A_1510] {strides = array<i32>} : memref<72x128xf32, #tpu.memory_space<vmem>>, vector<1x16xf32>,
    %get3A_1512 = vector.shape_cast %get3A_1511 : vector<1x16xf32> to vector<16xf32>
    %add3A_1513 = arith.addf %get3A_1507, %get3A_1512 : vector<16xf32>
    %get3A_1514 = arith.constant 26 : i32
    %get3A_1515 = arith.index_cast %get3A_1514 : i32 to index
    %get3A_1516 = arith.constant 64 : index
    %get3A_1517 = tpu.vector_load %arg6[%get3A_1515, %get3A_1516] {strides = array<i32>} : memref<72x128xf32, #tpu.memory_space<vmem>>, vector<1x16xf32>,
    %get3A_1518 = vector.shape_cast %get3A_1517 : vector<1x16xf32> to vector<16xf32>
    %add3A_1519 = arith.addf %add3A_1513, %get3A_1518 : vector<16xf32>
    %get3A_1520 = arith.constant 27 : i32
    %get3A_1521 = arith.index_cast %get3A_1520 : i32 to index
    %get3A_1522 = arith.constant 64 : index
    %get3A_1523 = tpu.vector_load %arg6[%get3A_1521, %get3A_1522] {strides = array<i32>} : memref<72x128xf32, #tpu.memory_space<vmem>>, vector<1x16xf32>,
    %get3A_1524 = vector.shape_cast %get3A_1523 : vector<1x16xf32> to vector<16xf32>
    %add3A_1525 = arith.addf %add3A_1519, %get3A_1524 : vector<16xf32>
    %get3A_1526 = arith.constant 28 : i32
    %get3A_1527 = arith.index_cast %get3A_1526 : i32 to index
    %get3A_1528 = arith.constant 64 : index
    %get3A_1529 = tpu.vector_load %arg6[%get3A_1527, %get3A_1528] {strides = array<i32>} : memref<72x128xf32, #tpu.memory_space<vmem>>, vector<1x16xf32>,
    %get3A_1530 = vector.shape_cast %get3A_1529 : vector<1x16xf32> to vector<16xf32>
    %add3A_1531 = arith.addf %add3A_1525, %get3A_1530 : vector<16xf32>
    %get3A_1532 = arith.constant 29 : i32
    %get3A_1533 = arith.index_cast %get3A_1532 : i32 to index
    %get3A_1534 = arith.constant 64 : index
    %get3A_1535 = tpu.vector_load %arg6[%get3A_1533, %get3A_1534] {strides = array<i32>} : memref<72x128xf32, #tpu.memory_space<vmem>>, vector<1x16xf32>,
    %get3A_1536 = vector.shape_cast %get3A_1535 : vector<1x16xf32> to vector<16xf32>
    %add3A_1537 = arith.addf %add3A_1531, %get3A_1536 : vector<16xf32>
    %swap3A_1538 = arith.constant 4 : i32
    %swap3A_1539 = arith.index_cast %swap3A_1538 : i32 to index
    %swap3A_1540 = arith.constant 64 : index
    %swap3A_1541 = tpu.vector_load %arg7[%swap3A_1539, %swap3A_1540] {strides = array<i32>} : memref<12x128xf32, #tpu.memory_space<vmem>>, vector<1x16xf32>,
    %swap3A_1542 = vector.shape_cast %swap3A_1541 : vector<1x16xf32> to vector<16xf32>
    %swap3A_1543 = vector.shape_cast %add3A_1537 : vector<16xf32> to vector<1x16xf32>
    tpu.vector_store %arg7[%swap3A_1539, %swap3A_1540], %swap3A_1543 {strides = array<i32>} : memref<12x128xf32, #tpu.memory_space<vmem>>, vector<1x16xf32>,
    %get3A_1544 = arith.constant 24 : i32
    %get3A_1545 = arith.index_cast %get3A_1544 : i32 to index
    %get3A_1546 = arith.constant 80 : index
    %get3A_1547 = tpu.vector_load %arg6[%get3A_1545, %get3A_1546] {strides = array<i32>} : memref<72x128xf32, #tpu.memory_space<vmem>>, vector<1x16xf32>,
    %get3A_1548 = vector.shape_cast %get3A_1547 : vector<1x16xf32> to vector<16xf32>
    %get3A_1549 = arith.constant 25 : i32
    %get3A_1550 = arith.index_cast %get3A_1549 : i32 to index
    %get3A_1551 = arith.constant 80 : index
    %get3A_1552 = tpu.vector_load %arg6[%get3A_1550, %get3A_1551] {strides = array<i32>} : memref<72x128xf32, #tpu.memory_space<vmem>>, vector<1x16xf32>,
    %get3A_1553 = vector.shape_cast %get3A_1552 : vector<1x16xf32> to vector<16xf32>
    %add3A_1554 = arith.addf %get3A_1548, %get3A_1553 : vector<16xf32>
    %get3A_1555 = arith.constant 26 : i32
    %get3A_1556 = arith.index_cast %get3A_1555 : i32 to index
    %get3A_1557 = arith.constant 80 : index
    %get3A_1558 = tpu.vector_load %arg6[%get3A_1556, %get3A_1557] {strides = array<i32>} : memref<72x128xf32, #tpu.memory_space<vmem>>, vector<1x16xf32>,
    %get3A_1559 = vector.shape_cast %get3A_1558 : vector<1x16xf32> to vector<16xf32>
    %add3A_1560 = arith.addf %add3A_1554, %get3A_1559 : vector<16xf32>
    %get3A_1561 = arith.constant 27 : i32
    %get3A_1562 = arith.index_cast %get3A_1561 : i32 to index
    %get3A_1563 = arith.constant 80 : index
    %get3A_1564 = tpu.vector_load %arg6[%get3A_1562, %get3A_1563] {strides = array<i32>} : memref<72x128xf32, #tpu.memory_space<vmem>>, vector<1x16xf32>,
    %get3A_1565 = vector.shape_cast %get3A_1564 : vector<1x16xf32> to vector<16xf32>
    %add3A_1566 = arith.addf %add3A_1560, %get3A_1565 : vector<16xf32>
    %get3A_1567 = arith.constant 28 : i32
    %get3A_1568 = arith.index_cast %get3A_1567 : i32 to index
    %get3A_1569 = arith.constant 80 : index
    %get3A_1570 = tpu.vector_load %arg6[%get3A_1568, %get3A_1569] {strides = array<i32>} : memref<72x128xf32, #tpu.memory_space<vmem>>, vector<1x16xf32>,
    %get3A_1571 = vector.shape_cast %get3A_1570 : vector<1x16xf32> to vector<16xf32>
    %add3A_1572 = arith.addf %add3A_1566, %get3A_1571 : vector<16xf32>
    %get3A_1573 = arith.constant 29 : i32
    %get3A_1574 = arith.index_cast %get3A_1573 : i32 to index
    %get3A_1575 = arith.constant 80 : index
    %get3A_1576 = tpu.vector_load %arg6[%get3A_1574, %get3A_1575] {strides = array<i32>} : memref<72x128xf32, #tpu.memory_space<vmem>>, vector<1x16xf32>,
    %get3A_1577 = vector.shape_cast %get3A_1576 : vector<1x16xf32> to vector<16xf32>
    %add3A_1578 = arith.addf %add3A_1572, %get3A_1577 : vector<16xf32>
    %swap3A_1579 = arith.constant 4 : i32
    %swap3A_1580 = arith.index_cast %swap3A_1579 : i32 to index
    %swap3A_1581 = arith.constant 80 : index
    %swap3A_1582 = tpu.vector_load %arg7[%swap3A_1580, %swap3A_1581] {strides = array<i32>} : memref<12x128xf32, #tpu.memory_space<vmem>>, vector<1x16xf32>,
    %swap3A_1583 = vector.shape_cast %swap3A_1582 : vector<1x16xf32> to vector<16xf32>
    %swap3A_1584 = vector.shape_cast %add3A_1578 : vector<16xf32> to vector<1x16xf32>
    tpu.vector_store %arg7[%swap3A_1580, %swap3A_1581], %swap3A_1584 {strides = array<i32>} : memref<12x128xf32, #tpu.memory_space<vmem>>, vector<1x16xf32>,
    %get3A_1585 = arith.constant 24 : i32
    %get3A_1586 = arith.index_cast %get3A_1585 : i32 to index
    %get3A_1587 = arith.constant 96 : index
    %get3A_1588 = tpu.vector_load %arg6[%get3A_1586, %get3A_1587] {strides = array<i32>} : memref<72x128xf32, #tpu.memory_space<vmem>>, vector<1x16xf32>,
    %get3A_1589 = vector.shape_cast %get3A_1588 : vector<1x16xf32> to vector<16xf32>
    %get3A_1590 = arith.constant 25 : i32
    %get3A_1591 = arith.index_cast %get3A_1590 : i32 to index
    %get3A_1592 = arith.constant 96 : index
    %get3A_1593 = tpu.vector_load %arg6[%get3A_1591, %get3A_1592] {strides = array<i32>} : memref<72x128xf32, #tpu.memory_space<vmem>>, vector<1x16xf32>,
    %get3A_1594 = vector.shape_cast %get3A_1593 : vector<1x16xf32> to vector<16xf32>
    %add3A_1595 = arith.addf %get3A_1589, %get3A_1594 : vector<16xf32>
    %get3A_1596 = arith.constant 26 : i32
    %get3A_1597 = arith.index_cast %get3A_1596 : i32 to index
    %get3A_1598 = arith.constant 96 : index
    %get3A_1599 = tpu.vector_load %arg6[%get3A_1597, %get3A_1598] {strides = array<i32>} : memref<72x128xf32, #tpu.memory_space<vmem>>, vector<1x16xf32>,
    %get3A_1600 = vector.shape_cast %get3A_1599 : vector<1x16xf32> to vector<16xf32>
    %add3A_1601 = arith.addf %add3A_1595, %get3A_1600 : vector<16xf32>
    %get3A_1602 = arith.constant 27 : i32
    %get3A_1603 = arith.index_cast %get3A_1602 : i32 to index
    %get3A_1604 = arith.constant 96 : index
    %get3A_1605 = tpu.vector_load %arg6[%get3A_1603, %get3A_1604] {strides = array<i32>} : memref<72x128xf32, #tpu.memory_space<vmem>>, vector<1x16xf32>,
    %get3A_1606 = vector.shape_cast %get3A_1605 : vector<1x16xf32> to vector<16xf32>
    %add3A_1607 = arith.addf %add3A_1601, %get3A_1606 : vector<16xf32>
    %get3A_1608 = arith.constant 28 : i32
    %get3A_1609 = arith.index_cast %get3A_1608 : i32 to index
    %get3A_1610 = arith.constant 96 : index
    %get3A_1611 = tpu.vector_load %arg6[%get3A_1609, %get3A_1610] {strides = array<i32>} : memref<72x128xf32, #tpu.memory_space<vmem>>, vector<1x16xf32>,
    %get3A_1612 = vector.shape_cast %get3A_1611 : vector<1x16xf32> to vector<16xf32>
    %add3A_1613 = arith.addf %add3A_1607, %get3A_1612 : vector<16xf32>
    %get3A_1614 = arith.constant 29 : i32
    %get3A_1615 = arith.index_cast %get3A_1614 : i32 to index
    %get3A_1616 = arith.constant 96 : index
    %get3A_1617 = tpu.vector_load %arg6[%get3A_1615, %get3A_1616] {strides = array<i32>} : memref<72x128xf32, #tpu.memory_space<vmem>>, vector<1x16xf32>,
    %get3A_1618 = vector.shape_cast %get3A_1617 : vector<1x16xf32> to vector<16xf32>
    %add3A_1619 = arith.addf %add3A_1613, %get3A_1618 : vector<16xf32>
    %swap3A_1620 = arith.constant 4 : i32
    %swap3A_1621 = arith.index_cast %swap3A_1620 : i32 to index
    %swap3A_1622 = arith.constant 96 : index
    %swap3A_1623 = tpu.vector_load %arg7[%swap3A_1621, %swap3A_1622] {strides = array<i32>} : memref<12x128xf32, #tpu.memory_space<vmem>>, vector<1x16xf32>,
    %swap3A_1624 = vector.shape_cast %swap3A_1623 : vector<1x16xf32> to vector<16xf32>
    %swap3A_1625 = vector.shape_cast %add3A_1619 : vector<16xf32> to vector<1x16xf32>
    tpu.vector_store %arg7[%swap3A_1621, %swap3A_1622], %swap3A_1625 {strides = array<i32>} : memref<12x128xf32, #tpu.memory_space<vmem>>, vector<1x16xf32>,
    %get3A_1626 = arith.constant 24 : i32
    %get3A_1627 = arith.index_cast %get3A_1626 : i32 to index
    %get3A_1628 = arith.constant 112 : index
    %get3A_1629 = tpu.vector_load %arg6[%get3A_1627, %get3A_1628] {strides = array<i32>} : memref<72x128xf32, #tpu.memory_space<vmem>>, vector<1x16xf32>,
    %get3A_1630 = vector.shape_cast %get3A_1629 : vector<1x16xf32> to vector<16xf32>
    %get3A_1631 = arith.constant 25 : i32
    %get3A_1632 = arith.index_cast %get3A_1631 : i32 to index
    %get3A_1633 = arith.constant 112 : index
    %get3A_1634 = tpu.vector_load %arg6[%get3A_1632, %get3A_1633] {strides = array<i32>} : memref<72x128xf32, #tpu.memory_space<vmem>>, vector<1x16xf32>,
    %get3A_1635 = vector.shape_cast %get3A_1634 : vector<1x16xf32> to vector<16xf32>
    %add3A_1636 = arith.addf %get3A_1630, %get3A_1635 : vector<16xf32>
    %get3A_1637 = arith.constant 26 : i32
    %get3A_1638 = arith.index_cast %get3A_1637 : i32 to index
    %get3A_1639 = arith.constant 112 : index
    %get3A_1640 = tpu.vector_load %arg6[%get3A_1638, %get3A_1639] {strides = array<i32>} : memref<72x128xf32, #tpu.memory_space<vmem>>, vector<1x16xf32>,
    %get3A_1641 = vector.shape_cast %get3A_1640 : vector<1x16xf32> to vector<16xf32>
    %add3A_1642 = arith.addf %add3A_1636, %get3A_1641 : vector<16xf32>
    %get3A_1643 = arith.constant 27 : i32
    %get3A_1644 = arith.index_cast %get3A_1643 : i32 to index
    %get3A_1645 = arith.constant 112 : index
    %get3A_1646 = tpu.vector_load %arg6[%get3A_1644, %get3A_1645] {strides = array<i32>} : memref<72x128xf32, #tpu.memory_space<vmem>>, vector<1x16xf32>,
    %get3A_1647 = vector.shape_cast %get3A_1646 : vector<1x16xf32> to vector<16xf32>
    %add3A_1648 = arith.addf %add3A_1642, %get3A_1647 : vector<16xf32>
    %get3A_1649 = arith.constant 28 : i32
    %get3A_1650 = arith.index_cast %get3A_1649 : i32 to index
    %get3A_1651 = arith.constant 112 : index
    %get3A_1652 = tpu.vector_load %arg6[%get3A_1650, %get3A_1651] {strides = array<i32>} : memref<72x128xf32, #tpu.memory_space<vmem>>, vector<1x16xf32>,
    %get3A_1653 = vector.shape_cast %get3A_1652 : vector<1x16xf32> to vector<16xf32>
    %add3A_1654 = arith.addf %add3A_1648, %get3A_1653 : vector<16xf32>
    %get3A_1655 = arith.constant 29 : i32
    %get3A_1656 = arith.index_cast %get3A_1655 : i32 to index
    %get3A_1657 = arith.constant 112 : index
    %get3A_1658 = tpu.vector_load %arg6[%get3A_1656, %get3A_1657] {strides = array<i32>} : memref<72x128xf32, #tpu.memory_space<vmem>>, vector<1x16xf32>,
    %get3A_1659 = vector.shape_cast %get3A_1658 : vector<1x16xf32> to vector<16xf32>
    %add3A_1660 = arith.addf %add3A_1654, %get3A_1659 : vector<16xf32>
    %swap3A_1661 = arith.constant 4 : i32
    %swap3A_1662 = arith.index_cast %swap3A_1661 : i32 to index
    %swap3A_1663 = arith.constant 112 : index
    %swap3A_1664 = tpu.vector_load %arg7[%swap3A_1662, %swap3A_1663] {strides = array<i32>} : memref<12x128xf32, #tpu.memory_space<vmem>>, vector<1x16xf32>,
    %swap3A_1665 = vector.shape_cast %swap3A_1664 : vector<1x16xf32> to vector<16xf32>
    %swap3A_1666 = vector.shape_cast %add3A_1660 : vector<16xf32> to vector<1x16xf32>
    tpu.vector_store %arg7[%swap3A_1662, %swap3A_1663], %swap3A_1666 {strides = array<i32>} : memref<12x128xf32, #tpu.memory_space<vmem>>, vector<1x16xf32>,
    %get3A_1667 = arith.constant 30 : i32
    %get3A_1668 = arith.index_cast %get3A_1667 : i32 to index
    %get3A_1669 = arith.constant 0 : index
    %get3A_1670 = tpu.vector_load %arg6[%get3A_1668, %get3A_1669] {strides = array<i32>} : memref<72x128xf32, #tpu.memory_space<vmem>>, vector<1x16xf32>,
    %get3A_1671 = vector.shape_cast %get3A_1670 : vector<1x16xf32> to vector<16xf32>
    %get3A_1672 = arith.constant 31 : i32
    %get3A_1673 = arith.index_cast %get3A_1672 : i32 to index
    %get3A_1674 = arith.constant 0 : index
    %get3A_1675 = tpu.vector_load %arg6[%get3A_1673, %get3A_1674] {strides = array<i32>} : memref<72x128xf32, #tpu.memory_space<vmem>>, vector<1x16xf32>,
    %get3A_1676 = vector.shape_cast %get3A_1675 : vector<1x16xf32> to vector<16xf32>
    %add3A_1677 = arith.addf %get3A_1671, %get3A_1676 : vector<16xf32>
    %get3A_1678 = arith.constant 32 : i32
    %get3A_1679 = arith.index_cast %get3A_1678 : i32 to index
    %get3A_1680 = arith.constant 0 : index
    %get3A_1681 = tpu.vector_load %arg6[%get3A_1679, %get3A_1680] {strides = array<i32>} : memref<72x128xf32, #tpu.memory_space<vmem>>, vector<1x16xf32>,
    %get3A_1682 = vector.shape_cast %get3A_1681 : vector<1x16xf32> to vector<16xf32>
    %add3A_1683 = arith.addf %add3A_1677, %get3A_1682 : vector<16xf32>
    %get3A_1684 = arith.constant 33 : i32
    %get3A_1685 = arith.index_cast %get3A_1684 : i32 to index
    %get3A_1686 = arith.constant 0 : index
    %get3A_1687 = tpu.vector_load %arg6[%get3A_1685, %get3A_1686] {strides = array<i32>} : memref<72x128xf32, #tpu.memory_space<vmem>>, vector<1x16xf32>,
    %get3A_1688 = vector.shape_cast %get3A_1687 : vector<1x16xf32> to vector<16xf32>
    %add3A_1689 = arith.addf %add3A_1683, %get3A_1688 : vector<16xf32>
    %get3A_1690 = arith.constant 34 : i32
    %get3A_1691 = arith.index_cast %get3A_1690 : i32 to index
    %get3A_1692 = arith.constant 0 : index
    %get3A_1693 = tpu.vector_load %arg6[%get3A_1691, %get3A_1692] {strides = array<i32>} : memref<72x128xf32, #tpu.memory_space<vmem>>, vector<1x16xf32>,
    %get3A_1694 = vector.shape_cast %get3A_1693 : vector<1x16xf32> to vector<16xf32>
    %add3A_1695 = arith.addf %add3A_1689, %get3A_1694 : vector<16xf32>
    %get3A_1696 = arith.constant 35 : i32
    %get3A_1697 = arith.index_cast %get3A_1696 : i32 to index
    %get3A_1698 = arith.constant 0 : index
    %get3A_1699 = tpu.vector_load %arg6[%get3A_1697, %get3A_1698] {strides = array<i32>} : memref<72x128xf32, #tpu.memory_space<vmem>>, vector<1x16xf32>,
    %get3A_1700 = vector.shape_cast %get3A_1699 : vector<1x16xf32> to vector<16xf32>
    %add3A_1701 = arith.addf %add3A_1695, %get3A_1700 : vector<16xf32>
    %swap3A_1702 = arith.constant 5 : i32
    %swap3A_1703 = arith.index_cast %swap3A_1702 : i32 to index
    %swap3A_1704 = arith.constant 0 : index
    %swap3A_1705 = tpu.vector_load %arg7[%swap3A_1703, %swap3A_1704] {strides = array<i32>} : memref<12x128xf32, #tpu.memory_space<vmem>>, vector<1x16xf32>,
    %swap3A_1706 = vector.shape_cast %swap3A_1705 : vector<1x16xf32> to vector<16xf32>
    %swap3A_1707 = vector.shape_cast %add3A_1701 : vector<16xf32> to vector<1x16xf32>
    tpu.vector_store %arg7[%swap3A_1703, %swap3A_1704], %swap3A_1707 {strides = array<i32>} : memref<12x128xf32, #tpu.memory_space<vmem>>, vector<1x16xf32>,
    %get3A_1708 = arith.constant 30 : i32
    %get3A_1709 = arith.index_cast %get3A_1708 : i32 to index
    %get3A_1710 = arith.constant 16 : index
    %get3A_1711 = tpu.vector_load %arg6[%get3A_1709, %get3A_1710] {strides = array<i32>} : memref<72x128xf32, #tpu.memory_space<vmem>>, vector<1x16xf32>,
    %get3A_1712 = vector.shape_cast %get3A_1711 : vector<1x16xf32> to vector<16xf32>
    %get3A_1713 = arith.constant 31 : i32
    %get3A_1714 = arith.index_cast %get3A_1713 : i32 to index
    %get3A_1715 = arith.constant 16 : index
    %get3A_1716 = tpu.vector_load %arg6[%get3A_1714, %get3A_1715] {strides = array<i32>} : memref<72x128xf32, #tpu.memory_space<vmem>>, vector<1x16xf32>,
    %get3A_1717 = vector.shape_cast %get3A_1716 : vector<1x16xf32> to vector<16xf32>
    %add3A_1718 = arith.addf %get3A_1712, %get3A_1717 : vector<16xf32>
    %get3A_1719 = arith.constant 32 : i32
    %get3A_1720 = arith.index_cast %get3A_1719 : i32 to index
    %get3A_1721 = arith.constant 16 : index
    %get3A_1722 = tpu.vector_load %arg6[%get3A_1720, %get3A_1721] {strides = array<i32>} : memref<72x128xf32, #tpu.memory_space<vmem>>, vector<1x16xf32>,
    %get3A_1723 = vector.shape_cast %get3A_1722 : vector<1x16xf32> to vector<16xf32>
    %add3A_1724 = arith.addf %add3A_1718, %get3A_1723 : vector<16xf32>
    %get3A_1725 = arith.constant 33 : i32
    %get3A_1726 = arith.index_cast %get3A_1725 : i32 to index
    %get3A_1727 = arith.constant 16 : index
    %get3A_1728 = tpu.vector_load %arg6[%get3A_1726, %get3A_1727] {strides = array<i32>} : memref<72x128xf32, #tpu.memory_space<vmem>>, vector<1x16xf32>,
    %get3A_1729 = vector.shape_cast %get3A_1728 : vector<1x16xf32> to vector<16xf32>
    %add3A_1730 = arith.addf %add3A_1724, %get3A_1729 : vector<16xf32>
    %get3A_1731 = arith.constant 34 : i32
    %get3A_1732 = arith.index_cast %get3A_1731 : i32 to index
    %get3A_1733 = arith.constant 16 : index
    %get3A_1734 = tpu.vector_load %arg6[%get3A_1732, %get3A_1733] {strides = array<i32>} : memref<72x128xf32, #tpu.memory_space<vmem>>, vector<1x16xf32>,
    %get3A_1735 = vector.shape_cast %get3A_1734 : vector<1x16xf32> to vector<16xf32>
    %add3A_1736 = arith.addf %add3A_1730, %get3A_1735 : vector<16xf32>
    %get3A_1737 = arith.constant 35 : i32
    %get3A_1738 = arith.index_cast %get3A_1737 : i32 to index
    %get3A_1739 = arith.constant 16 : index
    %get3A_1740 = tpu.vector_load %arg6[%get3A_1738, %get3A_1739] {strides = array<i32>} : memref<72x128xf32, #tpu.memory_space<vmem>>, vector<1x16xf32>,
    %get3A_1741 = vector.shape_cast %get3A_1740 : vector<1x16xf32> to vector<16xf32>
    %add3A_1742 = arith.addf %add3A_1736, %get3A_1741 : vector<16xf32>
    %swap3A_1743 = arith.constant 5 : i32
    %swap3A_1744 = arith.index_cast %swap3A_1743 : i32 to index
    %swap3A_1745 = arith.constant 16 : index
    %swap3A_1746 = tpu.vector_load %arg7[%swap3A_1744, %swap3A_1745] {strides = array<i32>} : memref<12x128xf32, #tpu.memory_space<vmem>>, vector<1x16xf32>,
    %swap3A_1747 = vector.shape_cast %swap3A_1746 : vector<1x16xf32> to vector<16xf32>
    %swap3A_1748 = vector.shape_cast %add3A_1742 : vector<16xf32> to vector<1x16xf32>
    tpu.vector_store %arg7[%swap3A_1744, %swap3A_1745], %swap3A_1748 {strides = array<i32>} : memref<12x128xf32, #tpu.memory_space<vmem>>, vector<1x16xf32>,
    %get3A_1749 = arith.constant 30 : i32
    %get3A_1750 = arith.index_cast %get3A_1749 : i32 to index
    %get3A_1751 = arith.constant 32 : index
    %get3A_1752 = tpu.vector_load %arg6[%get3A_1750, %get3A_1751] {strides = array<i32>} : memref<72x128xf32, #tpu.memory_space<vmem>>, vector<1x16xf32>,
    %get3A_1753 = vector.shape_cast %get3A_1752 : vector<1x16xf32> to vector<16xf32>
    %get3A_1754 = arith.constant 31 : i32
    %get3A_1755 = arith.index_cast %get3A_1754 : i32 to index
    %get3A_1756 = arith.constant 32 : index
    %get3A_1757 = tpu.vector_load %arg6[%get3A_1755, %get3A_1756] {strides = array<i32>} : memref<72x128xf32, #tpu.memory_space<vmem>>, vector<1x16xf32>,
    %get3A_1758 = vector.shape_cast %get3A_1757 : vector<1x16xf32> to vector<16xf32>
    %add3A_1759 = arith.addf %get3A_1753, %get3A_1758 : vector<16xf32>
    %get3A_1760 = arith.constant 32 : i32
    %get3A_1761 = arith.index_cast %get3A_1760 : i32 to index
    %get3A_1762 = arith.constant 32 : index
    %get3A_1763 = tpu.vector_load %arg6[%get3A_1761, %get3A_1762] {strides = array<i32>} : memref<72x128xf32, #tpu.memory_space<vmem>>, vector<1x16xf32>,
    %get3A_1764 = vector.shape_cast %get3A_1763 : vector<1x16xf32> to vector<16xf32>
    %add3A_1765 = arith.addf %add3A_1759, %get3A_1764 : vector<16xf32>
    %get3A_1766 = arith.constant 33 : i32
    %get3A_1767 = arith.index_cast %get3A_1766 : i32 to index
    %get3A_1768 = arith.constant 32 : index
    %get3A_1769 = tpu.vector_load %arg6[%get3A_1767, %get3A_1768] {strides = array<i32>} : memref<72x128xf32, #tpu.memory_space<vmem>>, vector<1x16xf32>,
    %get3A_1770 = vector.shape_cast %get3A_1769 : vector<1x16xf32> to vector<16xf32>
    %add3A_1771 = arith.addf %add3A_1765, %get3A_1770 : vector<16xf32>
    %get3A_1772 = arith.constant 34 : i32
    %get3A_1773 = arith.index_cast %get3A_1772 : i32 to index
    %get3A_1774 = arith.constant 32 : index
    %get3A_1775 = tpu.vector_load %arg6[%get3A_1773, %get3A_1774] {strides = array<i32>} : memref<72x128xf32, #tpu.memory_space<vmem>>, vector<1x16xf32>,
    %get3A_1776 = vector.shape_cast %get3A_1775 : vector<1x16xf32> to vector<16xf32>
    %add3A_1777 = arith.addf %add3A_1771, %get3A_1776 : vector<16xf32>
    %get3A_1778 = arith.constant 35 : i32
    %get3A_1779 = arith.index_cast %get3A_1778 : i32 to index
    %get3A_1780 = arith.constant 32 : index
    %get3A_1781 = tpu.vector_load %arg6[%get3A_1779, %get3A_1780] {strides = array<i32>} : memref<72x128xf32, #tpu.memory_space<vmem>>, vector<1x16xf32>,
    %get3A_1782 = vector.shape_cast %get3A_1781 : vector<1x16xf32> to vector<16xf32>
    %add3A_1783 = arith.addf %add3A_1777, %get3A_1782 : vector<16xf32>
    %swap3A_1784 = arith.constant 5 : i32
    %swap3A_1785 = arith.index_cast %swap3A_1784 : i32 to index
    %swap3A_1786 = arith.constant 32 : index
    %swap3A_1787 = tpu.vector_load %arg7[%swap3A_1785, %swap3A_1786] {strides = array<i32>} : memref<12x128xf32, #tpu.memory_space<vmem>>, vector<1x16xf32>,
    %swap3A_1788 = vector.shape_cast %swap3A_1787 : vector<1x16xf32> to vector<16xf32>
    %swap3A_1789 = vector.shape_cast %add3A_1783 : vector<16xf32> to vector<1x16xf32>
    tpu.vector_store %arg7[%swap3A_1785, %swap3A_1786], %swap3A_1789 {strides = array<i32>} : memref<12x128xf32, #tpu.memory_space<vmem>>, vector<1x16xf32>,
    %get3A_1790 = arith.constant 30 : i32
    %get3A_1791 = arith.index_cast %get3A_1790 : i32 to index
    %get3A_1792 = arith.constant 48 : index
    %get3A_1793 = tpu.vector_load %arg6[%get3A_1791, %get3A_1792] {strides = array<i32>} : memref<72x128xf32, #tpu.memory_space<vmem>>, vector<1x16xf32>,
    %get3A_1794 = vector.shape_cast %get3A_1793 : vector<1x16xf32> to vector<16xf32>
    %get3A_1795 = arith.constant 31 : i32
    %get3A_1796 = arith.index_cast %get3A_1795 : i32 to index
    %get3A_1797 = arith.constant 48 : index
    %get3A_1798 = tpu.vector_load %arg6[%get3A_1796, %get3A_1797] {strides = array<i32>} : memref<72x128xf32, #tpu.memory_space<vmem>>, vector<1x16xf32>,
    %get3A_1799 = vector.shape_cast %get3A_1798 : vector<1x16xf32> to vector<16xf32>
    %add3A_1800 = arith.addf %get3A_1794, %get3A_1799 : vector<16xf32>
    %get3A_1801 = arith.constant 32 : i32
    %get3A_1802 = arith.index_cast %get3A_1801 : i32 to index
    %get3A_1803 = arith.constant 48 : index
    %get3A_1804 = tpu.vector_load %arg6[%get3A_1802, %get3A_1803] {strides = array<i32>} : memref<72x128xf32, #tpu.memory_space<vmem>>, vector<1x16xf32>,
    %get3A_1805 = vector.shape_cast %get3A_1804 : vector<1x16xf32> to vector<16xf32>
    %add3A_1806 = arith.addf %add3A_1800, %get3A_1805 : vector<16xf32>
    %get3A_1807 = arith.constant 33 : i32
    %get3A_1808 = arith.index_cast %get3A_1807 : i32 to index
    %get3A_1809 = arith.constant 48 : index
    %get3A_1810 = tpu.vector_load %arg6[%get3A_1808, %get3A_1809] {strides = array<i32>} : memref<72x128xf32, #tpu.memory_space<vmem>>, vector<1x16xf32>,
    %get3A_1811 = vector.shape_cast %get3A_1810 : vector<1x16xf32> to vector<16xf32>
    %add3A_1812 = arith.addf %add3A_1806, %get3A_1811 : vector<16xf32>
    %get3A_1813 = arith.constant 34 : i32
    %get3A_1814 = arith.index_cast %get3A_1813 : i32 to index
    %get3A_1815 = arith.constant 48 : index
    %get3A_1816 = tpu.vector_load %arg6[%get3A_1814, %get3A_1815] {strides = array<i32>} : memref<72x128xf32, #tpu.memory_space<vmem>>, vector<1x16xf32>,
    %get3A_1817 = vector.shape_cast %get3A_1816 : vector<1x16xf32> to vector<16xf32>
    %add3A_1818 = arith.addf %add3A_1812, %get3A_1817 : vector<16xf32>
    %get3A_1819 = arith.constant 35 : i32
    %get3A_1820 = arith.index_cast %get3A_1819 : i32 to index
    %get3A_1821 = arith.constant 48 : index
    %get3A_1822 = tpu.vector_load %arg6[%get3A_1820, %get3A_1821] {strides = array<i32>} : memref<72x128xf32, #tpu.memory_space<vmem>>, vector<1x16xf32>,
    %get3A_1823 = vector.shape_cast %get3A_1822 : vector<1x16xf32> to vector<16xf32>
    %add3A_1824 = arith.addf %add3A_1818, %get3A_1823 : vector<16xf32>
    %swap3A_1825 = arith.constant 5 : i32
    %swap3A_1826 = arith.index_cast %swap3A_1825 : i32 to index
    %swap3A_1827 = arith.constant 48 : index
    %swap3A_1828 = tpu.vector_load %arg7[%swap3A_1826, %swap3A_1827] {strides = array<i32>} : memref<12x128xf32, #tpu.memory_space<vmem>>, vector<1x16xf32>,
    %swap3A_1829 = vector.shape_cast %swap3A_1828 : vector<1x16xf32> to vector<16xf32>
    %swap3A_1830 = vector.shape_cast %add3A_1824 : vector<16xf32> to vector<1x16xf32>
    tpu.vector_store %arg7[%swap3A_1826, %swap3A_1827], %swap3A_1830 {strides = array<i32>} : memref<12x128xf32, #tpu.memory_space<vmem>>, vector<1x16xf32>,
    %get3A_1831 = arith.constant 30 : i32
    %get3A_1832 = arith.index_cast %get3A_1831 : i32 to index
    %get3A_1833 = arith.constant 64 : index
    %get3A_1834 = tpu.vector_load %arg6[%get3A_1832, %get3A_1833] {strides = array<i32>} : memref<72x128xf32, #tpu.memory_space<vmem>>, vector<1x16xf32>,
    %get3A_1835 = vector.shape_cast %get3A_1834 : vector<1x16xf32> to vector<16xf32>
    %get3A_1836 = arith.constant 31 : i32
    %get3A_1837 = arith.index_cast %get3A_1836 : i32 to index
    %get3A_1838 = arith.constant 64 : index
    %get3A_1839 = tpu.vector_load %arg6[%get3A_1837, %get3A_1838] {strides = array<i32>} : memref<72x128xf32, #tpu.memory_space<vmem>>, vector<1x16xf32>,
    %get3A_1840 = vector.shape_cast %get3A_1839 : vector<1x16xf32> to vector<16xf32>
    %add3A_1841 = arith.addf %get3A_1835, %get3A_1840 : vector<16xf32>
    %get3A_1842 = arith.constant 32 : i32
    %get3A_1843 = arith.index_cast %get3A_1842 : i32 to index
    %get3A_1844 = arith.constant 64 : index
    %get3A_1845 = tpu.vector_load %arg6[%get3A_1843, %get3A_1844] {strides = array<i32>} : memref<72x128xf32, #tpu.memory_space<vmem>>, vector<1x16xf32>,
    %get3A_1846 = vector.shape_cast %get3A_1845 : vector<1x16xf32> to vector<16xf32>
    %add3A_1847 = arith.addf %add3A_1841, %get3A_1846 : vector<16xf32>
    %get3A_1848 = arith.constant 33 : i32
    %get3A_1849 = arith.index_cast %get3A_1848 : i32 to index
    %get3A_1850 = arith.constant 64 : index
    %get3A_1851 = tpu.vector_load %arg6[%get3A_1849, %get3A_1850] {strides = array<i32>} : memref<72x128xf32, #tpu.memory_space<vmem>>, vector<1x16xf32>,
    %get3A_1852 = vector.shape_cast %get3A_1851 : vector<1x16xf32> to vector<16xf32>
    %add3A_1853 = arith.addf %add3A_1847, %get3A_1852 : vector<16xf32>
    %get3A_1854 = arith.constant 34 : i32
    %get3A_1855 = arith.index_cast %get3A_1854 : i32 to index
    %get3A_1856 = arith.constant 64 : index
    %get3A_1857 = tpu.vector_load %arg6[%get3A_1855, %get3A_1856] {strides = array<i32>} : memref<72x128xf32, #tpu.memory_space<vmem>>, vector<1x16xf32>,
    %get3A_1858 = vector.shape_cast %get3A_1857 : vector<1x16xf32> to vector<16xf32>
    %add3A_1859 = arith.addf %add3A_1853, %get3A_1858 : vector<16xf32>
    %get3A_1860 = arith.constant 35 : i32
    %get3A_1861 = arith.index_cast %get3A_1860 : i32 to index
    %get3A_1862 = arith.constant 64 : index
    %get3A_1863 = tpu.vector_load %arg6[%get3A_1861, %get3A_1862] {strides = array<i32>} : memref<72x128xf32, #tpu.memory_space<vmem>>, vector<1x16xf32>,
    %get3A_1864 = vector.shape_cast %get3A_1863 : vector<1x16xf32> to vector<16xf32>
    %add3A_1865 = arith.addf %add3A_1859, %get3A_1864 : vector<16xf32>
    %swap3A_1866 = arith.constant 5 : i32
    %swap3A_1867 = arith.index_cast %swap3A_1866 : i32 to index
    %swap3A_1868 = arith.constant 64 : index
    %swap3A_1869 = tpu.vector_load %arg7[%swap3A_1867, %swap3A_1868] {strides = array<i32>} : memref<12x128xf32, #tpu.memory_space<vmem>>, vector<1x16xf32>,
    %swap3A_1870 = vector.shape_cast %swap3A_1869 : vector<1x16xf32> to vector<16xf32>
    %swap3A_1871 = vector.shape_cast %add3A_1865 : vector<16xf32> to vector<1x16xf32>
    tpu.vector_store %arg7[%swap3A_1867, %swap3A_1868], %swap3A_1871 {strides = array<i32>} : memref<12x128xf32, #tpu.memory_space<vmem>>, vector<1x16xf32>,
    %get3A_1872 = arith.constant 30 : i32
    %get3A_1873 = arith.index_cast %get3A_1872 : i32 to index
    %get3A_1874 = arith.constant 80 : index
    %get3A_1875 = tpu.vector_load %arg6[%get3A_1873, %get3A_1874] {strides = array<i32>} : memref<72x128xf32, #tpu.memory_space<vmem>>, vector<1x16xf32>,
    %get3A_1876 = vector.shape_cast %get3A_1875 : vector<1x16xf32> to vector<16xf32>
    %get3A_1877 = arith.constant 31 : i32
    %get3A_1878 = arith.index_cast %get3A_1877 : i32 to index
    %get3A_1879 = arith.constant 80 : index
    %get3A_1880 = tpu.vector_load %arg6[%get3A_1878, %get3A_1879] {strides = array<i32>} : memref<72x128xf32, #tpu.memory_space<vmem>>, vector<1x16xf32>,
    %get3A_1881 = vector.shape_cast %get3A_1880 : vector<1x16xf32> to vector<16xf32>
    %add3A_1882 = arith.addf %get3A_1876, %get3A_1881 : vector<16xf32>
    %get3A_1883 = arith.constant 32 : i32
    %get3A_1884 = arith.index_cast %get3A_1883 : i32 to index
    %get3A_1885 = arith.constant 80 : index
    %get3A_1886 = tpu.vector_load %arg6[%get3A_1884, %get3A_1885] {strides = array<i32>} : memref<72x128xf32, #tpu.memory_space<vmem>>, vector<1x16xf32>,
    %get3A_1887 = vector.shape_cast %get3A_1886 : vector<1x16xf32> to vector<16xf32>
    %add3A_1888 = arith.addf %add3A_1882, %get3A_1887 : vector<16xf32>
    %get3A_1889 = arith.constant 33 : i32
    %get3A_1890 = arith.index_cast %get3A_1889 : i32 to index
    %get3A_1891 = arith.constant 80 : index
    %get3A_1892 = tpu.vector_load %arg6[%get3A_1890, %get3A_1891] {strides = array<i32>} : memref<72x128xf32, #tpu.memory_space<vmem>>, vector<1x16xf32>,
    %get3A_1893 = vector.shape_cast %get3A_1892 : vector<1x16xf32> to vector<16xf32>
    %add3A_1894 = arith.addf %add3A_1888, %get3A_1893 : vector<16xf32>
    %get3A_1895 = arith.constant 34 : i32
    %get3A_1896 = arith.index_cast %get3A_1895 : i32 to index
    %get3A_1897 = arith.constant 80 : index
    %get3A_1898 = tpu.vector_load %arg6[%get3A_1896, %get3A_1897] {strides = array<i32>} : memref<72x128xf32, #tpu.memory_space<vmem>>, vector<1x16xf32>,
    %get3A_1899 = vector.shape_cast %get3A_1898 : vector<1x16xf32> to vector<16xf32>
    %add3A_1900 = arith.addf %add3A_1894, %get3A_1899 : vector<16xf32>
    %get3A_1901 = arith.constant 35 : i32
    %get3A_1902 = arith.index_cast %get3A_1901 : i32 to index
    %get3A_1903 = arith.constant 80 : index
    %get3A_1904 = tpu.vector_load %arg6[%get3A_1902, %get3A_1903] {strides = array<i32>} : memref<72x128xf32, #tpu.memory_space<vmem>>, vector<1x16xf32>,
    %get3A_1905 = vector.shape_cast %get3A_1904 : vector<1x16xf32> to vector<16xf32>
    %add3A_1906 = arith.addf %add3A_1900, %get3A_1905 : vector<16xf32>
    %swap3A_1907 = arith.constant 5 : i32
    %swap3A_1908 = arith.index_cast %swap3A_1907 : i32 to index
    %swap3A_1909 = arith.constant 80 : index
    %swap3A_1910 = tpu.vector_load %arg7[%swap3A_1908, %swap3A_1909] {strides = array<i32>} : memref<12x128xf32, #tpu.memory_space<vmem>>, vector<1x16xf32>,
    %swap3A_1911 = vector.shape_cast %swap3A_1910 : vector<1x16xf32> to vector<16xf32>
    %swap3A_1912 = vector.shape_cast %add3A_1906 : vector<16xf32> to vector<1x16xf32>
    tpu.vector_store %arg7[%swap3A_1908, %swap3A_1909], %swap3A_1912 {strides = array<i32>} : memref<12x128xf32, #tpu.memory_space<vmem>>, vector<1x16xf32>,
    %get3A_1913 = arith.constant 30 : i32
    %get3A_1914 = arith.index_cast %get3A_1913 : i32 to index
    %get3A_1915 = arith.constant 96 : index
    %get3A_1916 = tpu.vector_load %arg6[%get3A_1914, %get3A_1915] {strides = array<i32>} : memref<72x128xf32, #tpu.memory_space<vmem>>, vector<1x16xf32>,
    %get3A_1917 = vector.shape_cast %get3A_1916 : vector<1x16xf32> to vector<16xf32>
    %get3A_1918 = arith.constant 31 : i32
    %get3A_1919 = arith.index_cast %get3A_1918 : i32 to index
    %get3A_1920 = arith.constant 96 : index
    %get3A_1921 = tpu.vector_load %arg6[%get3A_1919, %get3A_1920] {strides = array<i32>} : memref<72x128xf32, #tpu.memory_space<vmem>>, vector<1x16xf32>,
    %get3A_1922 = vector.shape_cast %get3A_1921 : vector<1x16xf32> to vector<16xf32>
    %add3A_1923 = arith.addf %get3A_1917, %get3A_1922 : vector<16xf32>
    %get3A_1924 = arith.constant 32 : i32
    %get3A_1925 = arith.index_cast %get3A_1924 : i32 to index
    %get3A_1926 = arith.constant 96 : index
    %get3A_1927 = tpu.vector_load %arg6[%get3A_1925, %get3A_1926] {strides = array<i32>} : memref<72x128xf32, #tpu.memory_space<vmem>>, vector<1x16xf32>,
    %get3A_1928 = vector.shape_cast %get3A_1927 : vector<1x16xf32> to vector<16xf32>
    %add3A_1929 = arith.addf %add3A_1923, %get3A_1928 : vector<16xf32>
    %get3A_1930 = arith.constant 33 : i32
    %get3A_1931 = arith.index_cast %get3A_1930 : i32 to index
    %get3A_1932 = arith.constant 96 : index
    %get3A_1933 = tpu.vector_load %arg6[%get3A_1931, %get3A_1932] {strides = array<i32>} : memref<72x128xf32, #tpu.memory_space<vmem>>, vector<1x16xf32>,
    %get3A_1934 = vector.shape_cast %get3A_1933 : vector<1x16xf32> to vector<16xf32>
    %add3A_1935 = arith.addf %add3A_1929, %get3A_1934 : vector<16xf32>
    %get3A_1936 = arith.constant 34 : i32
    %get3A_1937 = arith.index_cast %get3A_1936 : i32 to index
    %get3A_1938 = arith.constant 96 : index
    %get3A_1939 = tpu.vector_load %arg6[%get3A_1937, %get3A_1938] {strides = array<i32>} : memref<72x128xf32, #tpu.memory_space<vmem>>, vector<1x16xf32>,
    %get3A_1940 = vector.shape_cast %get3A_1939 : vector<1x16xf32> to vector<16xf32>
    %add3A_1941 = arith.addf %add3A_1935, %get3A_1940 : vector<16xf32>
    %get3A_1942 = arith.constant 35 : i32
    %get3A_1943 = arith.index_cast %get3A_1942 : i32 to index
    %get3A_1944 = arith.constant 96 : index
    %get3A_1945 = tpu.vector_load %arg6[%get3A_1943, %get3A_1944] {strides = array<i32>} : memref<72x128xf32, #tpu.memory_space<vmem>>, vector<1x16xf32>,
    %get3A_1946 = vector.shape_cast %get3A_1945 : vector<1x16xf32> to vector<16xf32>
    %add3A_1947 = arith.addf %add3A_1941, %get3A_1946 : vector<16xf32>
    %swap3A_1948 = arith.constant 5 : i32
    %swap3A_1949 = arith.index_cast %swap3A_1948 : i32 to index
    %swap3A_1950 = arith.constant 96 : index
    %swap3A_1951 = tpu.vector_load %arg7[%swap3A_1949, %swap3A_1950] {strides = array<i32>} : memref<12x128xf32, #tpu.memory_space<vmem>>, vector<1x16xf32>,
    %swap3A_1952 = vector.shape_cast %swap3A_1951 : vector<1x16xf32> to vector<16xf32>
    %swap3A_1953 = vector.shape_cast %add3A_1947 : vector<16xf32> to vector<1x16xf32>
    tpu.vector_store %arg7[%swap3A_1949, %swap3A_1950], %swap3A_1953 {strides = array<i32>} : memref<12x128xf32, #tpu.memory_space<vmem>>, vector<1x16xf32>,
    %get3A_1954 = arith.constant 30 : i32
    %get3A_1955 = arith.index_cast %get3A_1954 : i32 to index
    %get3A_1956 = arith.constant 112 : index
    %get3A_1957 = tpu.vector_load %arg6[%get3A_1955, %get3A_1956] {strides = array<i32>} : memref<72x128xf32, #tpu.memory_space<vmem>>, vector<1x16xf32>,
    %get3A_1958 = vector.shape_cast %get3A_1957 : vector<1x16xf32> to vector<16xf32>
    %get3A_1959 = arith.constant 31 : i32
    %get3A_1960 = arith.index_cast %get3A_1959 : i32 to index
    %get3A_1961 = arith.constant 112 : index
    %get3A_1962 = tpu.vector_load %arg6[%get3A_1960, %get3A_1961] {strides = array<i32>} : memref<72x128xf32, #tpu.memory_space<vmem>>, vector<1x16xf32>,
    %get3A_1963 = vector.shape_cast %get3A_1962 : vector<1x16xf32> to vector<16xf32>
    %add3A_1964 = arith.addf %get3A_1958, %get3A_1963 : vector<16xf32>
    %get3A_1965 = arith.constant 32 : i32
    %get3A_1966 = arith.index_cast %get3A_1965 : i32 to index
    %get3A_1967 = arith.constant 112 : index
    %get3A_1968 = tpu.vector_load %arg6[%get3A_1966, %get3A_1967] {strides = array<i32>} : memref<72x128xf32, #tpu.memory_space<vmem>>, vector<1x16xf32>,
    %get3A_1969 = vector.shape_cast %get3A_1968 : vector<1x16xf32> to vector<16xf32>
    %add3A_1970 = arith.addf %add3A_1964, %get3A_1969 : vector<16xf32>
    %get3A_1971 = arith.constant 33 : i32
    %get3A_1972 = arith.index_cast %get3A_1971 : i32 to index
    %get3A_1973 = arith.constant 112 : index
    %get3A_1974 = tpu.vector_load %arg6[%get3A_1972, %get3A_1973] {strides = array<i32>} : memref<72x128xf32, #tpu.memory_space<vmem>>, vector<1x16xf32>,
    %get3A_1975 = vector.shape_cast %get3A_1974 : vector<1x16xf32> to vector<16xf32>
    %add3A_1976 = arith.addf %add3A_1970, %get3A_1975 : vector<16xf32>
    %get3A_1977 = arith.constant 34 : i32
    %get3A_1978 = arith.index_cast %get3A_1977 : i32 to index
    %get3A_1979 = arith.constant 112 : index
    %get3A_1980 = tpu.vector_load %arg6[%get3A_1978, %get3A_1979] {strides = array<i32>} : memref<72x128xf32, #tpu.memory_space<vmem>>, vector<1x16xf32>,
    %get3A_1981 = vector.shape_cast %get3A_1980 : vector<1x16xf32> to vector<16xf32>
    %add3A_1982 = arith.addf %add3A_1976, %get3A_1981 : vector<16xf32>
    %get3A_1983 = arith.constant 35 : i32
    %get3A_1984 = arith.index_cast %get3A_1983 : i32 to index
    %get3A_1985 = arith.constant 112 : index
    %get3A_1986 = tpu.vector_load %arg6[%get3A_1984, %get3A_1985] {strides = array<i32>} : memref<72x128xf32, #tpu.memory_space<vmem>>, vector<1x16xf32>,
    %get3A_1987 = vector.shape_cast %get3A_1986 : vector<1x16xf32> to vector<16xf32>
    %add3A_1988 = arith.addf %add3A_1982, %get3A_1987 : vector<16xf32>
    %swap3A_1989 = arith.constant 5 : i32
    %swap3A_1990 = arith.index_cast %swap3A_1989 : i32 to index
    %swap3A_1991 = arith.constant 112 : index
    %swap3A_1992 = tpu.vector_load %arg7[%swap3A_1990, %swap3A_1991] {strides = array<i32>} : memref<12x128xf32, #tpu.memory_space<vmem>>, vector<1x16xf32>,
    %swap3A_1993 = vector.shape_cast %swap3A_1992 : vector<1x16xf32> to vector<16xf32>
    %swap3A_1994 = vector.shape_cast %add3A_1988 : vector<16xf32> to vector<1x16xf32>
    tpu.vector_store %arg7[%swap3A_1990, %swap3A_1991], %swap3A_1994 {strides = array<i32>} : memref<12x128xf32, #tpu.memory_space<vmem>>, vector<1x16xf32>,
    %get3A_1995 = arith.constant 36 : i32
    %get3A_1996 = arith.index_cast %get3A_1995 : i32 to index
    %get3A_1997 = arith.constant 0 : index
    %get3A_1998 = tpu.vector_load %arg6[%get3A_1996, %get3A_1997] {strides = array<i32>} : memref<72x128xf32, #tpu.memory_space<vmem>>, vector<1x16xf32>,
    %get3A_1999 = vector.shape_cast %get3A_1998 : vector<1x16xf32> to vector<16xf32>
    %get3A_2000 = arith.constant 37 : i32
    %get3A_2001 = arith.index_cast %get3A_2000 : i32 to index
    %get3A_2002 = arith.constant 0 : index
    %get3A_2003 = tpu.vector_load %arg6[%get3A_2001, %get3A_2002] {strides = array<i32>} : memref<72x128xf32, #tpu.memory_space<vmem>>, vector<1x16xf32>,
    %get3A_2004 = vector.shape_cast %get3A_2003 : vector<1x16xf32> to vector<16xf32>
    %add3A_2005 = arith.addf %get3A_1999, %get3A_2004 : vector<16xf32>
    %get3A_2006 = arith.constant 38 : i32
    %get3A_2007 = arith.index_cast %get3A_2006 : i32 to index
    %get3A_2008 = arith.constant 0 : index
    %get3A_2009 = tpu.vector_load %arg6[%get3A_2007, %get3A_2008] {strides = array<i32>} : memref<72x128xf32, #tpu.memory_space<vmem>>, vector<1x16xf32>,
    %get3A_2010 = vector.shape_cast %get3A_2009 : vector<1x16xf32> to vector<16xf32>
    %add3A_2011 = arith.addf %add3A_2005, %get3A_2010 : vector<16xf32>
    %get3A_2012 = arith.constant 39 : i32
    %get3A_2013 = arith.index_cast %get3A_2012 : i32 to index
    %get3A_2014 = arith.constant 0 : index
    %get3A_2015 = tpu.vector_load %arg6[%get3A_2013, %get3A_2014] {strides = array<i32>} : memref<72x128xf32, #tpu.memory_space<vmem>>, vector<1x16xf32>,
    %get3A_2016 = vector.shape_cast %get3A_2015 : vector<1x16xf32> to vector<16xf32>
    %add3A_2017 = arith.addf %add3A_2011, %get3A_2016 : vector<16xf32>
    %get3A_2018 = arith.constant 40 : i32
    %get3A_2019 = arith.index_cast %get3A_2018 : i32 to index
    %get3A_2020 = arith.constant 0 : index
    %get3A_2021 = tpu.vector_load %arg6[%get3A_2019, %get3A_2020] {strides = array<i32>} : memref<72x128xf32, #tpu.memory_space<vmem>>, vector<1x16xf32>,
    %get3A_2022 = vector.shape_cast %get3A_2021 : vector<1x16xf32> to vector<16xf32>
    %add3A_2023 = arith.addf %add3A_2017, %get3A_2022 : vector<16xf32>
    %get3A_2024 = arith.constant 41 : i32
    %get3A_2025 = arith.index_cast %get3A_2024 : i32 to index
    %get3A_2026 = arith.constant 0 : index
    %get3A_2027 = tpu.vector_load %arg6[%get3A_2025, %get3A_2026] {strides = array<i32>} : memref<72x128xf32, #tpu.memory_space<vmem>>, vector<1x16xf32>,
    %get3A_2028 = vector.shape_cast %get3A_2027 : vector<1x16xf32> to vector<16xf32>
    %add3A_2029 = arith.addf %add3A_2023, %get3A_2028 : vector<16xf32>
    %swap3A_2030 = arith.constant 6 : i32
    %swap3A_2031 = arith.index_cast %swap3A_2030 : i32 to index
    %swap3A_2032 = arith.constant 0 : index
    %swap3A_2033 = tpu.vector_load %arg7[%swap3A_2031, %swap3A_2032] {strides = array<i32>} : memref<12x128xf32, #tpu.memory_space<vmem>>, vector<1x16xf32>,
    %swap3A_2034 = vector.shape_cast %swap3A_2033 : vector<1x16xf32> to vector<16xf32>
    %swap3A_2035 = vector.shape_cast %add3A_2029 : vector<16xf32> to vector<1x16xf32>
    tpu.vector_store %arg7[%swap3A_2031, %swap3A_2032], %swap3A_2035 {strides = array<i32>} : memref<12x128xf32, #tpu.memory_space<vmem>>, vector<1x16xf32>,
    %get3A_2036 = arith.constant 36 : i32
    %get3A_2037 = arith.index_cast %get3A_2036 : i32 to index
    %get3A_2038 = arith.constant 16 : index
    %get3A_2039 = tpu.vector_load %arg6[%get3A_2037, %get3A_2038] {strides = array<i32>} : memref<72x128xf32, #tpu.memory_space<vmem>>, vector<1x16xf32>,
    %get3A_2040 = vector.shape_cast %get3A_2039 : vector<1x16xf32> to vector<16xf32>
    %get3A_2041 = arith.constant 37 : i32
    %get3A_2042 = arith.index_cast %get3A_2041 : i32 to index
    %get3A_2043 = arith.constant 16 : index
    %get3A_2044 = tpu.vector_load %arg6[%get3A_2042, %get3A_2043] {strides = array<i32>} : memref<72x128xf32, #tpu.memory_space<vmem>>, vector<1x16xf32>,
    %get3A_2045 = vector.shape_cast %get3A_2044 : vector<1x16xf32> to vector<16xf32>
    %add3A_2046 = arith.addf %get3A_2040, %get3A_2045 : vector<16xf32>
    %get3A_2047 = arith.constant 38 : i32
    %get3A_2048 = arith.index_cast %get3A_2047 : i32 to index
    %get3A_2049 = arith.constant 16 : index
    %get3A_2050 = tpu.vector_load %arg6[%get3A_2048, %get3A_2049] {strides = array<i32>} : memref<72x128xf32, #tpu.memory_space<vmem>>, vector<1x16xf32>,
    %get3A_2051 = vector.shape_cast %get3A_2050 : vector<1x16xf32> to vector<16xf32>
    %add3A_2052 = arith.addf %add3A_2046, %get3A_2051 : vector<16xf32>
    %get3A_2053 = arith.constant 39 : i32
    %get3A_2054 = arith.index_cast %get3A_2053 : i32 to index
    %get3A_2055 = arith.constant 16 : index
    %get3A_2056 = tpu.vector_load %arg6[%get3A_2054, %get3A_2055] {strides = array<i32>} : memref<72x128xf32, #tpu.memory_space<vmem>>, vector<1x16xf32>,
    %get3A_2057 = vector.shape_cast %get3A_2056 : vector<1x16xf32> to vector<16xf32>
    %add3A_2058 = arith.addf %add3A_2052, %get3A_2057 : vector<16xf32>
    %get3A_2059 = arith.constant 40 : i32
    %get3A_2060 = arith.index_cast %get3A_2059 : i32 to index
    %get3A_2061 = arith.constant 16 : index
    %get3A_2062 = tpu.vector_load %arg6[%get3A_2060, %get3A_2061] {strides = array<i32>} : memref<72x128xf32, #tpu.memory_space<vmem>>, vector<1x16xf32>,
    %get3A_2063 = vector.shape_cast %get3A_2062 : vector<1x16xf32> to vector<16xf32>
    %add3A_2064 = arith.addf %add3A_2058, %get3A_2063 : vector<16xf32>
    %get3A_2065 = arith.constant 41 : i32
    %get3A_2066 = arith.index_cast %get3A_2065 : i32 to index
    %get3A_2067 = arith.constant 16 : index
    %get3A_2068 = tpu.vector_load %arg6[%get3A_2066, %get3A_2067] {strides = array<i32>} : memref<72x128xf32, #tpu.memory_space<vmem>>, vector<1x16xf32>,
    %get3A_2069 = vector.shape_cast %get3A_2068 : vector<1x16xf32> to vector<16xf32>
    %add3A_2070 = arith.addf %add3A_2064, %get3A_2069 : vector<16xf32>
    %swap3A_2071 = arith.constant 6 : i32
    %swap3A_2072 = arith.index_cast %swap3A_2071 : i32 to index
    %swap3A_2073 = arith.constant 16 : index
    %swap3A_2074 = tpu.vector_load %arg7[%swap3A_2072, %swap3A_2073] {strides = array<i32>} : memref<12x128xf32, #tpu.memory_space<vmem>>, vector<1x16xf32>,
    %swap3A_2075 = vector.shape_cast %swap3A_2074 : vector<1x16xf32> to vector<16xf32>
    %swap3A_2076 = vector.shape_cast %add3A_2070 : vector<16xf32> to vector<1x16xf32>
    tpu.vector_store %arg7[%swap3A_2072, %swap3A_2073], %swap3A_2076 {strides = array<i32>} : memref<12x128xf32, #tpu.memory_space<vmem>>, vector<1x16xf32>,
    %get3A_2077 = arith.constant 36 : i32
    %get3A_2078 = arith.index_cast %get3A_2077 : i32 to index
    %get3A_2079 = arith.constant 32 : index
    %get3A_2080 = tpu.vector_load %arg6[%get3A_2078, %get3A_2079] {strides = array<i32>} : memref<72x128xf32, #tpu.memory_space<vmem>>, vector<1x16xf32>,
    %get3A_2081 = vector.shape_cast %get3A_2080 : vector<1x16xf32> to vector<16xf32>
    %get3A_2082 = arith.constant 37 : i32
    %get3A_2083 = arith.index_cast %get3A_2082 : i32 to index
    %get3A_2084 = arith.constant 32 : index
    %get3A_2085 = tpu.vector_load %arg6[%get3A_2083, %get3A_2084] {strides = array<i32>} : memref<72x128xf32, #tpu.memory_space<vmem>>, vector<1x16xf32>,
    %get3A_2086 = vector.shape_cast %get3A_2085 : vector<1x16xf32> to vector<16xf32>
    %add3A_2087 = arith.addf %get3A_2081, %get3A_2086 : vector<16xf32>
    %get3A_2088 = arith.constant 38 : i32
    %get3A_2089 = arith.index_cast %get3A_2088 : i32 to index
    %get3A_2090 = arith.constant 32 : index
    %get3A_2091 = tpu.vector_load %arg6[%get3A_2089, %get3A_2090] {strides = array<i32>} : memref<72x128xf32, #tpu.memory_space<vmem>>, vector<1x16xf32>,
    %get3A_2092 = vector.shape_cast %get3A_2091 : vector<1x16xf32> to vector<16xf32>
    %add3A_2093 = arith.addf %add3A_2087, %get3A_2092 : vector<16xf32>
    %get3A_2094 = arith.constant 39 : i32
    %get3A_2095 = arith.index_cast %get3A_2094 : i32 to index
    %get3A_2096 = arith.constant 32 : index
    %get3A_2097 = tpu.vector_load %arg6[%get3A_2095, %get3A_2096] {strides = array<i32>} : memref<72x128xf32, #tpu.memory_space<vmem>>, vector<1x16xf32>,
    %get3A_2098 = vector.shape_cast %get3A_2097 : vector<1x16xf32> to vector<16xf32>
    %add3A_2099 = arith.addf %add3A_2093, %get3A_2098 : vector<16xf32>
    %get3A_2100 = arith.constant 40 : i32
    %get3A_2101 = arith.index_cast %get3A_2100 : i32 to index
    %get3A_2102 = arith.constant 32 : index
    %get3A_2103 = tpu.vector_load %arg6[%get3A_2101, %get3A_2102] {strides = array<i32>} : memref<72x128xf32, #tpu.memory_space<vmem>>, vector<1x16xf32>,
    %get3A_2104 = vector.shape_cast %get3A_2103 : vector<1x16xf32> to vector<16xf32>
    %add3A_2105 = arith.addf %add3A_2099, %get3A_2104 : vector<16xf32>
    %get3A_2106 = arith.constant 41 : i32
    %get3A_2107 = arith.index_cast %get3A_2106 : i32 to index
    %get3A_2108 = arith.constant 32 : index
    %get3A_2109 = tpu.vector_load %arg6[%get3A_2107, %get3A_2108] {strides = array<i32>} : memref<72x128xf32, #tpu.memory_space<vmem>>, vector<1x16xf32>,
    %get3A_2110 = vector.shape_cast %get3A_2109 : vector<1x16xf32> to vector<16xf32>
    %add3A_2111 = arith.addf %add3A_2105, %get3A_2110 : vector<16xf32>
    %swap3A_2112 = arith.constant 6 : i32
    %swap3A_2113 = arith.index_cast %swap3A_2112 : i32 to index
    %swap3A_2114 = arith.constant 32 : index
    %swap3A_2115 = tpu.vector_load %arg7[%swap3A_2113, %swap3A_2114] {strides = array<i32>} : memref<12x128xf32, #tpu.memory_space<vmem>>, vector<1x16xf32>,
    %swap3A_2116 = vector.shape_cast %swap3A_2115 : vector<1x16xf32> to vector<16xf32>
    %swap3A_2117 = vector.shape_cast %add3A_2111 : vector<16xf32> to vector<1x16xf32>
    tpu.vector_store %arg7[%swap3A_2113, %swap3A_2114], %swap3A_2117 {strides = array<i32>} : memref<12x128xf32, #tpu.memory_space<vmem>>, vector<1x16xf32>,
    %get3A_2118 = arith.constant 36 : i32
    %get3A_2119 = arith.index_cast %get3A_2118 : i32 to index
    %get3A_2120 = arith.constant 48 : index
    %get3A_2121 = tpu.vector_load %arg6[%get3A_2119, %get3A_2120] {strides = array<i32>} : memref<72x128xf32, #tpu.memory_space<vmem>>, vector<1x16xf32>,
    %get3A_2122 = vector.shape_cast %get3A_2121 : vector<1x16xf32> to vector<16xf32>
    %get3A_2123 = arith.constant 37 : i32
    %get3A_2124 = arith.index_cast %get3A_2123 : i32 to index
    %get3A_2125 = arith.constant 48 : index
    %get3A_2126 = tpu.vector_load %arg6[%get3A_2124, %get3A_2125] {strides = array<i32>} : memref<72x128xf32, #tpu.memory_space<vmem>>, vector<1x16xf32>,
    %get3A_2127 = vector.shape_cast %get3A_2126 : vector<1x16xf32> to vector<16xf32>
    %add3A_2128 = arith.addf %get3A_2122, %get3A_2127 : vector<16xf32>
    %get3A_2129 = arith.constant 38 : i32
    %get3A_2130 = arith.index_cast %get3A_2129 : i32 to index
    %get3A_2131 = arith.constant 48 : index
    %get3A_2132 = tpu.vector_load %arg6[%get3A_2130, %get3A_2131] {strides = array<i32>} : memref<72x128xf32, #tpu.memory_space<vmem>>, vector<1x16xf32>,
    %get3A_2133 = vector.shape_cast %get3A_2132 : vector<1x16xf32> to vector<16xf32>
    %add3A_2134 = arith.addf %add3A_2128, %get3A_2133 : vector<16xf32>
    %get3A_2135 = arith.constant 39 : i32
    %get3A_2136 = arith.index_cast %get3A_2135 : i32 to index
    %get3A_2137 = arith.constant 48 : index
    %get3A_2138 = tpu.vector_load %arg6[%get3A_2136, %get3A_2137] {strides = array<i32>} : memref<72x128xf32, #tpu.memory_space<vmem>>, vector<1x16xf32>,
    %get3A_2139 = vector.shape_cast %get3A_2138 : vector<1x16xf32> to vector<16xf32>
    %add3A_2140 = arith.addf %add3A_2134, %get3A_2139 : vector<16xf32>
    %get3A_2141 = arith.constant 40 : i32
    %get3A_2142 = arith.index_cast %get3A_2141 : i32 to index
    %get3A_2143 = arith.constant 48 : index
    %get3A_2144 = tpu.vector_load %arg6[%get3A_2142, %get3A_2143] {strides = array<i32>} : memref<72x128xf32, #tpu.memory_space<vmem>>, vector<1x16xf32>,
    %get3A_2145 = vector.shape_cast %get3A_2144 : vector<1x16xf32> to vector<16xf32>
    %add3A_2146 = arith.addf %add3A_2140, %get3A_2145 : vector<16xf32>
    %get3A_2147 = arith.constant 41 : i32
    %get3A_2148 = arith.index_cast %get3A_2147 : i32 to index
    %get3A_2149 = arith.constant 48 : index
    %get3A_2150 = tpu.vector_load %arg6[%get3A_2148, %get3A_2149] {strides = array<i32>} : memref<72x128xf32, #tpu.memory_space<vmem>>, vector<1x16xf32>,
    %get3A_2151 = vector.shape_cast %get3A_2150 : vector<1x16xf32> to vector<16xf32>
    %add3A_2152 = arith.addf %add3A_2146, %get3A_2151 : vector<16xf32>
    %swap3A_2153 = arith.constant 6 : i32
    %swap3A_2154 = arith.index_cast %swap3A_2153 : i32 to index
    %swap3A_2155 = arith.constant 48 : index
    %swap3A_2156 = tpu.vector_load %arg7[%swap3A_2154, %swap3A_2155] {strides = array<i32>} : memref<12x128xf32, #tpu.memory_space<vmem>>, vector<1x16xf32>,
    %swap3A_2157 = vector.shape_cast %swap3A_2156 : vector<1x16xf32> to vector<16xf32>
    %swap3A_2158 = vector.shape_cast %add3A_2152 : vector<16xf32> to vector<1x16xf32>
    tpu.vector_store %arg7[%swap3A_2154, %swap3A_2155], %swap3A_2158 {strides = array<i32>} : memref<12x128xf32, #tpu.memory_space<vmem>>, vector<1x16xf32>,
    %get3A_2159 = arith.constant 36 : i32
    %get3A_2160 = arith.index_cast %get3A_2159 : i32 to index
    %get3A_2161 = arith.constant 64 : index
    %get3A_2162 = tpu.vector_load %arg6[%get3A_2160, %get3A_2161] {strides = array<i32>} : memref<72x128xf32, #tpu.memory_space<vmem>>, vector<1x16xf32>,
    %get3A_2163 = vector.shape_cast %get3A_2162 : vector<1x16xf32> to vector<16xf32>
    %get3A_2164 = arith.constant 37 : i32
    %get3A_2165 = arith.index_cast %get3A_2164 : i32 to index
    %get3A_2166 = arith.constant 64 : index
    %get3A_2167 = tpu.vector_load %arg6[%get3A_2165, %get3A_2166] {strides = array<i32>} : memref<72x128xf32, #tpu.memory_space<vmem>>, vector<1x16xf32>,
    %get3A_2168 = vector.shape_cast %get3A_2167 : vector<1x16xf32> to vector<16xf32>
    %add3A_2169 = arith.addf %get3A_2163, %get3A_2168 : vector<16xf32>
    %get3A_2170 = arith.constant 38 : i32
    %get3A_2171 = arith.index_cast %get3A_2170 : i32 to index
    %get3A_2172 = arith.constant 64 : index
    %get3A_2173 = tpu.vector_load %arg6[%get3A_2171, %get3A_2172] {strides = array<i32>} : memref<72x128xf32, #tpu.memory_space<vmem>>, vector<1x16xf32>,
    %get3A_2174 = vector.shape_cast %get3A_2173 : vector<1x16xf32> to vector<16xf32>
    %add3A_2175 = arith.addf %add3A_2169, %get3A_2174 : vector<16xf32>
    %get3A_2176 = arith.constant 39 : i32
    %get3A_2177 = arith.index_cast %get3A_2176 : i32 to index
    %get3A_2178 = arith.constant 64 : index
    %get3A_2179 = tpu.vector_load %arg6[%get3A_2177, %get3A_2178] {strides = array<i32>} : memref<72x128xf32, #tpu.memory_space<vmem>>, vector<1x16xf32>,
    %get3A_2180 = vector.shape_cast %get3A_2179 : vector<1x16xf32> to vector<16xf32>
    %add3A_2181 = arith.addf %add3A_2175, %get3A_2180 : vector<16xf32>
    %get3A_2182 = arith.constant 40 : i32
    %get3A_2183 = arith.index_cast %get3A_2182 : i32 to index
    %get3A_2184 = arith.constant 64 : index
    %get3A_2185 = tpu.vector_load %arg6[%get3A_2183, %get3A_2184] {strides = array<i32>} : memref<72x128xf32, #tpu.memory_space<vmem>>, vector<1x16xf32>,
    %get3A_2186 = vector.shape_cast %get3A_2185 : vector<1x16xf32> to vector<16xf32>
    %add3A_2187 = arith.addf %add3A_2181, %get3A_2186 : vector<16xf32>
    %get3A_2188 = arith.constant 41 : i32
    %get3A_2189 = arith.index_cast %get3A_2188 : i32 to index
    %get3A_2190 = arith.constant 64 : index
    %get3A_2191 = tpu.vector_load %arg6[%get3A_2189, %get3A_2190] {strides = array<i32>} : memref<72x128xf32, #tpu.memory_space<vmem>>, vector<1x16xf32>,
    %get3A_2192 = vector.shape_cast %get3A_2191 : vector<1x16xf32> to vector<16xf32>
    %add3A_2193 = arith.addf %add3A_2187, %get3A_2192 : vector<16xf32>
    %swap3A_2194 = arith.constant 6 : i32
    %swap3A_2195 = arith.index_cast %swap3A_2194 : i32 to index
    %swap3A_2196 = arith.constant 64 : index
    %swap3A_2197 = tpu.vector_load %arg7[%swap3A_2195, %swap3A_2196] {strides = array<i32>} : memref<12x128xf32, #tpu.memory_space<vmem>>, vector<1x16xf32>,
    %swap3A_2198 = vector.shape_cast %swap3A_2197 : vector<1x16xf32> to vector<16xf32>
    %swap3A_2199 = vector.shape_cast %add3A_2193 : vector<16xf32> to vector<1x16xf32>
    tpu.vector_store %arg7[%swap3A_2195, %swap3A_2196], %swap3A_2199 {strides = array<i32>} : memref<12x128xf32, #tpu.memory_space<vmem>>, vector<1x16xf32>,
    %get3A_2200 = arith.constant 36 : i32
    %get3A_2201 = arith.index_cast %get3A_2200 : i32 to index
    %get3A_2202 = arith.constant 80 : index
    %get3A_2203 = tpu.vector_load %arg6[%get3A_2201, %get3A_2202] {strides = array<i32>} : memref<72x128xf32, #tpu.memory_space<vmem>>, vector<1x16xf32>,
    %get3A_2204 = vector.shape_cast %get3A_2203 : vector<1x16xf32> to vector<16xf32>
    %get3A_2205 = arith.constant 37 : i32
    %get3A_2206 = arith.index_cast %get3A_2205 : i32 to index
    %get3A_2207 = arith.constant 80 : index
    %get3A_2208 = tpu.vector_load %arg6[%get3A_2206, %get3A_2207] {strides = array<i32>} : memref<72x128xf32, #tpu.memory_space<vmem>>, vector<1x16xf32>,
    %get3A_2209 = vector.shape_cast %get3A_2208 : vector<1x16xf32> to vector<16xf32>
    %add3A_2210 = arith.addf %get3A_2204, %get3A_2209 : vector<16xf32>
    %get3A_2211 = arith.constant 38 : i32
    %get3A_2212 = arith.index_cast %get3A_2211 : i32 to index
    %get3A_2213 = arith.constant 80 : index
    %get3A_2214 = tpu.vector_load %arg6[%get3A_2212, %get3A_2213] {strides = array<i32>} : memref<72x128xf32, #tpu.memory_space<vmem>>, vector<1x16xf32>,
    %get3A_2215 = vector.shape_cast %get3A_2214 : vector<1x16xf32> to vector<16xf32>
    %add3A_2216 = arith.addf %add3A_2210, %get3A_2215 : vector<16xf32>
    %get3A_2217 = arith.constant 39 : i32
    %get3A_2218 = arith.index_cast %get3A_2217 : i32 to index
    %get3A_2219 = arith.constant 80 : index
    %get3A_2220 = tpu.vector_load %arg6[%get3A_2218, %get3A_2219] {strides = array<i32>} : memref<72x128xf32, #tpu.memory_space<vmem>>, vector<1x16xf32>,
    %get3A_2221 = vector.shape_cast %get3A_2220 : vector<1x16xf32> to vector<16xf32>
    %add3A_2222 = arith.addf %add3A_2216, %get3A_2221 : vector<16xf32>
    %get3A_2223 = arith.constant 40 : i32
    %get3A_2224 = arith.index_cast %get3A_2223 : i32 to index
    %get3A_2225 = arith.constant 80 : index
    %get3A_2226 = tpu.vector_load %arg6[%get3A_2224, %get3A_2225] {strides = array<i32>} : memref<72x128xf32, #tpu.memory_space<vmem>>, vector<1x16xf32>,
    %get3A_2227 = vector.shape_cast %get3A_2226 : vector<1x16xf32> to vector<16xf32>
    %add3A_2228 = arith.addf %add3A_2222, %get3A_2227 : vector<16xf32>
    %get3A_2229 = arith.constant 41 : i32
    %get3A_2230 = arith.index_cast %get3A_2229 : i32 to index
    %get3A_2231 = arith.constant 80 : index
    %get3A_2232 = tpu.vector_load %arg6[%get3A_2230, %get3A_2231] {strides = array<i32>} : memref<72x128xf32, #tpu.memory_space<vmem>>, vector<1x16xf32>,
    %get3A_2233 = vector.shape_cast %get3A_2232 : vector<1x16xf32> to vector<16xf32>
    %add3A_2234 = arith.addf %add3A_2228, %get3A_2233 : vector<16xf32>
    %swap3A_2235 = arith.constant 6 : i32
    %swap3A_2236 = arith.index_cast %swap3A_2235 : i32 to index
    %swap3A_2237 = arith.constant 80 : index
    %swap3A_2238 = tpu.vector_load %arg7[%swap3A_2236, %swap3A_2237] {strides = array<i32>} : memref<12x128xf32, #tpu.memory_space<vmem>>, vector<1x16xf32>,
    %swap3A_2239 = vector.shape_cast %swap3A_2238 : vector<1x16xf32> to vector<16xf32>
    %swap3A_2240 = vector.shape_cast %add3A_2234 : vector<16xf32> to vector<1x16xf32>
    tpu.vector_store %arg7[%swap3A_2236, %swap3A_2237], %swap3A_2240 {strides = array<i32>} : memref<12x128xf32, #tpu.memory_space<vmem>>, vector<1x16xf32>,
    %get3A_2241 = arith.constant 36 : i32
    %get3A_2242 = arith.index_cast %get3A_2241 : i32 to index
    %get3A_2243 = arith.constant 96 : index
    %get3A_2244 = tpu.vector_load %arg6[%get3A_2242, %get3A_2243] {strides = array<i32>} : memref<72x128xf32, #tpu.memory_space<vmem>>, vector<1x16xf32>,
    %get3A_2245 = vector.shape_cast %get3A_2244 : vector<1x16xf32> to vector<16xf32>
    %get3A_2246 = arith.constant 37 : i32
    %get3A_2247 = arith.index_cast %get3A_2246 : i32 to index
    %get3A_2248 = arith.constant 96 : index
    %get3A_2249 = tpu.vector_load %arg6[%get3A_2247, %get3A_2248] {strides = array<i32>} : memref<72x128xf32, #tpu.memory_space<vmem>>, vector<1x16xf32>,
    %get3A_2250 = vector.shape_cast %get3A_2249 : vector<1x16xf32> to vector<16xf32>
    %add3A_2251 = arith.addf %get3A_2245, %get3A_2250 : vector<16xf32>
    %get3A_2252 = arith.constant 38 : i32
    %get3A_2253 = arith.index_cast %get3A_2252 : i32 to index
    %get3A_2254 = arith.constant 96 : index
    %get3A_2255 = tpu.vector_load %arg6[%get3A_2253, %get3A_2254] {strides = array<i32>} : memref<72x128xf32, #tpu.memory_space<vmem>>, vector<1x16xf32>,
    %get3A_2256 = vector.shape_cast %get3A_2255 : vector<1x16xf32> to vector<16xf32>
    %add3A_2257 = arith.addf %add3A_2251, %get3A_2256 : vector<16xf32>
    %get3A_2258 = arith.constant 39 : i32
    %get3A_2259 = arith.index_cast %get3A_2258 : i32 to index
    %get3A_2260 = arith.constant 96 : index
    %get3A_2261 = tpu.vector_load %arg6[%get3A_2259, %get3A_2260] {strides = array<i32>} : memref<72x128xf32, #tpu.memory_space<vmem>>, vector<1x16xf32>,
    %get3A_2262 = vector.shape_cast %get3A_2261 : vector<1x16xf32> to vector<16xf32>
    %add3A_2263 = arith.addf %add3A_2257, %get3A_2262 : vector<16xf32>
    %get3A_2264 = arith.constant 40 : i32
    %get3A_2265 = arith.index_cast %get3A_2264 : i32 to index
    %get3A_2266 = arith.constant 96 : index
    %get3A_2267 = tpu.vector_load %arg6[%get3A_2265, %get3A_2266] {strides = array<i32>} : memref<72x128xf32, #tpu.memory_space<vmem>>, vector<1x16xf32>,
    %get3A_2268 = vector.shape_cast %get3A_2267 : vector<1x16xf32> to vector<16xf32>
    %add3A_2269 = arith.addf %add3A_2263, %get3A_2268 : vector<16xf32>
    %get3A_2270 = arith.constant 41 : i32
    %get3A_2271 = arith.index_cast %get3A_2270 : i32 to index
    %get3A_2272 = arith.constant 96 : index
    %get3A_2273 = tpu.vector_load %arg6[%get3A_2271, %get3A_2272] {strides = array<i32>} : memref<72x128xf32, #tpu.memory_space<vmem>>, vector<1x16xf32>,
    %get3A_2274 = vector.shape_cast %get3A_2273 : vector<1x16xf32> to vector<16xf32>
    %add3A_2275 = arith.addf %add3A_2269, %get3A_2274 : vector<16xf32>
    %swap3A_2276 = arith.constant 6 : i32
    %swap3A_2277 = arith.index_cast %swap3A_2276 : i32 to index
    %swap3A_2278 = arith.constant 96 : index
    %swap3A_2279 = tpu.vector_load %arg7[%swap3A_2277, %swap3A_2278] {strides = array<i32>} : memref<12x128xf32, #tpu.memory_space<vmem>>, vector<1x16xf32>,
    %swap3A_2280 = vector.shape_cast %swap3A_2279 : vector<1x16xf32> to vector<16xf32>
    %swap3A_2281 = vector.shape_cast %add3A_2275 : vector<16xf32> to vector<1x16xf32>
    tpu.vector_store %arg7[%swap3A_2277, %swap3A_2278], %swap3A_2281 {strides = array<i32>} : memref<12x128xf32, #tpu.memory_space<vmem>>, vector<1x16xf32>,
    %get3A_2282 = arith.constant 36 : i32
    %get3A_2283 = arith.index_cast %get3A_2282 : i32 to index
    %get3A_2284 = arith.constant 112 : index
    %get3A_2285 = tpu.vector_load %arg6[%get3A_2283, %get3A_2284] {strides = array<i32>} : memref<72x128xf32, #tpu.memory_space<vmem>>, vector<1x16xf32>,
    %get3A_2286 = vector.shape_cast %get3A_2285 : vector<1x16xf32> to vector<16xf32>
    %get3A_2287 = arith.constant 37 : i32
    %get3A_2288 = arith.index_cast %get3A_2287 : i32 to index
    %get3A_2289 = arith.constant 112 : index
    %get3A_2290 = tpu.vector_load %arg6[%get3A_2288, %get3A_2289] {strides = array<i32>} : memref<72x128xf32, #tpu.memory_space<vmem>>, vector<1x16xf32>,
    %get3A_2291 = vector.shape_cast %get3A_2290 : vector<1x16xf32> to vector<16xf32>
    %add3A_2292 = arith.addf %get3A_2286, %get3A_2291 : vector<16xf32>
    %get3A_2293 = arith.constant 38 : i32
    %get3A_2294 = arith.index_cast %get3A_2293 : i32 to index
    %get3A_2295 = arith.constant 112 : index
    %get3A_2296 = tpu.vector_load %arg6[%get3A_2294, %get3A_2295] {strides = array<i32>} : memref<72x128xf32, #tpu.memory_space<vmem>>, vector<1x16xf32>,
    %get3A_2297 = vector.shape_cast %get3A_2296 : vector<1x16xf32> to vector<16xf32>
    %add3A_2298 = arith.addf %add3A_2292, %get3A_2297 : vector<16xf32>
    %get3A_2299 = arith.constant 39 : i32
    %get3A_2300 = arith.index_cast %get3A_2299 : i32 to index
    %get3A_2301 = arith.constant 112 : index
    %get3A_2302 = tpu.vector_load %arg6[%get3A_2300, %get3A_2301] {strides = array<i32>} : memref<72x128xf32, #tpu.memory_space<vmem>>, vector<1x16xf32>,
    %get3A_2303 = vector.shape_cast %get3A_2302 : vector<1x16xf32> to vector<16xf32>
    %add3A_2304 = arith.addf %add3A_2298, %get3A_2303 : vector<16xf32>
    %get3A_2305 = arith.constant 40 : i32
    %get3A_2306 = arith.index_cast %get3A_2305 : i32 to index
    %get3A_2307 = arith.constant 112 : index
    %get3A_2308 = tpu.vector_load %arg6[%get3A_2306, %get3A_2307] {strides = array<i32>} : memref<72x128xf32, #tpu.memory_space<vmem>>, vector<1x16xf32>,
    %get3A_2309 = vector.shape_cast %get3A_2308 : vector<1x16xf32> to vector<16xf32>
    %add3A_2310 = arith.addf %add3A_2304, %get3A_2309 : vector<16xf32>
    %get3A_2311 = arith.constant 41 : i32
    %get3A_2312 = arith.index_cast %get3A_2311 : i32 to index
    %get3A_2313 = arith.constant 112 : index
    %get3A_2314 = tpu.vector_load %arg6[%get3A_2312, %get3A_2313] {strides = array<i32>} : memref<72x128xf32, #tpu.memory_space<vmem>>, vector<1x16xf32>,
    %get3A_2315 = vector.shape_cast %get3A_2314 : vector<1x16xf32> to vector<16xf32>
    %add3A_2316 = arith.addf %add3A_2310, %get3A_2315 : vector<16xf32>
    %swap3A_2317 = arith.constant 6 : i32
    %swap3A_2318 = arith.index_cast %swap3A_2317 : i32 to index
    %swap3A_2319 = arith.constant 112 : index
    %swap3A_2320 = tpu.vector_load %arg7[%swap3A_2318, %swap3A_2319] {strides = array<i32>} : memref<12x128xf32, #tpu.memory_space<vmem>>, vector<1x16xf32>,
    %swap3A_2321 = vector.shape_cast %swap3A_2320 : vector<1x16xf32> to vector<16xf32>
    %swap3A_2322 = vector.shape_cast %add3A_2316 : vector<16xf32> to vector<1x16xf32>
    tpu.vector_store %arg7[%swap3A_2318, %swap3A_2319], %swap3A_2322 {strides = array<i32>} : memref<12x128xf32, #tpu.memory_space<vmem>>, vector<1x16xf32>,
    %get3A_2323 = arith.constant 42 : i32
    %get3A_2324 = arith.index_cast %get3A_2323 : i32 to index
    %get3A_2325 = arith.constant 0 : index
    %get3A_2326 = tpu.vector_load %arg6[%get3A_2324, %get3A_2325] {strides = array<i32>} : memref<72x128xf32, #tpu.memory_space<vmem>>, vector<1x16xf32>,
    %get3A_2327 = vector.shape_cast %get3A_2326 : vector<1x16xf32> to vector<16xf32>
    %get3A_2328 = arith.constant 43 : i32
    %get3A_2329 = arith.index_cast %get3A_2328 : i32 to index
    %get3A_2330 = arith.constant 0 : index
    %get3A_2331 = tpu.vector_load %arg6[%get3A_2329, %get3A_2330] {strides = array<i32>} : memref<72x128xf32, #tpu.memory_space<vmem>>, vector<1x16xf32>,
    %get3A_2332 = vector.shape_cast %get3A_2331 : vector<1x16xf32> to vector<16xf32>
    %add3A_2333 = arith.addf %get3A_2327, %get3A_2332 : vector<16xf32>
    %get3A_2334 = arith.constant 44 : i32
    %get3A_2335 = arith.index_cast %get3A_2334 : i32 to index
    %get3A_2336 = arith.constant 0 : index
    %get3A_2337 = tpu.vector_load %arg6[%get3A_2335, %get3A_2336] {strides = array<i32>} : memref<72x128xf32, #tpu.memory_space<vmem>>, vector<1x16xf32>,
    %get3A_2338 = vector.shape_cast %get3A_2337 : vector<1x16xf32> to vector<16xf32>
    %add3A_2339 = arith.addf %add3A_2333, %get3A_2338 : vector<16xf32>
    %get3A_2340 = arith.constant 45 : i32
    %get3A_2341 = arith.index_cast %get3A_2340 : i32 to index
    %get3A_2342 = arith.constant 0 : index
    %get3A_2343 = tpu.vector_load %arg6[%get3A_2341, %get3A_2342] {strides = array<i32>} : memref<72x128xf32, #tpu.memory_space<vmem>>, vector<1x16xf32>,
    %get3A_2344 = vector.shape_cast %get3A_2343 : vector<1x16xf32> to vector<16xf32>
    %add3A_2345 = arith.addf %add3A_2339, %get3A_2344 : vector<16xf32>
    %get3A_2346 = arith.constant 46 : i32
    %get3A_2347 = arith.index_cast %get3A_2346 : i32 to index
    %get3A_2348 = arith.constant 0 : index
    %get3A_2349 = tpu.vector_load %arg6[%get3A_2347, %get3A_2348] {strides = array<i32>} : memref<72x128xf32, #tpu.memory_space<vmem>>, vector<1x16xf32>,
    %get3A_2350 = vector.shape_cast %get3A_2349 : vector<1x16xf32> to vector<16xf32>
    %add3A_2351 = arith.addf %add3A_2345, %get3A_2350 : vector<16xf32>
    %get3A_2352 = arith.constant 47 : i32
    %get3A_2353 = arith.index_cast %get3A_2352 : i32 to index
    %get3A_2354 = arith.constant 0 : index
    %get3A_2355 = tpu.vector_load %arg6[%get3A_2353, %get3A_2354] {strides = array<i32>} : memref<72x128xf32, #tpu.memory_space<vmem>>, vector<1x16xf32>,
    %get3A_2356 = vector.shape_cast %get3A_2355 : vector<1x16xf32> to vector<16xf32>
    %add3A_2357 = arith.addf %add3A_2351, %get3A_2356 : vector<16xf32>
    %swap3A_2358 = arith.constant 7 : i32
    %swap3A_2359 = arith.index_cast %swap3A_2358 : i32 to index
    %swap3A_2360 = arith.constant 0 : index
    %swap3A_2361 = tpu.vector_load %arg7[%swap3A_2359, %swap3A_2360] {strides = array<i32>} : memref<12x128xf32, #tpu.memory_space<vmem>>, vector<1x16xf32>,
    %swap3A_2362 = vector.shape_cast %swap3A_2361 : vector<1x16xf32> to vector<16xf32>
    %swap3A_2363 = vector.shape_cast %add3A_2357 : vector<16xf32> to vector<1x16xf32>
    tpu.vector_store %arg7[%swap3A_2359, %swap3A_2360], %swap3A_2363 {strides = array<i32>} : memref<12x128xf32, #tpu.memory_space<vmem>>, vector<1x16xf32>,
    %get3A_2364 = arith.constant 42 : i32
    %get3A_2365 = arith.index_cast %get3A_2364 : i32 to index
    %get3A_2366 = arith.constant 16 : index
    %get3A_2367 = tpu.vector_load %arg6[%get3A_2365, %get3A_2366] {strides = array<i32>} : memref<72x128xf32, #tpu.memory_space<vmem>>, vector<1x16xf32>,
    %get3A_2368 = vector.shape_cast %get3A_2367 : vector<1x16xf32> to vector<16xf32>
    %get3A_2369 = arith.constant 43 : i32
    %get3A_2370 = arith.index_cast %get3A_2369 : i32 to index
    %get3A_2371 = arith.constant 16 : index
    %get3A_2372 = tpu.vector_load %arg6[%get3A_2370, %get3A_2371] {strides = array<i32>} : memref<72x128xf32, #tpu.memory_space<vmem>>, vector<1x16xf32>,
    %get3A_2373 = vector.shape_cast %get3A_2372 : vector<1x16xf32> to vector<16xf32>
    %add3A_2374 = arith.addf %get3A_2368, %get3A_2373 : vector<16xf32>
    %get3A_2375 = arith.constant 44 : i32
    %get3A_2376 = arith.index_cast %get3A_2375 : i32 to index
    %get3A_2377 = arith.constant 16 : index
    %get3A_2378 = tpu.vector_load %arg6[%get3A_2376, %get3A_2377] {strides = array<i32>} : memref<72x128xf32, #tpu.memory_space<vmem>>, vector<1x16xf32>,
    %get3A_2379 = vector.shape_cast %get3A_2378 : vector<1x16xf32> to vector<16xf32>
    %add3A_2380 = arith.addf %add3A_2374, %get3A_2379 : vector<16xf32>
    %get3A_2381 = arith.constant 45 : i32
    %get3A_2382 = arith.index_cast %get3A_2381 : i32 to index
    %get3A_2383 = arith.constant 16 : index
    %get3A_2384 = tpu.vector_load %arg6[%get3A_2382, %get3A_2383] {strides = array<i32>} : memref<72x128xf32, #tpu.memory_space<vmem>>, vector<1x16xf32>,
    %get3A_2385 = vector.shape_cast %get3A_2384 : vector<1x16xf32> to vector<16xf32>
    %add3A_2386 = arith.addf %add3A_2380, %get3A_2385 : vector<16xf32>
    %get3A_2387 = arith.constant 46 : i32
    %get3A_2388 = arith.index_cast %get3A_2387 : i32 to index
    %get3A_2389 = arith.constant 16 : index
    %get3A_2390 = tpu.vector_load %arg6[%get3A_2388, %get3A_2389] {strides = array<i32>} : memref<72x128xf32, #tpu.memory_space<vmem>>, vector<1x16xf32>,
    %get3A_2391 = vector.shape_cast %get3A_2390 : vector<1x16xf32> to vector<16xf32>
    %add3A_2392 = arith.addf %add3A_2386, %get3A_2391 : vector<16xf32>
    %get3A_2393 = arith.constant 47 : i32
    %get3A_2394 = arith.index_cast %get3A_2393 : i32 to index
    %get3A_2395 = arith.constant 16 : index
    %get3A_2396 = tpu.vector_load %arg6[%get3A_2394, %get3A_2395] {strides = array<i32>} : memref<72x128xf32, #tpu.memory_space<vmem>>, vector<1x16xf32>,
    %get3A_2397 = vector.shape_cast %get3A_2396 : vector<1x16xf32> to vector<16xf32>
    %add3A_2398 = arith.addf %add3A_2392, %get3A_2397 : vector<16xf32>
    %swap3A_2399 = arith.constant 7 : i32
    %swap3A_2400 = arith.index_cast %swap3A_2399 : i32 to index
    %swap3A_2401 = arith.constant 16 : index
    %swap3A_2402 = tpu.vector_load %arg7[%swap3A_2400, %swap3A_2401] {strides = array<i32>} : memref<12x128xf32, #tpu.memory_space<vmem>>, vector<1x16xf32>,
    %swap3A_2403 = vector.shape_cast %swap3A_2402 : vector<1x16xf32> to vector<16xf32>
    %swap3A_2404 = vector.shape_cast %add3A_2398 : vector<16xf32> to vector<1x16xf32>
    tpu.vector_store %arg7[%swap3A_2400, %swap3A_2401], %swap3A_2404 {strides = array<i32>} : memref<12x128xf32, #tpu.memory_space<vmem>>, vector<1x16xf32>,
    %get3A_2405 = arith.constant 42 : i32
    %get3A_2406 = arith.index_cast %get3A_2405 : i32 to index
    %get3A_2407 = arith.constant 32 : index
    %get3A_2408 = tpu.vector_load %arg6[%get3A_2406, %get3A_2407] {strides = array<i32>} : memref<72x128xf32, #tpu.memory_space<vmem>>, vector<1x16xf32>,
    %get3A_2409 = vector.shape_cast %get3A_2408 : vector<1x16xf32> to vector<16xf32>
    %get3A_2410 = arith.constant 43 : i32
    %get3A_2411 = arith.index_cast %get3A_2410 : i32 to index
    %get3A_2412 = arith.constant 32 : index
    %get3A_2413 = tpu.vector_load %arg6[%get3A_2411, %get3A_2412] {strides = array<i32>} : memref<72x128xf32, #tpu.memory_space<vmem>>, vector<1x16xf32>,
    %get3A_2414 = vector.shape_cast %get3A_2413 : vector<1x16xf32> to vector<16xf32>
    %add3A_2415 = arith.addf %get3A_2409, %get3A_2414 : vector<16xf32>
    %get3A_2416 = arith.constant 44 : i32
    %get3A_2417 = arith.index_cast %get3A_2416 : i32 to index
    %get3A_2418 = arith.constant 32 : index
    %get3A_2419 = tpu.vector_load %arg6[%get3A_2417, %get3A_2418] {strides = array<i32>} : memref<72x128xf32, #tpu.memory_space<vmem>>, vector<1x16xf32>,
    %get3A_2420 = vector.shape_cast %get3A_2419 : vector<1x16xf32> to vector<16xf32>
    %add3A_2421 = arith.addf %add3A_2415, %get3A_2420 : vector<16xf32>
    %get3A_2422 = arith.constant 45 : i32
    %get3A_2423 = arith.index_cast %get3A_2422 : i32 to index
    %get3A_2424 = arith.constant 32 : index
    %get3A_2425 = tpu.vector_load %arg6[%get3A_2423, %get3A_2424] {strides = array<i32>} : memref<72x128xf32, #tpu.memory_space<vmem>>, vector<1x16xf32>,
    %get3A_2426 = vector.shape_cast %get3A_2425 : vector<1x16xf32> to vector<16xf32>
    %add3A_2427 = arith.addf %add3A_2421, %get3A_2426 : vector<16xf32>
    %get3A_2428 = arith.constant 46 : i32
    %get3A_2429 = arith.index_cast %get3A_2428 : i32 to index
    %get3A_2430 = arith.constant 32 : index
    %get3A_2431 = tpu.vector_load %arg6[%get3A_2429, %get3A_2430] {strides = array<i32>} : memref<72x128xf32, #tpu.memory_space<vmem>>, vector<1x16xf32>,
    %get3A_2432 = vector.shape_cast %get3A_2431 : vector<1x16xf32> to vector<16xf32>
    %add3A_2433 = arith.addf %add3A_2427, %get3A_2432 : vector<16xf32>
    %get3A_2434 = arith.constant 47 : i32
    %get3A_2435 = arith.index_cast %get3A_2434 : i32 to index
    %get3A_2436 = arith.constant 32 : index
    %get3A_2437 = tpu.vector_load %arg6[%get3A_2435, %get3A_2436] {strides = array<i32>} : memref<72x128xf32, #tpu.memory_space<vmem>>, vector<1x16xf32>,
    %get3A_2438 = vector.shape_cast %get3A_2437 : vector<1x16xf32> to vector<16xf32>
    %add3A_2439 = arith.addf %add3A_2433, %get3A_2438 : vector<16xf32>
    %swap3A_2440 = arith.constant 7 : i32
    %swap3A_2441 = arith.index_cast %swap3A_2440 : i32 to index
    %swap3A_2442 = arith.constant 32 : index
    %swap3A_2443 = tpu.vector_load %arg7[%swap3A_2441, %swap3A_2442] {strides = array<i32>} : memref<12x128xf32, #tpu.memory_space<vmem>>, vector<1x16xf32>,
    %swap3A_2444 = vector.shape_cast %swap3A_2443 : vector<1x16xf32> to vector<16xf32>
    %swap3A_2445 = vector.shape_cast %add3A_2439 : vector<16xf32> to vector<1x16xf32>
    tpu.vector_store %arg7[%swap3A_2441, %swap3A_2442], %swap3A_2445 {strides = array<i32>} : memref<12x128xf32, #tpu.memory_space<vmem>>, vector<1x16xf32>,
    %get3A_2446 = arith.constant 42 : i32
    %get3A_2447 = arith.index_cast %get3A_2446 : i32 to index
    %get3A_2448 = arith.constant 48 : index
    %get3A_2449 = tpu.vector_load %arg6[%get3A_2447, %get3A_2448] {strides = array<i32>} : memref<72x128xf32, #tpu.memory_space<vmem>>, vector<1x16xf32>,
    %get3A_2450 = vector.shape_cast %get3A_2449 : vector<1x16xf32> to vector<16xf32>
    %get3A_2451 = arith.constant 43 : i32
    %get3A_2452 = arith.index_cast %get3A_2451 : i32 to index
    %get3A_2453 = arith.constant 48 : index
    %get3A_2454 = tpu.vector_load %arg6[%get3A_2452, %get3A_2453] {strides = array<i32>} : memref<72x128xf32, #tpu.memory_space<vmem>>, vector<1x16xf32>,
    %get3A_2455 = vector.shape_cast %get3A_2454 : vector<1x16xf32> to vector<16xf32>
    %add3A_2456 = arith.addf %get3A_2450, %get3A_2455 : vector<16xf32>
    %get3A_2457 = arith.constant 44 : i32
    %get3A_2458 = arith.index_cast %get3A_2457 : i32 to index
    %get3A_2459 = arith.constant 48 : index
    %get3A_2460 = tpu.vector_load %arg6[%get3A_2458, %get3A_2459] {strides = array<i32>} : memref<72x128xf32, #tpu.memory_space<vmem>>, vector<1x16xf32>,
    %get3A_2461 = vector.shape_cast %get3A_2460 : vector<1x16xf32> to vector<16xf32>
    %add3A_2462 = arith.addf %add3A_2456, %get3A_2461 : vector<16xf32>
    %get3A_2463 = arith.constant 45 : i32
    %get3A_2464 = arith.index_cast %get3A_2463 : i32 to index
    %get3A_2465 = arith.constant 48 : index
    %get3A_2466 = tpu.vector_load %arg6[%get3A_2464, %get3A_2465] {strides = array<i32>} : memref<72x128xf32, #tpu.memory_space<vmem>>, vector<1x16xf32>,
    %get3A_2467 = vector.shape_cast %get3A_2466 : vector<1x16xf32> to vector<16xf32>
    %add3A_2468 = arith.addf %add3A_2462, %get3A_2467 : vector<16xf32>
    %get3A_2469 = arith.constant 46 : i32
    %get3A_2470 = arith.index_cast %get3A_2469 : i32 to index
    %get3A_2471 = arith.constant 48 : index
    %get3A_2472 = tpu.vector_load %arg6[%get3A_2470, %get3A_2471] {strides = array<i32>} : memref<72x128xf32, #tpu.memory_space<vmem>>, vector<1x16xf32>,
    %get3A_2473 = vector.shape_cast %get3A_2472 : vector<1x16xf32> to vector<16xf32>
    %add3A_2474 = arith.addf %add3A_2468, %get3A_2473 : vector<16xf32>
    %get3A_2475 = arith.constant 47 : i32
    %get3A_2476 = arith.index_cast %get3A_2475 : i32 to index
    %get3A_2477 = arith.constant 48 : index
    %get3A_2478 = tpu.vector_load %arg6[%get3A_2476, %get3A_2477] {strides = array<i32>} : memref<72x128xf32, #tpu.memory_space<vmem>>, vector<1x16xf32>,
    %get3A_2479 = vector.shape_cast %get3A_2478 : vector<1x16xf32> to vector<16xf32>
    %add3A_2480 = arith.addf %add3A_2474, %get3A_2479 : vector<16xf32>
    %swap3A_2481 = arith.constant 7 : i32
    %swap3A_2482 = arith.index_cast %swap3A_2481 : i32 to index
    %swap3A_2483 = arith.constant 48 : index
    %swap3A_2484 = tpu.vector_load %arg7[%swap3A_2482, %swap3A_2483] {strides = array<i32>} : memref<12x128xf32, #tpu.memory_space<vmem>>, vector<1x16xf32>,
    %swap3A_2485 = vector.shape_cast %swap3A_2484 : vector<1x16xf32> to vector<16xf32>
    %swap3A_2486 = vector.shape_cast %add3A_2480 : vector<16xf32> to vector<1x16xf32>
    tpu.vector_store %arg7[%swap3A_2482, %swap3A_2483], %swap3A_2486 {strides = array<i32>} : memref<12x128xf32, #tpu.memory_space<vmem>>, vector<1x16xf32>,
    %get3A_2487 = arith.constant 42 : i32
    %get3A_2488 = arith.index_cast %get3A_2487 : i32 to index
    %get3A_2489 = arith.constant 64 : index
    %get3A_2490 = tpu.vector_load %arg6[%get3A_2488, %get3A_2489] {strides = array<i32>} : memref<72x128xf32, #tpu.memory_space<vmem>>, vector<1x16xf32>,
    %get3A_2491 = vector.shape_cast %get3A_2490 : vector<1x16xf32> to vector<16xf32>
    %get3A_2492 = arith.constant 43 : i32
    %get3A_2493 = arith.index_cast %get3A_2492 : i32 to index
    %get3A_2494 = arith.constant 64 : index
    %get3A_2495 = tpu.vector_load %arg6[%get3A_2493, %get3A_2494] {strides = array<i32>} : memref<72x128xf32, #tpu.memory_space<vmem>>, vector<1x16xf32>,
    %get3A_2496 = vector.shape_cast %get3A_2495 : vector<1x16xf32> to vector<16xf32>
    %add3A_2497 = arith.addf %get3A_2491, %get3A_2496 : vector<16xf32>
    %get3A_2498 = arith.constant 44 : i32
    %get3A_2499 = arith.index_cast %get3A_2498 : i32 to index
    %get3A_2500 = arith.constant 64 : index
    %get3A_2501 = tpu.vector_load %arg6[%get3A_2499, %get3A_2500] {strides = array<i32>} : memref<72x128xf32, #tpu.memory_space<vmem>>, vector<1x16xf32>,
    %get3A_2502 = vector.shape_cast %get3A_2501 : vector<1x16xf32> to vector<16xf32>
    %add3A_2503 = arith.addf %add3A_2497, %get3A_2502 : vector<16xf32>
    %get3A_2504 = arith.constant 45 : i32
    %get3A_2505 = arith.index_cast %get3A_2504 : i32 to index
    %get3A_2506 = arith.constant 64 : index
    %get3A_2507 = tpu.vector_load %arg6[%get3A_2505, %get3A_2506] {strides = array<i32>} : memref<72x128xf32, #tpu.memory_space<vmem>>, vector<1x16xf32>,
    %get3A_2508 = vector.shape_cast %get3A_2507 : vector<1x16xf32> to vector<16xf32>
    %add3A_2509 = arith.addf %add3A_2503, %get3A_2508 : vector<16xf32>
    %get3A_2510 = arith.constant 46 : i32
    %get3A_2511 = arith.index_cast %get3A_2510 : i32 to index
    %get3A_2512 = arith.constant 64 : index
    %get3A_2513 = tpu.vector_load %arg6[%get3A_2511, %get3A_2512] {strides = array<i32>} : memref<72x128xf32, #tpu.memory_space<vmem>>, vector<1x16xf32>,
    %get3A_2514 = vector.shape_cast %get3A_2513 : vector<1x16xf32> to vector<16xf32>
    %add3A_2515 = arith.addf %add3A_2509, %get3A_2514 : vector<16xf32>
    %get3A_2516 = arith.constant 47 : i32
    %get3A_2517 = arith.index_cast %get3A_2516 : i32 to index
    %get3A_2518 = arith.constant 64 : index
    %get3A_2519 = tpu.vector_load %arg6[%get3A_2517, %get3A_2518] {strides = array<i32>} : memref<72x128xf32, #tpu.memory_space<vmem>>, vector<1x16xf32>,
    %get3A_2520 = vector.shape_cast %get3A_2519 : vector<1x16xf32> to vector<16xf32>
    %add3A_2521 = arith.addf %add3A_2515, %get3A_2520 : vector<16xf32>
    %swap3A_2522 = arith.constant 7 : i32
    %swap3A_2523 = arith.index_cast %swap3A_2522 : i32 to index
    %swap3A_2524 = arith.constant 64 : index
    %swap3A_2525 = tpu.vector_load %arg7[%swap3A_2523, %swap3A_2524] {strides = array<i32>} : memref<12x128xf32, #tpu.memory_space<vmem>>, vector<1x16xf32>,
    %swap3A_2526 = vector.shape_cast %swap3A_2525 : vector<1x16xf32> to vector<16xf32>
    %swap3A_2527 = vector.shape_cast %add3A_2521 : vector<16xf32> to vector<1x16xf32>
    tpu.vector_store %arg7[%swap3A_2523, %swap3A_2524], %swap3A_2527 {strides = array<i32>} : memref<12x128xf32, #tpu.memory_space<vmem>>, vector<1x16xf32>,
    %get3A_2528 = arith.constant 42 : i32
    %get3A_2529 = arith.index_cast %get3A_2528 : i32 to index
    %get3A_2530 = arith.constant 80 : index
    %get3A_2531 = tpu.vector_load %arg6[%get3A_2529, %get3A_2530] {strides = array<i32>} : memref<72x128xf32, #tpu.memory_space<vmem>>, vector<1x16xf32>,
    %get3A_2532 = vector.shape_cast %get3A_2531 : vector<1x16xf32> to vector<16xf32>
    %get3A_2533 = arith.constant 43 : i32
    %get3A_2534 = arith.index_cast %get3A_2533 : i32 to index
    %get3A_2535 = arith.constant 80 : index
    %get3A_2536 = tpu.vector_load %arg6[%get3A_2534, %get3A_2535] {strides = array<i32>} : memref<72x128xf32, #tpu.memory_space<vmem>>, vector<1x16xf32>,
    %get3A_2537 = vector.shape_cast %get3A_2536 : vector<1x16xf32> to vector<16xf32>
    %add3A_2538 = arith.addf %get3A_2532, %get3A_2537 : vector<16xf32>
    %get3A_2539 = arith.constant 44 : i32
    %get3A_2540 = arith.index_cast %get3A_2539 : i32 to index
    %get3A_2541 = arith.constant 80 : index
    %get3A_2542 = tpu.vector_load %arg6[%get3A_2540, %get3A_2541] {strides = array<i32>} : memref<72x128xf32, #tpu.memory_space<vmem>>, vector<1x16xf32>,
    %get3A_2543 = vector.shape_cast %get3A_2542 : vector<1x16xf32> to vector<16xf32>
    %add3A_2544 = arith.addf %add3A_2538, %get3A_2543 : vector<16xf32>
    %get3A_2545 = arith.constant 45 : i32
    %get3A_2546 = arith.index_cast %get3A_2545 : i32 to index
    %get3A_2547 = arith.constant 80 : index
    %get3A_2548 = tpu.vector_load %arg6[%get3A_2546, %get3A_2547] {strides = array<i32>} : memref<72x128xf32, #tpu.memory_space<vmem>>, vector<1x16xf32>,
    %get3A_2549 = vector.shape_cast %get3A_2548 : vector<1x16xf32> to vector<16xf32>
    %add3A_2550 = arith.addf %add3A_2544, %get3A_2549 : vector<16xf32>
    %get3A_2551 = arith.constant 46 : i32
    %get3A_2552 = arith.index_cast %get3A_2551 : i32 to index
    %get3A_2553 = arith.constant 80 : index
    %get3A_2554 = tpu.vector_load %arg6[%get3A_2552, %get3A_2553] {strides = array<i32>} : memref<72x128xf32, #tpu.memory_space<vmem>>, vector<1x16xf32>,
    %get3A_2555 = vector.shape_cast %get3A_2554 : vector<1x16xf32> to vector<16xf32>
    %add3A_2556 = arith.addf %add3A_2550, %get3A_2555 : vector<16xf32>
    %get3A_2557 = arith.constant 47 : i32
    %get3A_2558 = arith.index_cast %get3A_2557 : i32 to index
    %get3A_2559 = arith.constant 80 : index
    %get3A_2560 = tpu.vector_load %arg6[%get3A_2558, %get3A_2559] {strides = array<i32>} : memref<72x128xf32, #tpu.memory_space<vmem>>, vector<1x16xf32>,
    %get3A_2561 = vector.shape_cast %get3A_2560 : vector<1x16xf32> to vector<16xf32>
    %add3A_2562 = arith.addf %add3A_2556, %get3A_2561 : vector<16xf32>
    %swap3A_2563 = arith.constant 7 : i32
    %swap3A_2564 = arith.index_cast %swap3A_2563 : i32 to index
    %swap3A_2565 = arith.constant 80 : index
    %swap3A_2566 = tpu.vector_load %arg7[%swap3A_2564, %swap3A_2565] {strides = array<i32>} : memref<12x128xf32, #tpu.memory_space<vmem>>, vector<1x16xf32>,
    %swap3A_2567 = vector.shape_cast %swap3A_2566 : vector<1x16xf32> to vector<16xf32>
    %swap3A_2568 = vector.shape_cast %add3A_2562 : vector<16xf32> to vector<1x16xf32>
    tpu.vector_store %arg7[%swap3A_2564, %swap3A_2565], %swap3A_2568 {strides = array<i32>} : memref<12x128xf32, #tpu.memory_space<vmem>>, vector<1x16xf32>,
    %get3A_2569 = arith.constant 42 : i32
    %get3A_2570 = arith.index_cast %get3A_2569 : i32 to index
    %get3A_2571 = arith.constant 96 : index
    %get3A_2572 = tpu.vector_load %arg6[%get3A_2570, %get3A_2571] {strides = array<i32>} : memref<72x128xf32, #tpu.memory_space<vmem>>, vector<1x16xf32>,
    %get3A_2573 = vector.shape_cast %get3A_2572 : vector<1x16xf32> to vector<16xf32>
    %get3A_2574 = arith.constant 43 : i32
    %get3A_2575 = arith.index_cast %get3A_2574 : i32 to index
    %get3A_2576 = arith.constant 96 : index
    %get3A_2577 = tpu.vector_load %arg6[%get3A_2575, %get3A_2576] {strides = array<i32>} : memref<72x128xf32, #tpu.memory_space<vmem>>, vector<1x16xf32>,
    %get3A_2578 = vector.shape_cast %get3A_2577 : vector<1x16xf32> to vector<16xf32>
    %add3A_2579 = arith.addf %get3A_2573, %get3A_2578 : vector<16xf32>
    %get3A_2580 = arith.constant 44 : i32
    %get3A_2581 = arith.index_cast %get3A_2580 : i32 to index
    %get3A_2582 = arith.constant 96 : index
    %get3A_2583 = tpu.vector_load %arg6[%get3A_2581, %get3A_2582] {strides = array<i32>} : memref<72x128xf32, #tpu.memory_space<vmem>>, vector<1x16xf32>,
    %get3A_2584 = vector.shape_cast %get3A_2583 : vector<1x16xf32> to vector<16xf32>
    %add3A_2585 = arith.addf %add3A_2579, %get3A_2584 : vector<16xf32>
    %get3A_2586 = arith.constant 45 : i32
    %get3A_2587 = arith.index_cast %get3A_2586 : i32 to index
    %get3A_2588 = arith.constant 96 : index
    %get3A_2589 = tpu.vector_load %arg6[%get3A_2587, %get3A_2588] {strides = array<i32>} : memref<72x128xf32, #tpu.memory_space<vmem>>, vector<1x16xf32>,
    %get3A_2590 = vector.shape_cast %get3A_2589 : vector<1x16xf32> to vector<16xf32>
    %add3A_2591 = arith.addf %add3A_2585, %get3A_2590 : vector<16xf32>
    %get3A_2592 = arith.constant 46 : i32
    %get3A_2593 = arith.index_cast %get3A_2592 : i32 to index
    %get3A_2594 = arith.constant 96 : index
    %get3A_2595 = tpu.vector_load %arg6[%get3A_2593, %get3A_2594] {strides = array<i32>} : memref<72x128xf32, #tpu.memory_space<vmem>>, vector<1x16xf32>,
    %get3A_2596 = vector.shape_cast %get3A_2595 : vector<1x16xf32> to vector<16xf32>
    %add3A_2597 = arith.addf %add3A_2591, %get3A_2596 : vector<16xf32>
    %get3A_2598 = arith.constant 47 : i32
    %get3A_2599 = arith.index_cast %get3A_2598 : i32 to index
    %get3A_2600 = arith.constant 96 : index
    %get3A_2601 = tpu.vector_load %arg6[%get3A_2599, %get3A_2600] {strides = array<i32>} : memref<72x128xf32, #tpu.memory_space<vmem>>, vector<1x16xf32>,
    %get3A_2602 = vector.shape_cast %get3A_2601 : vector<1x16xf32> to vector<16xf32>
    %add3A_2603 = arith.addf %add3A_2597, %get3A_2602 : vector<16xf32>
    %swap3A_2604 = arith.constant 7 : i32
    %swap3A_2605 = arith.index_cast %swap3A_2604 : i32 to index
    %swap3A_2606 = arith.constant 96 : index
    %swap3A_2607 = tpu.vector_load %arg7[%swap3A_2605, %swap3A_2606] {strides = array<i32>} : memref<12x128xf32, #tpu.memory_space<vmem>>, vector<1x16xf32>,
    %swap3A_2608 = vector.shape_cast %swap3A_2607 : vector<1x16xf32> to vector<16xf32>
    %swap3A_2609 = vector.shape_cast %add3A_2603 : vector<16xf32> to vector<1x16xf32>
    tpu.vector_store %arg7[%swap3A_2605, %swap3A_2606], %swap3A_2609 {strides = array<i32>} : memref<12x128xf32, #tpu.memory_space<vmem>>, vector<1x16xf32>,
    %get3A_2610 = arith.constant 42 : i32
    %get3A_2611 = arith.index_cast %get3A_2610 : i32 to index
    %get3A_2612 = arith.constant 112 : index
    %get3A_2613 = tpu.vector_load %arg6[%get3A_2611, %get3A_2612] {strides = array<i32>} : memref<72x128xf32, #tpu.memory_space<vmem>>, vector<1x16xf32>,
    %get3A_2614 = vector.shape_cast %get3A_2613 : vector<1x16xf32> to vector<16xf32>
    %get3A_2615 = arith.constant 43 : i32
    %get3A_2616 = arith.index_cast %get3A_2615 : i32 to index
    %get3A_2617 = arith.constant 112 : index
    %get3A_2618 = tpu.vector_load %arg6[%get3A_2616, %get3A_2617] {strides = array<i32>} : memref<72x128xf32, #tpu.memory_space<vmem>>, vector<1x16xf32>,
    %get3A_2619 = vector.shape_cast %get3A_2618 : vector<1x16xf32> to vector<16xf32>
    %add3A_2620 = arith.addf %get3A_2614, %get3A_2619 : vector<16xf32>
    %get3A_2621 = arith.constant 44 : i32
    %get3A_2622 = arith.index_cast %get3A_2621 : i32 to index
    %get3A_2623 = arith.constant 112 : index
    %get3A_2624 = tpu.vector_load %arg6[%get3A_2622, %get3A_2623] {strides = array<i32>} : memref<72x128xf32, #tpu.memory_space<vmem>>, vector<1x16xf32>,
    %get3A_2625 = vector.shape_cast %get3A_2624 : vector<1x16xf32> to vector<16xf32>
    %add3A_2626 = arith.addf %add3A_2620, %get3A_2625 : vector<16xf32>
    %get3A_2627 = arith.constant 45 : i32
    %get3A_2628 = arith.index_cast %get3A_2627 : i32 to index
    %get3A_2629 = arith.constant 112 : index
    %get3A_2630 = tpu.vector_load %arg6[%get3A_2628, %get3A_2629] {strides = array<i32>} : memref<72x128xf32, #tpu.memory_space<vmem>>, vector<1x16xf32>,
    %get3A_2631 = vector.shape_cast %get3A_2630 : vector<1x16xf32> to vector<16xf32>
    %add3A_2632 = arith.addf %add3A_2626, %get3A_2631 : vector<16xf32>
    %get3A_2633 = arith.constant 46 : i32
    %get3A_2634 = arith.index_cast %get3A_2633 : i32 to index
    %get3A_2635 = arith.constant 112 : index
    %get3A_2636 = tpu.vector_load %arg6[%get3A_2634, %get3A_2635] {strides = array<i32>} : memref<72x128xf32, #tpu.memory_space<vmem>>, vector<1x16xf32>,
    %get3A_2637 = vector.shape_cast %get3A_2636 : vector<1x16xf32> to vector<16xf32>
    %add3A_2638 = arith.addf %add3A_2632, %get3A_2637 : vector<16xf32>
    %get3A_2639 = arith.constant 47 : i32
    %get3A_2640 = arith.index_cast %get3A_2639 : i32 to index
    %get3A_2641 = arith.constant 112 : index
    %get3A_2642 = tpu.vector_load %arg6[%get3A_2640, %get3A_2641] {strides = array<i32>} : memref<72x128xf32, #tpu.memory_space<vmem>>, vector<1x16xf32>,
    %get3A_2643 = vector.shape_cast %get3A_2642 : vector<1x16xf32> to vector<16xf32>
    %add3A_2644 = arith.addf %add3A_2638, %get3A_2643 : vector<16xf32>
    %swap3A_2645 = arith.constant 7 : i32
    %swap3A_2646 = arith.index_cast %swap3A_2645 : i32 to index
    %swap3A_2647 = arith.constant 112 : index
    %swap3A_2648 = tpu.vector_load %arg7[%swap3A_2646, %swap3A_2647] {strides = array<i32>} : memref<12x128xf32, #tpu.memory_space<vmem>>, vector<1x16xf32>,
    %swap3A_2649 = vector.shape_cast %swap3A_2648 : vector<1x16xf32> to vector<16xf32>
    %swap3A_2650 = vector.shape_cast %add3A_2644 : vector<16xf32> to vector<1x16xf32>
    tpu.vector_store %arg7[%swap3A_2646, %swap3A_2647], %swap3A_2650 {strides = array<i32>} : memref<12x128xf32, #tpu.memory_space<vmem>>, vector<1x16xf32>,
    %dma_start3A_2651 = arith.constant 0 : i32
    %dma_start3A_2652 = arith.constant 0 : i32
    %dma_start3A_2653 = tpu.memref_slice %arg7[%dma_start3A_2651, %dma_start3A_2652] : memref<12x128xf32, #tpu.memory_space<vmem>> -> memref<8x128xf32, #tpu.memory_space<vmem>>
    %dma_start3A_2654 = arith.constant 0 : i32
    %dma_start3A_2655 = arith.constant 0 : i32
    %dma_start3A_2656 = tpu.memref_slice %arg4[%add3A, %dma_start3A_2654, %dma_start3A_2655] : memref<32x12x128xf32, #tpu.memory_space<hbm>> -> memref<1x8x128xf32, #tpu.memory_space<hbm>>
    %dma_start3A_2657 = tpu.memref_squeeze %dma_start3A_2656 : memref<1x8x128xf32, #tpu.memory_space<hbm>> -> memref<8x128xf32, #tpu.memory_space<hbm>>
    %dma_start3A_2658 = arith.constant 0 : i32
    %dma_start3A_2659 = arith.constant 0 : i32
    %dma_start3A_2660 = tpu.memref_slice %arg4[%add3A, %dma_start3A_2658, %dma_start3A_2659] : memref<32x12x128xf32, #tpu.memory_space<hbm>> -> memref<1x8x128xf32, #tpu.memory_space<hbm>>
    %dma_start3A_2661 = tpu.memref_squeeze %dma_start3A_2660 : memref<1x8x128xf32, #tpu.memory_space<hbm>> -> memref<8x128xf32, #tpu.memory_space<hbm>>
    %dma_start3A_2662 = arith.constant 0 : i32
    %dma_start3A_2663 = arith.constant 0 : i32
    %dma_start3A_2664 = tpu.memref_slice %arg7[%dma_start3A_2662, %dma_start3A_2663] : memref<12x128xf32, #tpu.memory_space<vmem>> -> memref<8x128xf32, #tpu.memory_space<vmem>>
    tpu.enqueue_dma source(%dma_start3A_2664 : memref<8x128xf32, #tpu.memory_space<vmem>>) target(%dma_start3A_2661 : memref<8x128xf32, #tpu.memory_space<hbm>>) target_semaphore(%arg8 : memref<!tpu.dma_semaphore, #tpu.memory_space<semaphore_mem>>)
    %dma_wait3A_2665 = arith.constant 0 : i32
    %dma_wait3A_2666 = arith.constant 48 : i32
    %dma_wait3A_2667 = arith.constant 0 : i32
    %dma_wait3A_2668 = tpu.memref_slice %arg6[%dma_wait3A_2666, %dma_wait3A_2667] : memref<72x128xf32, #tpu.memory_space<vmem>> -> memref<24x128xf32, #tpu.memory_space<vmem>>
    %dma_wait3A_2669 = arith.constant 48 : i32
    %dma_wait3A_2670 = tpu.memref_slice %arg5[%dma_wait3A_2665, %dma_wait3A_2669] : memref<1x128xi32, #tpu.memory_space<vmem>> -> memref<1x24xi32, #tpu.memory_space<vmem>>
    %dma_wait3A_2671 = tpu.memref_squeeze %dma_wait3A_2670 : memref<1x24xi32, #tpu.memory_space<vmem>> -> memref<24xi32, #tpu.memory_space<vmem>>
    %dma_wait3A_2672 = arith.constant 0 : i32
    %dma_wait3A_2673 = arith.constant 0 : i32
    %dma_wait3A_2674 = tpu.memref_slice %arg2[%dma_wait3A_2672, %dma_wait3A_2673] : memref<600x128xf32, #tpu.memory_space<hbm>> -> memref<600x128xf32, #tpu.memory_space<hbm>>
    tpu.wait_indirect_dma semaphore(%arg9 : memref<!tpu.dma_semaphore, #tpu.memory_space<semaphore_mem>>) src(%dma_wait3A_2674 : memref<600x128xf32, #tpu.memory_space<hbm>>) dst(%dma_wait3A_2668 : memref<24x128xf32, #tpu.memory_space<vmem>>)
    %get3A_2675 = arith.constant 48 : i32
    %get3A_2676 = arith.index_cast %get3A_2675 : i32 to index
    %get3A_2677 = arith.constant 0 : index
    %get3A_2678 = tpu.vector_load %arg6[%get3A_2676, %get3A_2677] {strides = array<i32>} : memref<72x128xf32, #tpu.memory_space<vmem>>, vector<1x16xf32>,
    %get3A_2679 = vector.shape_cast %get3A_2678 : vector<1x16xf32> to vector<16xf32>
    %get3A_2680 = arith.constant 49 : i32
    %get3A_2681 = arith.index_cast %get3A_2680 : i32 to index
    %get3A_2682 = arith.constant 0 : index
    %get3A_2683 = tpu.vector_load %arg6[%get3A_2681, %get3A_2682] {strides = array<i32>} : memref<72x128xf32, #tpu.memory_space<vmem>>, vector<1x16xf32>,
    %get3A_2684 = vector.shape_cast %get3A_2683 : vector<1x16xf32> to vector<16xf32>
    %add3A_2685 = arith.addf %get3A_2679, %get3A_2684 : vector<16xf32>
    %get3A_2686 = arith.constant 50 : i32
    %get3A_2687 = arith.index_cast %get3A_2686 : i32 to index
    %get3A_2688 = arith.constant 0 : index
    %get3A_2689 = tpu.vector_load %arg6[%get3A_2687, %get3A_2688] {strides = array<i32>} : memref<72x128xf32, #tpu.memory_space<vmem>>, vector<1x16xf32>,
    %get3A_2690 = vector.shape_cast %get3A_2689 : vector<1x16xf32> to vector<16xf32>
    %add3A_2691 = arith.addf %add3A_2685, %get3A_2690 : vector<16xf32>
    %get3A_2692 = arith.constant 51 : i32
    %get3A_2693 = arith.index_cast %get3A_2692 : i32 to index
    %get3A_2694 = arith.constant 0 : index
    %get3A_2695 = tpu.vector_load %arg6[%get3A_2693, %get3A_2694] {strides = array<i32>} : memref<72x128xf32, #tpu.memory_space<vmem>>, vector<1x16xf32>,
    %get3A_2696 = vector.shape_cast %get3A_2695 : vector<1x16xf32> to vector<16xf32>
    %add3A_2697 = arith.addf %add3A_2691, %get3A_2696 : vector<16xf32>
    %get3A_2698 = arith.constant 52 : i32
    %get3A_2699 = arith.index_cast %get3A_2698 : i32 to index
    %get3A_2700 = arith.constant 0 : index
    %get3A_2701 = tpu.vector_load %arg6[%get3A_2699, %get3A_2700] {strides = array<i32>} : memref<72x128xf32, #tpu.memory_space<vmem>>, vector<1x16xf32>,
    %get3A_2702 = vector.shape_cast %get3A_2701 : vector<1x16xf32> to vector<16xf32>
    %add3A_2703 = arith.addf %add3A_2697, %get3A_2702 : vector<16xf32>
    %get3A_2704 = arith.constant 53 : i32
    %get3A_2705 = arith.index_cast %get3A_2704 : i32 to index
    %get3A_2706 = arith.constant 0 : index
    %get3A_2707 = tpu.vector_load %arg6[%get3A_2705, %get3A_2706] {strides = array<i32>} : memref<72x128xf32, #tpu.memory_space<vmem>>, vector<1x16xf32>,
    %get3A_2708 = vector.shape_cast %get3A_2707 : vector<1x16xf32> to vector<16xf32>
    %add3A_2709 = arith.addf %add3A_2703, %get3A_2708 : vector<16xf32>
    %swap3A_2710 = arith.constant 8 : i32
    %swap3A_2711 = arith.index_cast %swap3A_2710 : i32 to index
    %swap3A_2712 = arith.constant 0 : index
    %swap3A_2713 = tpu.vector_load %arg7[%swap3A_2711, %swap3A_2712] {strides = array<i32>} : memref<12x128xf32, #tpu.memory_space<vmem>>, vector<1x16xf32>,
    %swap3A_2714 = vector.shape_cast %swap3A_2713 : vector<1x16xf32> to vector<16xf32>
    %swap3A_2715 = vector.shape_cast %add3A_2709 : vector<16xf32> to vector<1x16xf32>
    tpu.vector_store %arg7[%swap3A_2711, %swap3A_2712], %swap3A_2715 {strides = array<i32>} : memref<12x128xf32, #tpu.memory_space<vmem>>, vector<1x16xf32>,
    %get3A_2716 = arith.constant 48 : i32
    %get3A_2717 = arith.index_cast %get3A_2716 : i32 to index
    %get3A_2718 = arith.constant 16 : index
    %get3A_2719 = tpu.vector_load %arg6[%get3A_2717, %get3A_2718] {strides = array<i32>} : memref<72x128xf32, #tpu.memory_space<vmem>>, vector<1x16xf32>,
    %get3A_2720 = vector.shape_cast %get3A_2719 : vector<1x16xf32> to vector<16xf32>
    %get3A_2721 = arith.constant 49 : i32
    %get3A_2722 = arith.index_cast %get3A_2721 : i32 to index
    %get3A_2723 = arith.constant 16 : index
    %get3A_2724 = tpu.vector_load %arg6[%get3A_2722, %get3A_2723] {strides = array<i32>} : memref<72x128xf32, #tpu.memory_space<vmem>>, vector<1x16xf32>,
    %get3A_2725 = vector.shape_cast %get3A_2724 : vector<1x16xf32> to vector<16xf32>
    %add3A_2726 = arith.addf %get3A_2720, %get3A_2725 : vector<16xf32>
    %get3A_2727 = arith.constant 50 : i32
    %get3A_2728 = arith.index_cast %get3A_2727 : i32 to index
    %get3A_2729 = arith.constant 16 : index
    %get3A_2730 = tpu.vector_load %arg6[%get3A_2728, %get3A_2729] {strides = array<i32>} : memref<72x128xf32, #tpu.memory_space<vmem>>, vector<1x16xf32>,
    %get3A_2731 = vector.shape_cast %get3A_2730 : vector<1x16xf32> to vector<16xf32>
    %add3A_2732 = arith.addf %add3A_2726, %get3A_2731 : vector<16xf32>
    %get3A_2733 = arith.constant 51 : i32
    %get3A_2734 = arith.index_cast %get3A_2733 : i32 to index
    %get3A_2735 = arith.constant 16 : index
    %get3A_2736 = tpu.vector_load %arg6[%get3A_2734, %get3A_2735] {strides = array<i32>} : memref<72x128xf32, #tpu.memory_space<vmem>>, vector<1x16xf32>,
    %get3A_2737 = vector.shape_cast %get3A_2736 : vector<1x16xf32> to vector<16xf32>
    %add3A_2738 = arith.addf %add3A_2732, %get3A_2737 : vector<16xf32>
    %get3A_2739 = arith.constant 52 : i32
    %get3A_2740 = arith.index_cast %get3A_2739 : i32 to index
    %get3A_2741 = arith.constant 16 : index
    %get3A_2742 = tpu.vector_load %arg6[%get3A_2740, %get3A_2741] {strides = array<i32>} : memref<72x128xf32, #tpu.memory_space<vmem>>, vector<1x16xf32>,
    %get3A_2743 = vector.shape_cast %get3A_2742 : vector<1x16xf32> to vector<16xf32>
    %add3A_2744 = arith.addf %add3A_2738, %get3A_2743 : vector<16xf32>
    %get3A_2745 = arith.constant 53 : i32
    %get3A_2746 = arith.index_cast %get3A_2745 : i32 to index
    %get3A_2747 = arith.constant 16 : index
    %get3A_2748 = tpu.vector_load %arg6[%get3A_2746, %get3A_2747] {strides = array<i32>} : memref<72x128xf32, #tpu.memory_space<vmem>>, vector<1x16xf32>,
    %get3A_2749 = vector.shape_cast %get3A_2748 : vector<1x16xf32> to vector<16xf32>
    %add3A_2750 = arith.addf %add3A_2744, %get3A_2749 : vector<16xf32>
    %swap3A_2751 = arith.constant 8 : i32
    %swap3A_2752 = arith.index_cast %swap3A_2751 : i32 to index
    %swap3A_2753 = arith.constant 16 : index
    %swap3A_2754 = tpu.vector_load %arg7[%swap3A_2752, %swap3A_2753] {strides = array<i32>} : memref<12x128xf32, #tpu.memory_space<vmem>>, vector<1x16xf32>,
    %swap3A_2755 = vector.shape_cast %swap3A_2754 : vector<1x16xf32> to vector<16xf32>
    %swap3A_2756 = vector.shape_cast %add3A_2750 : vector<16xf32> to vector<1x16xf32>
    tpu.vector_store %arg7[%swap3A_2752, %swap3A_2753], %swap3A_2756 {strides = array<i32>} : memref<12x128xf32, #tpu.memory_space<vmem>>, vector<1x16xf32>,
    %get3A_2757 = arith.constant 48 : i32
    %get3A_2758 = arith.index_cast %get3A_2757 : i32 to index
    %get3A_2759 = arith.constant 32 : index
    %get3A_2760 = tpu.vector_load %arg6[%get3A_2758, %get3A_2759] {strides = array<i32>} : memref<72x128xf32, #tpu.memory_space<vmem>>, vector<1x16xf32>,
    %get3A_2761 = vector.shape_cast %get3A_2760 : vector<1x16xf32> to vector<16xf32>
    %get3A_2762 = arith.constant 49 : i32
    %get3A_2763 = arith.index_cast %get3A_2762 : i32 to index
    %get3A_2764 = arith.constant 32 : index
    %get3A_2765 = tpu.vector_load %arg6[%get3A_2763, %get3A_2764] {strides = array<i32>} : memref<72x128xf32, #tpu.memory_space<vmem>>, vector<1x16xf32>,
    %get3A_2766 = vector.shape_cast %get3A_2765 : vector<1x16xf32> to vector<16xf32>
    %add3A_2767 = arith.addf %get3A_2761, %get3A_2766 : vector<16xf32>
    %get3A_2768 = arith.constant 50 : i32
    %get3A_2769 = arith.index_cast %get3A_2768 : i32 to index
    %get3A_2770 = arith.constant 32 : index
    %get3A_2771 = tpu.vector_load %arg6[%get3A_2769, %get3A_2770] {strides = array<i32>} : memref<72x128xf32, #tpu.memory_space<vmem>>, vector<1x16xf32>,
    %get3A_2772 = vector.shape_cast %get3A_2771 : vector<1x16xf32> to vector<16xf32>
    %add3A_2773 = arith.addf %add3A_2767, %get3A_2772 : vector<16xf32>
    %get3A_2774 = arith.constant 51 : i32
    %get3A_2775 = arith.index_cast %get3A_2774 : i32 to index
    %get3A_2776 = arith.constant 32 : index
    %get3A_2777 = tpu.vector_load %arg6[%get3A_2775, %get3A_2776] {strides = array<i32>} : memref<72x128xf32, #tpu.memory_space<vmem>>, vector<1x16xf32>,
    %get3A_2778 = vector.shape_cast %get3A_2777 : vector<1x16xf32> to vector<16xf32>
    %add3A_2779 = arith.addf %add3A_2773, %get3A_2778 : vector<16xf32>
    %get3A_2780 = arith.constant 52 : i32
    %get3A_2781 = arith.index_cast %get3A_2780 : i32 to index
    %get3A_2782 = arith.constant 32 : index
    %get3A_2783 = tpu.vector_load %arg6[%get3A_2781, %get3A_2782] {strides = array<i32>} : memref<72x128xf32, #tpu.memory_space<vmem>>, vector<1x16xf32>,
    %get3A_2784 = vector.shape_cast %get3A_2783 : vector<1x16xf32> to vector<16xf32>
    %add3A_2785 = arith.addf %add3A_2779, %get3A_2784 : vector<16xf32>
    %get3A_2786 = arith.constant 53 : i32
    %get3A_2787 = arith.index_cast %get3A_2786 : i32 to index
    %get3A_2788 = arith.constant 32 : index
    %get3A_2789 = tpu.vector_load %arg6[%get3A_2787, %get3A_2788] {strides = array<i32>} : memref<72x128xf32, #tpu.memory_space<vmem>>, vector<1x16xf32>,
    %get3A_2790 = vector.shape_cast %get3A_2789 : vector<1x16xf32> to vector<16xf32>
    %add3A_2791 = arith.addf %add3A_2785, %get3A_2790 : vector<16xf32>
    %swap3A_2792 = arith.constant 8 : i32
    %swap3A_2793 = arith.index_cast %swap3A_2792 : i32 to index
    %swap3A_2794 = arith.constant 32 : index
    %swap3A_2795 = tpu.vector_load %arg7[%swap3A_2793, %swap3A_2794] {strides = array<i32>} : memref<12x128xf32, #tpu.memory_space<vmem>>, vector<1x16xf32>,
    %swap3A_2796 = vector.shape_cast %swap3A_2795 : vector<1x16xf32> to vector<16xf32>
    %swap3A_2797 = vector.shape_cast %add3A_2791 : vector<16xf32> to vector<1x16xf32>
    tpu.vector_store %arg7[%swap3A_2793, %swap3A_2794], %swap3A_2797 {strides = array<i32>} : memref<12x128xf32, #tpu.memory_space<vmem>>, vector<1x16xf32>,
    %get3A_2798 = arith.constant 48 : i32
    %get3A_2799 = arith.index_cast %get3A_2798 : i32 to index
    %get3A_2800 = arith.constant 48 : index
    %get3A_2801 = tpu.vector_load %arg6[%get3A_2799, %get3A_2800] {strides = array<i32>} : memref<72x128xf32, #tpu.memory_space<vmem>>, vector<1x16xf32>,
    %get3A_2802 = vector.shape_cast %get3A_2801 : vector<1x16xf32> to vector<16xf32>
    %get3A_2803 = arith.constant 49 : i32
    %get3A_2804 = arith.index_cast %get3A_2803 : i32 to index
    %get3A_2805 = arith.constant 48 : index
    %get3A_2806 = tpu.vector_load %arg6[%get3A_2804, %get3A_2805] {strides = array<i32>} : memref<72x128xf32, #tpu.memory_space<vmem>>, vector<1x16xf32>,
    %get3A_2807 = vector.shape_cast %get3A_2806 : vector<1x16xf32> to vector<16xf32>
    %add3A_2808 = arith.addf %get3A_2802, %get3A_2807 : vector<16xf32>
    %get3A_2809 = arith.constant 50 : i32
    %get3A_2810 = arith.index_cast %get3A_2809 : i32 to index
    %get3A_2811 = arith.constant 48 : index
    %get3A_2812 = tpu.vector_load %arg6[%get3A_2810, %get3A_2811] {strides = array<i32>} : memref<72x128xf32, #tpu.memory_space<vmem>>, vector<1x16xf32>,
    %get3A_2813 = vector.shape_cast %get3A_2812 : vector<1x16xf32> to vector<16xf32>
    %add3A_2814 = arith.addf %add3A_2808, %get3A_2813 : vector<16xf32>
    %get3A_2815 = arith.constant 51 : i32
    %get3A_2816 = arith.index_cast %get3A_2815 : i32 to index
    %get3A_2817 = arith.constant 48 : index
    %get3A_2818 = tpu.vector_load %arg6[%get3A_2816, %get3A_2817] {strides = array<i32>} : memref<72x128xf32, #tpu.memory_space<vmem>>, vector<1x16xf32>,
    %get3A_2819 = vector.shape_cast %get3A_2818 : vector<1x16xf32> to vector<16xf32>
    %add3A_2820 = arith.addf %add3A_2814, %get3A_2819 : vector<16xf32>
    %get3A_2821 = arith.constant 52 : i32
    %get3A_2822 = arith.index_cast %get3A_2821 : i32 to index
    %get3A_2823 = arith.constant 48 : index
    %get3A_2824 = tpu.vector_load %arg6[%get3A_2822, %get3A_2823] {strides = array<i32>} : memref<72x128xf32, #tpu.memory_space<vmem>>, vector<1x16xf32>,
    %get3A_2825 = vector.shape_cast %get3A_2824 : vector<1x16xf32> to vector<16xf32>
    %add3A_2826 = arith.addf %add3A_2820, %get3A_2825 : vector<16xf32>
    %get3A_2827 = arith.constant 53 : i32
    %get3A_2828 = arith.index_cast %get3A_2827 : i32 to index
    %get3A_2829 = arith.constant 48 : index
    %get3A_2830 = tpu.vector_load %arg6[%get3A_2828, %get3A_2829] {strides = array<i32>} : memref<72x128xf32, #tpu.memory_space<vmem>>, vector<1x16xf32>,
    %get3A_2831 = vector.shape_cast %get3A_2830 : vector<1x16xf32> to vector<16xf32>
    %add3A_2832 = arith.addf %add3A_2826, %get3A_2831 : vector<16xf32>
    %swap3A_2833 = arith.constant 8 : i32
    %swap3A_2834 = arith.index_cast %swap3A_2833 : i32 to index
    %swap3A_2835 = arith.constant 48 : index
    %swap3A_2836 = tpu.vector_load %arg7[%swap3A_2834, %swap3A_2835] {strides = array<i32>} : memref<12x128xf32, #tpu.memory_space<vmem>>, vector<1x16xf32>,
    %swap3A_2837 = vector.shape_cast %swap3A_2836 : vector<1x16xf32> to vector<16xf32>
    %swap3A_2838 = vector.shape_cast %add3A_2832 : vector<16xf32> to vector<1x16xf32>
    tpu.vector_store %arg7[%swap3A_2834, %swap3A_2835], %swap3A_2838 {strides = array<i32>} : memref<12x128xf32, #tpu.memory_space<vmem>>, vector<1x16xf32>,
    %get3A_2839 = arith.constant 48 : i32
    %get3A_2840 = arith.index_cast %get3A_2839 : i32 to index
    %get3A_2841 = arith.constant 64 : index
    %get3A_2842 = tpu.vector_load %arg6[%get3A_2840, %get3A_2841] {strides = array<i32>} : memref<72x128xf32, #tpu.memory_space<vmem>>, vector<1x16xf32>,
    %get3A_2843 = vector.shape_cast %get3A_2842 : vector<1x16xf32> to vector<16xf32>
    %get3A_2844 = arith.constant 49 : i32
    %get3A_2845 = arith.index_cast %get3A_2844 : i32 to index
    %get3A_2846 = arith.constant 64 : index
    %get3A_2847 = tpu.vector_load %arg6[%get3A_2845, %get3A_2846] {strides = array<i32>} : memref<72x128xf32, #tpu.memory_space<vmem>>, vector<1x16xf32>,
    %get3A_2848 = vector.shape_cast %get3A_2847 : vector<1x16xf32> to vector<16xf32>
    %add3A_2849 = arith.addf %get3A_2843, %get3A_2848 : vector<16xf32>
    %get3A_2850 = arith.constant 50 : i32
    %get3A_2851 = arith.index_cast %get3A_2850 : i32 to index
    %get3A_2852 = arith.constant 64 : index
    %get3A_2853 = tpu.vector_load %arg6[%get3A_2851, %get3A_2852] {strides = array<i32>} : memref<72x128xf32, #tpu.memory_space<vmem>>, vector<1x16xf32>,
    %get3A_2854 = vector.shape_cast %get3A_2853 : vector<1x16xf32> to vector<16xf32>
    %add3A_2855 = arith.addf %add3A_2849, %get3A_2854 : vector<16xf32>
    %get3A_2856 = arith.constant 51 : i32
    %get3A_2857 = arith.index_cast %get3A_2856 : i32 to index
    %get3A_2858 = arith.constant 64 : index
    %get3A_2859 = tpu.vector_load %arg6[%get3A_2857, %get3A_2858] {strides = array<i32>} : memref<72x128xf32, #tpu.memory_space<vmem>>, vector<1x16xf32>,
    %get3A_2860 = vector.shape_cast %get3A_2859 : vector<1x16xf32> to vector<16xf32>
    %add3A_2861 = arith.addf %add3A_2855, %get3A_2860 : vector<16xf32>
    %get3A_2862 = arith.constant 52 : i32
    %get3A_2863 = arith.index_cast %get3A_2862 : i32 to index
    %get3A_2864 = arith.constant 64 : index
    %get3A_2865 = tpu.vector_load %arg6[%get3A_2863, %get3A_2864] {strides = array<i32>} : memref<72x128xf32, #tpu.memory_space<vmem>>, vector<1x16xf32>,
    %get3A_2866 = vector.shape_cast %get3A_2865 : vector<1x16xf32> to vector<16xf32>
    %add3A_2867 = arith.addf %add3A_2861, %get3A_2866 : vector<16xf32>
    %get3A_2868 = arith.constant 53 : i32
    %get3A_2869 = arith.index_cast %get3A_2868 : i32 to index
    %get3A_2870 = arith.constant 64 : index
    %get3A_2871 = tpu.vector_load %arg6[%get3A_2869, %get3A_2870] {strides = array<i32>} : memref<72x128xf32, #tpu.memory_space<vmem>>, vector<1x16xf32>,
    %get3A_2872 = vector.shape_cast %get3A_2871 : vector<1x16xf32> to vector<16xf32>
    %add3A_2873 = arith.addf %add3A_2867, %get3A_2872 : vector<16xf32>
    %swap3A_2874 = arith.constant 8 : i32
    %swap3A_2875 = arith.index_cast %swap3A_2874 : i32 to index
    %swap3A_2876 = arith.constant 64 : index
    %swap3A_2877 = tpu.vector_load %arg7[%swap3A_2875, %swap3A_2876] {strides = array<i32>} : memref<12x128xf32, #tpu.memory_space<vmem>>, vector<1x16xf32>,
    %swap3A_2878 = vector.shape_cast %swap3A_2877 : vector<1x16xf32> to vector<16xf32>
    %swap3A_2879 = vector.shape_cast %add3A_2873 : vector<16xf32> to vector<1x16xf32>
    tpu.vector_store %arg7[%swap3A_2875, %swap3A_2876], %swap3A_2879 {strides = array<i32>} : memref<12x128xf32, #tpu.memory_space<vmem>>, vector<1x16xf32>,
    %get3A_2880 = arith.constant 48 : i32
    %get3A_2881 = arith.index_cast %get3A_2880 : i32 to index
    %get3A_2882 = arith.constant 80 : index
    %get3A_2883 = tpu.vector_load %arg6[%get3A_2881, %get3A_2882] {strides = array<i32>} : memref<72x128xf32, #tpu.memory_space<vmem>>, vector<1x16xf32>,
    %get3A_2884 = vector.shape_cast %get3A_2883 : vector<1x16xf32> to vector<16xf32>
    %get3A_2885 = arith.constant 49 : i32
    %get3A_2886 = arith.index_cast %get3A_2885 : i32 to index
    %get3A_2887 = arith.constant 80 : index
    %get3A_2888 = tpu.vector_load %arg6[%get3A_2886, %get3A_2887] {strides = array<i32>} : memref<72x128xf32, #tpu.memory_space<vmem>>, vector<1x16xf32>,
    %get3A_2889 = vector.shape_cast %get3A_2888 : vector<1x16xf32> to vector<16xf32>
    %add3A_2890 = arith.addf %get3A_2884, %get3A_2889 : vector<16xf32>
    %get3A_2891 = arith.constant 50 : i32
    %get3A_2892 = arith.index_cast %get3A_2891 : i32 to index
    %get3A_2893 = arith.constant 80 : index
    %get3A_2894 = tpu.vector_load %arg6[%get3A_2892, %get3A_2893] {strides = array<i32>} : memref<72x128xf32, #tpu.memory_space<vmem>>, vector<1x16xf32>,
    %get3A_2895 = vector.shape_cast %get3A_2894 : vector<1x16xf32> to vector<16xf32>
    %add3A_2896 = arith.addf %add3A_2890, %get3A_2895 : vector<16xf32>
    %get3A_2897 = arith.constant 51 : i32
    %get3A_2898 = arith.index_cast %get3A_2897 : i32 to index
    %get3A_2899 = arith.constant 80 : index
    %get3A_2900 = tpu.vector_load %arg6[%get3A_2898, %get3A_2899] {strides = array<i32>} : memref<72x128xf32, #tpu.memory_space<vmem>>, vector<1x16xf32>,
    %get3A_2901 = vector.shape_cast %get3A_2900 : vector<1x16xf32> to vector<16xf32>
    %add3A_2902 = arith.addf %add3A_2896, %get3A_2901 : vector<16xf32>
    %get3A_2903 = arith.constant 52 : i32
    %get3A_2904 = arith.index_cast %get3A_2903 : i32 to index
    %get3A_2905 = arith.constant 80 : index
    %get3A_2906 = tpu.vector_load %arg6[%get3A_2904, %get3A_2905] {strides = array<i32>} : memref<72x128xf32, #tpu.memory_space<vmem>>, vector<1x16xf32>,
    %get3A_2907 = vector.shape_cast %get3A_2906 : vector<1x16xf32> to vector<16xf32>
    %add3A_2908 = arith.addf %add3A_2902, %get3A_2907 : vector<16xf32>
    %get3A_2909 = arith.constant 53 : i32
    %get3A_2910 = arith.index_cast %get3A_2909 : i32 to index
    %get3A_2911 = arith.constant 80 : index
    %get3A_2912 = tpu.vector_load %arg6[%get3A_2910, %get3A_2911] {strides = array<i32>} : memref<72x128xf32, #tpu.memory_space<vmem>>, vector<1x16xf32>,
    %get3A_2913 = vector.shape_cast %get3A_2912 : vector<1x16xf32> to vector<16xf32>
    %add3A_2914 = arith.addf %add3A_2908, %get3A_2913 : vector<16xf32>
    %swap3A_2915 = arith.constant 8 : i32
    %swap3A_2916 = arith.index_cast %swap3A_2915 : i32 to index
    %swap3A_2917 = arith.constant 80 : index
    %swap3A_2918 = tpu.vector_load %arg7[%swap3A_2916, %swap3A_2917] {strides = array<i32>} : memref<12x128xf32, #tpu.memory_space<vmem>>, vector<1x16xf32>,
    %swap3A_2919 = vector.shape_cast %swap3A_2918 : vector<1x16xf32> to vector<16xf32>
    %swap3A_2920 = vector.shape_cast %add3A_2914 : vector<16xf32> to vector<1x16xf32>
    tpu.vector_store %arg7[%swap3A_2916, %swap3A_2917], %swap3A_2920 {strides = array<i32>} : memref<12x128xf32, #tpu.memory_space<vmem>>, vector<1x16xf32>,
    %get3A_2921 = arith.constant 48 : i32
    %get3A_2922 = arith.index_cast %get3A_2921 : i32 to index
    %get3A_2923 = arith.constant 96 : index
    %get3A_2924 = tpu.vector_load %arg6[%get3A_2922, %get3A_2923] {strides = array<i32>} : memref<72x128xf32, #tpu.memory_space<vmem>>, vector<1x16xf32>,
    %get3A_2925 = vector.shape_cast %get3A_2924 : vector<1x16xf32> to vector<16xf32>
    %get3A_2926 = arith.constant 49 : i32
    %get3A_2927 = arith.index_cast %get3A_2926 : i32 to index
    %get3A_2928 = arith.constant 96 : index
    %get3A_2929 = tpu.vector_load %arg6[%get3A_2927, %get3A_2928] {strides = array<i32>} : memref<72x128xf32, #tpu.memory_space<vmem>>, vector<1x16xf32>,
    %get3A_2930 = vector.shape_cast %get3A_2929 : vector<1x16xf32> to vector<16xf32>
    %add3A_2931 = arith.addf %get3A_2925, %get3A_2930 : vector<16xf32>
    %get3A_2932 = arith.constant 50 : i32
    %get3A_2933 = arith.index_cast %get3A_2932 : i32 to index
    %get3A_2934 = arith.constant 96 : index
    %get3A_2935 = tpu.vector_load %arg6[%get3A_2933, %get3A_2934] {strides = array<i32>} : memref<72x128xf32, #tpu.memory_space<vmem>>, vector<1x16xf32>,
    %get3A_2936 = vector.shape_cast %get3A_2935 : vector<1x16xf32> to vector<16xf32>
    %add3A_2937 = arith.addf %add3A_2931, %get3A_2936 : vector<16xf32>
    %get3A_2938 = arith.constant 51 : i32
    %get3A_2939 = arith.index_cast %get3A_2938 : i32 to index
    %get3A_2940 = arith.constant 96 : index
    %get3A_2941 = tpu.vector_load %arg6[%get3A_2939, %get3A_2940] {strides = array<i32>} : memref<72x128xf32, #tpu.memory_space<vmem>>, vector<1x16xf32>,
    %get3A_2942 = vector.shape_cast %get3A_2941 : vector<1x16xf32> to vector<16xf32>
    %add3A_2943 = arith.addf %add3A_2937, %get3A_2942 : vector<16xf32>
    %get3A_2944 = arith.constant 52 : i32
    %get3A_2945 = arith.index_cast %get3A_2944 : i32 to index
    %get3A_2946 = arith.constant 96 : index
    %get3A_2947 = tpu.vector_load %arg6[%get3A_2945, %get3A_2946] {strides = array<i32>} : memref<72x128xf32, #tpu.memory_space<vmem>>, vector<1x16xf32>,
    %get3A_2948 = vector.shape_cast %get3A_2947 : vector<1x16xf32> to vector<16xf32>
    %add3A_2949 = arith.addf %add3A_2943, %get3A_2948 : vector<16xf32>
    %get3A_2950 = arith.constant 53 : i32
    %get3A_2951 = arith.index_cast %get3A_2950 : i32 to index
    %get3A_2952 = arith.constant 96 : index
    %get3A_2953 = tpu.vector_load %arg6[%get3A_2951, %get3A_2952] {strides = array<i32>} : memref<72x128xf32, #tpu.memory_space<vmem>>, vector<1x16xf32>,
    %get3A_2954 = vector.shape_cast %get3A_2953 : vector<1x16xf32> to vector<16xf32>
    %add3A_2955 = arith.addf %add3A_2949, %get3A_2954 : vector<16xf32>
    %swap3A_2956 = arith.constant 8 : i32
    %swap3A_2957 = arith.index_cast %swap3A_2956 : i32 to index
    %swap3A_2958 = arith.constant 96 : index
    %swap3A_2959 = tpu.vector_load %arg7[%swap3A_2957, %swap3A_2958] {strides = array<i32>} : memref<12x128xf32, #tpu.memory_space<vmem>>, vector<1x16xf32>,
    %swap3A_2960 = vector.shape_cast %swap3A_2959 : vector<1x16xf32> to vector<16xf32>
    %swap3A_2961 = vector.shape_cast %add3A_2955 : vector<16xf32> to vector<1x16xf32>
    tpu.vector_store %arg7[%swap3A_2957, %swap3A_2958], %swap3A_2961 {strides = array<i32>} : memref<12x128xf32, #tpu.memory_space<vmem>>, vector<1x16xf32>,
    %get3A_2962 = arith.constant 48 : i32
    %get3A_2963 = arith.index_cast %get3A_2962 : i32 to index
    %get3A_2964 = arith.constant 112 : index
    %get3A_2965 = tpu.vector_load %arg6[%get3A_2963, %get3A_2964] {strides = array<i32>} : memref<72x128xf32, #tpu.memory_space<vmem>>, vector<1x16xf32>,
    %get3A_2966 = vector.shape_cast %get3A_2965 : vector<1x16xf32> to vector<16xf32>
    %get3A_2967 = arith.constant 49 : i32
    %get3A_2968 = arith.index_cast %get3A_2967 : i32 to index
    %get3A_2969 = arith.constant 112 : index
    %get3A_2970 = tpu.vector_load %arg6[%get3A_2968, %get3A_2969] {strides = array<i32>} : memref<72x128xf32, #tpu.memory_space<vmem>>, vector<1x16xf32>,
    %get3A_2971 = vector.shape_cast %get3A_2970 : vector<1x16xf32> to vector<16xf32>
    %add3A_2972 = arith.addf %get3A_2966, %get3A_2971 : vector<16xf32>
    %get3A_2973 = arith.constant 50 : i32
    %get3A_2974 = arith.index_cast %get3A_2973 : i32 to index
    %get3A_2975 = arith.constant 112 : index
    %get3A_2976 = tpu.vector_load %arg6[%get3A_2974, %get3A_2975] {strides = array<i32>} : memref<72x128xf32, #tpu.memory_space<vmem>>, vector<1x16xf32>,
    %get3A_2977 = vector.shape_cast %get3A_2976 : vector<1x16xf32> to vector<16xf32>
    %add3A_2978 = arith.addf %add3A_2972, %get3A_2977 : vector<16xf32>
    %get3A_2979 = arith.constant 51 : i32
    %get3A_2980 = arith.index_cast %get3A_2979 : i32 to index
    %get3A_2981 = arith.constant 112 : index
    %get3A_2982 = tpu.vector_load %arg6[%get3A_2980, %get3A_2981] {strides = array<i32>} : memref<72x128xf32, #tpu.memory_space<vmem>>, vector<1x16xf32>,
    %get3A_2983 = vector.shape_cast %get3A_2982 : vector<1x16xf32> to vector<16xf32>
    %add3A_2984 = arith.addf %add3A_2978, %get3A_2983 : vector<16xf32>
    %get3A_2985 = arith.constant 52 : i32
    %get3A_2986 = arith.index_cast %get3A_2985 : i32 to index
    %get3A_2987 = arith.constant 112 : index
    %get3A_2988 = tpu.vector_load %arg6[%get3A_2986, %get3A_2987] {strides = array<i32>} : memref<72x128xf32, #tpu.memory_space<vmem>>, vector<1x16xf32>,
    %get3A_2989 = vector.shape_cast %get3A_2988 : vector<1x16xf32> to vector<16xf32>
    %add3A_2990 = arith.addf %add3A_2984, %get3A_2989 : vector<16xf32>
    %get3A_2991 = arith.constant 53 : i32
    %get3A_2992 = arith.index_cast %get3A_2991 : i32 to index
    %get3A_2993 = arith.constant 112 : index
    %get3A_2994 = tpu.vector_load %arg6[%get3A_2992, %get3A_2993] {strides = array<i32>} : memref<72x128xf32, #tpu.memory_space<vmem>>, vector<1x16xf32>,
    %get3A_2995 = vector.shape_cast %get3A_2994 : vector<1x16xf32> to vector<16xf32>
    %add3A_2996 = arith.addf %add3A_2990, %get3A_2995 : vector<16xf32>
    %swap3A_2997 = arith.constant 8 : i32
    %swap3A_2998 = arith.index_cast %swap3A_2997 : i32 to index
    %swap3A_2999 = arith.constant 112 : index
    %swap3A_3000 = tpu.vector_load %arg7[%swap3A_2998, %swap3A_2999] {strides = array<i32>} : memref<12x128xf32, #tpu.memory_space<vmem>>, vector<1x16xf32>,
    %swap3A_3001 = vector.shape_cast %swap3A_3000 : vector<1x16xf32> to vector<16xf32>
    %swap3A_3002 = vector.shape_cast %add3A_2996 : vector<16xf32> to vector<1x16xf32>
    tpu.vector_store %arg7[%swap3A_2998, %swap3A_2999], %swap3A_3002 {strides = array<i32>} : memref<12x128xf32, #tpu.memory_space<vmem>>, vector<1x16xf32>,
    %get3A_3003 = arith.constant 54 : i32
    %get3A_3004 = arith.index_cast %get3A_3003 : i32 to index
    %get3A_3005 = arith.constant 0 : index
    %get3A_3006 = tpu.vector_load %arg6[%get3A_3004, %get3A_3005] {strides = array<i32>} : memref<72x128xf32, #tpu.memory_space<vmem>>, vector<1x16xf32>,
    %get3A_3007 = vector.shape_cast %get3A_3006 : vector<1x16xf32> to vector<16xf32>
    %get3A_3008 = arith.constant 55 : i32
    %get3A_3009 = arith.index_cast %get3A_3008 : i32 to index
    %get3A_3010 = arith.constant 0 : index
    %get3A_3011 = tpu.vector_load %arg6[%get3A_3009, %get3A_3010] {strides = array<i32>} : memref<72x128xf32, #tpu.memory_space<vmem>>, vector<1x16xf32>,
    %get3A_3012 = vector.shape_cast %get3A_3011 : vector<1x16xf32> to vector<16xf32>
    %add3A_3013 = arith.addf %get3A_3007, %get3A_3012 : vector<16xf32>
    %get3A_3014 = arith.constant 56 : i32
    %get3A_3015 = arith.index_cast %get3A_3014 : i32 to index
    %get3A_3016 = arith.constant 0 : index
    %get3A_3017 = tpu.vector_load %arg6[%get3A_3015, %get3A_3016] {strides = array<i32>} : memref<72x128xf32, #tpu.memory_space<vmem>>, vector<1x16xf32>,
    %get3A_3018 = vector.shape_cast %get3A_3017 : vector<1x16xf32> to vector<16xf32>
    %add3A_3019 = arith.addf %add3A_3013, %get3A_3018 : vector<16xf32>
    %get3A_3020 = arith.constant 57 : i32
    %get3A_3021 = arith.index_cast %get3A_3020 : i32 to index
    %get3A_3022 = arith.constant 0 : index
    %get3A_3023 = tpu.vector_load %arg6[%get3A_3021, %get3A_3022] {strides = array<i32>} : memref<72x128xf32, #tpu.memory_space<vmem>>, vector<1x16xf32>,
    %get3A_3024 = vector.shape_cast %get3A_3023 : vector<1x16xf32> to vector<16xf32>
    %add3A_3025 = arith.addf %add3A_3019, %get3A_3024 : vector<16xf32>
    %get3A_3026 = arith.constant 58 : i32
    %get3A_3027 = arith.index_cast %get3A_3026 : i32 to index
    %get3A_3028 = arith.constant 0 : index
    %get3A_3029 = tpu.vector_load %arg6[%get3A_3027, %get3A_3028] {strides = array<i32>} : memref<72x128xf32, #tpu.memory_space<vmem>>, vector<1x16xf32>,
    %get3A_3030 = vector.shape_cast %get3A_3029 : vector<1x16xf32> to vector<16xf32>
    %add3A_3031 = arith.addf %add3A_3025, %get3A_3030 : vector<16xf32>
    %get3A_3032 = arith.constant 59 : i32
    %get3A_3033 = arith.index_cast %get3A_3032 : i32 to index
    %get3A_3034 = arith.constant 0 : index
    %get3A_3035 = tpu.vector_load %arg6[%get3A_3033, %get3A_3034] {strides = array<i32>} : memref<72x128xf32, #tpu.memory_space<vmem>>, vector<1x16xf32>,
    %get3A_3036 = vector.shape_cast %get3A_3035 : vector<1x16xf32> to vector<16xf32>
    %add3A_3037 = arith.addf %add3A_3031, %get3A_3036 : vector<16xf32>
    %swap3A_3038 = arith.constant 9 : i32
    %swap3A_3039 = arith.index_cast %swap3A_3038 : i32 to index
    %swap3A_3040 = arith.constant 0 : index
    %swap3A_3041 = tpu.vector_load %arg7[%swap3A_3039, %swap3A_3040] {strides = array<i32>} : memref<12x128xf32, #tpu.memory_space<vmem>>, vector<1x16xf32>,
    %swap3A_3042 = vector.shape_cast %swap3A_3041 : vector<1x16xf32> to vector<16xf32>
    %swap3A_3043 = vector.shape_cast %add3A_3037 : vector<16xf32> to vector<1x16xf32>
    tpu.vector_store %arg7[%swap3A_3039, %swap3A_3040], %swap3A_3043 {strides = array<i32>} : memref<12x128xf32, #tpu.memory_space<vmem>>, vector<1x16xf32>,
    %get3A_3044 = arith.constant 54 : i32
    %get3A_3045 = arith.index_cast %get3A_3044 : i32 to index
    %get3A_3046 = arith.constant 16 : index
    %get3A_3047 = tpu.vector_load %arg6[%get3A_3045, %get3A_3046] {strides = array<i32>} : memref<72x128xf32, #tpu.memory_space<vmem>>, vector<1x16xf32>,
    %get3A_3048 = vector.shape_cast %get3A_3047 : vector<1x16xf32> to vector<16xf32>
    %get3A_3049 = arith.constant 55 : i32
    %get3A_3050 = arith.index_cast %get3A_3049 : i32 to index
    %get3A_3051 = arith.constant 16 : index
    %get3A_3052 = tpu.vector_load %arg6[%get3A_3050, %get3A_3051] {strides = array<i32>} : memref<72x128xf32, #tpu.memory_space<vmem>>, vector<1x16xf32>,
    %get3A_3053 = vector.shape_cast %get3A_3052 : vector<1x16xf32> to vector<16xf32>
    %add3A_3054 = arith.addf %get3A_3048, %get3A_3053 : vector<16xf32>
    %get3A_3055 = arith.constant 56 : i32
    %get3A_3056 = arith.index_cast %get3A_3055 : i32 to index
    %get3A_3057 = arith.constant 16 : index
    %get3A_3058 = tpu.vector_load %arg6[%get3A_3056, %get3A_3057] {strides = array<i32>} : memref<72x128xf32, #tpu.memory_space<vmem>>, vector<1x16xf32>,
    %get3A_3059 = vector.shape_cast %get3A_3058 : vector<1x16xf32> to vector<16xf32>
    %add3A_3060 = arith.addf %add3A_3054, %get3A_3059 : vector<16xf32>
    %get3A_3061 = arith.constant 57 : i32
    %get3A_3062 = arith.index_cast %get3A_3061 : i32 to index
    %get3A_3063 = arith.constant 16 : index
    %get3A_3064 = tpu.vector_load %arg6[%get3A_3062, %get3A_3063] {strides = array<i32>} : memref<72x128xf32, #tpu.memory_space<vmem>>, vector<1x16xf32>,
    %get3A_3065 = vector.shape_cast %get3A_3064 : vector<1x16xf32> to vector<16xf32>
    %add3A_3066 = arith.addf %add3A_3060, %get3A_3065 : vector<16xf32>
    %get3A_3067 = arith.constant 58 : i32
    %get3A_3068 = arith.index_cast %get3A_3067 : i32 to index
    %get3A_3069 = arith.constant 16 : index
    %get3A_3070 = tpu.vector_load %arg6[%get3A_3068, %get3A_3069] {strides = array<i32>} : memref<72x128xf32, #tpu.memory_space<vmem>>, vector<1x16xf32>,
    %get3A_3071 = vector.shape_cast %get3A_3070 : vector<1x16xf32> to vector<16xf32>
    %add3A_3072 = arith.addf %add3A_3066, %get3A_3071 : vector<16xf32>
    %get3A_3073 = arith.constant 59 : i32
    %get3A_3074 = arith.index_cast %get3A_3073 : i32 to index
    %get3A_3075 = arith.constant 16 : index
    %get3A_3076 = tpu.vector_load %arg6[%get3A_3074, %get3A_3075] {strides = array<i32>} : memref<72x128xf32, #tpu.memory_space<vmem>>, vector<1x16xf32>,
    %get3A_3077 = vector.shape_cast %get3A_3076 : vector<1x16xf32> to vector<16xf32>
    %add3A_3078 = arith.addf %add3A_3072, %get3A_3077 : vector<16xf32>
    %swap3A_3079 = arith.constant 9 : i32
    %swap3A_3080 = arith.index_cast %swap3A_3079 : i32 to index
    %swap3A_3081 = arith.constant 16 : index
    %swap3A_3082 = tpu.vector_load %arg7[%swap3A_3080, %swap3A_3081] {strides = array<i32>} : memref<12x128xf32, #tpu.memory_space<vmem>>, vector<1x16xf32>,
    %swap3A_3083 = vector.shape_cast %swap3A_3082 : vector<1x16xf32> to vector<16xf32>
    %swap3A_3084 = vector.shape_cast %add3A_3078 : vector<16xf32> to vector<1x16xf32>
    tpu.vector_store %arg7[%swap3A_3080, %swap3A_3081], %swap3A_3084 {strides = array<i32>} : memref<12x128xf32, #tpu.memory_space<vmem>>, vector<1x16xf32>,
    %get3A_3085 = arith.constant 54 : i32
    %get3A_3086 = arith.index_cast %get3A_3085 : i32 to index
    %get3A_3087 = arith.constant 32 : index
    %get3A_3088 = tpu.vector_load %arg6[%get3A_3086, %get3A_3087] {strides = array<i32>} : memref<72x128xf32, #tpu.memory_space<vmem>>, vector<1x16xf32>,
    %get3A_3089 = vector.shape_cast %get3A_3088 : vector<1x16xf32> to vector<16xf32>
    %get3A_3090 = arith.constant 55 : i32
    %get3A_3091 = arith.index_cast %get3A_3090 : i32 to index
    %get3A_3092 = arith.constant 32 : index
    %get3A_3093 = tpu.vector_load %arg6[%get3A_3091, %get3A_3092] {strides = array<i32>} : memref<72x128xf32, #tpu.memory_space<vmem>>, vector<1x16xf32>,
    %get3A_3094 = vector.shape_cast %get3A_3093 : vector<1x16xf32> to vector<16xf32>
    %add3A_3095 = arith.addf %get3A_3089, %get3A_3094 : vector<16xf32>
    %get3A_3096 = arith.constant 56 : i32
    %get3A_3097 = arith.index_cast %get3A_3096 : i32 to index
    %get3A_3098 = arith.constant 32 : index
    %get3A_3099 = tpu.vector_load %arg6[%get3A_3097, %get3A_3098] {strides = array<i32>} : memref<72x128xf32, #tpu.memory_space<vmem>>, vector<1x16xf32>,
    %get3A_3100 = vector.shape_cast %get3A_3099 : vector<1x16xf32> to vector<16xf32>
    %add3A_3101 = arith.addf %add3A_3095, %get3A_3100 : vector<16xf32>
    %get3A_3102 = arith.constant 57 : i32
    %get3A_3103 = arith.index_cast %get3A_3102 : i32 to index
    %get3A_3104 = arith.constant 32 : index
    %get3A_3105 = tpu.vector_load %arg6[%get3A_3103, %get3A_3104] {strides = array<i32>} : memref<72x128xf32, #tpu.memory_space<vmem>>, vector<1x16xf32>,
    %get3A_3106 = vector.shape_cast %get3A_3105 : vector<1x16xf32> to vector<16xf32>
    %add3A_3107 = arith.addf %add3A_3101, %get3A_3106 : vector<16xf32>
    %get3A_3108 = arith.constant 58 : i32
    %get3A_3109 = arith.index_cast %get3A_3108 : i32 to index
    %get3A_3110 = arith.constant 32 : index
    %get3A_3111 = tpu.vector_load %arg6[%get3A_3109, %get3A_3110] {strides = array<i32>} : memref<72x128xf32, #tpu.memory_space<vmem>>, vector<1x16xf32>,
    %get3A_3112 = vector.shape_cast %get3A_3111 : vector<1x16xf32> to vector<16xf32>
    %add3A_3113 = arith.addf %add3A_3107, %get3A_3112 : vector<16xf32>
    %get3A_3114 = arith.constant 59 : i32
    %get3A_3115 = arith.index_cast %get3A_3114 : i32 to index
    %get3A_3116 = arith.constant 32 : index
    %get3A_3117 = tpu.vector_load %arg6[%get3A_3115, %get3A_3116] {strides = array<i32>} : memref<72x128xf32, #tpu.memory_space<vmem>>, vector<1x16xf32>,
    %get3A_3118 = vector.shape_cast %get3A_3117 : vector<1x16xf32> to vector<16xf32>
    %add3A_3119 = arith.addf %add3A_3113, %get3A_3118 : vector<16xf32>
    %swap3A_3120 = arith.constant 9 : i32
    %swap3A_3121 = arith.index_cast %swap3A_3120 : i32 to index
    %swap3A_3122 = arith.constant 32 : index
    %swap3A_3123 = tpu.vector_load %arg7[%swap3A_3121, %swap3A_3122] {strides = array<i32>} : memref<12x128xf32, #tpu.memory_space<vmem>>, vector<1x16xf32>,
    %swap3A_3124 = vector.shape_cast %swap3A_3123 : vector<1x16xf32> to vector<16xf32>
    %swap3A_3125 = vector.shape_cast %add3A_3119 : vector<16xf32> to vector<1x16xf32>
    tpu.vector_store %arg7[%swap3A_3121, %swap3A_3122], %swap3A_3125 {strides = array<i32>} : memref<12x128xf32, #tpu.memory_space<vmem>>, vector<1x16xf32>,
    %get3A_3126 = arith.constant 54 : i32
    %get3A_3127 = arith.index_cast %get3A_3126 : i32 to index
    %get3A_3128 = arith.constant 48 : index
    %get3A_3129 = tpu.vector_load %arg6[%get3A_3127, %get3A_3128] {strides = array<i32>} : memref<72x128xf32, #tpu.memory_space<vmem>>, vector<1x16xf32>,
    %get3A_3130 = vector.shape_cast %get3A_3129 : vector<1x16xf32> to vector<16xf32>
    %get3A_3131 = arith.constant 55 : i32
    %get3A_3132 = arith.index_cast %get3A_3131 : i32 to index
    %get3A_3133 = arith.constant 48 : index
    %get3A_3134 = tpu.vector_load %arg6[%get3A_3132, %get3A_3133] {strides = array<i32>} : memref<72x128xf32, #tpu.memory_space<vmem>>, vector<1x16xf32>,
    %get3A_3135 = vector.shape_cast %get3A_3134 : vector<1x16xf32> to vector<16xf32>
    %add3A_3136 = arith.addf %get3A_3130, %get3A_3135 : vector<16xf32>
    %get3A_3137 = arith.constant 56 : i32
    %get3A_3138 = arith.index_cast %get3A_3137 : i32 to index
    %get3A_3139 = arith.constant 48 : index
    %get3A_3140 = tpu.vector_load %arg6[%get3A_3138, %get3A_3139] {strides = array<i32>} : memref<72x128xf32, #tpu.memory_space<vmem>>, vector<1x16xf32>,
    %get3A_3141 = vector.shape_cast %get3A_3140 : vector<1x16xf32> to vector<16xf32>
    %add3A_3142 = arith.addf %add3A_3136, %get3A_3141 : vector<16xf32>
    %get3A_3143 = arith.constant 57 : i32
    %get3A_3144 = arith.index_cast %get3A_3143 : i32 to index
    %get3A_3145 = arith.constant 48 : index
    %get3A_3146 = tpu.vector_load %arg6[%get3A_3144, %get3A_3145] {strides = array<i32>} : memref<72x128xf32, #tpu.memory_space<vmem>>, vector<1x16xf32>,
    %get3A_3147 = vector.shape_cast %get3A_3146 : vector<1x16xf32> to vector<16xf32>
    %add3A_3148 = arith.addf %add3A_3142, %get3A_3147 : vector<16xf32>
    %get3A_3149 = arith.constant 58 : i32
    %get3A_3150 = arith.index_cast %get3A_3149 : i32 to index
    %get3A_3151 = arith.constant 48 : index
    %get3A_3152 = tpu.vector_load %arg6[%get3A_3150, %get3A_3151] {strides = array<i32>} : memref<72x128xf32, #tpu.memory_space<vmem>>, vector<1x16xf32>,
    %get3A_3153 = vector.shape_cast %get3A_3152 : vector<1x16xf32> to vector<16xf32>
    %add3A_3154 = arith.addf %add3A_3148, %get3A_3153 : vector<16xf32>
    %get3A_3155 = arith.constant 59 : i32
    %get3A_3156 = arith.index_cast %get3A_3155 : i32 to index
    %get3A_3157 = arith.constant 48 : index
    %get3A_3158 = tpu.vector_load %arg6[%get3A_3156, %get3A_3157] {strides = array<i32>} : memref<72x128xf32, #tpu.memory_space<vmem>>, vector<1x16xf32>,
    %get3A_3159 = vector.shape_cast %get3A_3158 : vector<1x16xf32> to vector<16xf32>
    %add3A_3160 = arith.addf %add3A_3154, %get3A_3159 : vector<16xf32>
    %swap3A_3161 = arith.constant 9 : i32
    %swap3A_3162 = arith.index_cast %swap3A_3161 : i32 to index
    %swap3A_3163 = arith.constant 48 : index
    %swap3A_3164 = tpu.vector_load %arg7[%swap3A_3162, %swap3A_3163] {strides = array<i32>} : memref<12x128xf32, #tpu.memory_space<vmem>>, vector<1x16xf32>,
    %swap3A_3165 = vector.shape_cast %swap3A_3164 : vector<1x16xf32> to vector<16xf32>
    %swap3A_3166 = vector.shape_cast %add3A_3160 : vector<16xf32> to vector<1x16xf32>
    tpu.vector_store %arg7[%swap3A_3162, %swap3A_3163], %swap3A_3166 {strides = array<i32>} : memref<12x128xf32, #tpu.memory_space<vmem>>, vector<1x16xf32>,
    %get3A_3167 = arith.constant 54 : i32
    %get3A_3168 = arith.index_cast %get3A_3167 : i32 to index
    %get3A_3169 = arith.constant 64 : index
    %get3A_3170 = tpu.vector_load %arg6[%get3A_3168, %get3A_3169] {strides = array<i32>} : memref<72x128xf32, #tpu.memory_space<vmem>>, vector<1x16xf32>,
    %get3A_3171 = vector.shape_cast %get3A_3170 : vector<1x16xf32> to vector<16xf32>
    %get3A_3172 = arith.constant 55 : i32
    %get3A_3173 = arith.index_cast %get3A_3172 : i32 to index
    %get3A_3174 = arith.constant 64 : index
    %get3A_3175 = tpu.vector_load %arg6[%get3A_3173, %get3A_3174] {strides = array<i32>} : memref<72x128xf32, #tpu.memory_space<vmem>>, vector<1x16xf32>,
    %get3A_3176 = vector.shape_cast %get3A_3175 : vector<1x16xf32> to vector<16xf32>
    %add3A_3177 = arith.addf %get3A_3171, %get3A_3176 : vector<16xf32>
    %get3A_3178 = arith.constant 56 : i32
    %get3A_3179 = arith.index_cast %get3A_3178 : i32 to index
    %get3A_3180 = arith.constant 64 : index
    %get3A_3181 = tpu.vector_load %arg6[%get3A_3179, %get3A_3180] {strides = array<i32>} : memref<72x128xf32, #tpu.memory_space<vmem>>, vector<1x16xf32>,
    %get3A_3182 = vector.shape_cast %get3A_3181 : vector<1x16xf32> to vector<16xf32>
    %add3A_3183 = arith.addf %add3A_3177, %get3A_3182 : vector<16xf32>
    %get3A_3184 = arith.constant 57 : i32
    %get3A_3185 = arith.index_cast %get3A_3184 : i32 to index
    %get3A_3186 = arith.constant 64 : index
    %get3A_3187 = tpu.vector_load %arg6[%get3A_3185, %get3A_3186] {strides = array<i32>} : memref<72x128xf32, #tpu.memory_space<vmem>>, vector<1x16xf32>,
    %get3A_3188 = vector.shape_cast %get3A_3187 : vector<1x16xf32> to vector<16xf32>
    %add3A_3189 = arith.addf %add3A_3183, %get3A_3188 : vector<16xf32>
    %get3A_3190 = arith.constant 58 : i32
    %get3A_3191 = arith.index_cast %get3A_3190 : i32 to index
    %get3A_3192 = arith.constant 64 : index
    %get3A_3193 = tpu.vector_load %arg6[%get3A_3191, %get3A_3192] {strides = array<i32>} : memref<72x128xf32, #tpu.memory_space<vmem>>, vector<1x16xf32>,
    %get3A_3194 = vector.shape_cast %get3A_3193 : vector<1x16xf32> to vector<16xf32>
    %add3A_3195 = arith.addf %add3A_3189, %get3A_3194 : vector<16xf32>
    %get3A_3196 = arith.constant 59 : i32
    %get3A_3197 = arith.index_cast %get3A_3196 : i32 to index
    %get3A_3198 = arith.constant 64 : index
    %get3A_3199 = tpu.vector_load %arg6[%get3A_3197, %get3A_3198] {strides = array<i32>} : memref<72x128xf32, #tpu.memory_space<vmem>>, vector<1x16xf32>,
    %get3A_3200 = vector.shape_cast %get3A_3199 : vector<1x16xf32> to vector<16xf32>
    %add3A_3201 = arith.addf %add3A_3195, %get3A_3200 : vector<16xf32>
    %swap3A_3202 = arith.constant 9 : i32
    %swap3A_3203 = arith.index_cast %swap3A_3202 : i32 to index
    %swap3A_3204 = arith.constant 64 : index
    %swap3A_3205 = tpu.vector_load %arg7[%swap3A_3203, %swap3A_3204] {strides = array<i32>} : memref<12x128xf32, #tpu.memory_space<vmem>>, vector<1x16xf32>,
    %swap3A_3206 = vector.shape_cast %swap3A_3205 : vector<1x16xf32> to vector<16xf32>
    %swap3A_3207 = vector.shape_cast %add3A_3201 : vector<16xf32> to vector<1x16xf32>
    tpu.vector_store %arg7[%swap3A_3203, %swap3A_3204], %swap3A_3207 {strides = array<i32>} : memref<12x128xf32, #tpu.memory_space<vmem>>, vector<1x16xf32>,
    %get3A_3208 = arith.constant 54 : i32
    %get3A_3209 = arith.index_cast %get3A_3208 : i32 to index
    %get3A_3210 = arith.constant 80 : index
    %get3A_3211 = tpu.vector_load %arg6[%get3A_3209, %get3A_3210] {strides = array<i32>} : memref<72x128xf32, #tpu.memory_space<vmem>>, vector<1x16xf32>,
    %get3A_3212 = vector.shape_cast %get3A_3211 : vector<1x16xf32> to vector<16xf32>
    %get3A_3213 = arith.constant 55 : i32
    %get3A_3214 = arith.index_cast %get3A_3213 : i32 to index
    %get3A_3215 = arith.constant 80 : index
    %get3A_3216 = tpu.vector_load %arg6[%get3A_3214, %get3A_3215] {strides = array<i32>} : memref<72x128xf32, #tpu.memory_space<vmem>>, vector<1x16xf32>,
    %get3A_3217 = vector.shape_cast %get3A_3216 : vector<1x16xf32> to vector<16xf32>
    %add3A_3218 = arith.addf %get3A_3212, %get3A_3217 : vector<16xf32>
    %get3A_3219 = arith.constant 56 : i32
    %get3A_3220 = arith.index_cast %get3A_3219 : i32 to index
    %get3A_3221 = arith.constant 80 : index
    %get3A_3222 = tpu.vector_load %arg6[%get3A_3220, %get3A_3221] {strides = array<i32>} : memref<72x128xf32, #tpu.memory_space<vmem>>, vector<1x16xf32>,
    %get3A_3223 = vector.shape_cast %get3A_3222 : vector<1x16xf32> to vector<16xf32>
    %add3A_3224 = arith.addf %add3A_3218, %get3A_3223 : vector<16xf32>
    %get3A_3225 = arith.constant 57 : i32
    %get3A_3226 = arith.index_cast %get3A_3225 : i32 to index
    %get3A_3227 = arith.constant 80 : index
    %get3A_3228 = tpu.vector_load %arg6[%get3A_3226, %get3A_3227] {strides = array<i32>} : memref<72x128xf32, #tpu.memory_space<vmem>>, vector<1x16xf32>,
    %get3A_3229 = vector.shape_cast %get3A_3228 : vector<1x16xf32> to vector<16xf32>
    %add3A_3230 = arith.addf %add3A_3224, %get3A_3229 : vector<16xf32>
    %get3A_3231 = arith.constant 58 : i32
    %get3A_3232 = arith.index_cast %get3A_3231 : i32 to index
    %get3A_3233 = arith.constant 80 : index
    %get3A_3234 = tpu.vector_load %arg6[%get3A_3232, %get3A_3233] {strides = array<i32>} : memref<72x128xf32, #tpu.memory_space<vmem>>, vector<1x16xf32>,
    %get3A_3235 = vector.shape_cast %get3A_3234 : vector<1x16xf32> to vector<16xf32>
    %add3A_3236 = arith.addf %add3A_3230, %get3A_3235 : vector<16xf32>
    %get3A_3237 = arith.constant 59 : i32
    %get3A_3238 = arith.index_cast %get3A_3237 : i32 to index
    %get3A_3239 = arith.constant 80 : index
    %get3A_3240 = tpu.vector_load %arg6[%get3A_3238, %get3A_3239] {strides = array<i32>} : memref<72x128xf32, #tpu.memory_space<vmem>>, vector<1x16xf32>,
    %get3A_3241 = vector.shape_cast %get3A_3240 : vector<1x16xf32> to vector<16xf32>
    %add3A_3242 = arith.addf %add3A_3236, %get3A_3241 : vector<16xf32>
    %swap3A_3243 = arith.constant 9 : i32
    %swap3A_3244 = arith.index_cast %swap3A_3243 : i32 to index
    %swap3A_3245 = arith.constant 80 : index
    %swap3A_3246 = tpu.vector_load %arg7[%swap3A_3244, %swap3A_3245] {strides = array<i32>} : memref<12x128xf32, #tpu.memory_space<vmem>>, vector<1x16xf32>,
    %swap3A_3247 = vector.shape_cast %swap3A_3246 : vector<1x16xf32> to vector<16xf32>
    %swap3A_3248 = vector.shape_cast %add3A_3242 : vector<16xf32> to vector<1x16xf32>
    tpu.vector_store %arg7[%swap3A_3244, %swap3A_3245], %swap3A_3248 {strides = array<i32>} : memref<12x128xf32, #tpu.memory_space<vmem>>, vector<1x16xf32>,
    %get3A_3249 = arith.constant 54 : i32
    %get3A_3250 = arith.index_cast %get3A_3249 : i32 to index
    %get3A_3251 = arith.constant 96 : index
    %get3A_3252 = tpu.vector_load %arg6[%get3A_3250, %get3A_3251] {strides = array<i32>} : memref<72x128xf32, #tpu.memory_space<vmem>>, vector<1x16xf32>,
    %get3A_3253 = vector.shape_cast %get3A_3252 : vector<1x16xf32> to vector<16xf32>
    %get3A_3254 = arith.constant 55 : i32
    %get3A_3255 = arith.index_cast %get3A_3254 : i32 to index
    %get3A_3256 = arith.constant 96 : index
    %get3A_3257 = tpu.vector_load %arg6[%get3A_3255, %get3A_3256] {strides = array<i32>} : memref<72x128xf32, #tpu.memory_space<vmem>>, vector<1x16xf32>,
    %get3A_3258 = vector.shape_cast %get3A_3257 : vector<1x16xf32> to vector<16xf32>
    %add3A_3259 = arith.addf %get3A_3253, %get3A_3258 : vector<16xf32>
    %get3A_3260 = arith.constant 56 : i32
    %get3A_3261 = arith.index_cast %get3A_3260 : i32 to index
    %get3A_3262 = arith.constant 96 : index
    %get3A_3263 = tpu.vector_load %arg6[%get3A_3261, %get3A_3262] {strides = array<i32>} : memref<72x128xf32, #tpu.memory_space<vmem>>, vector<1x16xf32>,
    %get3A_3264 = vector.shape_cast %get3A_3263 : vector<1x16xf32> to vector<16xf32>
    %add3A_3265 = arith.addf %add3A_3259, %get3A_3264 : vector<16xf32>
    %get3A_3266 = arith.constant 57 : i32
    %get3A_3267 = arith.index_cast %get3A_3266 : i32 to index
    %get3A_3268 = arith.constant 96 : index
    %get3A_3269 = tpu.vector_load %arg6[%get3A_3267, %get3A_3268] {strides = array<i32>} : memref<72x128xf32, #tpu.memory_space<vmem>>, vector<1x16xf32>,
    %get3A_3270 = vector.shape_cast %get3A_3269 : vector<1x16xf32> to vector<16xf32>
    %add3A_3271 = arith.addf %add3A_3265, %get3A_3270 : vector<16xf32>
    %get3A_3272 = arith.constant 58 : i32
    %get3A_3273 = arith.index_cast %get3A_3272 : i32 to index
    %get3A_3274 = arith.constant 96 : index
    %get3A_3275 = tpu.vector_load %arg6[%get3A_3273, %get3A_3274] {strides = array<i32>} : memref<72x128xf32, #tpu.memory_space<vmem>>, vector<1x16xf32>,
    %get3A_3276 = vector.shape_cast %get3A_3275 : vector<1x16xf32> to vector<16xf32>
    %add3A_3277 = arith.addf %add3A_3271, %get3A_3276 : vector<16xf32>
    %get3A_3278 = arith.constant 59 : i32
    %get3A_3279 = arith.index_cast %get3A_3278 : i32 to index
    %get3A_3280 = arith.constant 96 : index
    %get3A_3281 = tpu.vector_load %arg6[%get3A_3279, %get3A_3280] {strides = array<i32>} : memref<72x128xf32, #tpu.memory_space<vmem>>, vector<1x16xf32>,
    %get3A_3282 = vector.shape_cast %get3A_3281 : vector<1x16xf32> to vector<16xf32>
    %add3A_3283 = arith.addf %add3A_3277, %get3A_3282 : vector<16xf32>
    %swap3A_3284 = arith.constant 9 : i32
    %swap3A_3285 = arith.index_cast %swap3A_3284 : i32 to index
    %swap3A_3286 = arith.constant 96 : index
    %swap3A_3287 = tpu.vector_load %arg7[%swap3A_3285, %swap3A_3286] {strides = array<i32>} : memref<12x128xf32, #tpu.memory_space<vmem>>, vector<1x16xf32>,
    %swap3A_3288 = vector.shape_cast %swap3A_3287 : vector<1x16xf32> to vector<16xf32>
    %swap3A_3289 = vector.shape_cast %add3A_3283 : vector<16xf32> to vector<1x16xf32>
    tpu.vector_store %arg7[%swap3A_3285, %swap3A_3286], %swap3A_3289 {strides = array<i32>} : memref<12x128xf32, #tpu.memory_space<vmem>>, vector<1x16xf32>,
    %get3A_3290 = arith.constant 54 : i32
    %get3A_3291 = arith.index_cast %get3A_3290 : i32 to index
    %get3A_3292 = arith.constant 112 : index
    %get3A_3293 = tpu.vector_load %arg6[%get3A_3291, %get3A_3292] {strides = array<i32>} : memref<72x128xf32, #tpu.memory_space<vmem>>, vector<1x16xf32>,
    %get3A_3294 = vector.shape_cast %get3A_3293 : vector<1x16xf32> to vector<16xf32>
    %get3A_3295 = arith.constant 55 : i32
    %get3A_3296 = arith.index_cast %get3A_3295 : i32 to index
    %get3A_3297 = arith.constant 112 : index
    %get3A_3298 = tpu.vector_load %arg6[%get3A_3296, %get3A_3297] {strides = array<i32>} : memref<72x128xf32, #tpu.memory_space<vmem>>, vector<1x16xf32>,
    %get3A_3299 = vector.shape_cast %get3A_3298 : vector<1x16xf32> to vector<16xf32>
    %add3A_3300 = arith.addf %get3A_3294, %get3A_3299 : vector<16xf32>
    %get3A_3301 = arith.constant 56 : i32
    %get3A_3302 = arith.index_cast %get3A_3301 : i32 to index
    %get3A_3303 = arith.constant 112 : index
    %get3A_3304 = tpu.vector_load %arg6[%get3A_3302, %get3A_3303] {strides = array<i32>} : memref<72x128xf32, #tpu.memory_space<vmem>>, vector<1x16xf32>,
    %get3A_3305 = vector.shape_cast %get3A_3304 : vector<1x16xf32> to vector<16xf32>
    %add3A_3306 = arith.addf %add3A_3300, %get3A_3305 : vector<16xf32>
    %get3A_3307 = arith.constant 57 : i32
    %get3A_3308 = arith.index_cast %get3A_3307 : i32 to index
    %get3A_3309 = arith.constant 112 : index
    %get3A_3310 = tpu.vector_load %arg6[%get3A_3308, %get3A_3309] {strides = array<i32>} : memref<72x128xf32, #tpu.memory_space<vmem>>, vector<1x16xf32>,
    %get3A_3311 = vector.shape_cast %get3A_3310 : vector<1x16xf32> to vector<16xf32>
    %add3A_3312 = arith.addf %add3A_3306, %get3A_3311 : vector<16xf32>
    %get3A_3313 = arith.constant 58 : i32
    %get3A_3314 = arith.index_cast %get3A_3313 : i32 to index
    %get3A_3315 = arith.constant 112 : index
    %get3A_3316 = tpu.vector_load %arg6[%get3A_3314, %get3A_3315] {strides = array<i32>} : memref<72x128xf32, #tpu.memory_space<vmem>>, vector<1x16xf32>,
    %get3A_3317 = vector.shape_cast %get3A_3316 : vector<1x16xf32> to vector<16xf32>
    %add3A_3318 = arith.addf %add3A_3312, %get3A_3317 : vector<16xf32>
    %get3A_3319 = arith.constant 59 : i32
    %get3A_3320 = arith.index_cast %get3A_3319 : i32 to index
    %get3A_3321 = arith.constant 112 : index
    %get3A_3322 = tpu.vector_load %arg6[%get3A_3320, %get3A_3321] {strides = array<i32>} : memref<72x128xf32, #tpu.memory_space<vmem>>, vector<1x16xf32>,
    %get3A_3323 = vector.shape_cast %get3A_3322 : vector<1x16xf32> to vector<16xf32>
    %add3A_3324 = arith.addf %add3A_3318, %get3A_3323 : vector<16xf32>
    %swap3A_3325 = arith.constant 9 : i32
    %swap3A_3326 = arith.index_cast %swap3A_3325 : i32 to index
    %swap3A_3327 = arith.constant 112 : index
    %swap3A_3328 = tpu.vector_load %arg7[%swap3A_3326, %swap3A_3327] {strides = array<i32>} : memref<12x128xf32, #tpu.memory_space<vmem>>, vector<1x16xf32>,
    %swap3A_3329 = vector.shape_cast %swap3A_3328 : vector<1x16xf32> to vector<16xf32>
    %swap3A_3330 = vector.shape_cast %add3A_3324 : vector<16xf32> to vector<1x16xf32>
    tpu.vector_store %arg7[%swap3A_3326, %swap3A_3327], %swap3A_3330 {strides = array<i32>} : memref<12x128xf32, #tpu.memory_space<vmem>>, vector<1x16xf32>,
    %get3A_3331 = arith.constant 60 : i32
    %get3A_3332 = arith.index_cast %get3A_3331 : i32 to index
    %get3A_3333 = arith.constant 0 : index
    %get3A_3334 = tpu.vector_load %arg6[%get3A_3332, %get3A_3333] {strides = array<i32>} : memref<72x128xf32, #tpu.memory_space<vmem>>, vector<1x16xf32>,
    %get3A_3335 = vector.shape_cast %get3A_3334 : vector<1x16xf32> to vector<16xf32>
    %get3A_3336 = arith.constant 61 : i32
    %get3A_3337 = arith.index_cast %get3A_3336 : i32 to index
    %get3A_3338 = arith.constant 0 : index
    %get3A_3339 = tpu.vector_load %arg6[%get3A_3337, %get3A_3338] {strides = array<i32>} : memref<72x128xf32, #tpu.memory_space<vmem>>, vector<1x16xf32>,
    %get3A_3340 = vector.shape_cast %get3A_3339 : vector<1x16xf32> to vector<16xf32>
    %add3A_3341 = arith.addf %get3A_3335, %get3A_3340 : vector<16xf32>
    %get3A_3342 = arith.constant 62 : i32
    %get3A_3343 = arith.index_cast %get3A_3342 : i32 to index
    %get3A_3344 = arith.constant 0 : index
    %get3A_3345 = tpu.vector_load %arg6[%get3A_3343, %get3A_3344] {strides = array<i32>} : memref<72x128xf32, #tpu.memory_space<vmem>>, vector<1x16xf32>,
    %get3A_3346 = vector.shape_cast %get3A_3345 : vector<1x16xf32> to vector<16xf32>
    %add3A_3347 = arith.addf %add3A_3341, %get3A_3346 : vector<16xf32>
    %get3A_3348 = arith.constant 63 : i32
    %get3A_3349 = arith.index_cast %get3A_3348 : i32 to index
    %get3A_3350 = arith.constant 0 : index
    %get3A_3351 = tpu.vector_load %arg6[%get3A_3349, %get3A_3350] {strides = array<i32>} : memref<72x128xf32, #tpu.memory_space<vmem>>, vector<1x16xf32>,
    %get3A_3352 = vector.shape_cast %get3A_3351 : vector<1x16xf32> to vector<16xf32>
    %add3A_3353 = arith.addf %add3A_3347, %get3A_3352 : vector<16xf32>
    %get3A_3354 = arith.constant 64 : i32
    %get3A_3355 = arith.index_cast %get3A_3354 : i32 to index
    %get3A_3356 = arith.constant 0 : index
    %get3A_3357 = tpu.vector_load %arg6[%get3A_3355, %get3A_3356] {strides = array<i32>} : memref<72x128xf32, #tpu.memory_space<vmem>>, vector<1x16xf32>,
    %get3A_3358 = vector.shape_cast %get3A_3357 : vector<1x16xf32> to vector<16xf32>
    %add3A_3359 = arith.addf %add3A_3353, %get3A_3358 : vector<16xf32>
    %get3A_3360 = arith.constant 65 : i32
    %get3A_3361 = arith.index_cast %get3A_3360 : i32 to index
    %get3A_3362 = arith.constant 0 : index
    %get3A_3363 = tpu.vector_load %arg6[%get3A_3361, %get3A_3362] {strides = array<i32>} : memref<72x128xf32, #tpu.memory_space<vmem>>, vector<1x16xf32>,
    %get3A_3364 = vector.shape_cast %get3A_3363 : vector<1x16xf32> to vector<16xf32>
    %add3A_3365 = arith.addf %add3A_3359, %get3A_3364 : vector<16xf32>
    %swap3A_3366 = arith.constant 10 : i32
    %swap3A_3367 = arith.index_cast %swap3A_3366 : i32 to index
    %swap3A_3368 = arith.constant 0 : index
    %swap3A_3369 = tpu.vector_load %arg7[%swap3A_3367, %swap3A_3368] {strides = array<i32>} : memref<12x128xf32, #tpu.memory_space<vmem>>, vector<1x16xf32>,
    %swap3A_3370 = vector.shape_cast %swap3A_3369 : vector<1x16xf32> to vector<16xf32>
    %swap3A_3371 = vector.shape_cast %add3A_3365 : vector<16xf32> to vector<1x16xf32>
    tpu.vector_store %arg7[%swap3A_3367, %swap3A_3368], %swap3A_3371 {strides = array<i32>} : memref<12x128xf32, #tpu.memory_space<vmem>>, vector<1x16xf32>,
    %get3A_3372 = arith.constant 60 : i32
    %get3A_3373 = arith.index_cast %get3A_3372 : i32 to index
    %get3A_3374 = arith.constant 16 : index
    %get3A_3375 = tpu.vector_load %arg6[%get3A_3373, %get3A_3374] {strides = array<i32>} : memref<72x128xf32, #tpu.memory_space<vmem>>, vector<1x16xf32>,
    %get3A_3376 = vector.shape_cast %get3A_3375 : vector<1x16xf32> to vector<16xf32>
    %get3A_3377 = arith.constant 61 : i32
    %get3A_3378 = arith.index_cast %get3A_3377 : i32 to index
    %get3A_3379 = arith.constant 16 : index
    %get3A_3380 = tpu.vector_load %arg6[%get3A_3378, %get3A_3379] {strides = array<i32>} : memref<72x128xf32, #tpu.memory_space<vmem>>, vector<1x16xf32>,
    %get3A_3381 = vector.shape_cast %get3A_3380 : vector<1x16xf32> to vector<16xf32>
    %add3A_3382 = arith.addf %get3A_3376, %get3A_3381 : vector<16xf32>
    %get3A_3383 = arith.constant 62 : i32
    %get3A_3384 = arith.index_cast %get3A_3383 : i32 to index
    %get3A_3385 = arith.constant 16 : index
    %get3A_3386 = tpu.vector_load %arg6[%get3A_3384, %get3A_3385] {strides = array<i32>} : memref<72x128xf32, #tpu.memory_space<vmem>>, vector<1x16xf32>,
    %get3A_3387 = vector.shape_cast %get3A_3386 : vector<1x16xf32> to vector<16xf32>
    %add3A_3388 = arith.addf %add3A_3382, %get3A_3387 : vector<16xf32>
    %get3A_3389 = arith.constant 63 : i32
    %get3A_3390 = arith.index_cast %get3A_3389 : i32 to index
    %get3A_3391 = arith.constant 16 : index
    %get3A_3392 = tpu.vector_load %arg6[%get3A_3390, %get3A_3391] {strides = array<i32>} : memref<72x128xf32, #tpu.memory_space<vmem>>, vector<1x16xf32>,
    %get3A_3393 = vector.shape_cast %get3A_3392 : vector<1x16xf32> to vector<16xf32>
    %add3A_3394 = arith.addf %add3A_3388, %get3A_3393 : vector<16xf32>
    %get3A_3395 = arith.constant 64 : i32
    %get3A_3396 = arith.index_cast %get3A_3395 : i32 to index
    %get3A_3397 = arith.constant 16 : index
    %get3A_3398 = tpu.vector_load %arg6[%get3A_3396, %get3A_3397] {strides = array<i32>} : memref<72x128xf32, #tpu.memory_space<vmem>>, vector<1x16xf32>,
    %get3A_3399 = vector.shape_cast %get3A_3398 : vector<1x16xf32> to vector<16xf32>
    %add3A_3400 = arith.addf %add3A_3394, %get3A_3399 : vector<16xf32>
    %get3A_3401 = arith.constant 65 : i32
    %get3A_3402 = arith.index_cast %get3A_3401 : i32 to index
    %get3A_3403 = arith.constant 16 : index
    %get3A_3404 = tpu.vector_load %arg6[%get3A_3402, %get3A_3403] {strides = array<i32>} : memref<72x128xf32, #tpu.memory_space<vmem>>, vector<1x16xf32>,
    %get3A_3405 = vector.shape_cast %get3A_3404 : vector<1x16xf32> to vector<16xf32>
    %add3A_3406 = arith.addf %add3A_3400, %get3A_3405 : vector<16xf32>
    %swap3A_3407 = arith.constant 10 : i32
    %swap3A_3408 = arith.index_cast %swap3A_3407 : i32 to index
    %swap3A_3409 = arith.constant 16 : index
    %swap3A_3410 = tpu.vector_load %arg7[%swap3A_3408, %swap3A_3409] {strides = array<i32>} : memref<12x128xf32, #tpu.memory_space<vmem>>, vector<1x16xf32>,
    %swap3A_3411 = vector.shape_cast %swap3A_3410 : vector<1x16xf32> to vector<16xf32>
    %swap3A_3412 = vector.shape_cast %add3A_3406 : vector<16xf32> to vector<1x16xf32>
    tpu.vector_store %arg7[%swap3A_3408, %swap3A_3409], %swap3A_3412 {strides = array<i32>} : memref<12x128xf32, #tpu.memory_space<vmem>>, vector<1x16xf32>,
    %get3A_3413 = arith.constant 60 : i32
    %get3A_3414 = arith.index_cast %get3A_3413 : i32 to index
    %get3A_3415 = arith.constant 32 : index
    %get3A_3416 = tpu.vector_load %arg6[%get3A_3414, %get3A_3415] {strides = array<i32>} : memref<72x128xf32, #tpu.memory_space<vmem>>, vector<1x16xf32>,
    %get3A_3417 = vector.shape_cast %get3A_3416 : vector<1x16xf32> to vector<16xf32>
    %get3A_3418 = arith.constant 61 : i32
    %get3A_3419 = arith.index_cast %get3A_3418 : i32 to index
    %get3A_3420 = arith.constant 32 : index
    %get3A_3421 = tpu.vector_load %arg6[%get3A_3419, %get3A_3420] {strides = array<i32>} : memref<72x128xf32, #tpu.memory_space<vmem>>, vector<1x16xf32>,
    %get3A_3422 = vector.shape_cast %get3A_3421 : vector<1x16xf32> to vector<16xf32>
    %add3A_3423 = arith.addf %get3A_3417, %get3A_3422 : vector<16xf32>
    %get3A_3424 = arith.constant 62 : i32
    %get3A_3425 = arith.index_cast %get3A_3424 : i32 to index
    %get3A_3426 = arith.constant 32 : index
    %get3A_3427 = tpu.vector_load %arg6[%get3A_3425, %get3A_3426] {strides = array<i32>} : memref<72x128xf32, #tpu.memory_space<vmem>>, vector<1x16xf32>,
    %get3A_3428 = vector.shape_cast %get3A_3427 : vector<1x16xf32> to vector<16xf32>
    %add3A_3429 = arith.addf %add3A_3423, %get3A_3428 : vector<16xf32>
    %get3A_3430 = arith.constant 63 : i32
    %get3A_3431 = arith.index_cast %get3A_3430 : i32 to index
    %get3A_3432 = arith.constant 32 : index
    %get3A_3433 = tpu.vector_load %arg6[%get3A_3431, %get3A_3432] {strides = array<i32>} : memref<72x128xf32, #tpu.memory_space<vmem>>, vector<1x16xf32>,
    %get3A_3434 = vector.shape_cast %get3A_3433 : vector<1x16xf32> to vector<16xf32>
    %add3A_3435 = arith.addf %add3A_3429, %get3A_3434 : vector<16xf32>
    %get3A_3436 = arith.constant 64 : i32
    %get3A_3437 = arith.index_cast %get3A_3436 : i32 to index
    %get3A_3438 = arith.constant 32 : index
    %get3A_3439 = tpu.vector_load %arg6[%get3A_3437, %get3A_3438] {strides = array<i32>} : memref<72x128xf32, #tpu.memory_space<vmem>>, vector<1x16xf32>,
    %get3A_3440 = vector.shape_cast %get3A_3439 : vector<1x16xf32> to vector<16xf32>
    %add3A_3441 = arith.addf %add3A_3435, %get3A_3440 : vector<16xf32>
    %get3A_3442 = arith.constant 65 : i32
    %get3A_3443 = arith.index_cast %get3A_3442 : i32 to index
    %get3A_3444 = arith.constant 32 : index
    %get3A_3445 = tpu.vector_load %arg6[%get3A_3443, %get3A_3444] {strides = array<i32>} : memref<72x128xf32, #tpu.memory_space<vmem>>, vector<1x16xf32>,
    %get3A_3446 = vector.shape_cast %get3A_3445 : vector<1x16xf32> to vector<16xf32>
    %add3A_3447 = arith.addf %add3A_3441, %get3A_3446 : vector<16xf32>
    %swap3A_3448 = arith.constant 10 : i32
    %swap3A_3449 = arith.index_cast %swap3A_3448 : i32 to index
    %swap3A_3450 = arith.constant 32 : index
    %swap3A_3451 = tpu.vector_load %arg7[%swap3A_3449, %swap3A_3450] {strides = array<i32>} : memref<12x128xf32, #tpu.memory_space<vmem>>, vector<1x16xf32>,
    %swap3A_3452 = vector.shape_cast %swap3A_3451 : vector<1x16xf32> to vector<16xf32>
    %swap3A_3453 = vector.shape_cast %add3A_3447 : vector<16xf32> to vector<1x16xf32>
    tpu.vector_store %arg7[%swap3A_3449, %swap3A_3450], %swap3A_3453 {strides = array<i32>} : memref<12x128xf32, #tpu.memory_space<vmem>>, vector<1x16xf32>,
    %get3A_3454 = arith.constant 60 : i32
    %get3A_3455 = arith.index_cast %get3A_3454 : i32 to index
    %get3A_3456 = arith.constant 48 : index
    %get3A_3457 = tpu.vector_load %arg6[%get3A_3455, %get3A_3456] {strides = array<i32>} : memref<72x128xf32, #tpu.memory_space<vmem>>, vector<1x16xf32>,
    %get3A_3458 = vector.shape_cast %get3A_3457 : vector<1x16xf32> to vector<16xf32>
    %get3A_3459 = arith.constant 61 : i32
    %get3A_3460 = arith.index_cast %get3A_3459 : i32 to index
    %get3A_3461 = arith.constant 48 : index
    %get3A_3462 = tpu.vector_load %arg6[%get3A_3460, %get3A_3461] {strides = array<i32>} : memref<72x128xf32, #tpu.memory_space<vmem>>, vector<1x16xf32>,
    %get3A_3463 = vector.shape_cast %get3A_3462 : vector<1x16xf32> to vector<16xf32>
    %add3A_3464 = arith.addf %get3A_3458, %get3A_3463 : vector<16xf32>
    %get3A_3465 = arith.constant 62 : i32
    %get3A_3466 = arith.index_cast %get3A_3465 : i32 to index
    %get3A_3467 = arith.constant 48 : index
    %get3A_3468 = tpu.vector_load %arg6[%get3A_3466, %get3A_3467] {strides = array<i32>} : memref<72x128xf32, #tpu.memory_space<vmem>>, vector<1x16xf32>,
    %get3A_3469 = vector.shape_cast %get3A_3468 : vector<1x16xf32> to vector<16xf32>
    %add3A_3470 = arith.addf %add3A_3464, %get3A_3469 : vector<16xf32>
    %get3A_3471 = arith.constant 63 : i32
    %get3A_3472 = arith.index_cast %get3A_3471 : i32 to index
    %get3A_3473 = arith.constant 48 : index
    %get3A_3474 = tpu.vector_load %arg6[%get3A_3472, %get3A_3473] {strides = array<i32>} : memref<72x128xf32, #tpu.memory_space<vmem>>, vector<1x16xf32>,
    %get3A_3475 = vector.shape_cast %get3A_3474 : vector<1x16xf32> to vector<16xf32>
    %add3A_3476 = arith.addf %add3A_3470, %get3A_3475 : vector<16xf32>
    %get3A_3477 = arith.constant 64 : i32
    %get3A_3478 = arith.index_cast %get3A_3477 : i32 to index
    %get3A_3479 = arith.constant 48 : index
    %get3A_3480 = tpu.vector_load %arg6[%get3A_3478, %get3A_3479] {strides = array<i32>} : memref<72x128xf32, #tpu.memory_space<vmem>>, vector<1x16xf32>,
    %get3A_3481 = vector.shape_cast %get3A_3480 : vector<1x16xf32> to vector<16xf32>
    %add3A_3482 = arith.addf %add3A_3476, %get3A_3481 : vector<16xf32>
    %get3A_3483 = arith.constant 65 : i32
    %get3A_3484 = arith.index_cast %get3A_3483 : i32 to index
    %get3A_3485 = arith.constant 48 : index
    %get3A_3486 = tpu.vector_load %arg6[%get3A_3484, %get3A_3485] {strides = array<i32>} : memref<72x128xf32, #tpu.memory_space<vmem>>, vector<1x16xf32>,
    %get3A_3487 = vector.shape_cast %get3A_3486 : vector<1x16xf32> to vector<16xf32>
    %add3A_3488 = arith.addf %add3A_3482, %get3A_3487 : vector<16xf32>
    %swap3A_3489 = arith.constant 10 : i32
    %swap3A_3490 = arith.index_cast %swap3A_3489 : i32 to index
    %swap3A_3491 = arith.constant 48 : index
    %swap3A_3492 = tpu.vector_load %arg7[%swap3A_3490, %swap3A_3491] {strides = array<i32>} : memref<12x128xf32, #tpu.memory_space<vmem>>, vector<1x16xf32>,
    %swap3A_3493 = vector.shape_cast %swap3A_3492 : vector<1x16xf32> to vector<16xf32>
    %swap3A_3494 = vector.shape_cast %add3A_3488 : vector<16xf32> to vector<1x16xf32>
    tpu.vector_store %arg7[%swap3A_3490, %swap3A_3491], %swap3A_3494 {strides = array<i32>} : memref<12x128xf32, #tpu.memory_space<vmem>>, vector<1x16xf32>,
    %get3A_3495 = arith.constant 60 : i32
    %get3A_3496 = arith.index_cast %get3A_3495 : i32 to index
    %get3A_3497 = arith.constant 64 : index
    %get3A_3498 = tpu.vector_load %arg6[%get3A_3496, %get3A_3497] {strides = array<i32>} : memref<72x128xf32, #tpu.memory_space<vmem>>, vector<1x16xf32>,
    %get3A_3499 = vector.shape_cast %get3A_3498 : vector<1x16xf32> to vector<16xf32>
    %get3A_3500 = arith.constant 61 : i32
    %get3A_3501 = arith.index_cast %get3A_3500 : i32 to index
    %get3A_3502 = arith.constant 64 : index
    %get3A_3503 = tpu.vector_load %arg6[%get3A_3501, %get3A_3502] {strides = array<i32>} : memref<72x128xf32, #tpu.memory_space<vmem>>, vector<1x16xf32>,
    %get3A_3504 = vector.shape_cast %get3A_3503 : vector<1x16xf32> to vector<16xf32>
    %add3A_3505 = arith.addf %get3A_3499, %get3A_3504 : vector<16xf32>
    %get3A_3506 = arith.constant 62 : i32
    %get3A_3507 = arith.index_cast %get3A_3506 : i32 to index
    %get3A_3508 = arith.constant 64 : index
    %get3A_3509 = tpu.vector_load %arg6[%get3A_3507, %get3A_3508] {strides = array<i32>} : memref<72x128xf32, #tpu.memory_space<vmem>>, vector<1x16xf32>,
    %get3A_3510 = vector.shape_cast %get3A_3509 : vector<1x16xf32> to vector<16xf32>
    %add3A_3511 = arith.addf %add3A_3505, %get3A_3510 : vector<16xf32>
    %get3A_3512 = arith.constant 63 : i32
    %get3A_3513 = arith.index_cast %get3A_3512 : i32 to index
    %get3A_3514 = arith.constant 64 : index
    %get3A_3515 = tpu.vector_load %arg6[%get3A_3513, %get3A_3514] {strides = array<i32>} : memref<72x128xf32, #tpu.memory_space<vmem>>, vector<1x16xf32>,
    %get3A_3516 = vector.shape_cast %get3A_3515 : vector<1x16xf32> to vector<16xf32>
    %add3A_3517 = arith.addf %add3A_3511, %get3A_3516 : vector<16xf32>
    %get3A_3518 = arith.constant 64 : i32
    %get3A_3519 = arith.index_cast %get3A_3518 : i32 to index
    %get3A_3520 = arith.constant 64 : index
    %get3A_3521 = tpu.vector_load %arg6[%get3A_3519, %get3A_3520] {strides = array<i32>} : memref<72x128xf32, #tpu.memory_space<vmem>>, vector<1x16xf32>,
    %get3A_3522 = vector.shape_cast %get3A_3521 : vector<1x16xf32> to vector<16xf32>
    %add3A_3523 = arith.addf %add3A_3517, %get3A_3522 : vector<16xf32>
    %get3A_3524 = arith.constant 65 : i32
    %get3A_3525 = arith.index_cast %get3A_3524 : i32 to index
    %get3A_3526 = arith.constant 64 : index
    %get3A_3527 = tpu.vector_load %arg6[%get3A_3525, %get3A_3526] {strides = array<i32>} : memref<72x128xf32, #tpu.memory_space<vmem>>, vector<1x16xf32>,
    %get3A_3528 = vector.shape_cast %get3A_3527 : vector<1x16xf32> to vector<16xf32>
    %add3A_3529 = arith.addf %add3A_3523, %get3A_3528 : vector<16xf32>
    %swap3A_3530 = arith.constant 10 : i32
    %swap3A_3531 = arith.index_cast %swap3A_3530 : i32 to index
    %swap3A_3532 = arith.constant 64 : index
    %swap3A_3533 = tpu.vector_load %arg7[%swap3A_3531, %swap3A_3532] {strides = array<i32>} : memref<12x128xf32, #tpu.memory_space<vmem>>, vector<1x16xf32>,
    %swap3A_3534 = vector.shape_cast %swap3A_3533 : vector<1x16xf32> to vector<16xf32>
    %swap3A_3535 = vector.shape_cast %add3A_3529 : vector<16xf32> to vector<1x16xf32>
    tpu.vector_store %arg7[%swap3A_3531, %swap3A_3532], %swap3A_3535 {strides = array<i32>} : memref<12x128xf32, #tpu.memory_space<vmem>>, vector<1x16xf32>,
    %get3A_3536 = arith.constant 60 : i32
    %get3A_3537 = arith.index_cast %get3A_3536 : i32 to index
    %get3A_3538 = arith.constant 80 : index
    %get3A_3539 = tpu.vector_load %arg6[%get3A_3537, %get3A_3538] {strides = array<i32>} : memref<72x128xf32, #tpu.memory_space<vmem>>, vector<1x16xf32>,
    %get3A_3540 = vector.shape_cast %get3A_3539 : vector<1x16xf32> to vector<16xf32>
    %get3A_3541 = arith.constant 61 : i32
    %get3A_3542 = arith.index_cast %get3A_3541 : i32 to index
    %get3A_3543 = arith.constant 80 : index
    %get3A_3544 = tpu.vector_load %arg6[%get3A_3542, %get3A_3543] {strides = array<i32>} : memref<72x128xf32, #tpu.memory_space<vmem>>, vector<1x16xf32>,
    %get3A_3545 = vector.shape_cast %get3A_3544 : vector<1x16xf32> to vector<16xf32>
    %add3A_3546 = arith.addf %get3A_3540, %get3A_3545 : vector<16xf32>
    %get3A_3547 = arith.constant 62 : i32
    %get3A_3548 = arith.index_cast %get3A_3547 : i32 to index
    %get3A_3549 = arith.constant 80 : index
    %get3A_3550 = tpu.vector_load %arg6[%get3A_3548, %get3A_3549] {strides = array<i32>} : memref<72x128xf32, #tpu.memory_space<vmem>>, vector<1x16xf32>,
    %get3A_3551 = vector.shape_cast %get3A_3550 : vector<1x16xf32> to vector<16xf32>
    %add3A_3552 = arith.addf %add3A_3546, %get3A_3551 : vector<16xf32>
    %get3A_3553 = arith.constant 63 : i32
    %get3A_3554 = arith.index_cast %get3A_3553 : i32 to index
    %get3A_3555 = arith.constant 80 : index
    %get3A_3556 = tpu.vector_load %arg6[%get3A_3554, %get3A_3555] {strides = array<i32>} : memref<72x128xf32, #tpu.memory_space<vmem>>, vector<1x16xf32>,
    %get3A_3557 = vector.shape_cast %get3A_3556 : vector<1x16xf32> to vector<16xf32>
    %add3A_3558 = arith.addf %add3A_3552, %get3A_3557 : vector<16xf32>
    %get3A_3559 = arith.constant 64 : i32
    %get3A_3560 = arith.index_cast %get3A_3559 : i32 to index
    %get3A_3561 = arith.constant 80 : index
    %get3A_3562 = tpu.vector_load %arg6[%get3A_3560, %get3A_3561] {strides = array<i32>} : memref<72x128xf32, #tpu.memory_space<vmem>>, vector<1x16xf32>,
    %get3A_3563 = vector.shape_cast %get3A_3562 : vector<1x16xf32> to vector<16xf32>
    %add3A_3564 = arith.addf %add3A_3558, %get3A_3563 : vector<16xf32>
    %get3A_3565 = arith.constant 65 : i32
    %get3A_3566 = arith.index_cast %get3A_3565 : i32 to index
    %get3A_3567 = arith.constant 80 : index
    %get3A_3568 = tpu.vector_load %arg6[%get3A_3566, %get3A_3567] {strides = array<i32>} : memref<72x128xf32, #tpu.memory_space<vmem>>, vector<1x16xf32>,
    %get3A_3569 = vector.shape_cast %get3A_3568 : vector<1x16xf32> to vector<16xf32>
    %add3A_3570 = arith.addf %add3A_3564, %get3A_3569 : vector<16xf32>
    %swap3A_3571 = arith.constant 10 : i32
    %swap3A_3572 = arith.index_cast %swap3A_3571 : i32 to index
    %swap3A_3573 = arith.constant 80 : index
    %swap3A_3574 = tpu.vector_load %arg7[%swap3A_3572, %swap3A_3573] {strides = array<i32>} : memref<12x128xf32, #tpu.memory_space<vmem>>, vector<1x16xf32>,
    %swap3A_3575 = vector.shape_cast %swap3A_3574 : vector<1x16xf32> to vector<16xf32>
    %swap3A_3576 = vector.shape_cast %add3A_3570 : vector<16xf32> to vector<1x16xf32>
    tpu.vector_store %arg7[%swap3A_3572, %swap3A_3573], %swap3A_3576 {strides = array<i32>} : memref<12x128xf32, #tpu.memory_space<vmem>>, vector<1x16xf32>,
    %get3A_3577 = arith.constant 60 : i32
    %get3A_3578 = arith.index_cast %get3A_3577 : i32 to index
    %get3A_3579 = arith.constant 96 : index
    %get3A_3580 = tpu.vector_load %arg6[%get3A_3578, %get3A_3579] {strides = array<i32>} : memref<72x128xf32, #tpu.memory_space<vmem>>, vector<1x16xf32>,
    %get3A_3581 = vector.shape_cast %get3A_3580 : vector<1x16xf32> to vector<16xf32>
    %get3A_3582 = arith.constant 61 : i32
    %get3A_3583 = arith.index_cast %get3A_3582 : i32 to index
    %get3A_3584 = arith.constant 96 : index
    %get3A_3585 = tpu.vector_load %arg6[%get3A_3583, %get3A_3584] {strides = array<i32>} : memref<72x128xf32, #tpu.memory_space<vmem>>, vector<1x16xf32>,
    %get3A_3586 = vector.shape_cast %get3A_3585 : vector<1x16xf32> to vector<16xf32>
    %add3A_3587 = arith.addf %get3A_3581, %get3A_3586 : vector<16xf32>
    %get3A_3588 = arith.constant 62 : i32
    %get3A_3589 = arith.index_cast %get3A_3588 : i32 to index
    %get3A_3590 = arith.constant 96 : index
    %get3A_3591 = tpu.vector_load %arg6[%get3A_3589, %get3A_3590] {strides = array<i32>} : memref<72x128xf32, #tpu.memory_space<vmem>>, vector<1x16xf32>,
    %get3A_3592 = vector.shape_cast %get3A_3591 : vector<1x16xf32> to vector<16xf32>
    %add3A_3593 = arith.addf %add3A_3587, %get3A_3592 : vector<16xf32>
    %get3A_3594 = arith.constant 63 : i32
    %get3A_3595 = arith.index_cast %get3A_3594 : i32 to index
    %get3A_3596 = arith.constant 96 : index
    %get3A_3597 = tpu.vector_load %arg6[%get3A_3595, %get3A_3596] {strides = array<i32>} : memref<72x128xf32, #tpu.memory_space<vmem>>, vector<1x16xf32>,
    %get3A_3598 = vector.shape_cast %get3A_3597 : vector<1x16xf32> to vector<16xf32>
    %add3A_3599 = arith.addf %add3A_3593, %get3A_3598 : vector<16xf32>
    %get3A_3600 = arith.constant 64 : i32
    %get3A_3601 = arith.index_cast %get3A_3600 : i32 to index
    %get3A_3602 = arith.constant 96 : index
    %get3A_3603 = tpu.vector_load %arg6[%get3A_3601, %get3A_3602] {strides = array<i32>} : memref<72x128xf32, #tpu.memory_space<vmem>>, vector<1x16xf32>,
    %get3A_3604 = vector.shape_cast %get3A_3603 : vector<1x16xf32> to vector<16xf32>
    %add3A_3605 = arith.addf %add3A_3599, %get3A_3604 : vector<16xf32>
    %get3A_3606 = arith.constant 65 : i32
    %get3A_3607 = arith.index_cast %get3A_3606 : i32 to index
    %get3A_3608 = arith.constant 96 : index
    %get3A_3609 = tpu.vector_load %arg6[%get3A_3607, %get3A_3608] {strides = array<i32>} : memref<72x128xf32, #tpu.memory_space<vmem>>, vector<1x16xf32>,
    %get3A_3610 = vector.shape_cast %get3A_3609 : vector<1x16xf32> to vector<16xf32>
    %add3A_3611 = arith.addf %add3A_3605, %get3A_3610 : vector<16xf32>
    %swap3A_3612 = arith.constant 10 : i32
    %swap3A_3613 = arith.index_cast %swap3A_3612 : i32 to index
    %swap3A_3614 = arith.constant 96 : index
    %swap3A_3615 = tpu.vector_load %arg7[%swap3A_3613, %swap3A_3614] {strides = array<i32>} : memref<12x128xf32, #tpu.memory_space<vmem>>, vector<1x16xf32>,
    %swap3A_3616 = vector.shape_cast %swap3A_3615 : vector<1x16xf32> to vector<16xf32>
    %swap3A_3617 = vector.shape_cast %add3A_3611 : vector<16xf32> to vector<1x16xf32>
    tpu.vector_store %arg7[%swap3A_3613, %swap3A_3614], %swap3A_3617 {strides = array<i32>} : memref<12x128xf32, #tpu.memory_space<vmem>>, vector<1x16xf32>,
    %get3A_3618 = arith.constant 60 : i32
    %get3A_3619 = arith.index_cast %get3A_3618 : i32 to index
    %get3A_3620 = arith.constant 112 : index
    %get3A_3621 = tpu.vector_load %arg6[%get3A_3619, %get3A_3620] {strides = array<i32>} : memref<72x128xf32, #tpu.memory_space<vmem>>, vector<1x16xf32>,
    %get3A_3622 = vector.shape_cast %get3A_3621 : vector<1x16xf32> to vector<16xf32>
    %get3A_3623 = arith.constant 61 : i32
    %get3A_3624 = arith.index_cast %get3A_3623 : i32 to index
    %get3A_3625 = arith.constant 112 : index
    %get3A_3626 = tpu.vector_load %arg6[%get3A_3624, %get3A_3625] {strides = array<i32>} : memref<72x128xf32, #tpu.memory_space<vmem>>, vector<1x16xf32>,
    %get3A_3627 = vector.shape_cast %get3A_3626 : vector<1x16xf32> to vector<16xf32>
    %add3A_3628 = arith.addf %get3A_3622, %get3A_3627 : vector<16xf32>
    %get3A_3629 = arith.constant 62 : i32
    %get3A_3630 = arith.index_cast %get3A_3629 : i32 to index
    %get3A_3631 = arith.constant 112 : index
    %get3A_3632 = tpu.vector_load %arg6[%get3A_3630, %get3A_3631] {strides = array<i32>} : memref<72x128xf32, #tpu.memory_space<vmem>>, vector<1x16xf32>,
    %get3A_3633 = vector.shape_cast %get3A_3632 : vector<1x16xf32> to vector<16xf32>
    %add3A_3634 = arith.addf %add3A_3628, %get3A_3633 : vector<16xf32>
    %get3A_3635 = arith.constant 63 : i32
    %get3A_3636 = arith.index_cast %get3A_3635 : i32 to index
    %get3A_3637 = arith.constant 112 : index
    %get3A_3638 = tpu.vector_load %arg6[%get3A_3636, %get3A_3637] {strides = array<i32>} : memref<72x128xf32, #tpu.memory_space<vmem>>, vector<1x16xf32>,
    %get3A_3639 = vector.shape_cast %get3A_3638 : vector<1x16xf32> to vector<16xf32>
    %add3A_3640 = arith.addf %add3A_3634, %get3A_3639 : vector<16xf32>
    %get3A_3641 = arith.constant 64 : i32
    %get3A_3642 = arith.index_cast %get3A_3641 : i32 to index
    %get3A_3643 = arith.constant 112 : index
    %get3A_3644 = tpu.vector_load %arg6[%get3A_3642, %get3A_3643] {strides = array<i32>} : memref<72x128xf32, #tpu.memory_space<vmem>>, vector<1x16xf32>,
    %get3A_3645 = vector.shape_cast %get3A_3644 : vector<1x16xf32> to vector<16xf32>
    %add3A_3646 = arith.addf %add3A_3640, %get3A_3645 : vector<16xf32>
    %get3A_3647 = arith.constant 65 : i32
    %get3A_3648 = arith.index_cast %get3A_3647 : i32 to index
    %get3A_3649 = arith.constant 112 : index
    %get3A_3650 = tpu.vector_load %arg6[%get3A_3648, %get3A_3649] {strides = array<i32>} : memref<72x128xf32, #tpu.memory_space<vmem>>, vector<1x16xf32>,
    %get3A_3651 = vector.shape_cast %get3A_3650 : vector<1x16xf32> to vector<16xf32>
    %add3A_3652 = arith.addf %add3A_3646, %get3A_3651 : vector<16xf32>
    %swap3A_3653 = arith.constant 10 : i32
    %swap3A_3654 = arith.index_cast %swap3A_3653 : i32 to index
    %swap3A_3655 = arith.constant 112 : index
    %swap3A_3656 = tpu.vector_load %arg7[%swap3A_3654, %swap3A_3655] {strides = array<i32>} : memref<12x128xf32, #tpu.memory_space<vmem>>, vector<1x16xf32>,
    %swap3A_3657 = vector.shape_cast %swap3A_3656 : vector<1x16xf32> to vector<16xf32>
    %swap3A_3658 = vector.shape_cast %add3A_3652 : vector<16xf32> to vector<1x16xf32>
    tpu.vector_store %arg7[%swap3A_3654, %swap3A_3655], %swap3A_3658 {strides = array<i32>} : memref<12x128xf32, #tpu.memory_space<vmem>>, vector<1x16xf32>,
    %get3A_3659 = arith.constant 66 : i32
    %get3A_3660 = arith.index_cast %get3A_3659 : i32 to index
    %get3A_3661 = arith.constant 0 : index
    %get3A_3662 = tpu.vector_load %arg6[%get3A_3660, %get3A_3661] {strides = array<i32>} : memref<72x128xf32, #tpu.memory_space<vmem>>, vector<1x16xf32>,
    %get3A_3663 = vector.shape_cast %get3A_3662 : vector<1x16xf32> to vector<16xf32>
    %get3A_3664 = arith.constant 67 : i32
    %get3A_3665 = arith.index_cast %get3A_3664 : i32 to index
    %get3A_3666 = arith.constant 0 : index
    %get3A_3667 = tpu.vector_load %arg6[%get3A_3665, %get3A_3666] {strides = array<i32>} : memref<72x128xf32, #tpu.memory_space<vmem>>, vector<1x16xf32>,
    %get3A_3668 = vector.shape_cast %get3A_3667 : vector<1x16xf32> to vector<16xf32>
    %add3A_3669 = arith.addf %get3A_3663, %get3A_3668 : vector<16xf32>
    %get3A_3670 = arith.constant 68 : i32
    %get3A_3671 = arith.index_cast %get3A_3670 : i32 to index
    %get3A_3672 = arith.constant 0 : index
    %get3A_3673 = tpu.vector_load %arg6[%get3A_3671, %get3A_3672] {strides = array<i32>} : memref<72x128xf32, #tpu.memory_space<vmem>>, vector<1x16xf32>,
    %get3A_3674 = vector.shape_cast %get3A_3673 : vector<1x16xf32> to vector<16xf32>
    %add3A_3675 = arith.addf %add3A_3669, %get3A_3674 : vector<16xf32>
    %get3A_3676 = arith.constant 69 : i32
    %get3A_3677 = arith.index_cast %get3A_3676 : i32 to index
    %get3A_3678 = arith.constant 0 : index
    %get3A_3679 = tpu.vector_load %arg6[%get3A_3677, %get3A_3678] {strides = array<i32>} : memref<72x128xf32, #tpu.memory_space<vmem>>, vector<1x16xf32>,
    %get3A_3680 = vector.shape_cast %get3A_3679 : vector<1x16xf32> to vector<16xf32>
    %add3A_3681 = arith.addf %add3A_3675, %get3A_3680 : vector<16xf32>
    %get3A_3682 = arith.constant 70 : i32
    %get3A_3683 = arith.index_cast %get3A_3682 : i32 to index
    %get3A_3684 = arith.constant 0 : index
    %get3A_3685 = tpu.vector_load %arg6[%get3A_3683, %get3A_3684] {strides = array<i32>} : memref<72x128xf32, #tpu.memory_space<vmem>>, vector<1x16xf32>,
    %get3A_3686 = vector.shape_cast %get3A_3685 : vector<1x16xf32> to vector<16xf32>
    %add3A_3687 = arith.addf %add3A_3681, %get3A_3686 : vector<16xf32>
    %get3A_3688 = arith.constant 71 : i32
    %get3A_3689 = arith.index_cast %get3A_3688 : i32 to index
    %get3A_3690 = arith.constant 0 : index
    %get3A_3691 = tpu.vector_load %arg6[%get3A_3689, %get3A_3690] {strides = array<i32>} : memref<72x128xf32, #tpu.memory_space<vmem>>, vector<1x16xf32>,
    %get3A_3692 = vector.shape_cast %get3A_3691 : vector<1x16xf32> to vector<16xf32>
    %add3A_3693 = arith.addf %add3A_3687, %get3A_3692 : vector<16xf32>
    %swap3A_3694 = arith.constant 11 : i32
    %swap3A_3695 = arith.index_cast %swap3A_3694 : i32 to index
    %swap3A_3696 = arith.constant 0 : index
    %swap3A_3697 = tpu.vector_load %arg7[%swap3A_3695, %swap3A_3696] {strides = array<i32>} : memref<12x128xf32, #tpu.memory_space<vmem>>, vector<1x16xf32>,
    %swap3A_3698 = vector.shape_cast %swap3A_3697 : vector<1x16xf32> to vector<16xf32>
    %swap3A_3699 = vector.shape_cast %add3A_3693 : vector<16xf32> to vector<1x16xf32>
    tpu.vector_store %arg7[%swap3A_3695, %swap3A_3696], %swap3A_3699 {strides = array<i32>} : memref<12x128xf32, #tpu.memory_space<vmem>>, vector<1x16xf32>,
    %get3A_3700 = arith.constant 66 : i32
    %get3A_3701 = arith.index_cast %get3A_3700 : i32 to index
    %get3A_3702 = arith.constant 16 : index
    %get3A_3703 = tpu.vector_load %arg6[%get3A_3701, %get3A_3702] {strides = array<i32>} : memref<72x128xf32, #tpu.memory_space<vmem>>, vector<1x16xf32>,
    %get3A_3704 = vector.shape_cast %get3A_3703 : vector<1x16xf32> to vector<16xf32>
    %get3A_3705 = arith.constant 67 : i32
    %get3A_3706 = arith.index_cast %get3A_3705 : i32 to index
    %get3A_3707 = arith.constant 16 : index
    %get3A_3708 = tpu.vector_load %arg6[%get3A_3706, %get3A_3707] {strides = array<i32>} : memref<72x128xf32, #tpu.memory_space<vmem>>, vector<1x16xf32>,
    %get3A_3709 = vector.shape_cast %get3A_3708 : vector<1x16xf32> to vector<16xf32>
    %add3A_3710 = arith.addf %get3A_3704, %get3A_3709 : vector<16xf32>
    %get3A_3711 = arith.constant 68 : i32
    %get3A_3712 = arith.index_cast %get3A_3711 : i32 to index
    %get3A_3713 = arith.constant 16 : index
    %get3A_3714 = tpu.vector_load %arg6[%get3A_3712, %get3A_3713] {strides = array<i32>} : memref<72x128xf32, #tpu.memory_space<vmem>>, vector<1x16xf32>,
    %get3A_3715 = vector.shape_cast %get3A_3714 : vector<1x16xf32> to vector<16xf32>
    %add3A_3716 = arith.addf %add3A_3710, %get3A_3715 : vector<16xf32>
    %get3A_3717 = arith.constant 69 : i32
    %get3A_3718 = arith.index_cast %get3A_3717 : i32 to index
    %get3A_3719 = arith.constant 16 : index
    %get3A_3720 = tpu.vector_load %arg6[%get3A_3718, %get3A_3719] {strides = array<i32>} : memref<72x128xf32, #tpu.memory_space<vmem>>, vector<1x16xf32>,
    %get3A_3721 = vector.shape_cast %get3A_3720 : vector<1x16xf32> to vector<16xf32>
    %add3A_3722 = arith.addf %add3A_3716, %get3A_3721 : vector<16xf32>
    %get3A_3723 = arith.constant 70 : i32
    %get3A_3724 = arith.index_cast %get3A_3723 : i32 to index
    %get3A_3725 = arith.constant 16 : index
    %get3A_3726 = tpu.vector_load %arg6[%get3A_3724, %get3A_3725] {strides = array<i32>} : memref<72x128xf32, #tpu.memory_space<vmem>>, vector<1x16xf32>,
    %get3A_3727 = vector.shape_cast %get3A_3726 : vector<1x16xf32> to vector<16xf32>
    %add3A_3728 = arith.addf %add3A_3722, %get3A_3727 : vector<16xf32>
    %get3A_3729 = arith.constant 71 : i32
    %get3A_3730 = arith.index_cast %get3A_3729 : i32 to index
    %get3A_3731 = arith.constant 16 : index
    %get3A_3732 = tpu.vector_load %arg6[%get3A_3730, %get3A_3731] {strides = array<i32>} : memref<72x128xf32, #tpu.memory_space<vmem>>, vector<1x16xf32>,
    %get3A_3733 = vector.shape_cast %get3A_3732 : vector<1x16xf32> to vector<16xf32>
    %add3A_3734 = arith.addf %add3A_3728, %get3A_3733 : vector<16xf32>
    %swap3A_3735 = arith.constant 11 : i32
    %swap3A_3736 = arith.index_cast %swap3A_3735 : i32 to index
    %swap3A_3737 = arith.constant 16 : index
    %swap3A_3738 = tpu.vector_load %arg7[%swap3A_3736, %swap3A_3737] {strides = array<i32>} : memref<12x128xf32, #tpu.memory_space<vmem>>, vector<1x16xf32>,
    %swap3A_3739 = vector.shape_cast %swap3A_3738 : vector<1x16xf32> to vector<16xf32>
    %swap3A_3740 = vector.shape_cast %add3A_3734 : vector<16xf32> to vector<1x16xf32>
    tpu.vector_store %arg7[%swap3A_3736, %swap3A_3737], %swap3A_3740 {strides = array<i32>} : memref<12x128xf32, #tpu.memory_space<vmem>>, vector<1x16xf32>,
    %get3A_3741 = arith.constant 66 : i32
    %get3A_3742 = arith.index_cast %get3A_3741 : i32 to index
    %get3A_3743 = arith.constant 32 : index
    %get3A_3744 = tpu.vector_load %arg6[%get3A_3742, %get3A_3743] {strides = array<i32>} : memref<72x128xf32, #tpu.memory_space<vmem>>, vector<1x16xf32>,
    %get3A_3745 = vector.shape_cast %get3A_3744 : vector<1x16xf32> to vector<16xf32>
    %get3A_3746 = arith.constant 67 : i32
    %get3A_3747 = arith.index_cast %get3A_3746 : i32 to index
    %get3A_3748 = arith.constant 32 : index
    %get3A_3749 = tpu.vector_load %arg6[%get3A_3747, %get3A_3748] {strides = array<i32>} : memref<72x128xf32, #tpu.memory_space<vmem>>, vector<1x16xf32>,
    %get3A_3750 = vector.shape_cast %get3A_3749 : vector<1x16xf32> to vector<16xf32>
    %add3A_3751 = arith.addf %get3A_3745, %get3A_3750 : vector<16xf32>
    %get3A_3752 = arith.constant 68 : i32
    %get3A_3753 = arith.index_cast %get3A_3752 : i32 to index
    %get3A_3754 = arith.constant 32 : index
    %get3A_3755 = tpu.vector_load %arg6[%get3A_3753, %get3A_3754] {strides = array<i32>} : memref<72x128xf32, #tpu.memory_space<vmem>>, vector<1x16xf32>,
    %get3A_3756 = vector.shape_cast %get3A_3755 : vector<1x16xf32> to vector<16xf32>
    %add3A_3757 = arith.addf %add3A_3751, %get3A_3756 : vector<16xf32>
    %get3A_3758 = arith.constant 69 : i32
    %get3A_3759 = arith.index_cast %get3A_3758 : i32 to index
    %get3A_3760 = arith.constant 32 : index
    %get3A_3761 = tpu.vector_load %arg6[%get3A_3759, %get3A_3760] {strides = array<i32>} : memref<72x128xf32, #tpu.memory_space<vmem>>, vector<1x16xf32>,
    %get3A_3762 = vector.shape_cast %get3A_3761 : vector<1x16xf32> to vector<16xf32>
    %add3A_3763 = arith.addf %add3A_3757, %get3A_3762 : vector<16xf32>
    %get3A_3764 = arith.constant 70 : i32
    %get3A_3765 = arith.index_cast %get3A_3764 : i32 to index
    %get3A_3766 = arith.constant 32 : index
    %get3A_3767 = tpu.vector_load %arg6[%get3A_3765, %get3A_3766] {strides = array<i32>} : memref<72x128xf32, #tpu.memory_space<vmem>>, vector<1x16xf32>,
    %get3A_3768 = vector.shape_cast %get3A_3767 : vector<1x16xf32> to vector<16xf32>
    %add3A_3769 = arith.addf %add3A_3763, %get3A_3768 : vector<16xf32>
    %get3A_3770 = arith.constant 71 : i32
    %get3A_3771 = arith.index_cast %get3A_3770 : i32 to index
    %get3A_3772 = arith.constant 32 : index
    %get3A_3773 = tpu.vector_load %arg6[%get3A_3771, %get3A_3772] {strides = array<i32>} : memref<72x128xf32, #tpu.memory_space<vmem>>, vector<1x16xf32>,
    %get3A_3774 = vector.shape_cast %get3A_3773 : vector<1x16xf32> to vector<16xf32>
    %add3A_3775 = arith.addf %add3A_3769, %get3A_3774 : vector<16xf32>
    %swap3A_3776 = arith.constant 11 : i32
    %swap3A_3777 = arith.index_cast %swap3A_3776 : i32 to index
    %swap3A_3778 = arith.constant 32 : index
    %swap3A_3779 = tpu.vector_load %arg7[%swap3A_3777, %swap3A_3778] {strides = array<i32>} : memref<12x128xf32, #tpu.memory_space<vmem>>, vector<1x16xf32>,
    %swap3A_3780 = vector.shape_cast %swap3A_3779 : vector<1x16xf32> to vector<16xf32>
    %swap3A_3781 = vector.shape_cast %add3A_3775 : vector<16xf32> to vector<1x16xf32>
    tpu.vector_store %arg7[%swap3A_3777, %swap3A_3778], %swap3A_3781 {strides = array<i32>} : memref<12x128xf32, #tpu.memory_space<vmem>>, vector<1x16xf32>,
    %get3A_3782 = arith.constant 66 : i32
    %get3A_3783 = arith.index_cast %get3A_3782 : i32 to index
    %get3A_3784 = arith.constant 48 : index
    %get3A_3785 = tpu.vector_load %arg6[%get3A_3783, %get3A_3784] {strides = array<i32>} : memref<72x128xf32, #tpu.memory_space<vmem>>, vector<1x16xf32>,
    %get3A_3786 = vector.shape_cast %get3A_3785 : vector<1x16xf32> to vector<16xf32>
    %get3A_3787 = arith.constant 67 : i32
    %get3A_3788 = arith.index_cast %get3A_3787 : i32 to index
    %get3A_3789 = arith.constant 48 : index
    %get3A_3790 = tpu.vector_load %arg6[%get3A_3788, %get3A_3789] {strides = array<i32>} : memref<72x128xf32, #tpu.memory_space<vmem>>, vector<1x16xf32>,
    %get3A_3791 = vector.shape_cast %get3A_3790 : vector<1x16xf32> to vector<16xf32>
    %add3A_3792 = arith.addf %get3A_3786, %get3A_3791 : vector<16xf32>
    %get3A_3793 = arith.constant 68 : i32
    %get3A_3794 = arith.index_cast %get3A_3793 : i32 to index
    %get3A_3795 = arith.constant 48 : index
    %get3A_3796 = tpu.vector_load %arg6[%get3A_3794, %get3A_3795] {strides = array<i32>} : memref<72x128xf32, #tpu.memory_space<vmem>>, vector<1x16xf32>,
    %get3A_3797 = vector.shape_cast %get3A_3796 : vector<1x16xf32> to vector<16xf32>
    %add3A_3798 = arith.addf %add3A_3792, %get3A_3797 : vector<16xf32>
    %get3A_3799 = arith.constant 69 : i32
    %get3A_3800 = arith.index_cast %get3A_3799 : i32 to index
    %get3A_3801 = arith.constant 48 : index
    %get3A_3802 = tpu.vector_load %arg6[%get3A_3800, %get3A_3801] {strides = array<i32>} : memref<72x128xf32, #tpu.memory_space<vmem>>, vector<1x16xf32>,
    %get3A_3803 = vector.shape_cast %get3A_3802 : vector<1x16xf32> to vector<16xf32>
    %add3A_3804 = arith.addf %add3A_3798, %get3A_3803 : vector<16xf32>
    %get3A_3805 = arith.constant 70 : i32
    %get3A_3806 = arith.index_cast %get3A_3805 : i32 to index
    %get3A_3807 = arith.constant 48 : index
    %get3A_3808 = tpu.vector_load %arg6[%get3A_3806, %get3A_3807] {strides = array<i32>} : memref<72x128xf32, #tpu.memory_space<vmem>>, vector<1x16xf32>,
    %get3A_3809 = vector.shape_cast %get3A_3808 : vector<1x16xf32> to vector<16xf32>
    %add3A_3810 = arith.addf %add3A_3804, %get3A_3809 : vector<16xf32>
    %get3A_3811 = arith.constant 71 : i32
    %get3A_3812 = arith.index_cast %get3A_3811 : i32 to index
    %get3A_3813 = arith.constant 48 : index
    %get3A_3814 = tpu.vector_load %arg6[%get3A_3812, %get3A_3813] {strides = array<i32>} : memref<72x128xf32, #tpu.memory_space<vmem>>, vector<1x16xf32>,
    %get3A_3815 = vector.shape_cast %get3A_3814 : vector<1x16xf32> to vector<16xf32>
    %add3A_3816 = arith.addf %add3A_3810, %get3A_3815 : vector<16xf32>
    %swap3A_3817 = arith.constant 11 : i32
    %swap3A_3818 = arith.index_cast %swap3A_3817 : i32 to index
    %swap3A_3819 = arith.constant 48 : index
    %swap3A_3820 = tpu.vector_load %arg7[%swap3A_3818, %swap3A_3819] {strides = array<i32>} : memref<12x128xf32, #tpu.memory_space<vmem>>, vector<1x16xf32>,
    %swap3A_3821 = vector.shape_cast %swap3A_3820 : vector<1x16xf32> to vector<16xf32>
    %swap3A_3822 = vector.shape_cast %add3A_3816 : vector<16xf32> to vector<1x16xf32>
    tpu.vector_store %arg7[%swap3A_3818, %swap3A_3819], %swap3A_3822 {strides = array<i32>} : memref<12x128xf32, #tpu.memory_space<vmem>>, vector<1x16xf32>,
    %get3A_3823 = arith.constant 66 : i32
    %get3A_3824 = arith.index_cast %get3A_3823 : i32 to index
    %get3A_3825 = arith.constant 64 : index
    %get3A_3826 = tpu.vector_load %arg6[%get3A_3824, %get3A_3825] {strides = array<i32>} : memref<72x128xf32, #tpu.memory_space<vmem>>, vector<1x16xf32>,
    %get3A_3827 = vector.shape_cast %get3A_3826 : vector<1x16xf32> to vector<16xf32>
    %get3A_3828 = arith.constant 67 : i32
    %get3A_3829 = arith.index_cast %get3A_3828 : i32 to index
    %get3A_3830 = arith.constant 64 : index
    %get3A_3831 = tpu.vector_load %arg6[%get3A_3829, %get3A_3830] {strides = array<i32>} : memref<72x128xf32, #tpu.memory_space<vmem>>, vector<1x16xf32>,
    %get3A_3832 = vector.shape_cast %get3A_3831 : vector<1x16xf32> to vector<16xf32>
    %add3A_3833 = arith.addf %get3A_3827, %get3A_3832 : vector<16xf32>
    %get3A_3834 = arith.constant 68 : i32
    %get3A_3835 = arith.index_cast %get3A_3834 : i32 to index
    %get3A_3836 = arith.constant 64 : index
    %get3A_3837 = tpu.vector_load %arg6[%get3A_3835, %get3A_3836] {strides = array<i32>} : memref<72x128xf32, #tpu.memory_space<vmem>>, vector<1x16xf32>,
    %get3A_3838 = vector.shape_cast %get3A_3837 : vector<1x16xf32> to vector<16xf32>
    %add3A_3839 = arith.addf %add3A_3833, %get3A_3838 : vector<16xf32>
    %get3A_3840 = arith.constant 69 : i32
    %get3A_3841 = arith.index_cast %get3A_3840 : i32 to index
    %get3A_3842 = arith.constant 64 : index
    %get3A_3843 = tpu.vector_load %arg6[%get3A_3841, %get3A_3842] {strides = array<i32>} : memref<72x128xf32, #tpu.memory_space<vmem>>, vector<1x16xf32>,
    %get3A_3844 = vector.shape_cast %get3A_3843 : vector<1x16xf32> to vector<16xf32>
    %add3A_3845 = arith.addf %add3A_3839, %get3A_3844 : vector<16xf32>
    %get3A_3846 = arith.constant 70 : i32
    %get3A_3847 = arith.index_cast %get3A_3846 : i32 to index
    %get3A_3848 = arith.constant 64 : index
    %get3A_3849 = tpu.vector_load %arg6[%get3A_3847, %get3A_3848] {strides = array<i32>} : memref<72x128xf32, #tpu.memory_space<vmem>>, vector<1x16xf32>,
    %get3A_3850 = vector.shape_cast %get3A_3849 : vector<1x16xf32> to vector<16xf32>
    %add3A_3851 = arith.addf %add3A_3845, %get3A_3850 : vector<16xf32>
    %get3A_3852 = arith.constant 71 : i32
    %get3A_3853 = arith.index_cast %get3A_3852 : i32 to index
    %get3A_3854 = arith.constant 64 : index
    %get3A_3855 = tpu.vector_load %arg6[%get3A_3853, %get3A_3854] {strides = array<i32>} : memref<72x128xf32, #tpu.memory_space<vmem>>, vector<1x16xf32>,
    %get3A_3856 = vector.shape_cast %get3A_3855 : vector<1x16xf32> to vector<16xf32>
    %add3A_3857 = arith.addf %add3A_3851, %get3A_3856 : vector<16xf32>
    %swap3A_3858 = arith.constant 11 : i32
    %swap3A_3859 = arith.index_cast %swap3A_3858 : i32 to index
    %swap3A_3860 = arith.constant 64 : index
    %swap3A_3861 = tpu.vector_load %arg7[%swap3A_3859, %swap3A_3860] {strides = array<i32>} : memref<12x128xf32, #tpu.memory_space<vmem>>, vector<1x16xf32>,
    %swap3A_3862 = vector.shape_cast %swap3A_3861 : vector<1x16xf32> to vector<16xf32>
    %swap3A_3863 = vector.shape_cast %add3A_3857 : vector<16xf32> to vector<1x16xf32>
    tpu.vector_store %arg7[%swap3A_3859, %swap3A_3860], %swap3A_3863 {strides = array<i32>} : memref<12x128xf32, #tpu.memory_space<vmem>>, vector<1x16xf32>,
    %get3A_3864 = arith.constant 66 : i32
    %get3A_3865 = arith.index_cast %get3A_3864 : i32 to index
    %get3A_3866 = arith.constant 80 : index
    %get3A_3867 = tpu.vector_load %arg6[%get3A_3865, %get3A_3866] {strides = array<i32>} : memref<72x128xf32, #tpu.memory_space<vmem>>, vector<1x16xf32>,
    %get3A_3868 = vector.shape_cast %get3A_3867 : vector<1x16xf32> to vector<16xf32>
    %get3A_3869 = arith.constant 67 : i32
    %get3A_3870 = arith.index_cast %get3A_3869 : i32 to index
    %get3A_3871 = arith.constant 80 : index
    %get3A_3872 = tpu.vector_load %arg6[%get3A_3870, %get3A_3871] {strides = array<i32>} : memref<72x128xf32, #tpu.memory_space<vmem>>, vector<1x16xf32>,
    %get3A_3873 = vector.shape_cast %get3A_3872 : vector<1x16xf32> to vector<16xf32>
    %add3A_3874 = arith.addf %get3A_3868, %get3A_3873 : vector<16xf32>
    %get3A_3875 = arith.constant 68 : i32
    %get3A_3876 = arith.index_cast %get3A_3875 : i32 to index
    %get3A_3877 = arith.constant 80 : index
    %get3A_3878 = tpu.vector_load %arg6[%get3A_3876, %get3A_3877] {strides = array<i32>} : memref<72x128xf32, #tpu.memory_space<vmem>>, vector<1x16xf32>,
    %get3A_3879 = vector.shape_cast %get3A_3878 : vector<1x16xf32> to vector<16xf32>
    %add3A_3880 = arith.addf %add3A_3874, %get3A_3879 : vector<16xf32>
    %get3A_3881 = arith.constant 69 : i32
    %get3A_3882 = arith.index_cast %get3A_3881 : i32 to index
    %get3A_3883 = arith.constant 80 : index
    %get3A_3884 = tpu.vector_load %arg6[%get3A_3882, %get3A_3883] {strides = array<i32>} : memref<72x128xf32, #tpu.memory_space<vmem>>, vector<1x16xf32>,
    %get3A_3885 = vector.shape_cast %get3A_3884 : vector<1x16xf32> to vector<16xf32>
    %add3A_3886 = arith.addf %add3A_3880, %get3A_3885 : vector<16xf32>
    %get3A_3887 = arith.constant 70 : i32
    %get3A_3888 = arith.index_cast %get3A_3887 : i32 to index
    %get3A_3889 = arith.constant 80 : index
    %get3A_3890 = tpu.vector_load %arg6[%get3A_3888, %get3A_3889] {strides = array<i32>} : memref<72x128xf32, #tpu.memory_space<vmem>>, vector<1x16xf32>,
    %get3A_3891 = vector.shape_cast %get3A_3890 : vector<1x16xf32> to vector<16xf32>
    %add3A_3892 = arith.addf %add3A_3886, %get3A_3891 : vector<16xf32>
    %get3A_3893 = arith.constant 71 : i32
    %get3A_3894 = arith.index_cast %get3A_3893 : i32 to index
    %get3A_3895 = arith.constant 80 : index
    %get3A_3896 = tpu.vector_load %arg6[%get3A_3894, %get3A_3895] {strides = array<i32>} : memref<72x128xf32, #tpu.memory_space<vmem>>, vector<1x16xf32>,
    %get3A_3897 = vector.shape_cast %get3A_3896 : vector<1x16xf32> to vector<16xf32>
    %add3A_3898 = arith.addf %add3A_3892, %get3A_3897 : vector<16xf32>
    %swap3A_3899 = arith.constant 11 : i32
    %swap3A_3900 = arith.index_cast %swap3A_3899 : i32 to index
    %swap3A_3901 = arith.constant 80 : index
    %swap3A_3902 = tpu.vector_load %arg7[%swap3A_3900, %swap3A_3901] {strides = array<i32>} : memref<12x128xf32, #tpu.memory_space<vmem>>, vector<1x16xf32>,
    %swap3A_3903 = vector.shape_cast %swap3A_3902 : vector<1x16xf32> to vector<16xf32>
    %swap3A_3904 = vector.shape_cast %add3A_3898 : vector<16xf32> to vector<1x16xf32>
    tpu.vector_store %arg7[%swap3A_3900, %swap3A_3901], %swap3A_3904 {strides = array<i32>} : memref<12x128xf32, #tpu.memory_space<vmem>>, vector<1x16xf32>,
    %get3A_3905 = arith.constant 66 : i32
    %get3A_3906 = arith.index_cast %get3A_3905 : i32 to index
    %get3A_3907 = arith.constant 96 : index
    %get3A_3908 = tpu.vector_load %arg6[%get3A_3906, %get3A_3907] {strides = array<i32>} : memref<72x128xf32, #tpu.memory_space<vmem>>, vector<1x16xf32>,
    %get3A_3909 = vector.shape_cast %get3A_3908 : vector<1x16xf32> to vector<16xf32>
    %get3A_3910 = arith.constant 67 : i32
    %get3A_3911 = arith.index_cast %get3A_3910 : i32 to index
    %get3A_3912 = arith.constant 96 : index
    %get3A_3913 = tpu.vector_load %arg6[%get3A_3911, %get3A_3912] {strides = array<i32>} : memref<72x128xf32, #tpu.memory_space<vmem>>, vector<1x16xf32>,
    %get3A_3914 = vector.shape_cast %get3A_3913 : vector<1x16xf32> to vector<16xf32>
    %add3A_3915 = arith.addf %get3A_3909, %get3A_3914 : vector<16xf32>
    %get3A_3916 = arith.constant 68 : i32
    %get3A_3917 = arith.index_cast %get3A_3916 : i32 to index
    %get3A_3918 = arith.constant 96 : index
    %get3A_3919 = tpu.vector_load %arg6[%get3A_3917, %get3A_3918] {strides = array<i32>} : memref<72x128xf32, #tpu.memory_space<vmem>>, vector<1x16xf32>,
    %get3A_3920 = vector.shape_cast %get3A_3919 : vector<1x16xf32> to vector<16xf32>
    %add3A_3921 = arith.addf %add3A_3915, %get3A_3920 : vector<16xf32>
    %get3A_3922 = arith.constant 69 : i32
    %get3A_3923 = arith.index_cast %get3A_3922 : i32 to index
    %get3A_3924 = arith.constant 96 : index
    %get3A_3925 = tpu.vector_load %arg6[%get3A_3923, %get3A_3924] {strides = array<i32>} : memref<72x128xf32, #tpu.memory_space<vmem>>, vector<1x16xf32>,
    %get3A_3926 = vector.shape_cast %get3A_3925 : vector<1x16xf32> to vector<16xf32>
    %add3A_3927 = arith.addf %add3A_3921, %get3A_3926 : vector<16xf32>
    %get3A_3928 = arith.constant 70 : i32
    %get3A_3929 = arith.index_cast %get3A_3928 : i32 to index
    %get3A_3930 = arith.constant 96 : index
    %get3A_3931 = tpu.vector_load %arg6[%get3A_3929, %get3A_3930] {strides = array<i32>} : memref<72x128xf32, #tpu.memory_space<vmem>>, vector<1x16xf32>,
    %get3A_3932 = vector.shape_cast %get3A_3931 : vector<1x16xf32> to vector<16xf32>
    %add3A_3933 = arith.addf %add3A_3927, %get3A_3932 : vector<16xf32>
    %get3A_3934 = arith.constant 71 : i32
    %get3A_3935 = arith.index_cast %get3A_3934 : i32 to index
    %get3A_3936 = arith.constant 96 : index
    %get3A_3937 = tpu.vector_load %arg6[%get3A_3935, %get3A_3936] {strides = array<i32>} : memref<72x128xf32, #tpu.memory_space<vmem>>, vector<1x16xf32>,
    %get3A_3938 = vector.shape_cast %get3A_3937 : vector<1x16xf32> to vector<16xf32>
    %add3A_3939 = arith.addf %add3A_3933, %get3A_3938 : vector<16xf32>
    %swap3A_3940 = arith.constant 11 : i32
    %swap3A_3941 = arith.index_cast %swap3A_3940 : i32 to index
    %swap3A_3942 = arith.constant 96 : index
    %swap3A_3943 = tpu.vector_load %arg7[%swap3A_3941, %swap3A_3942] {strides = array<i32>} : memref<12x128xf32, #tpu.memory_space<vmem>>, vector<1x16xf32>,
    %swap3A_3944 = vector.shape_cast %swap3A_3943 : vector<1x16xf32> to vector<16xf32>
    %swap3A_3945 = vector.shape_cast %add3A_3939 : vector<16xf32> to vector<1x16xf32>
    tpu.vector_store %arg7[%swap3A_3941, %swap3A_3942], %swap3A_3945 {strides = array<i32>} : memref<12x128xf32, #tpu.memory_space<vmem>>, vector<1x16xf32>,
    %get3A_3946 = arith.constant 66 : i32
    %get3A_3947 = arith.index_cast %get3A_3946 : i32 to index
    %get3A_3948 = arith.constant 112 : index
    %get3A_3949 = tpu.vector_load %arg6[%get3A_3947, %get3A_3948] {strides = array<i32>} : memref<72x128xf32, #tpu.memory_space<vmem>>, vector<1x16xf32>,
    %get3A_3950 = vector.shape_cast %get3A_3949 : vector<1x16xf32> to vector<16xf32>
    %get3A_3951 = arith.constant 67 : i32
    %get3A_3952 = arith.index_cast %get3A_3951 : i32 to index
    %get3A_3953 = arith.constant 112 : index
    %get3A_3954 = tpu.vector_load %arg6[%get3A_3952, %get3A_3953] {strides = array<i32>} : memref<72x128xf32, #tpu.memory_space<vmem>>, vector<1x16xf32>,
    %get3A_3955 = vector.shape_cast %get3A_3954 : vector<1x16xf32> to vector<16xf32>
    %add3A_3956 = arith.addf %get3A_3950, %get3A_3955 : vector<16xf32>
    %get3A_3957 = arith.constant 68 : i32
    %get3A_3958 = arith.index_cast %get3A_3957 : i32 to index
    %get3A_3959 = arith.constant 112 : index
    %get3A_3960 = tpu.vector_load %arg6[%get3A_3958, %get3A_3959] {strides = array<i32>} : memref<72x128xf32, #tpu.memory_space<vmem>>, vector<1x16xf32>,
    %get3A_3961 = vector.shape_cast %get3A_3960 : vector<1x16xf32> to vector<16xf32>
    %add3A_3962 = arith.addf %add3A_3956, %get3A_3961 : vector<16xf32>
    %get3A_3963 = arith.constant 69 : i32
    %get3A_3964 = arith.index_cast %get3A_3963 : i32 to index
    %get3A_3965 = arith.constant 112 : index
    %get3A_3966 = tpu.vector_load %arg6[%get3A_3964, %get3A_3965] {strides = array<i32>} : memref<72x128xf32, #tpu.memory_space<vmem>>, vector<1x16xf32>,
    %get3A_3967 = vector.shape_cast %get3A_3966 : vector<1x16xf32> to vector<16xf32>
    %add3A_3968 = arith.addf %add3A_3962, %get3A_3967 : vector<16xf32>
    %get3A_3969 = arith.constant 70 : i32
    %get3A_3970 = arith.index_cast %get3A_3969 : i32 to index
    %get3A_3971 = arith.constant 112 : index
    %get3A_3972 = tpu.vector_load %arg6[%get3A_3970, %get3A_3971] {strides = array<i32>} : memref<72x128xf32, #tpu.memory_space<vmem>>, vector<1x16xf32>,
    %get3A_3973 = vector.shape_cast %get3A_3972 : vector<1x16xf32> to vector<16xf32>
    %add3A_3974 = arith.addf %add3A_3968, %get3A_3973 : vector<16xf32>
    %get3A_3975 = arith.constant 71 : i32
    %get3A_3976 = arith.index_cast %get3A_3975 : i32 to index
    %get3A_3977 = arith.constant 112 : index
    %get3A_3978 = tpu.vector_load %arg6[%get3A_3976, %get3A_3977] {strides = array<i32>} : memref<72x128xf32, #tpu.memory_space<vmem>>, vector<1x16xf32>,
    %get3A_3979 = vector.shape_cast %get3A_3978 : vector<1x16xf32> to vector<16xf32>
    %add3A_3980 = arith.addf %add3A_3974, %get3A_3979 : vector<16xf32>
    %swap3A_3981 = arith.constant 11 : i32
    %swap3A_3982 = arith.index_cast %swap3A_3981 : i32 to index
    %swap3A_3983 = arith.constant 112 : index
    %swap3A_3984 = tpu.vector_load %arg7[%swap3A_3982, %swap3A_3983] {strides = array<i32>} : memref<12x128xf32, #tpu.memory_space<vmem>>, vector<1x16xf32>,
    %swap3A_3985 = vector.shape_cast %swap3A_3984 : vector<1x16xf32> to vector<16xf32>
    %swap3A_3986 = vector.shape_cast %add3A_3980 : vector<16xf32> to vector<1x16xf32>
    tpu.vector_store %arg7[%swap3A_3982, %swap3A_3983], %swap3A_3986 {strides = array<i32>} : memref<12x128xf32, #tpu.memory_space<vmem>>, vector<1x16xf32>,
    "tpu.region"() ({
      %run_scoped3A = tpu.sem_alloc : memref<!tpu.dma_semaphore, #tpu.memory_space<semaphore_mem>>
      %dma_start3A_4001 = arith.constant 8 : i32
      %dma_start3A_4002 = arith.constant 0 : i32
      %dma_start3A_4003 = tpu.memref_slice %arg7[%dma_start3A_4001, %dma_start3A_4002] : memref<12x128xf32, #tpu.memory_space<vmem>> -> memref<4x128xf32, #tpu.memory_space<vmem>>
      %dma_start3A_4004 = arith.constant 8 : i32
      %dma_start3A_4005 = arith.constant 0 : i32
      %dma_start3A_4006 = tpu.memref_slice %arg4[%add3A, %dma_start3A_4004, %dma_start3A_4005] : memref<32x12x128xf32, #tpu.memory_space<hbm>> -> memref<1x4x128xf32, #tpu.memory_space<hbm>>
      %dma_start3A_4007 = tpu.memref_squeeze %dma_start3A_4006 : memref<1x4x128xf32, #tpu.memory_space<hbm>> -> memref<4x128xf32, #tpu.memory_space<hbm>>
      %dma_start3A_4008 = arith.constant 8 : i32
      %dma_start3A_4009 = arith.constant 0 : i32
      %dma_start3A_4010 = tpu.memref_slice %arg4[%add3A, %dma_start3A_4008, %dma_start3A_4009] : memref<32x12x128xf32, #tpu.memory_space<hbm>> -> memref<1x4x128xf32, #tpu.memory_space<hbm>>
      %dma_start3A_4011 = tpu.memref_squeeze %dma_start3A_4010 : memref<1x4x128xf32, #tpu.memory_space<hbm>> -> memref<4x128xf32, #tpu.memory_space<hbm>>
      %dma_start3A_4012 = arith.constant 8 : i32
      %dma_start3A_4013 = arith.constant 0 : i32
      %dma_start3A_4014 = tpu.memref_slice %arg7[%dma_start3A_4012, %dma_start3A_4013] : memref<12x128xf32, #tpu.memory_space<vmem>> -> memref<4x128xf32, #tpu.memory_space<vmem>>
      tpu.enqueue_dma source(%dma_start3A_4014 : memref<4x128xf32, #tpu.memory_space<vmem>>) target(%dma_start3A_4011 : memref<4x128xf32, #tpu.memory_space<hbm>>) target_semaphore(%run_scoped3A : memref<!tpu.dma_semaphore, #tpu.memory_space<semaphore_mem>>)
      %dma_wait3A_4015 = arith.constant 8 : i32
      %dma_wait3A_4016 = arith.constant 0 : i32
      %dma_wait3A_4017 = tpu.memref_slice %arg7[%dma_wait3A_4015, %dma_wait3A_4016] : memref<12x128xf32, #tpu.memory_space<vmem>> -> memref<4x128xf32, #tpu.memory_space<vmem>>
      %dma_wait3A_4018 = arith.constant 8 : i32
      %dma_wait3A_4019 = arith.constant 0 : i32
      %dma_wait3A_4020 = tpu.memref_slice %arg4[%add3A, %dma_wait3A_4018, %dma_wait3A_4019] : memref<32x12x128xf32, #tpu.memory_space<hbm>> -> memref<1x4x128xf32, #tpu.memory_space<hbm>>
      %dma_wait3A_4021 = tpu.memref_squeeze %dma_wait3A_4020 : memref<1x4x128xf32, #tpu.memory_space<hbm>> -> memref<4x128xf32, #tpu.memory_space<hbm>>
      %dma_wait3A_4022 = arith.constant 8 : i32
      %dma_wait3A_4023 = arith.constant 0 : i32
      %dma_wait3A_4024 = tpu.memref_slice %arg4[%add3A, %dma_wait3A_4022, %dma_wait3A_4023] : memref<32x12x128xf32, #tpu.memory_space<hbm>> -> memref<1x4x128xf32, #tpu.memory_space<hbm>>
      %dma_wait3A_4025 = tpu.memref_squeeze %dma_wait3A_4024 : memref<1x4x128xf32, #tpu.memory_space<hbm>> -> memref<4x128xf32, #tpu.memory_space<hbm>>
      %dma_wait3A_4026 = arith.constant 8 : i32
      %dma_wait3A_4027 = arith.constant 0 : i32
      %dma_wait3A_4028 = tpu.memref_slice %arg7[%dma_wait3A_4026, %dma_wait3A_4027] : memref<12x128xf32, #tpu.memory_space<vmem>> -> memref<4x128xf32, #tpu.memory_space<vmem>>
      tpu.wait_dma2 semaphore(%run_scoped3A : memref<!tpu.dma_semaphore, #tpu.memory_space<semaphore_mem>>) src(%dma_wait3A_4028 : memref<4x128xf32, #tpu.memory_space<vmem>>) dst(%dma_wait3A_4025 : memref<4x128xf32, #tpu.memory_space<hbm>>)
      tpu.yield
    }) : () -> ()
    %dma_wait3A_3987 = arith.constant 0 : i32
    %dma_wait3A_3988 = arith.constant 0 : i32
    %dma_wait3A_3989 = tpu.memref_slice %arg7[%dma_wait3A_3987, %dma_wait3A_3988] : memref<12x128xf32, #tpu.memory_space<vmem>> -> memref<8x128xf32, #tpu.memory_space<vmem>>
    %dma_wait3A_3990 = arith.constant 0 : i32
    %dma_wait3A_3991 = arith.constant 0 : i32
    %dma_wait3A_3992 = tpu.memref_slice %arg4[%add3A, %dma_wait3A_3990, %dma_wait3A_3991] : memref<32x12x128xf32, #tpu.memory_space<hbm>> -> memref<1x8x128xf32, #tpu.memory_space<hbm>>
    %dma_wait3A_3993 = tpu.memref_squeeze %dma_wait3A_3992 : memref<1x8x128xf32, #tpu.memory_space<hbm>> -> memref<8x128xf32, #tpu.memory_space<hbm>>
    %dma_wait3A_3994 = arith.constant 0 : i32
    %dma_wait3A_3995 = arith.constant 0 : i32
    %dma_wait3A_3996 = tpu.memref_slice %arg4[%add3A, %dma_wait3A_3994, %dma_wait3A_3995] : memref<32x12x128xf32, #tpu.memory_space<hbm>> -> memref<1x8x128xf32, #tpu.memory_space<hbm>>
    %dma_wait3A_3997 = tpu.memref_squeeze %dma_wait3A_3996 : memref<1x8x128xf32, #tpu.memory_space<hbm>> -> memref<8x128xf32, #tpu.memory_space<hbm>>
    %dma_wait3A_3998 = arith.constant 0 : i32
    %dma_wait3A_3999 = arith.constant 0 : i32
    %dma_wait3A_4000 = tpu.memref_slice %arg7[%dma_wait3A_3998, %dma_wait3A_3999] : memref<12x128xf32, #tpu.memory_space<vmem>> -> memref<8x128xf32, #tpu.memory_space<vmem>>
    tpu.wait_dma2 semaphore(%arg8 : memref<!tpu.dma_semaphore, #tpu.memory_space<semaphore_mem>>) src(%dma_wait3A_4000 : memref<8x128xf32, #tpu.memory_space<vmem>>) dst(%dma_wait3A_3997 : memref<8x128xf32, #tpu.memory_space<hbm>>)
    return
  }
}

module attributes {stable_mosaic.version = 14 : i64} {
  func.func @_tc_table_body(%arg0: memref<32x12x12xi32, #tpu.memory_space<vmem>>, %arg1: memref<10x16xf32, #tpu.memory_space<vmem>>, %arg2: memref<192x128xf32, #tpu.memory_space<vmem>>, %arg3: memref<1x128xf32, #tpu.memory_space<vmem>>, %arg4: memref<600x128xf32, #tpu.memory_space<vmem>>, %arg5: memref<32x1x128xi32, #tpu.memory_space<vmem>>) attributes {dimension_semantics = [], scalar_prefetch = 0 : i64, scratch_operands = 0 : i64, tpu.core_type = #tpu.core_type<tc>} {
    %get3A = arith.constant 0 : index
    %get3A_0 = arith.constant 0 : index
    %get3A_1 = vector.load %arg1[%get3A, %get3A_0] : memref<10x16xf32, #tpu.memory_space<vmem>>, vector<10x16xf32>
    %get3A_2 = arith.constant 0 : index
    %get3A_3 = arith.constant 0 : index
    %get3A_4 = vector.load %arg2[%get3A_2, %get3A_3] : memref<192x128xf32, #tpu.memory_space<vmem>>, vector<16x128xf32>
    %dot_general3A = arith.constant dense<0.000000e+00> : vector<10x128xf32>
    %dot_general3A_5 = tpu.matmul %get3A_1, %get3A_4, %dot_general3A {dimension_numbers = #tpu.dot_dimension_numbers<[1], [0], [0], [1], [0, 0, 1, 1], [], []>, transpose_lhs_hint = false} : vector<10x16xf32>, vector<16x128xf32>, vector<10x128xf32> -> vector<10x128xf32>
    %get3A_6 = arith.constant 96 : index
    %get3A_7 = arith.constant 0 : index
    %get3A_8 = vector.load %arg2[%get3A_6, %get3A_7] : memref<192x128xf32, #tpu.memory_space<vmem>>, vector<16x128xf32>
    %dot_general3A_9 = arith.constant dense<0.000000e+00> : vector<10x128xf32>
    %dot_general3A_10 = tpu.matmul %get3A_1, %get3A_8, %dot_general3A_9 {dimension_numbers = #tpu.dot_dimension_numbers<[1], [0], [0], [1], [0, 0, 1, 1], [], []>, transpose_lhs_hint = false} : vector<10x16xf32>, vector<16x128xf32>, vector<10x128xf32> -> vector<10x128xf32>
    %broadcast_in_dim3A = vector.shape_cast %dot_general3A_5 : vector<10x128xf32> to vector<10x1x128xf32>
    %broadcast_in_dim3A_11 = vector.shape_cast %broadcast_in_dim3A : vector<10x1x128xf32> to vector<10x1x128xf32>
    %broadcast_in_dim3A_12 = vector.broadcast %broadcast_in_dim3A_11 : vector<10x1x128xf32> to vector<10x10x128xf32>
    %broadcast_in_dim3A_13 = vector.shape_cast %dot_general3A_10 : vector<10x128xf32> to vector<1x10x128xf32>
    %broadcast_in_dim3A_14 = vector.shape_cast %broadcast_in_dim3A_13 : vector<1x10x128xf32> to vector<1x10x128xf32>
    %broadcast_in_dim3A_15 = vector.broadcast %broadcast_in_dim3A_14 : vector<1x10x128xf32> to vector<10x10x128xf32>
    %add3A = arith.addf %broadcast_in_dim3A_12, %broadcast_in_dim3A_15 : vector<10x10x128xf32>
    %reshape3A = vector.shape_cast %add3A : vector<10x10x128xf32> to vector<100x128xf32>
    %get3A_16 = arith.constant 0 : index
    %get3A_17 = arith.constant 0 : index
    %get3A_18 = vector.load %arg3[%get3A_16, %get3A_17] : memref<1x128xf32, #tpu.memory_space<vmem>>, vector<1x128xf32>
    %add3A_19 = vector.broadcast %get3A_18 : vector<1x128xf32> to vector<100x128xf32>
    %add3A_20 = arith.addf %reshape3A, %add3A_19 : vector<100x128xf32>
    %swap3A = arith.constant 0 : index
    %swap3A_21 = arith.constant 0 : index
    %swap3A_22 = vector.load %arg4[%swap3A, %swap3A_21] : memref<600x128xf32, #tpu.memory_space<vmem>>, vector<100x128xf32>
    tpu.vector_store %arg4[%swap3A, %swap3A_21], %add3A_20 {strides = array<i32>} : memref<600x128xf32, #tpu.memory_space<vmem>>, vector<100x128xf32>,
    %get3A_23 = arith.constant 16 : index
    %get3A_24 = arith.constant 0 : index
    %get3A_25 = vector.load %arg2[%get3A_23, %get3A_24] : memref<192x128xf32, #tpu.memory_space<vmem>>, vector<16x128xf32>
    %dot_general3A_26 = arith.constant dense<0.000000e+00> : vector<10x128xf32>
    %dot_general3A_27 = tpu.matmul %get3A_1, %get3A_25, %dot_general3A_26 {dimension_numbers = #tpu.dot_dimension_numbers<[1], [0], [0], [1], [0, 0, 1, 1], [], []>, transpose_lhs_hint = false} : vector<10x16xf32>, vector<16x128xf32>, vector<10x128xf32> -> vector<10x128xf32>
    %get3A_28 = arith.constant 112 : index
    %get3A_29 = arith.constant 0 : index
    %get3A_30 = vector.load %arg2[%get3A_28, %get3A_29] : memref<192x128xf32, #tpu.memory_space<vmem>>, vector<16x128xf32>
    %dot_general3A_31 = arith.constant dense<0.000000e+00> : vector<10x128xf32>
    %dot_general3A_32 = tpu.matmul %get3A_1, %get3A_30, %dot_general3A_31 {dimension_numbers = #tpu.dot_dimension_numbers<[1], [0], [0], [1], [0, 0, 1, 1], [], []>, transpose_lhs_hint = false} : vector<10x16xf32>, vector<16x128xf32>, vector<10x128xf32> -> vector<10x128xf32>
    %broadcast_in_dim3A_33 = vector.shape_cast %dot_general3A_27 : vector<10x128xf32> to vector<10x1x128xf32>
    %broadcast_in_dim3A_34 = vector.shape_cast %broadcast_in_dim3A_33 : vector<10x1x128xf32> to vector<10x1x128xf32>
    %broadcast_in_dim3A_35 = vector.broadcast %broadcast_in_dim3A_34 : vector<10x1x128xf32> to vector<10x10x128xf32>
    %broadcast_in_dim3A_36 = vector.shape_cast %dot_general3A_32 : vector<10x128xf32> to vector<1x10x128xf32>
    %broadcast_in_dim3A_37 = vector.shape_cast %broadcast_in_dim3A_36 : vector<1x10x128xf32> to vector<1x10x128xf32>
    %broadcast_in_dim3A_38 = vector.broadcast %broadcast_in_dim3A_37 : vector<1x10x128xf32> to vector<10x10x128xf32>
    %add3A_39 = arith.addf %broadcast_in_dim3A_35, %broadcast_in_dim3A_38 : vector<10x10x128xf32>
    %reshape3A_40 = vector.shape_cast %add3A_39 : vector<10x10x128xf32> to vector<100x128xf32>
    %swap3A_41 = arith.constant 100 : index
    %swap3A_42 = arith.constant 0 : index
    %swap3A_43 = vector.load %arg4[%swap3A_41, %swap3A_42] : memref<600x128xf32, #tpu.memory_space<vmem>>, vector<100x128xf32>
    tpu.vector_store %arg4[%swap3A_41, %swap3A_42], %reshape3A_40 {strides = array<i32>} : memref<600x128xf32, #tpu.memory_space<vmem>>, vector<100x128xf32>,
    %get3A_44 = arith.constant 32 : index
    %get3A_45 = arith.constant 0 : index
    %get3A_46 = vector.load %arg2[%get3A_44, %get3A_45] : memref<192x128xf32, #tpu.memory_space<vmem>>, vector<16x128xf32>
    %dot_general3A_47 = arith.constant dense<0.000000e+00> : vector<10x128xf32>
    %dot_general3A_48 = tpu.matmul %get3A_1, %get3A_46, %dot_general3A_47 {dimension_numbers = #tpu.dot_dimension_numbers<[1], [0], [0], [1], [0, 0, 1, 1], [], []>, transpose_lhs_hint = false} : vector<10x16xf32>, vector<16x128xf32>, vector<10x128xf32> -> vector<10x128xf32>
    %get3A_49 = arith.constant 128 : index
    %get3A_50 = arith.constant 0 : index
    %get3A_51 = vector.load %arg2[%get3A_49, %get3A_50] : memref<192x128xf32, #tpu.memory_space<vmem>>, vector<16x128xf32>
    %dot_general3A_52 = arith.constant dense<0.000000e+00> : vector<10x128xf32>
    %dot_general3A_53 = tpu.matmul %get3A_1, %get3A_51, %dot_general3A_52 {dimension_numbers = #tpu.dot_dimension_numbers<[1], [0], [0], [1], [0, 0, 1, 1], [], []>, transpose_lhs_hint = false} : vector<10x16xf32>, vector<16x128xf32>, vector<10x128xf32> -> vector<10x128xf32>
    %broadcast_in_dim3A_54 = vector.shape_cast %dot_general3A_48 : vector<10x128xf32> to vector<10x1x128xf32>
    %broadcast_in_dim3A_55 = vector.shape_cast %broadcast_in_dim3A_54 : vector<10x1x128xf32> to vector<10x1x128xf32>
    %broadcast_in_dim3A_56 = vector.broadcast %broadcast_in_dim3A_55 : vector<10x1x128xf32> to vector<10x10x128xf32>
    %broadcast_in_dim3A_57 = vector.shape_cast %dot_general3A_53 : vector<10x128xf32> to vector<1x10x128xf32>
    %broadcast_in_dim3A_58 = vector.shape_cast %broadcast_in_dim3A_57 : vector<1x10x128xf32> to vector<1x10x128xf32>
    %broadcast_in_dim3A_59 = vector.broadcast %broadcast_in_dim3A_58 : vector<1x10x128xf32> to vector<10x10x128xf32>
    %add3A_60 = arith.addf %broadcast_in_dim3A_56, %broadcast_in_dim3A_59 : vector<10x10x128xf32>
    %reshape3A_61 = vector.shape_cast %add3A_60 : vector<10x10x128xf32> to vector<100x128xf32>
    %swap3A_62 = arith.constant 200 : index
    %swap3A_63 = arith.constant 0 : index
    %swap3A_64 = vector.load %arg4[%swap3A_62, %swap3A_63] : memref<600x128xf32, #tpu.memory_space<vmem>>, vector<100x128xf32>
    tpu.vector_store %arg4[%swap3A_62, %swap3A_63], %reshape3A_61 {strides = array<i32>} : memref<600x128xf32, #tpu.memory_space<vmem>>, vector<100x128xf32>,
    %get3A_65 = arith.constant 48 : index
    %get3A_66 = arith.constant 0 : index
    %get3A_67 = vector.load %arg2[%get3A_65, %get3A_66] : memref<192x128xf32, #tpu.memory_space<vmem>>, vector<16x128xf32>
    %dot_general3A_68 = arith.constant dense<0.000000e+00> : vector<10x128xf32>
    %dot_general3A_69 = tpu.matmul %get3A_1, %get3A_67, %dot_general3A_68 {dimension_numbers = #tpu.dot_dimension_numbers<[1], [0], [0], [1], [0, 0, 1, 1], [], []>, transpose_lhs_hint = false} : vector<10x16xf32>, vector<16x128xf32>, vector<10x128xf32> -> vector<10x128xf32>
    %get3A_70 = arith.constant 144 : index
    %get3A_71 = arith.constant 0 : index
    %get3A_72 = vector.load %arg2[%get3A_70, %get3A_71] : memref<192x128xf32, #tpu.memory_space<vmem>>, vector<16x128xf32>
    %dot_general3A_73 = arith.constant dense<0.000000e+00> : vector<10x128xf32>
    %dot_general3A_74 = tpu.matmul %get3A_1, %get3A_72, %dot_general3A_73 {dimension_numbers = #tpu.dot_dimension_numbers<[1], [0], [0], [1], [0, 0, 1, 1], [], []>, transpose_lhs_hint = false} : vector<10x16xf32>, vector<16x128xf32>, vector<10x128xf32> -> vector<10x128xf32>
    %broadcast_in_dim3A_75 = vector.shape_cast %dot_general3A_69 : vector<10x128xf32> to vector<10x1x128xf32>
    %broadcast_in_dim3A_76 = vector.shape_cast %broadcast_in_dim3A_75 : vector<10x1x128xf32> to vector<10x1x128xf32>
    %broadcast_in_dim3A_77 = vector.broadcast %broadcast_in_dim3A_76 : vector<10x1x128xf32> to vector<10x10x128xf32>
    %broadcast_in_dim3A_78 = vector.shape_cast %dot_general3A_74 : vector<10x128xf32> to vector<1x10x128xf32>
    %broadcast_in_dim3A_79 = vector.shape_cast %broadcast_in_dim3A_78 : vector<1x10x128xf32> to vector<1x10x128xf32>
    %broadcast_in_dim3A_80 = vector.broadcast %broadcast_in_dim3A_79 : vector<1x10x128xf32> to vector<10x10x128xf32>
    %add3A_81 = arith.addf %broadcast_in_dim3A_77, %broadcast_in_dim3A_80 : vector<10x10x128xf32>
    %reshape3A_82 = vector.shape_cast %add3A_81 : vector<10x10x128xf32> to vector<100x128xf32>
    %swap3A_83 = arith.constant 300 : index
    %swap3A_84 = arith.constant 0 : index
    %swap3A_85 = vector.load %arg4[%swap3A_83, %swap3A_84] : memref<600x128xf32, #tpu.memory_space<vmem>>, vector<100x128xf32>
    tpu.vector_store %arg4[%swap3A_83, %swap3A_84], %reshape3A_82 {strides = array<i32>} : memref<600x128xf32, #tpu.memory_space<vmem>>, vector<100x128xf32>,
    %get3A_86 = arith.constant 64 : index
    %get3A_87 = arith.constant 0 : index
    %get3A_88 = vector.load %arg2[%get3A_86, %get3A_87] : memref<192x128xf32, #tpu.memory_space<vmem>>, vector<16x128xf32>
    %dot_general3A_89 = arith.constant dense<0.000000e+00> : vector<10x128xf32>
    %dot_general3A_90 = tpu.matmul %get3A_1, %get3A_88, %dot_general3A_89 {dimension_numbers = #tpu.dot_dimension_numbers<[1], [0], [0], [1], [0, 0, 1, 1], [], []>, transpose_lhs_hint = false} : vector<10x16xf32>, vector<16x128xf32>, vector<10x128xf32> -> vector<10x128xf32>
    %get3A_91 = arith.constant 160 : index
    %get3A_92 = arith.constant 0 : index
    %get3A_93 = vector.load %arg2[%get3A_91, %get3A_92] : memref<192x128xf32, #tpu.memory_space<vmem>>, vector<16x128xf32>
    %dot_general3A_94 = arith.constant dense<0.000000e+00> : vector<10x128xf32>
    %dot_general3A_95 = tpu.matmul %get3A_1, %get3A_93, %dot_general3A_94 {dimension_numbers = #tpu.dot_dimension_numbers<[1], [0], [0], [1], [0, 0, 1, 1], [], []>, transpose_lhs_hint = false} : vector<10x16xf32>, vector<16x128xf32>, vector<10x128xf32> -> vector<10x128xf32>
    %broadcast_in_dim3A_96 = vector.shape_cast %dot_general3A_90 : vector<10x128xf32> to vector<10x1x128xf32>
    %broadcast_in_dim3A_97 = vector.shape_cast %broadcast_in_dim3A_96 : vector<10x1x128xf32> to vector<10x1x128xf32>
    %broadcast_in_dim3A_98 = vector.broadcast %broadcast_in_dim3A_97 : vector<10x1x128xf32> to vector<10x10x128xf32>
    %broadcast_in_dim3A_99 = vector.shape_cast %dot_general3A_95 : vector<10x128xf32> to vector<1x10x128xf32>
    %broadcast_in_dim3A_100 = vector.shape_cast %broadcast_in_dim3A_99 : vector<1x10x128xf32> to vector<1x10x128xf32>
    %broadcast_in_dim3A_101 = vector.broadcast %broadcast_in_dim3A_100 : vector<1x10x128xf32> to vector<10x10x128xf32>
    %add3A_102 = arith.addf %broadcast_in_dim3A_98, %broadcast_in_dim3A_101 : vector<10x10x128xf32>
    %reshape3A_103 = vector.shape_cast %add3A_102 : vector<10x10x128xf32> to vector<100x128xf32>
    %swap3A_104 = arith.constant 400 : index
    %swap3A_105 = arith.constant 0 : index
    %swap3A_106 = vector.load %arg4[%swap3A_104, %swap3A_105] : memref<600x128xf32, #tpu.memory_space<vmem>>, vector<100x128xf32>
    tpu.vector_store %arg4[%swap3A_104, %swap3A_105], %reshape3A_103 {strides = array<i32>} : memref<600x128xf32, #tpu.memory_space<vmem>>, vector<100x128xf32>,
    %get3A_107 = arith.constant 80 : index
    %get3A_108 = arith.constant 0 : index
    %get3A_109 = vector.load %arg2[%get3A_107, %get3A_108] : memref<192x128xf32, #tpu.memory_space<vmem>>, vector<16x128xf32>
    %dot_general3A_110 = arith.constant dense<0.000000e+00> : vector<10x128xf32>
    %dot_general3A_111 = tpu.matmul %get3A_1, %get3A_109, %dot_general3A_110 {dimension_numbers = #tpu.dot_dimension_numbers<[1], [0], [0], [1], [0, 0, 1, 1], [], []>, transpose_lhs_hint = false} : vector<10x16xf32>, vector<16x128xf32>, vector<10x128xf32> -> vector<10x128xf32>
    %get3A_112 = arith.constant 176 : index
    %get3A_113 = arith.constant 0 : index
    %get3A_114 = vector.load %arg2[%get3A_112, %get3A_113] : memref<192x128xf32, #tpu.memory_space<vmem>>, vector<16x128xf32>
    %dot_general3A_115 = arith.constant dense<0.000000e+00> : vector<10x128xf32>
    %dot_general3A_116 = tpu.matmul %get3A_1, %get3A_114, %dot_general3A_115 {dimension_numbers = #tpu.dot_dimension_numbers<[1], [0], [0], [1], [0, 0, 1, 1], [], []>, transpose_lhs_hint = false} : vector<10x16xf32>, vector<16x128xf32>, vector<10x128xf32> -> vector<10x128xf32>
    %broadcast_in_dim3A_117 = vector.shape_cast %dot_general3A_111 : vector<10x128xf32> to vector<10x1x128xf32>
    %broadcast_in_dim3A_118 = vector.shape_cast %broadcast_in_dim3A_117 : vector<10x1x128xf32> to vector<10x1x128xf32>
    %broadcast_in_dim3A_119 = vector.broadcast %broadcast_in_dim3A_118 : vector<10x1x128xf32> to vector<10x10x128xf32>
    %broadcast_in_dim3A_120 = vector.shape_cast %dot_general3A_116 : vector<10x128xf32> to vector<1x10x128xf32>
    %broadcast_in_dim3A_121 = vector.shape_cast %broadcast_in_dim3A_120 : vector<1x10x128xf32> to vector<1x10x128xf32>
    %broadcast_in_dim3A_122 = vector.broadcast %broadcast_in_dim3A_121 : vector<1x10x128xf32> to vector<10x10x128xf32>
    %add3A_123 = arith.addf %broadcast_in_dim3A_119, %broadcast_in_dim3A_122 : vector<10x10x128xf32>
    %reshape3A_124 = vector.shape_cast %add3A_123 : vector<10x10x128xf32> to vector<100x128xf32>
    %swap3A_125 = arith.constant 500 : index
    %swap3A_126 = arith.constant 0 : index
    %swap3A_127 = vector.load %arg4[%swap3A_125, %swap3A_126] : memref<600x128xf32, #tpu.memory_space<vmem>>, vector<100x128xf32>
    tpu.vector_store %arg4[%swap3A_125, %swap3A_126], %reshape3A_124 {strides = array<i32>} : memref<600x128xf32, #tpu.memory_space<vmem>>, vector<100x128xf32>,
    %get3A_128 = arith.constant 0 : index
    %get3A_129 = arith.constant 0 : index
    %get3A_130 = arith.constant 0 : index
    %get3A_131 = vector.load %arg0[%get3A_128, %get3A_129, %get3A_130] : memref<32x12x12xi32, #tpu.memory_space<vmem>>, vector<32x12x12xi32>
    %iota3A = tpu.iota {dimensions = array<i32: 2>} : vector<32x12x6xi32>
    %slice3A = vector.extract_strided_slice %get3A_131 {offsets = [0, 0, 0], sizes = [32, 12, 6], strides = [1, 1, 1]} : vector<32x12x12xi32> to vector<32x12x6xi32>
    %mul3A = arith.constant 10 : i32
    %mul3A_132 = vector.broadcast %mul3A : i32 to vector<32x12x6xi32>
    %mul3A_133 = arith.muli %slice3A, %mul3A_132 : vector<32x12x6xi32>
    %slice3A_134 = vector.extract_strided_slice %get3A_131 {offsets = [0, 0, 6], sizes = [32, 12, 6], strides = [1, 1, 1]} : vector<32x12x12xi32> to vector<32x12x6xi32>
    %add3A_135 = arith.addi %mul3A_133, %slice3A_134 : vector<32x12x6xi32>
    %mul3A_136 = arith.constant 100 : i32
    %mul3A_137 = vector.broadcast %mul3A_136 : i32 to vector<32x12x6xi32>
    %mul3A_138 = arith.muli %iota3A, %mul3A_137 : vector<32x12x6xi32>
    %add3A_139 = arith.addi %add3A_135, %mul3A_138 : vector<32x12x6xi32>
    %reshape3A_140 = vector.shape_cast %add3A_139 : vector<32x12x6xi32> to vector<32x1x72xi32>
    %swap3A_141 = arith.constant 0 : index
    %swap3A_142 = arith.constant 0 : index
    %swap3A_143 = arith.constant 0 : index
    %swap3A_144 = vector.load %arg5[%swap3A_141, %swap3A_142, %swap3A_143] : memref<32x1x128xi32, #tpu.memory_space<vmem>>, vector<32x1x72xi32>
    tpu.vector_store %arg5[%swap3A_141, %swap3A_142, %swap3A_143], %reshape3A_140 {strides = array<i32>} : memref<32x1x128xi32, #tpu.memory_space<vmem>>, vector<32x1x72xi32>,
    return
  }
}

</mosaic_0001>

<sc_bundles>
// kernel: kernel.4.cloned.1.call-start
scs
__scs_entry_jumppad:
0x0: {  	(pc) =	sbr.rel $0x88, $3  }
0x1: {  	(tag) =	ssettag $0x0;
	lr =	simm.s32 $0x1  }
0x2: {  	[smem:$0x3F9D] =	sst lr;
	_ =	strace $0xD0000000  }
0x3: {  	_ = 	snop  }
0x4: {  	_ = 	snop  }
0x5: {  	_ = 	snop  }
0x6: {  	_ = 	snop  }
0x7: {  	_ = 	snop  }
__scs_overlays_trampoline_lowered:
0x8: {  	[smem:$0x3FAC] =	sst s0  }
0x9: {  	[smem:$0x3FAD] =	sst s1  }
0xa: {  	[smem:$0x3FAE] =	sst s2  }
0xb: {  	[smem:$0x3FAF] =	sst s3  }
0xc: {  	[smem:$0x3FB0] =	sst s4  }
0xd: {  	[smem:$0x3FB1] =	sst s5  }
0xe: {  	[smem:$0x3FB2] =	sst s6  }
0xf: {  	[smem:$0x3FB3] =	sst s7  }
0x10: {  	[smem:$0x3FB4] =	sst s8  }
0x11: {  	[smem:$0x3FB5] =	sst s9;
	s0 =	simm.s32 @!p0 $0x0  }
0x12: {  	s1 =	sld [smem:$0x3F9B];
	s0 =	simm.s32 @p0 $0x1  }
0x13: {  	[smem:$0x3FB6] =	sst s0;
	s0 =	simm.s32 @!p1 $0x0  }
0x14: {  	s2 =	sld [smem:$0x3F9A];
	s0 =	simm.s32 @p1 $0x1  }
0x15: {  	[smem:$0x3FB7] =	sst s0;
	s0 =	simm.s32 @!p2 $0x0  }
0x16: {  	s3 =	sld [smem:$0x3FDB];
	s0 =	simm.s32 @p2 $0x1  }
0x17: {  	s4 =	simm.s32 $0x1BF5;
	[smem:$0x3FB9] =	sst s0  }
0x18: {  	s0 =	sld [smem:$0x3F9C];
	_ =	swait.ge [sflag:s4], $0x0  }
0x19: {  	s7 =	sld [smem:$0x3F9D]  }
0x1a: {  	s8 =	sadd.s32 $0xFFFFE003, lr  }
0x1b: {  	s9 =	sadd.s32 $0xFFFFFEF7, lr;
	s5 =	simm.s32 $0xFFFFFFFF;
	p2 =	slt.u32 s8, $0xFFFFF086  }
0x1c: {  	p1 =	slt.u32 s9, $0xF7A;
	s5 =	simm.s32 @!p2 $0x0  }
0x1d: {  	s5 =	simm.s32 @p1 $0x1;
	p0 =	seq.s32 s7, s2  }
0x1e: {  	s7 =	smul.u32 @!p0 $0xF7A, s2;
	p2 =	seq.s32 @!p0 s5, $0x0  }
0x1f: {  	s9 =	smul.u32 $0xF7A, s1;
	s8 =	simm.s32 @!p0 $0x1BF5;
	p2 =	por !p2, p0  }
0x20: {  	[sflag:s8] =	ssyncset.s32 @!p0 $0xFFFFF086;
	s6 =	sadd.s32 @!p0 s3, s7;
	s7 =	simm.s32 @!p0 $0x108  }
0x21: {  	s3 =	sadd.s32 s3, s9;
	s6 =	sadd.s32 @!p0 $0x88, s6;
	s7 =	simm.s32 @p2 $0x1082  }
0x22: {  	[simem:s7], [sflag:s8] =	dma.local @!p0 [hbm:s6], $0xF7A  }
0x23: {  	s9 =	sor.u32 $0xD0000000, s2;
	s6 =	simm.s32 $0x108;
	_ =	swait.ge @!p0 [sflag:s8], $0x0  }
0x24: {  	s3 =	sadd.s32 $0x88, s3;
	s6 =	simm.s32 @!p1 $0x1082;
	[sflag:s4] =	ssyncset.s32 $0xFFFFF086  }
0x25: {  	[simem:s6], [sflag:s4] =	dma.local [hbm:s3], $0xF7A  }
0x26: {  	[smem:$0x3F9D] =	sst s1;
	(tag) =	ssettag s2;
	_ =	strace s9  }
0x27: {  	s1 =	sld [smem:$0x3FAD]  }
0x28: {  	s2 =	sld [smem:$0x3FAE]  }
0x29: {  	s4 =	sld [smem:$0x3FB0]  }
0x2a: {  	p0 =	seq.s32 s5, $0x0;
	s5 =	sld [smem:$0x3FB1]  }
0x2b: {  	s6 =	sld [smem:$0x3FB2]  }
0x2c: {  	s7 =	sld [smem:$0x3FB3]  }
0x2d: {  	s3 =	simm.s32 $0x108;
	s8 =	sld [smem:$0x3FB4]  }
0x2e: {  	s3 =	simm.s32 @!p0 $0x1082;
	s9 =	sld [smem:$0x3FB5]  }
0x2f: {  	lr =	sadd.s32 s0, s3;
	s0 =	sld [smem:$0x3FAC]  }
0x30: {  	s3 =	sld [smem:$0x3FAF]  }
0x31: {  	[smem:$0x3FB8] =	sst s10  }
0x32: {  	s10 =	sld [smem:$0x3FB6];
	_ =	sdelay $0x3  }
0x33: {  	p0 =	seq.s32 s10, $0x1;
	s10 =	sld [smem:$0x3FB8];
	_ =	sdelay $0x3  }
0x34: {  	[smem:$0x3FB8] =	sst s10  }
0x35: {  	s10 =	sld [smem:$0x3FB7];
	_ =	sdelay $0x3  }
0x36: {  	p1 =	seq.s32 s10, $0x1;
	s10 =	sld [smem:$0x3FB8];
	_ =	sdelay $0x3  }
0x37: {  	[smem:$0x3FB8] =	sst s10  }
0x38: {  	s10 =	sld [smem:$0x3FB9]  }
0x39: {  	_ = 	snop;
	(pc) =	sbr.ind lr, $3  }
0x3a: {  	_ = 	snop  }
0x3b: {  	_ = 	snop  }
0x3c: {  	p2 =	seq.s32 s10, $0x1;
	s10 =	sld [smem:$0x3FB8]  }
0x3d: {  	_ =	shalt  }
0x3e: {  	_ =	shalt  }
0x3f: {  	_ =	shalt  }
0x40: {  	_ =	shalt  }
0x41: {  	_ =	shalt  }
0x42: {  	_ =	shalt  }
0x43: {  	_ =	shalt  }
0x44: {  	_ =	shalt  }
0x45: {  	_ =	shalt  }
0x46: {  	_ =	shalt  }
0x47: {  	_ =	shalt  }
0x48: {  	_ =	shalt  }
0x49: {  	_ =	shalt  }
0x4a: {  	_ =	shalt  }
0x4b: {  	_ =	shalt  }
0x4c: {  	_ =	shalt  }
0x4d: {  	_ =	shalt  }
0x4e: {  	_ =	shalt  }
0x4f: {  	_ =	shalt  }
0x50: {  	_ =	shalt  }
0x51: {  	_ =	shalt  }
0x52: {  	_ =	shalt  }
0x53: {  	_ =	shalt  }
0x54: {  	_ =	shalt  }
0x55: {  	_ =	shalt  }
0x56: {  	_ =	shalt  }
0x57: {  	_ =	shalt  }
0x58: {  	_ =	shalt  }
0x59: {  	_ =	shalt  }
0x5a: {  	_ =	shalt  }
0x5b: {  	_ =	shalt  }
0x5c: {  	_ =	shalt  }
0x5d: {  	_ =	shalt  }
0x5e: {  	_ =	shalt  }
0x5f: {  	_ =	shalt  }
0x60: {  	_ =	shalt  }
0x61: {  	_ =	shalt  }
0x62: {  	_ =	shalt  }
0x63: {  	_ =	shalt  }
0x64: {  	_ =	shalt  }
0x65: {  	_ =	shalt  }
0x66: {  	_ =	shalt  }
0x67: {  	_ =	shalt  }
0x68: {  	_ =	shalt  }
0x69: {  	_ =	shalt  }
0x6a: {  	_ =	shalt  }
0x6b: {  	_ =	shalt  }
0x6c: {  	_ =	shalt  }
0x6d: {  	_ =	shalt  }
0x6e: {  	_ =	shalt  }
0x6f: {  	_ =	shalt  }
0x70: {  	_ =	shalt  }
0x71: {  	_ =	shalt  }
0x72: {  	_ =	shalt  }
0x73: {  	_ =	shalt  }
0x74: {  	_ =	shalt  }
0x75: {  	_ =	shalt  }
0x76: {  	_ =	shalt  }
0x77: {  	_ =	shalt  }
0x78: {  	_ =	shalt  }
0x79: {  	_ =	shalt  }
0x7a: {  	_ =	shalt  }
0x7b: {  	_ =	shalt  }
0x7c: {  	_ =	shalt  }
0x7d: {  	_ =	shalt  }
0x7e: {  	_ =	shalt  }
0x7f: {  	_ =	shalt  }
0x80: {  	_ =	shalt  }
0x81: {  	_ =	shalt  }
0x82: {  	_ =	shalt  }
0x83: {  	_ =	shalt  }
0x84: {  	_ =	shalt  }
0x85: {  	_ =	shalt  }
0x86: {  	_ =	shalt  }
0x87: {  	_ =	shalt  }
.Lfunc_end0:
.L_simem_size_0:
called_computation_lowered:
.L_overlay_start_0:
0x88: {  	s2 =	sld [smem:$0x3FD9]  }
0x89: {  	s3 =	sld [smem:$0x3FFE];
	_ =	sdelay $0x1  }
0x8a: {  	s1 =	srdreg.scid  }
0x8b: {  	s0 =	sand.u32 $0x1, s1  }
0x8c: {  	s17 =	sshll.u32 s0, $0xA;
	s2 =	sadd.s32 s3, s2  }
0x8d: {  	s2 =	sadd.s32 s2, s17  }
0x8e: {  	[smem:$0x3FC4] =	sst s2  }
0x8f: {  	_ = 	snop  }
0x90: {  	s2 =	sld [smem:$0x3FD0];
	(tm) =	ssettm $0x1  }
0x91: {  	s18 =	sld [smem:$0x3FFB];
	_ =	sdelay $0x3  }
0x92: {  	_ =	strace s18  }
0x93: {  	s3 =	sld [smem:$0x3FFC];
	_ =	sdelay $0x3  }
0x94: {  	_ =	strace s3  }
0x95: {  	s3 =	sld [smem:$0x3FFD];
	_ =	sdelay $0x3  }
0x96: {  	_ =	strace s3  }
0x97: {  	_ =	strace $0x8FFFFFFF  }
0x98: {  	s19 =	sld [smem:$0x3FDB];
	_ =	sdelay $0x1  }
0x99: {  	s4 =	simm.s32 $_scs_section_size  }
0x9a: {  	s5 =	simm.s32 $_size__tile_overlayer_lowered;
	s6 =	simm.s32 $_tile_overlayer_lowered  }
0x9b: {  	s22 =	simm.s32 $0x1BFF;
	s21 =	sshll.u32 s6, $0x1;
	s3 =	sadd.s32 s4, s19  }
0x9c: {  	s7 =	simm.s32 $0x0;
	s20 =	sshll.u32 s5, $0x1;
	s5 =	sadd.s32 s21, s3  }
0x9d: {  	[timem:s7], [sflag:s22] =	dma.local [hbm:s5], s20  }
0x9e: {  	_ =	swait.ge [sflag:s22], s20  }
0x9f: {  	s4 =	ssub.s32 $0x0, s20;
	[sflag:s22] =	ssyncset.done $0x0  }
0xa0: {  	[sflag:s22] =	ssyncadd.s32 s4;
	_ =	sdelay $0x1  }
0xa1: {  	s23 =	simm.s32 $0x1B8B  }
0xa2: {  	_ =	swait.ge [sflag:s23], $0x1  }
0xa3: {  	[sflag:s23] =	ssyncset.done $0x0  }
0xa4: {  	s25 =	simm.s32 $0x1B8E;
	s24 =	sld [smem:$0x3FFE];
	[sflag:s23] =	ssyncadd.s32 $0xFFFFFFFF  }
0xa5: {  	s26 =	simm.s32 $execute0_lowered;
	[smem:$0x3FD2] =	sst s25  }
0xa6: {  	s5 =	sshll.u32 s26, $0x1;
	_ =	strace $0x80000046;
	[dreg:$0x1] =	wrdreg $0xFFFFFFFF  }
0xa7: {  	s28 =	simm.s32 $_size_execute0_lowered;
	s3 =	sadd.s32 s3, s5;
	[dreg:$0x0] =	wrdreg $0x0  }
0xa8: {  	s5 =	sshll.u32 s28, $0x1;
	[dreg:$0x2] =	wrdreg s3  }
0xa9: {  	[dreg:$0x3] =	wrdreg s5  }
0xaa: {  	[dreg:$0x4] =	wrdreg $0xC0  }
0xab: {  	_ =	task [dreg:s7], $0x5FFFF  }
0xac: {  	[dreg:$0x1] =	wrdreg $0xFFFFFFFF  }
0xad: {  	[dreg:$0x0] =	wrdreg $0x60  }
0xae: {  	[dreg:$0x2] =	wrdreg s24  }
0xaf: {  	[dreg:$0x3] =	wrdreg s2  }
0xb0: {  	[dreg:$0x4] =	wrdreg $0x9  }
0xb1: {  	_ =	task.clear_ibuf [dreg:s7], $0x5FFFF;
	_ =	strace $0x90000046  }
0xb2: {  	s29 =	simm.s32 $0x9;
	_ =	strace $0x80000048  }
0xb3: {  	_ =	swait.ge [sflag:s29], $0x1  }
0xb4: {  	[sflag:s29] =	ssyncadd.s32 $0xFFFFFFFF  }
0xb5: {  	_ =	strace $0x90000048  }
0xb6: {  	_ =	sfence  }
0xb7: {  	s30 =	sld [smem:$0x0];
	_ =	sdelay $0x2  }
0xb8: {  	s31 =	sshll.u32 s1, $0xD;
	s1 =	sshrl.u32 s1, $0x2  }
0xb9: {  	s3 =	sand.u32 $0x4000, s31;
	s1 =	sadd.s32 s1, s30  }
0xba: {  	s0 =	sor.u32 s3, s0;
	s1 =	sshll.u32 s1, $0x11  }
0xbb: {  	s0 =	sor.u32 s1, s0  }
0xbc: {  	s0 =	sadd.s32 $0x8F2B, s0  }
0xbd: {  	[sflag:s0] =	ssyncadd.remote.s32 $0x1  }
0xbe: {  	_ =	sfence.sel $0xFFFF  }
0xbf: {  	[dreg:$0x0] =	wrdreg $0xFFFFFFFF;
	(pc) =	sbr.abs _section_cstart, $3  }
0xc0: {  	[dreg:$0x1] =	wrdreg $0xFFFFFFFF  }
0xc1: {  	_ =	task.clear_ibuf [dreg:s7], $0x2FFFF;
	_ =	strace $0x9FFFFFFF  }
0xc2: {  	(tm) =	ssettm $0x7FFFFFFF  }
0xc3: {  	_ =	shalt  }
tec
execute0_lowered:
.L_overlay_start_1:
0x0: {  	(tag) =	ssettag $0x1  }
0x1: {  	s4 =	rddreg [dreg:$0x0]  }
0x2: {  	s5 =	rddreg [dreg:$0x1]  }
0x3: {  	s0 =	rddreg [dreg:$0x2];
	s2 =	simm.s32 $0x0  }
0x4: {  	s3 =	srdreg.scid;
	s1 =	stileid.u32;
	s10 =	simm.s32 $0x80  }
0x5: {  	s11 =	simm.s32 $0x18;
	s12 =	simm.s32 $0x1880;
	s13 =	simm.s32 $0x1  }
0x6: {  	s14 =	simm.s32 $0x2480;
	s15 =	simm.s32 $0x2;
	s16 =	simm.s32 $0x2880  }
0x7: {  	[smem:$0x7FF] =	sst s2;
	s6 =	sand.u32 $0x1, s3;
	s7 =	sshll.u32 s1, $0x1  }
0x8: {  	s3 =	sadd.s32 $0x1000, s4;
	s7 =	sor.u32 s6, s7;
	s6 =	ssub.s32 $0x2, s6  }
0x9: {  	_ =	strace $0x80000047;
	s8 =	sshll.u32 s7, $0x8;
	s9 =	sshrl.u32 s6, $0x1  }
0xa: {  	s7 =	sshll.u32 s7, $0x4;
	s8 =	sadd.s32 s8, s4;
	s9 =	ssub.s32 s6, s9  }
0xb: {  	s4 =	sadd.s32 s5, s7;
	s5 =	sadd.s32 $0x3600, s8;
	s6 =	sadd.s32 $0x3680, s8  }
0xc: {  	s7 =	smax.u32 s9, $0x1;
	s8 =	simm.s32 $0x3;
	s9 =	simm.s32 $0x30  }
.LBB2_1:
0xd: {  	[tilespmem:s2], [sflag:$0x3] =	stream.linear.gather [hbm4b:s4+s2], $0x80, $0x38;
	[tilespmem:$0x2C80] =	vst v63  }
0xe: {  	_ =	swait.ge [sflag:s8], $0x80  }
0xf: {  	[sflag:s8] =	ssyncset.done $0x0  }
0x10: {  	[sflag:s8] =	ssyncadd.s32 $0xFFFFFF80  }
0x11: {  	[tilespmem:s10], [sflag:$0x1] =	stream.indirect.gather [hbm4b:s3+s9], $0x80, s2, s9, $0xb8;
	[tilespmem:$0x2C80] =	vst v63  }
0x12: {  	_ = 	snop  }
0x13: {  	[tilespmem:s12], [sflag:$0x2] =	stream.indirect.gather [hbm4b:s3+s11], $0x80, s9, s11, $0xb8;
	[tilespmem:$0x2C80] =	vst v63  }
0x14: {  	_ =	swait.ge [sflag:s13], $0x1800  }
0x15: {  	[sflag:s13] =	ssyncset.done $0x0  }
0x16: {  	[sflag:s13] =	ssyncadd.s32 $0xFFFFE800  }
0x17: {  	v0 =	vld [tilespmem:$0x80]  }
0x18: {  	v1 =	vld [tilespmem:$0x100]  }
0x19: {  	v2 =	vld [tilespmem:$0x180]  }
0x1a: {  	v3 =	vld [tilespmem:$0x200]  }
0x1b: {  	v4 =	vld [tilespmem:$0x280]  }
0x1c: {  	v10 =	vld [tilespmem:$0x300]  }
0x1d: {  	v6 =	vld [tilespmem:$0x90]  }
0x1e: {  	v7 =	vld [tilespmem:$0x110]  }
0x1f: {  	v8 =	vld [tilespmem:$0x190]  }
0x20: {  	v23 =	vld [tilespmem:$0x210]  }
0x21: {  	v41 =	vld [tilespmem:$0x290]  }
0x22: {  	v5 =	vld [tilespmem:$0x310]  }
0x23: {  	v12 =	vld [tilespmem:$0xA0]  }
0x24: {  	v13 =	vld [tilespmem:$0x120]  }
0x25: {  	v14 =	vld [tilespmem:$0x1A0]  }
0x26: {  	v15 =	vld [tilespmem:$0x220]  }
0x27: {  	v34 =	vld [tilespmem:$0x2A0]  }
0x28: {  	v57 =	vld [tilespmem:$0x320]  }
0x29: {  	v18 =	vld [tilespmem:$0xB0]  }
0x2a: {  	v19 =	vld [tilespmem:$0x130]  }
0x2b: {  	v20 =	vld [tilespmem:$0x1B0]  }
0x2c: {  	v21 =	vld [tilespmem:$0x230]  }
0x2d: {  	v22 =	vld [tilespmem:$0x2B0]  }
0x2e: {  	v35 =	vld [tilespmem:$0x330]  }
0x2f: {  	v24 =	vld [tilespmem:$0xC0]  }
0x30: {  	v25 =	vld [tilespmem:$0x140]  }
0x31: {  	v26 =	vld [tilespmem:$0x1C0]  }
0x32: {  	v27 =	vld [tilespmem:$0x240]  }
0x33: {  	v28 =	vld [tilespmem:$0x2C0]  }
0x34: {  	v58 =	vld [tilespmem:$0x2D0]  }
0x35: {  	v29 =	vld [tilespmem:$0x340]  }
0x36: {  	v30 =	vld [tilespmem:$0xD0]  }
0x37: {  	v31 =	vld [tilespmem:$0x150]  }
0x38: {  	v32 =	vld [tilespmem:$0x1D0];
	[tilespmem:$0x1F4E0] =	vst v5  }
0x39: {  	v47 =	vld [tilespmem:$0x250];
	[tilespmem:$0x1F4F0] =	vst v58  }
0x3a: {  	v5 =	vld [tilespmem:$0x350]  }
0x3b: {  	v36 =	vld [tilespmem:$0xE0]  }
0x3c: {  	v37 =	vld [tilespmem:$0x160]  }
0x3d: {  	v38 =	vld [tilespmem:$0x1E0]  }
0x3e: {  	v39 =	vld [tilespmem:$0x260]  }
0x3f: {  	v59 =	vld [tilespmem:$0x2E0]  }
0x40: {  	v60 =	vld [tilespmem:$0x360]  }
0x41: {  	v42 =	vld [tilespmem:$0xF0]  }
0x42: {  	v43 =	vld [tilespmem:$0x170]  }
0x43: {  	v44 =	vld [tilespmem:$0x1F0]  }
0x44: {  	v45 =	vld [tilespmem:$0x270]  }
0x45: {  	v46 =	vld [tilespmem:$0x2F0]  }
0x46: {  	v61 =	vld [tilespmem:$0x370]  }
0x47: {  	v48 =	vld [tilespmem:$0x380]  }
0x48: {  	v49 =	vld [tilespmem:$0x400]  }
0x49: {  	v50 =	vld [tilespmem:$0x480]  }
0x4a: {  	v51 =	vld [tilespmem:$0x500]  }
0x4b: {  	v52 =	vld [tilespmem:$0x580]  }
0x4c: {  	v63 =	vld [tilespmem:$0x600]  }
0x4d: {  	v54 =	vld [tilespmem:$0x390]  }
0x4e: {  	v55 =	vld [tilespmem:$0x410]  }
0x4f: {  	v56 =	vld [tilespmem:$0x490]  }
0x50: {  	v62 =	vld [tilespmem:$0x510]  }
0x51: {  	v9 =	vld [tilespmem:$0x590]  }
0x52: {  	v11 =	vld [tilespmem:$0x610]  }
0x53: {  	v16 =	vld [tilespmem:$0x520]  }
0x54: {  	v17 =	vld [tilespmem:$0x5A0]  }
0x55: {  	v33 =	vld [tilespmem:$0x620]  }
0x56: {  	v58 =	vld [tilespmem:$0x530]  }
0x57: {  	v40 =	vld [tilespmem:$0x5B0]  }
0x58: {  	v53 =	vld [tilespmem:$0x630]  }
0x59: {  	v0 =	vadd.f32 v1, v0;
	v1 =	vld [tilespmem:$0x4E0]  }
0x5a: {  	v6 =	vadd.f32 v7, v6;
	v7 =	vld [tilespmem:$0x570]  }
0x5b: {  	v0 =	vadd.f32 v2, v0;
	v2 =	vld [tilespmem:$0x5E0]  }
0x5c: {  	v6 =	vadd.f32 v8, v6;
	v8 =	vadd.f32 v19, v18;
	v18 =	vld [tilespmem:$0x680]  }
0x5d: {  	v19 =	vld [tilespmem:$0x700]  }
0x5e: {  	v0 =	vadd.f32 v3, v0;
	v3 =	vld [tilespmem:$0x3F0]  }
0x5f: {  	v6 =	vadd.f32 v23, v6;
	v23 =	vld [tilespmem:$0x690]  }
0x60: {  	[tilespmem:$0x1F520] =	vst v60;
	v60 =	vld [tilespmem:$0x3A0]  }
0x61: {  	[tilespmem:$0x1F530] =	vst v61;
	v61 =	vld [tilespmem:$0x420]  }
0x62: {  	[tilespmem:$0x1F540] =	vst v62;
	v62 =	vld [tilespmem:$0x4A0]  }
0x63: {  	[tilespmem:$0x1F500] =	vst v59;
	v59 =	vld [tilespmem:$0x640]  }
0x64: {  	[tilespmem:$0x1F550] =	vst v16;
	v16 =	vld [tilespmem:$0x3B0]  }
0x65: {  	[tilespmem:$0x1F580] =	vst v11;
	v11 =	vld [tilespmem:$0x430]  }
0x66: {  	[tilespmem:$0x1F5A0] =	vst v33;
	v33 =	vld [tilespmem:$0x4B0]  }
0x67: {  	[tilespmem:$0x1F560] =	vst v9;
	v9 =	vld [tilespmem:$0x3C0]  }
0x68: {  	[tilespmem:$0x1F5F0] =	vst v59;
	v59 =	vld [tilespmem:$0x3D0]  }
0x69: {  	[tilespmem:$0x1F510] =	vst v5;
	v5 =	vld [tilespmem:$0x440]  }
0x6a: {  	[tilespmem:$0x1F570] =	vst v17;
	v17 =	vld [tilespmem:$0x4C0]  }
0x6b: {  	[tilespmem:$0x1F590] =	vst v40;
	v40 =	vld [tilespmem:$0x540]  }
0x6c: {  	[tilespmem:$0x1F5C0] =	vst v53;
	v53 =	vld [tilespmem:$0x5C0]  }
0x6d: {  	[tilespmem:$0x1F5D0] =	vst v59;
	v59 =	vld [tilespmem:$0x450]  }
0x6e: {  	v25 =	vadd.f32 v25, v24;
	v8 =	vadd.f32 v20, v8;
	[tilespmem:$0x1F610] =	vst v1;
	v1 =	vld [tilespmem:$0x560]  }
0x6f: {  	v0 =	vadd.f32 v4, v0;
	v4 =	vld [tilespmem:$0x4F0];
	v36 =	vadd.f32 v37, v36  }
0x70: {  	v37 =	vadd.f32 v43, v42;
	v42 =	vld [tilespmem:$0x1F500];
	v18 =	vadd.f32 v19, v18  }
0x71: {  	v19 =	vld [tilespmem:$0x6D0];
	v0 =	vadd.f32 v10, v0;
	v10 =	vadd.f32 v13, v12  }
0x72: {  	v8 =	vadd.f32 v21, v8;
	[tilespmem:$0x1F5E0] =	vst v59;
	v59 =	vld [tilespmem:$0x4D0]  }
0x73: {  	v10 =	vadd.f32 v14, v10;
	v14 =	vadd.f32 v26, v25;
	v25 =	vld [tilespmem:$0x710]  }
0x74: {  	v26 =	vadd.f32 v38, v36;
	v38 =	vadd.f32 v49, v48;
	v49 =	vld [tilespmem:$0x1F550]  }
0x75: {  	v8 =	vadd.f32 v22, v8;
	[tilespmem:$0x1F5B0] =	vst v53;
	v53 =	vld [tilespmem:$0x460]  }
0x76: {  	[tilespmem:$0x1F630] =	vst v1;
	v1 =	vld [tilespmem:$0x660]  }
0x77: {  	v8 =	vadd.f32 v35, v8;
	[tilespmem:$0x1F600] =	vst v59;
	v59 =	vld [tilespmem:$0x550]  }
0x78: {  	v35 =	vadd.f32 v31, v30;
	v10 =	vadd.f32 v15, v10;
	v15 =	vld [tilespmem:$0x780]  }
0x79: {  	v14 =	vadd.f32 v27, v14;
	v27 =	vld [tilespmem:$0x790];
	v30 =	vadd.f32 v50, v38  }
0x7a: {  	v10 =	vadd.f32 v34, v10;
	v34 =	vld [tilespmem:$0x1F4E0]  }
0x7b: {  	v24 =	vadd.f32 v32, v35;
	v30 =	vadd.f32 v51, v30;
	v51 =	vld [tilespmem:$0x1F570]  }
0x7c: {  	v14 =	vadd.f32 v28, v14;
	[tilespmem:$0x1F620] =	vst v59;
	v59 =	vld [tilespmem:$0x5D0]  }
0x7d: {  	v24 =	vadd.f32 v47, v24;
	v47 =	vadd.f32 v61, v60;
	v61 =	vld [tilespmem:$0x1F5F0]  }
0x7e: {  	v11 =	vadd.f32 v11, v16;
	v28 =	vadd.f32 v44, v37;
	[tilespmem:$0x1F660] =	vst v1;
	v1 =	vld [tilespmem:$0x470]  }
0x7f: {  	v14 =	vadd.f32 v29, v14;
	v29 =	vld [tilespmem:$0x810]  }
0x80: {  	v11 =	vadd.f32 v33, v11;
	v28 =	vadd.f32 v45, v28;
	v45 =	vld [tilespmem:$0x1F530]  }
0x81: {  	[tilespmem:$0x1F640] =	vst v59;
	v59 =	vld [tilespmem:$0x650]  }
0x82: {  	v26 =	vadd.f32 v39, v26;
	v11 =	vadd.f32 v58, v11;
	v58 =	vld [tilespmem:$0x1F5D0]  }
0x83: {  	v28 =	vadd.f32 v46, v28;
	v46 =	vadd.f32 v55, v54;
	v54 =	vld [tilespmem:$0x1F590]  }
0x84: {  	v5 =	vadd.f32 v5, v9;
	v26 =	vadd.f32 v42, v26;
	v55 =	vld [tilespmem:$0x1F5A0]  }
0x85: {  	v42 =	vadd.f32 v62, v47;
	v39 =	vadd.f32 v56, v46;
	v56 =	vld [tilespmem:$0x1F5B0]  }
0x86: {  	v5 =	vadd.f32 v17, v5;
	[tilespmem:$0x1F650] =	vst v59;
	v59 =	vld [tilespmem:$0x3E0]  }
0x87: {  	v30 =	vadd.f32 v52, v30;
	v42 =	vadd.f32 v49, v42;
	v60 =	vld [tilespmem:$0x1F5E0]  }
0x88: {  	v5 =	vadd.f32 v40, v5;
	v11 =	vadd.f32 v54, v11;
	v54 =	vld [tilespmem:$0x1F610]  }
0x89: {  	v30 =	vadd.f32 v63, v30;
	v42 =	vadd.f32 v51, v42;
	v63 =	vld [tilespmem:$0x1F600]  }
0x8a: {  	v1 =	vadd.f32 v1, v3;
	v5 =	vadd.f32 v56, v5;
	v56 =	vld [tilespmem:$0x1F630]  }
0x8b: {  	v42 =	vadd.f32 v55, v42;
	v55 =	vld [tilespmem:$0x1F620];
	v62 =	vadd.f32 v53, v59  }
0x8c: {  	v1 =	vadd.f32 v4, v1;
	v4 =	vld [tilespmem:$0x750];
	v47 =	vadd.f32 v60, v58  }
0x8d: {  	v5 =	vadd.f32 v61, v5;
	v61 =	vld [tilespmem:$0x6E0];
	v49 =	vadd.f32 v54, v62  }
0x8e: {  	v47 =	vadd.f32 v63, v47;
	v59 =	vld [tilespmem:$0x1F660]  }
0x8f: {  	v63 =	vld [tilespmem:$0x760];
	v49 =	vadd.f32 v56, v49  }
0x90: {  	v6 =	vadd.f32 v41, v6;
	v47 =	vadd.f32 v55, v47;
	v55 =	vld [tilespmem:$0x6F0]  }
0x91: {  	v56 =	vld [tilespmem:$0x770];
	v2 =	vadd.f32 v2, v49  }
0x92: {  	v15 =	vadd.f32 v15, v18;
	v18 =	vld [tilespmem:$0x7D0];
	v6 =	vadd.f32 v34, v6  }
0x93: {  	[tilespmem:$0x2480] =	vst v0;
	v62 =	vadd.f32 v25, v23;
	v0 =	vadd.f32 v59, v2;
	v59 =	vld [tilespmem:$0x7F0]  }
0x94: {  	v1 =	vadd.f32 v7, v1;
	v7 =	vld [tilespmem:$0x850]  }
0x95: {  	[tilespmem:$0x2490] =	vst v6;
	v4 =	vadd.f32 v4, v19;
	v6 =	vadd.f32 v27, v62;
	v62 =	vld [tilespmem:$0x870]  }
0x96: {  	v61 =	vadd.f32 v63, v61;
	v63 =	vadd.f32 v56, v55  }
0x97: {  	v28 =	vadd.f32 v45, v28;
	v4 =	vadd.f32 v18, v4  }
0x98: {  	v6 =	vadd.f32 v29, v6;
	v29 =	vadd.f32 v59, v63;
	_ =	sdelay $0x1  }
0x99: {  	[tilespmem:$0x24F0] =	vst v28;
	v28 =	vadd.f32 v7, v4;
	v4 =	vadd.f32 v62, v29;
	v62 =	vld [tilespmem:$0xF30];
	_ =	sdelay $0x4  }
0x9a: {  	[tilespmem:$0x1F750] =	vst v62;
	v62 =	vld [tilespmem:$0xF50];
	_ =	sdelay $0x2  }
0x9b: {  	v20 =	vld [tilespmem:$0x800]  }
0x9c: {  	v21 =	vld [tilespmem:$0x880]  }
0x9d: {  	[tilespmem:$0x1F800] =	vst v62;
	v62 =	vld [tilespmem:$0xEF0]  }
0x9e: {  	v41 =	vld [tilespmem:$0x1F4F0]  }
0x9f: {  	v43 =	vld [tilespmem:$0x1F510]  }
0xa0: {  	v12 =	vld [tilespmem:$0x5F0]  }
0xa1: {  	v13 =	vld [tilespmem:$0x670]  }
0xa2: {  	[tilespmem:$0x1F810] =	vst v62;
	v62 =	vld [tilespmem:$0xF80]  }
0xa3: {  	v22 =	vld [tilespmem:$0x900]  }
0xa4: {  	v31 =	vld [tilespmem:$0x890]  }
0xa5: {  	v36 =	vld [tilespmem:$0x7A0]  }
0xa6: {  	v48 =	vld [tilespmem:$0x1F540]  }
0xa7: {  	[tilespmem:$0x1F830] =	vst v62;
	v62 =	vld [tilespmem:$0x1080]  }
0xa8: {  	v16 =	vld [tilespmem:$0x730]  }
0xa9: {  	v9 =	vld [tilespmem:$0x7B0]  }
0xaa: {  	v32 =	vld [tilespmem:$0x910]  }
0xab: {  	v35 =	vld [tilespmem:$0x720]  }
0xac: {  	[tilespmem:$0x1F880] =	vst v62;
	v62 =	vld [tilespmem:$0x1180]  }
0xad: {  	v38 =	vld [tilespmem:$0x8A0]  }
0xae: {  	v50 =	vld [tilespmem:$0x1F560]  }
0xaf: {  	v33 =	vld [tilespmem:$0x830]  }
0xb0: {  	v17 =	vld [tilespmem:$0x8B0]  }
0xb1: {  	[tilespmem:$0x1F900] =	vst v62;
	v62 =	vld [tilespmem:$0xF90]  }
0xb2: {  	v37 =	vld [tilespmem:$0x820]  }
0xb3: {  	v44 =	vld [tilespmem:$0x1F520]  }
0xb4: {  	v40 =	vld [tilespmem:$0x6C0]  }
0xb5: {  	v24 =	vadd.f32 v41, v24;
	v41 =	vld [tilespmem:$0x920]  }
0xb6: {  	[tilespmem:$0x1F860] =	vst v62;
	v62 =	vld [tilespmem:$0x1090]  }
0xb7: {  	v52 =	vld [tilespmem:$0x1F580]  }
0xb8: {  	v10 =	vadd.f32 v57, v10;
	v57 =	vld [tilespmem:$0x1F5C0]  }
0xb9: {  	v24 =	vadd.f32 v43, v24;
	v43 =	vld [tilespmem:$0x6B0]  }
0xba: {  	v34 =	vld [tilespmem:$0x6A0]  }
0xbb: {  	[tilespmem:$0x1F8B0] =	vst v62;
	v62 =	vld [tilespmem:$0x1190]  }
0xbc: {  	v26 =	vadd.f32 v44, v26;
	v44 =	vld [tilespmem:$0x930]  }
0xbd: {  	v15 =	vadd.f32 v20, v15;
	v20 =	vld [tilespmem:$0x8D0]  }
0xbe: {  	v46 =	vld [tilespmem:$0x7C0]  }
0xbf: {  	v51 =	vld [tilespmem:$0x860]  }
0xc0: {  	[tilespmem:$0x1F920] =	vst v62;
	v62 =	vld [tilespmem:$0xFA0]  }
0xc1: {  	[tilespmem:$0x2500] =	vst v30;
	v30 =	vld [tilespmem:$0xB80]  }
0xc2: {  	v45 =	vld [tilespmem:$0x740]  }
0xc3: {  	v3 =	vld [tilespmem:$0x940]  }
0xc4: {  	[tilespmem:$0x24E0] =	vst v26;
	v26 =	vld [tilespmem:$0x990]  }
0xc5: {  	v39 =	vadd.f32 v48, v39;
	[tilespmem:$0x1F890] =	vst v62;
	v62 =	vld [tilespmem:$0x10A0]  }
0xc6: {  	v48 =	vld [tilespmem:$0x840]  }
0xc7: {  	v39 =	vadd.f32 v50, v39;
	v50 =	vld [tilespmem:$0x8C0]  }
0xc8: {  	v34 =	vadd.f32 v35, v34;
	v35 =	vld [tilespmem:$0x7E0]  }
0xc9: {  	[tilespmem:$0x2520] =	vst v42;
	v42 =	vld [tilespmem:$0xB50]  }
0xca: {  	[tilespmem:$0x1F8D0] =	vst v62;
	v62 =	vld [tilespmem:$0x11A0]  }
0xcb: {  	v39 =	vadd.f32 v52, v39;
	v52 =	vadd.f32 v45, v40;
	v40 =	vld [tilespmem:$0xC50]  }
0xcc: {  	v45 =	vld [tilespmem:$0xE80]  }
0xcd: {  	v1 =	vadd.f32 v12, v1;
	v12 =	vld [tilespmem:$0x950]  }
0xce: {  	v60 =	vadd.f32 v21, v15;
	v21 =	vld [tilespmem:$0xBB0]  }
0xcf: {  	[tilespmem:$0x1F950] =	vst v62;
	v62 =	vld [tilespmem:$0x10B0]  }
0xd0: {  	[tilespmem:$0x24A0] =	vst v10;
	v10 =	vadd.f32 v36, v34;
	v15 =	vld [tilespmem:$0xCB0]  }
0xd1: {  	[tilespmem:$0x24C0] =	vst v14;
	v14 =	vadd.f32 v46, v52;
	v52 =	vld [tilespmem:$0xB10]  }
0xd2: {  	v10 =	vadd.f32 v37, v10;
	v37 =	vld [tilespmem:$0xBC0]  }
0xd3: {  	[tilespmem:$0x2510] =	vst v39;
	v39 =	vld [tilespmem:$0xC40]  }
0xd4: {  	[tilespmem:$0x1F8F0] =	vst v62;
	v62 =	vld [tilespmem:$0x1130]  }
0xd5: {  	v46 =	vld [tilespmem:$0xF00]  }
0xd6: {  	v19 =	vld [tilespmem:$0xD20]  }
0xd7: {  	[tilespmem:$0x2540] =	vst v5;
	v5 =	vld [tilespmem:$0x9F0]  }
0xd8: {  	v1 =	vadd.f32 v13, v1;
	v13 =	vld [tilespmem:$0xD30]  }
0xd9: {  	[tilespmem:$0x1F930] =	vst v62;
	v62 =	vld [tilespmem:$0x11B0]  }
0xda: {  	v18 =	vld [tilespmem:$0xA10]  }
0xdb: {  	v10 =	vadd.f32 v38, v10;
	v38 =	vld [tilespmem:$0xB90]  }
0xdc: {  	v14 =	vadd.f32 v48, v14;
	v48 =	vld [tilespmem:$0xE90]  }
0xdd: {  	[tilespmem:$0x1F690] =	vst v40;
	v40 =	vld [tilespmem:$0xD00]  }
0xde: {  	[tilespmem:$0x1F970] =	vst v62;
	v62 =	vld [tilespmem:$0x1230]  }
0xdf: {  	[tilespmem:$0x1F6D0] =	vst v45;
	v45 =	vld [tilespmem:$0xD90]  }
0xe0: {  	v7 =	vld [tilespmem:$0xA60]  }
0xe1: {  	v14 =	vadd.f32 v50, v14;
	v50 =	vld [tilespmem:$0xBE0]  }
0xe2: {  	v10 =	vadd.f32 v41, v10;
	v41 =	vld [tilespmem:$0xC60]  }
0xe3: {  	[tilespmem:$0x1F9B0] =	vst v62;
	v62 =	vld [tilespmem:$0xFC0]  }
0xe4: {  	[tilespmem:$0x1F680] =	vst v39;
	v39 =	vld [tilespmem:$0xBF0]  }
0xe5: {  	[tilespmem:$0x1F670] =	vst v37;
	v37 =	vld [tilespmem:$0xDA0]  }
0xe6: {  	[tilespmem:$0x1F6F0] =	vst v46;
	v46 =	vld [tilespmem:$0xE30]  }
0xe7: {  	[tilespmem:$0x2570] =	vst v1;
	v1 =	vadd.f32 v20, v28;
	v20 =	vld [tilespmem:$0xA90]  }
0xe8: {  	[tilespmem:$0x1F990] =	vst v62;
	v62 =	vld [tilespmem:$0x1040]  }
0xe9: {  	[tilespmem:$0x25A0] =	vst v10;
	v10 =	vld [tilespmem:$0xB30]  }
0xea: {  	v3 =	vadd.f32 v3, v14;
	v14 =	vld [tilespmem:$0x9D0]  }
0xeb: {  	v28 =	vld [tilespmem:$0xDB0]  }
0xec: {  	[tilespmem:$0x1F6E0] =	vst v48;
	v48 =	vld [tilespmem:$0xDD0]  }
0xed: {  	[tilespmem:$0x1F9A0] =	vst v62;
	v62 =	vld [tilespmem:$0x10C0]  }
0xee: {  	v18 =	vadd.f32 v18, v26;
	v26 =	vld [tilespmem:$0x1300]  }
0xef: {  	v1 =	vadd.f32 v12, v1;
	v12 =	vld [tilespmem:$0xA50]  }
0xf0: {  	[tilespmem:$0x25C0] =	vst v3;
	v3 =	vld [tilespmem:$0xA70]  }
0xf1: {  	v11 =	vadd.f32 v57, v11;
	v57 =	vld [tilespmem:$0x1F640]  }
0xf2: {  	[tilespmem:$0x1F9E0] =	vst v62;
	v62 =	vld [tilespmem:$0x1140]  }
0xf3: {  	[tilespmem:$0x1F6A0] =	vst v41;
	v41 =	vld [tilespmem:$0xE40]  }
0xf4: {  	[tilespmem:$0x25D0] =	vst v1;
	v1 =	vld [tilespmem:$0x9B0]  }
0xf5: {  	[tilespmem:$0x24D0] =	vst v24;
	v24 =	vadd.f32 v35, v61;
	v61 =	vld [tilespmem:$0xBD0]  }
0xf6: {  	[tilespmem:$0x1F770] =	vst v48;
	v48 =	vld [tilespmem:$0xF60]  }
0xf7: {  	[tilespmem:$0x1FA40] =	vst v62;
	v62 =	vld [tilespmem:$0x11C0]  }
0xf8: {  	[tilespmem:$0x1FB20] =	vst v26;
	v26 =	vld [tilespmem:$0x1400]  }
0xf9: {  	v3 =	vadd.f32 v3, v5;
	v5 =	vld [tilespmem:$0x1540]  }
0xfa: {  	v58 =	vld [tilespmem:$0x1F650]  }
0xfb: {  	v47 =	vadd.f32 v57, v47;
	v57 =	vld [tilespmem:$0x980]  }
0xfc: {  	[tilespmem:$0x1FA80] =	vst v62;
	v62 =	vld [tilespmem:$0x1240]  }
0xfd: {  	[tilespmem:$0x1F780] =	vst v41;
	v41 =	vld [tilespmem:$0xD60]  }
0xfe: {  	[tilespmem:$0x1F820] =	vst v48;
	v48 =	vld [tilespmem:$0x1030]  }
0xff: {  	[tilespmem:$0x1FB80] =	vst v26;
	v26 =	vld [tilespmem:$0x1390]  }
0x100: {  	v53 =	vld [tilespmem:$0x8E0]  }
0x101: {  	[tilespmem:$0x1FAC0] =	vst v62;
	v62 =	vld [tilespmem:$0xFD0]  }
0x102: {  	v47 =	vadd.f32 v58, v47;
	v58 =	vld [tilespmem:$0xA00]  }
0x103: {  	v54 =	vld [tilespmem:$0x960]  }
0x104: {  	v23 =	vld [tilespmem:$0xB00]  }
0x105: {  	v25 =	vld [tilespmem:$0xAD0]  }
0x106: {  	[tilespmem:$0x1F9C0] =	vst v62;
	v62 =	vld [tilespmem:$0x1050]  }
0x107: {  	[tilespmem:$0x2550] =	vst v47;
	v47 =	vld [tilespmem:$0xE10]  }
0x108: {  	v27 =	vld [tilespmem:$0x8F0]  }
0x109: {  	[tilespmem:$0x1FB70] =	vst v26;
	v26 =	vld [tilespmem:$0x1320]  }
0x10a: {  	v49 =	vadd.f32 v16, v43;
	v16 =	vld [tilespmem:$0xB20]  }
0x10b: {  	[tilespmem:$0x1F9D0] =	vst v62;
	v62 =	vld [tilespmem:$0x10D0]  }
0x10c: {  	v43 =	vld [tilespmem:$0xE00]  }
0x10d: {  	v2 =	vadd.f32 v22, v60;
	v60 =	vld [tilespmem:$0xA80]  }
0x10e: {  	v6 =	vadd.f32 v31, v6;
	v31 =	vld [tilespmem:$0x970]  }
0x10f: {  	[tilespmem:$0x24B0] =	vst v8;
	v8 =	vadd.f32 v9, v49;
	v49 =	vld [tilespmem:$0xC20]  }
0x110: {  	[tilespmem:$0x1FA10] =	vst v62;
	v62 =	vld [tilespmem:$0x1150]  }
0x111: {  	v22 =	vld [tilespmem:$0xA40]  }
0x112: {  	v9 =	vld [tilespmem:$0x9E0]  }
0x113: {  	[tilespmem:$0x1F6C0] =	vst v47;
	v47 =	vld [tilespmem:$0xF40]  }
0x114: {  	v55 =	vld [tilespmem:$0xC10]  }
0x115: {  	[tilespmem:$0x1FA60] =	vst v62;
	v62 =	vld [tilespmem:$0x11D0]  }
0x116: {  	v56 =	vld [tilespmem:$0xEA0]  }
0x117: {  	v6 =	vadd.f32 v32, v6;
	v32 =	vld [tilespmem:$0xC00]  }
0x118: {  	[tilespmem:$0x2580] =	vst v2;
	v2 =	vld [tilespmem:$0xA20]  }
0x119: {  	[tilespmem:$0x2560] =	vst v0;
	v0 =	vadd.f32 v51, v24;
	v24 =	vld [tilespmem:$0x9C0]  }
0x11a: {  	[tilespmem:$0x1FAA0] =	vst v62;
	v62 =	vld [tilespmem:$0x1250]  }
0x11b: {  	v51 =	vld [tilespmem:$0xB40]  }
0x11c: {  	v8 =	vadd.f32 v33, v8;
	[tilespmem:$0x1F6B0] =	vst v43;
	v43 =	vld [tilespmem:$0xEC0]  }
0x11d: {  	[tilespmem:$0x2590] =	vst v6;
	v6 =	vld [tilespmem:$0x9A0]  }
0x11e: {  	v8 =	vadd.f32 v17, v8;
	v17 =	vadd.f32 v58, v57;
	v57 =	vld [tilespmem:$0xC70]  }
0x11f: {  	[tilespmem:$0x1FAE0] =	vst v62;
	v62 =	vld [tilespmem:$0xFE0]  }
0x120: {  	v0 =	vadd.f32 v53, v0;
	v53 =	vld [tilespmem:$0xF10]  }
0x121: {  	v58 =	vld [tilespmem:$0xE20]  }
0x122: {  	v59 =	vld [tilespmem:$0xF20]  }
0x123: {  	[tilespmem:$0x1F700] =	vst v56;
	v56 =	vld [tilespmem:$0xE50]  }
0x124: {  	[tilespmem:$0x1F9F0] =	vst v62;
	v62 =	vld [tilespmem:$0x1060]  }
0x125: {  	v63 =	vld [tilespmem:$0xCC0]  }
0x126: {  	[tilespmem:$0x1F7E0] =	vst v47;
	v47 =	vld [tilespmem:$0xEE0]  }
0x127: {  	[tilespmem:$0x2530] =	vst v11;
	v11 =	vadd.f32 v60, v17;
	v17 =	vld [tilespmem:$0xAE0]  }
0x128: {  	[tilespmem:$0x1F790] =	vst v56;
	v56 =	vld [tilespmem:$0xE70]  }
0x129: {  	[tilespmem:$0x1FA00] =	vst v62;
	v62 =	vld [tilespmem:$0x10E0]  }
0x12a: {  	v8 =	vadd.f32 v44, v8;
	v44 =	vld [tilespmem:$0xC80]  }
0x12b: {  	v0 =	vadd.f32 v54, v0;
	v54 =	vld [tilespmem:$0xD80]  }
0x12c: {  	v60 =	vld [tilespmem:$0xEB0]  }
0x12d: {  	[tilespmem:$0x1F7D0] =	vst v56;
	v56 =	vld [tilespmem:$0xF70]  }
0x12e: {  	[tilespmem:$0x1FA50] =	vst v62;
	v62 =	vld [tilespmem:$0x1160]  }
0x12f: {  	v29 =	vld [tilespmem:$0xBA0]  }
0x130: {  	[tilespmem:$0x25B0] =	vst v8;
	v8 =	vld [tilespmem:$0xAA0]  }
0x131: {  	[tilespmem:$0x25E0] =	vst v0;
	v0 =	vld [tilespmem:$0xA30]  }
0x132: {  	[tilespmem:$0x1F850] =	vst v56;
	v56 =	vld [tilespmem:$0x1000]  }
0x133: {  	[tilespmem:$0x1FA90] =	vst v62;
	v62 =	vld [tilespmem:$0x11E0]  }
0x134: {  	v33 =	vadd.f32 v23, v11;
	v11 =	vld [tilespmem:$0xAF0]  }
0x135: {  	v23 =	vld [tilespmem:$0xCA0]  }
0x136: {  	[tilespmem:$0x1F7A0] =	vst v43;
	v43 =	vld [tilespmem:$0xCE0]  }
0x137: {  	[tilespmem:$0x1F840] =	vst v56;
	v56 =	vld [tilespmem:$0x1100]  }
0x138: {  	[tilespmem:$0x1FAD0] =	vst v62;
	v62 =	vld [tilespmem:$0x1260]  }
0x139: {  	v4 =	vadd.f32 v27, v4;
	v27 =	vld [tilespmem:$0xB70]  }
0x13a: {  	[tilespmem:$0x1F710] =	vst v53;
	v53 =	vld [tilespmem:$0xD50]  }
0x13b: {  	v34 =	vadd.f32 v30, v33;
	v33 =	vld [tilespmem:$0xB60]  }
0x13c: {  	[tilespmem:$0x1F8C0] =	vst v56;
	v56 =	vld [tilespmem:$0x1200]  }
0x13d: {  	[tilespmem:$0x1FB00] =	vst v62;
	v62 =	vld [tilespmem:$0xFF0]  }
0x13e: {  	v30 =	vld [tilespmem:$0xD10]  }
0x13f: {  	[tilespmem:$0x1F740] =	vst v63;
	v63 =	vld [tilespmem:$0xD40]  }
0x140: {  	[tilespmem:$0x1F730] =	vst v59;
	v59 =	vld [tilespmem:$0xCD0]  }
0x141: {  	[tilespmem:$0x1F940] =	vst v56;
	v56 =	vld [tilespmem:$0x1010]  }
0x142: {  	[tilespmem:$0x1FA20] =	vst v62;
	v62 =	vld [tilespmem:$0x1070]  }
0x143: {  	[tilespmem:$0x1F7F0] =	vst v47;
	v47 =	vld [tilespmem:$0xDF0]  }
0x144: {  	v35 =	vadd.f32 v31, v4;
	v4 =	vld [tilespmem:$0xAB0]  }
0x145: {  	[tilespmem:$0x1F720] =	vst v60;
	v60 =	vld [tilespmem:$0xED0]  }
0x146: {  	[tilespmem:$0x1F870] =	vst v56;
	v56 =	vld [tilespmem:$0x1110]  }
0x147: {  	[tilespmem:$0x1FA30] =	vst v62;
	v62 =	vld [tilespmem:$0x10F0]  }
0x148: {  	v31 =	vld [tilespmem:$0xD70]  }
0x149: {  	v36 =	vadd.f32 v32, v34;
	v32 =	vld [tilespmem:$0xC90]  }
0x14a: {  	v34 =	vld [tilespmem:$0xDC0]  }
0x14b: {  	[tilespmem:$0x1F8E0] =	vst v56;
	v56 =	vld [tilespmem:$0x1210]  }
0x14c: {  	[tilespmem:$0x1FA70] =	vst v62;
	v62 =	vld [tilespmem:$0x1170]  }
0x14d: {  	[tilespmem:$0x25F0] =	vst v35;
	v35 =	vld [tilespmem:$0xC30]  }
0x14e: {  	v3 =	vadd.f32 v11, v3;
	v11 =	vld [tilespmem:$0x1F680]  }
0x14f: {  	v2 =	vadd.f32 v2, v6;
	v6 =	vld [tilespmem:$0x1F750]  }
0x150: {  	[tilespmem:$0x1F960] =	vst v56;
	v56 =	vld [tilespmem:$0x1020]  }
0x151: {  	[tilespmem:$0x1FAB0] =	vst v62;
	v62 =	vld [tilespmem:$0x11F0]  }
0x152: {  	[tilespmem:$0x2600] =	vst v36;
	v36 =	vld [tilespmem:$0xAC0]  }
0x153: {  	v3 =	vadd.f32 v27, v3;
	v27 =	vld [tilespmem:$0x12D0]  }
0x154: {  	[tilespmem:$0x1F7C0] =	vst v60;
	v60 =	vld [tilespmem:$0xDE0]  }
0x155: {  	v0 =	vadd.f32 v0, v1;
	[tilespmem:$0x1F8A0] =	vst v56;
	v56 =	vld [tilespmem:$0x1120]  }
0x156: {  	[tilespmem:$0x1FAF0] =	vst v62;
	v62 =	vld [tilespmem:$0x1270]  }
0x157: {  	v0 =	vadd.f32 v4, v0;
	[tilespmem:$0x1F760] =	vst v34;
	v34 =	vld [tilespmem:$0xE60]  }
0x158: {  	v3 =	vadd.f32 v39, v3;
	v39 =	vld [tilespmem:$0x1F6C0]  }
0x159: {  	v0 =	vadd.f32 v10, v0;
	v10 =	vld [tilespmem:$0x14A0]  }
0x15a: {  	[tilespmem:$0x1F910] =	vst v56;
	v56 =	vld [tilespmem:$0x1220]  }
0x15b: {  	[tilespmem:$0x1FB30] =	vst v62;
	v62 =	vld [tilespmem:$0x1280]  }
0x15c: {  	v32 =	vadd.f32 v30, v32;
	v30 =	vld [tilespmem:$0x13D0]  }
0x15d: {  	[tilespmem:$0x1F7B0] =	vst v34;
	v34 =	vld [tilespmem:$0xCF0]  }
0x15e: {  	[tilespmem:$0x1FC00] =	vst v10;
	v10 =	vld [tilespmem:$0x1340]  }
0x15f: {  	[tilespmem:$0x1F980] =	vst v56;
	v56 =	vld [tilespmem:$0xFB0]  }
0x160: {  	[tilespmem:$0x1FB10] =	vst v62;
	v62 =	vadd.f32 v20, v18;
	v18 =	vld [tilespmem:$0x1380];
	v20 =	vadd.f32 v8, v2  }
0x161: {  	v8 =	vld [tilespmem:$0x1480]  }
0x162: {  	v1 =	vadd.f32 v16, v20;
	v16 =	vld [tilespmem:$0x1500]  }
0x163: {  	v62 =	vadd.f32 v52, v62;
	v20 =	vld [tilespmem:$0x1310]  }
0x164: {  	v52 =	vld [tilespmem:$0x1490]  }
0x165: {  	v2 =	vadd.f32 v38, v62;
	v38 =	vld [tilespmem:$0x1410]  }
0x166: {  	v62 =	vld [tilespmem:$0x1510]  }
0x167: {  	v1 =	vadd.f32 v29, v1;
	v29 =	vadd.f32 v22, v24;
	v24 =	vld [tilespmem:$0x12B0]  }
0x168: {  	v22 =	vld [tilespmem:$0x13B0]  }
0x169: {  	[tilespmem:$0x1FB60] =	vst v18;
	v18 =	vld [tilespmem:$0x1290]  }
0x16a: {  	v2 =	vadd.f32 v55, v2;
	v55 =	vadd.f32 v7, v9;
	v9 =	vld [tilespmem:$0x1F670]  }
0x16b: {  	v1 =	vadd.f32 v49, v1;
	v49 =	vadd.f32 v12, v14;
	v14 =	vld [tilespmem:$0x1520]  }
0x16c: {  	[tilespmem:$0x1FB50] =	vst v20;
	v20 =	vld [tilespmem:$0x13A0]  }
0x16d: {  	[tilespmem:$0x1FBF0] =	vst v16;
	v16 =	vld [tilespmem:$0x1F690]  }
0x16e: {  	[tilespmem:$0x1FBD0] =	vst v52;
	v52 =	vld [tilespmem:$0x1530]  }
0x16f: {  	[tilespmem:$0x1FBC0] =	vst v8;
	v8 =	vadd.f32 v25, v49;
	v49 =	vld [tilespmem:$0x12A0]  }
0x170: {  	[tilespmem:$0x1FB90] =	vst v2;
	v2 =	vadd.f32 v17, v55;
	v55 =	vld [tilespmem:$0x1420]  }
0x171: {  	v17 =	vld [tilespmem:$0x1F6A0]  }
0x172: {  	v25 =	vld [tilespmem:$0x1330]  }
0x173: {  	[tilespmem:$0x1FBB0] =	vst v1;
	v1 =	vadd.f32 v36, v29;
	v36 =	vld [tilespmem:$0x1F6B0]  }
0x174: {  	v29 =	vadd.f32 v57, v3;
	v3 =	vadd.f32 v45, v32;
	v45 =	vld [tilespmem:$0x1F6F0]  }
0x175: {  	v57 =	vld [tilespmem:$0x1F720]  }
0x176: {  	v32 =	vld [tilespmem:$0x1F760]  }
0x177: {  	v0 =	vadd.f32 v21, v0;
	[tilespmem:$0x1FC20] =	vst v62;
	v62 =	vld [tilespmem:$0x1F740]  }
0x178: {  	[tilespmem:$0x1FBA0] =	vst v38;
	v4 =	vadd.f32 v42, v8;
	v42 =	vld [tilespmem:$0x1F6D0]  }
0x179: {  	v38 =	vadd.f32 v35, v0;
	[tilespmem:$0x1FB40] =	vst v18;
	v18 =	vadd.f32 v40, v44;
	v44 =	vld [tilespmem:$0x1F6E0]  }
0x17a: {  	v35 =	vadd.f32 v13, v15;
	v1 =	vadd.f32 v51, v1;
	v51 =	vld [tilespmem:$0x1440]  }
0x17b: {  	v2 =	vadd.f32 v33, v2;
	v33 =	vadd.f32 v19, v23;
	v23 =	vld [tilespmem:$0x1450]  }
0x17c: {  	[tilespmem:$0x1FC40] =	vst v14;
	v14 =	vld [tilespmem:$0x12C0]  }
0x17d: {  	v40 =	vadd.f32 v28, v35;
	v28 =	vld [tilespmem:$0x1350]  }
0x17e: {  	v35 =	vld [tilespmem:$0x1F770]  }
0x17f: {  	v4 =	vadd.f32 v61, v4;
	v61 =	vld [tilespmem:$0x1F730]  }
0x180: {  	v1 =	vadd.f32 v9, v1;
	v9 =	vadd.f32 v46, v40;
	v46 =	vld [tilespmem:$0x1F700]  }
0x181: {  	v37 =	vadd.f32 v37, v33;
	v40 =	vld [tilespmem:$0x1F790]  }
0x182: {  	v0 =	vadd.f32 v11, v1;
	v1 =	vadd.f32 v54, v18;
	v18 =	vld [tilespmem:$0x1430]  }
0x183: {  	v54 =	vld [tilespmem:$0x1F710]  }
0x184: {  	v33 =	vadd.f32 v41, v43;
	v7 =	vadd.f32 v58, v37;
	v58 =	vld [tilespmem:$0x14C0]  }
0x185: {  	v3 =	vadd.f32 v39, v3;
	v37 =	vld [tilespmem:$0x1F780]  }
0x186: {  	v39 =	vadd.f32 v60, v33;
	v60 =	vld [tilespmem:$0x1F850]  }
0x187: {  	v3 =	vadd.f32 v44, v3;
	v44 =	vld [tilespmem:$0x1F7B0]  }
0x188: {  	[tilespmem:$0x1FC60] =	vst v51;
	v51 =	vld [tilespmem:$0x1F800]  }
0x189: {  	v9 =	vadd.f32 v57, v9;
	v57 =	vld [tilespmem:$0x1F830]  }
0x18a: {  	v12 =	vadd.f32 v50, v2;
	[tilespmem:$0x1FBE0] =	vst v0;
	v0 =	vadd.f32 v16, v4;
	v16 =	vld [tilespmem:$0x13C0]  }
0x18b: {  	v1 =	vadd.f32 v36, v1;
	v36 =	vadd.f32 v31, v34;
	v34 =	vld [tilespmem:$0x12E0]  }
0x18c: {  	v4 =	vadd.f32 v63, v62;
	v62 =	vld [tilespmem:$0x1F870]  }
0x18d: {  	[tilespmem:$0x1FC10] =	vst v0;
	v0 =	vadd.f32 v17, v12;
	v12 =	vld [tilespmem:$0x14B0]  }
0x18e: {  	v1 =	vadd.f32 v42, v1;
	v42 =	vld [tilespmem:$0x1F7A0]  }
0x18f: {  	v50 =	vadd.f32 v46, v7;
	v46 =	vld [tilespmem:$0x1F7D0]  }
0x190: {  	[tilespmem:$0x1FC50] =	vst v29;
	v29 =	vadd.f32 v47, v36;
	v47 =	vld [tilespmem:$0x1F7E0]  }
0x191: {  	v7 =	vadd.f32 v53, v59;
	v53 =	vld [tilespmem:$0x1F810]  }
0x192: {  	v36 =	vld [tilespmem:$0x13E0]  }
0x193: {  	v11 =	vadd.f32 v32, v4;
	v4 =	vld [tilespmem:$0x1F880]  }
0x194: {  	v17 =	vadd.f32 v54, v3;
	v54 =	vld [tilespmem:$0x1F820]  }
0x195: {  	[tilespmem:$0x1FC70] =	vst v58;
	v58 =	vld [tilespmem:$0x1F840]  }
0x196: {  	v15 =	vadd.f32 v45, v1;
	v45 =	vld [tilespmem:$0x1F7C0]  }
0x197: {  	v13 =	vadd.f32 v61, v50;
	v50 =	vld [tilespmem:$0x1F7F0]  }
0x198: {  	v19 =	vadd.f32 v35, v7;
	v35 =	vld [tilespmem:$0x1360]  }
0x199: {  	v31 =	vadd.f32 v44, v39;
	v39 =	vld [tilespmem:$0x1460]  }
0x19a: {  	v11 =	vadd.f32 v37, v11;
	v61 =	vld [tilespmem:$0x1F860]  }
0x19b: {  	v41 =	vadd.f32 v40, v19;
	v19 =	vld [tilespmem:$0x14D0]  }
0x19c: {  	[tilespmem:$0x1FC80] =	vst v5;
	v43 =	vadd.f32 v42, v11;
	v11 =	vld [tilespmem:$0x1550]  }
0x19d: {  	[tilespmem:$0x1FC30] =	vst v0;
	v32 =	vadd.f32 v45, v41;
	v41 =	vld [tilespmem:$0x14E0]  }
0x19e: {  	v5 =	vld [tilespmem:$0x1F890]  }
0x19f: {  	v21 =	vadd.f32 v6, v9;
	v6 =	vld [tilespmem:$0x1F8A0]  }
0x1a0: {  	v8 =	vld [tilespmem:$0x1F8B0]  }
0x1a1: {  	v9 =	vadd.f32 v48, v56;
	v48 =	vld [tilespmem:$0x1F8D0]  }
0x1a2: {  	v59 =	vadd.f32 v58, v57;
	v57 =	vld [tilespmem:$0x1F930]  }
0x1a3: {  	v63 =	vadd.f32 v62, v61;
	v61 =	vld [tilespmem:$0x1F970]  }
0x1a4: {  	v31 =	vadd.f32 v50, v31;
	v37 =	vadd.f32 v4, v59;
	v59 =	vld [tilespmem:$0x1F950]  }
0x1a5: {  	v32 =	vadd.f32 v51, v32;
	v51 =	vld [tilespmem:$0x1F8F0]  }
0x1a6: {  	v31 =	vadd.f32 v54, v31;
	v54 =	vld [tilespmem:$0x1F910]  }
0x1a7: {  	v4 =	vld [tilespmem:$0x1F9A0];
	v7 =	vadd.f32 v6, v5  }
0x1a8: {  	v40 =	vadd.f32 v8, v63;
	v63 =	vld [tilespmem:$0x1F990]  }
0x1a9: {  	v62 =	vld [tilespmem:$0x1F980];
	v42 =	vadd.f32 v48, v7  }
0x1aa: {  	v8 =	vld [tilespmem:$0x1F9D0];
	v44 =	vadd.f32 v51, v9  }
0x1ab: {  	v7 =	vld [tilespmem:$0x1F9C0];
	v42 =	vadd.f32 v54, v42  }
0x1ac: {  	v6 =	vld [tilespmem:$0x1F9B0];
	v44 =	vadd.f32 v57, v44  }
0x1ad: {  	v5 =	vadd.f32 v4, v63;
	v63 =	vld [tilespmem:$0x1F9F0];
	v42 =	vadd.f32 v59, v42  }
0x1ae: {  	v4 =	vld [tilespmem:$0x1FA00]  }
0x1af: {  	v44 =	vadd.f32 v61, v44;
	v42 =	vadd.f32 v62, v42;
	v62 =	vld [tilespmem:$0x1F9E0]  }
0x1b0: {  	v9 =	vadd.f32 v8, v7;
	v7 =	vld [tilespmem:$0x1FA20]  }
0x1b1: {  	v44 =	vadd.f32 v6, v44;
	v6 =	vld [tilespmem:$0x1FA10]  }
0x1b2: {  	v8 =	vld [tilespmem:$0x1FA30];
	_ =	sdelay $0x1  }
0x1b3: {  	v54 =	vadd.f32 v62, v5;
	v5 =	vadd.f32 v4, v63;
	v4 =	vld [tilespmem:$0x1FA50];
	_ =	sdelay $0x1  }
0x1b4: {  	v57 =	vadd.f32 v6, v9;
	v6 =	vld [tilespmem:$0x1FA70]  }
0x1b5: {  	v9 =	vadd.f32 v8, v7;
	v8 =	vld [tilespmem:$0x1FA90];
	_ =	sdelay $0x1  }
0x1b6: {  	v59 =	vadd.f32 v4, v5;
	v5 =	vld [tilespmem:$0x1FA60];
	_ =	sdelay $0x1  }
0x1b7: {  	v61 =	vadd.f32 v6, v9;
	v9 =	vld [tilespmem:$0x1FAA0]  }
0x1b8: {  	v59 =	vadd.f32 v8, v59;
	v8 =	vld [tilespmem:$0x1FAD0];
	_ =	sdelay $0x1  }
0x1b9: {  	v57 =	vadd.f32 v5, v57  }
0x1ba: {  	v6 =	vld [tilespmem:$0x1FAB0]  }
0x1bb: {  	v57 =	vadd.f32 v9, v57;
	v9 =	vld [tilespmem:$0x1FAE0]  }
0x1bc: {  	v59 =	vadd.f32 v8, v59;
	v8 =	vld [tilespmem:$0x1FAF0];
	_ =	sdelay $0x1  }
0x1bd: {  	v1 =	vld [tilespmem:$0x1FB30]  }
0x1be: {  	v61 =	vadd.f32 v6, v61;
	_ =	sdelay $0x1  }
0x1bf: {  	v57 =	vadd.f32 v9, v57;
	v61 =	vadd.f32 v8, v61;
	v9 =	vld [tilespmem:$0x1FB00]  }
0x1c0: {  	v2 =	vld [tilespmem:$0x1FB50]  }
0x1c1: {  	v61 =	vadd.f32 v1, v61;
	v1 =	vld [tilespmem:$0x1FB40];
	_ =	sdelay $0x1  }
0x1c2: {  	v0 =	vld [tilespmem:$0x1FB10]  }
0x1c3: {  	v59 =	vadd.f32 v9, v59;
	v9 =	vld [tilespmem:$0x1FB20];
	_ =	sdelay $0x1  }
0x1c4: {  	v1 =	vadd.f32 v2, v1;
	v2 =	vld [tilespmem:$0x1FB60];
	_ =	sdelay $0x2  }
0x1c5: {  	v33 =	vadd.f32 v47, v43;
	v43 =	vld [tilespmem:$0x1560];
	v0 =	vadd.f32 v9, v0  }
0x1c6: {  	v45 =	vld [tilespmem:$0x12F0]  }
0x1c7: {  	v0 =	vadd.f32 v2, v0;
	v2 =	vld [tilespmem:$0x1FB70]  }
0x1c8: {  	v47 =	vld [tilespmem:$0x1F8C0]  }
0x1c9: {  	v29 =	vadd.f32 v46, v29;
	v46 =	vld [tilespmem:$0x1370]  }
0x1ca: {  	v50 =	vld [tilespmem:$0x1F8E0]  }
0x1cb: {  	v29 =	vadd.f32 v53, v29;
	v53 =	vld [tilespmem:$0x1F900]  }
0x1cc: {  	v1 =	vadd.f32 v2, v1;
	v2 =	vld [tilespmem:$0x1FB80]  }
0x1cd: {  	v56 =	vld [tilespmem:$0x1F920]  }
0x1ce: {  	v58 =	vld [tilespmem:$0x1F940]  }
0x1cf: {  	v3 =	vld [tilespmem:$0x15A0]  }
0x1d0: {  	v26 =	vadd.f32 v26, v49;
	v49 =	vld [tilespmem:$0x1620]  }
0x1d1: {  	v0 =	vadd.f32 v2, v0;
	v2 =	vld [tilespmem:$0x1FB90]  }
0x1d2: {  	v24 =	vadd.f32 v25, v24;
	v25 =	vld [tilespmem:$0x16A0]  }
0x1d3: {  	v20 =	vadd.f32 v20, v26;
	v26 =	vld [tilespmem:$0x1720]  }
0x1d4: {  	v22 =	vadd.f32 v22, v24;
	v24 =	vld [tilespmem:$0x17A0]  }
0x1d5: {  	v20 =	vadd.f32 v55, v20;
	v55 =	vld [tilespmem:$0x1820]  }
0x1d6: {  	[tilespmem:$0x2610] =	vst v2;
	v2 =	vld [tilespmem:$0x1FBA0]  }
0x1d7: {  	v18 =	vadd.f32 v18, v22;
	[tilespmem:$0x2630] =	vst v38;
	v38 =	vld [tilespmem:$0x1FBD0]  }
0x1d8: {  	v22 =	vld [tilespmem:$0x15B0]  }
0x1d9: {  	v12 =	vadd.f32 v12, v18;
	v18 =	vld [tilespmem:$0x16B0]  }
0x1da: {  	v10 =	vadd.f32 v10, v14;
	v14 =	vld [tilespmem:$0x1730]  }
0x1db: {  	v1 =	vadd.f32 v2, v1;
	v2 =	vld [tilespmem:$0x1FBB0]  }
0x1dc: {  	v27 =	vadd.f32 v28, v27;
	v28 =	vld [tilespmem:$0x17B0]  }
0x1dd: {  	v1 =	vadd.f32 v38, v1;
	v38 =	vld [tilespmem:$0x1FBE0]  }
0x1de: {  	v10 =	vadd.f32 v16, v10;
	v16 =	vld [tilespmem:$0x1830]  }
0x1df: {  	v12 =	vadd.f32 v52, v12;
	v52 =	vadd.f32 v30, v27;
	v30 =	vld [tilespmem:$0x15C0]  }
0x1e0: {  	[tilespmem:$0x2620] =	vst v2;
	v2 =	vld [tilespmem:$0x1FBC0]  }
0x1e1: {  	[tilespmem:$0x2680] =	vst v15;
	v15 =	vld [tilespmem:$0x1640]  }
0x1e2: {  	[tilespmem:$0x2640] =	vst v38;
	v38 =	vld [tilespmem:$0x1FBF0]  }
0x1e3: {  	v27 =	vld [tilespmem:$0x1740]  }
0x1e4: {  	[tilespmem:$0x26B0] =	vst v21;
	v21 =	vld [tilespmem:$0x17C0]  }
0x1e5: {  	v29 =	vadd.f32 v60, v29;
	v60 =	vld [tilespmem:$0x1F960];
	v0 =	vadd.f32 v2, v0  }
0x1e6: {  	[tilespmem:$0x2690] =	vst v17;
	v17 =	vadd.f32 v23, v52;
	v23 =	vld [tilespmem:$0x16C0]  }
0x1e7: {  	v2 =	vadd.f32 v38, v0;
	v38 =	vld [tilespmem:$0x1FC00]  }
0x1e8: {  	[tilespmem:$0x26E0] =	vst v31;
	v31 =	vld [tilespmem:$0x1840]  }
0x1e9: {  	v37 =	vadd.f32 v47, v37;
	v47 =	vld [tilespmem:$0x13F0]  }
0x1ea: {  	v3 =	vadd.f32 v49, v3;
	v49 =	vld [tilespmem:$0x1660]  }
0x1eb: {  	v48 =	vld [tilespmem:$0x1470]  }
0x1ec: {  	v20 =	vadd.f32 v38, v20;
	v38 =	vld [tilespmem:$0x1FC10]  }
0x1ed: {  	v40 =	vadd.f32 v50, v40;
	v50 =	vld [tilespmem:$0x14F0]  }
0x1ee: {  	v51 =	vld [tilespmem:$0x1570]  }
0x1ef: {  	v37 =	vadd.f32 v53, v37;
	v53 =	vld [tilespmem:$0x1580]  }
0x1f0: {  	v40 =	vadd.f32 v56, v40;
	v56 =	vld [tilespmem:$0x1600]  }
0x1f1: {  	[tilespmem:$0x2650] =	vst v38;
	v38 =	vld [tilespmem:$0x1FC20]  }
0x1f2: {  	v37 =	vadd.f32 v58, v37;
	v58 =	vld [tilespmem:$0x1680]  }
0x1f3: {  	v63 =	vld [tilespmem:$0x1FA40]  }
0x1f4: {  	v40 =	vadd.f32 v60, v40;
	v60 =	vld [tilespmem:$0x1700]  }
0x1f5: {  	v7 =	vld [tilespmem:$0x1FA80]  }
0x1f6: {  	v1 =	vadd.f32 v38, v1;
	v38 =	vld [tilespmem:$0x1FC30]  }
0x1f7: {  	[tilespmem:$0x2730] =	vst v44;
	v44 =	vld [tilespmem:$0x17D0]  }
0x1f8: {  	v62 =	vld [tilespmem:$0x1780];
	v54 =	vadd.f32 v63, v54  }
0x1f9: {  	v63 =	vld [tilespmem:$0x1800]  }
0x1fa: {  	v54 =	vadd.f32 v7, v54;
	v7 =	vld [tilespmem:$0x1FAC0]  }
0x1fb: {  	[tilespmem:$0x2660] =	vst v38;
	v38 =	vld [tilespmem:$0x1FC40]  }
0x1fc: {  	v4 =	vld [tilespmem:$0x1610]  }
0x1fd: {  	v3 =	vadd.f32 v25, v3;
	v0 =	vld [tilespmem:$0x1630]  }
0x1fe: {  	v5 =	vld [tilespmem:$0x1590]  }
0x1ff: {  	v17 =	vadd.f32 v19, v17;
	v3 =	vadd.f32 v26, v3;
	v6 =	vld [tilespmem:$0x1690]  }
0x200: {  	v54 =	vadd.f32 v7, v54;
	v20 =	vadd.f32 v38, v20;
	v38 =	vld [tilespmem:$0x1FC50]  }
0x201: {  	v3 =	vadd.f32 v24, v3;
	v7 =	vld [tilespmem:$0x1710]  }
0x202: {  	v11 =	vadd.f32 v11, v17;
	[tilespmem:$0x2740] =	vst v54;
	v54 =	vld [tilespmem:$0x16E0];
	v0 =	vadd.f32 v0, v22  }
0x203: {  	[tilespmem:$0x26A0] =	vst v13;
	v3 =	vadd.f32 v55, v3;
	v55 =	vadd.f32 v15, v30;
	v8 =	vld [tilespmem:$0x1790]  }
0x204: {  	v4 =	vadd.f32 v4, v5;
	[tilespmem:$0x2770] =	vst v61;
	v61 =	vld [tilespmem:$0x17F0];
	v0 =	vadd.f32 v18, v0  }
0x205: {  	v9 =	vld [tilespmem:$0x1810];
	[tilespmem:$0x2670] =	vst v38;
	v38 =	vadd.f32 v35, v34;
	v34 =	vadd.f32 v46, v45  }
0x206: {  	[tilespmem:$0x26C0] =	vst v33;
	v4 =	vadd.f32 v6, v4;
	v0 =	vadd.f32 v14, v0;
	v35 =	vld [tilespmem:$0x1FC60]  }
0x207: {  	[tilespmem:$0x27B0] =	vst v12;
	v46 =	vld [tilespmem:$0x1FC70];
	v38 =	vadd.f32 v36, v38;
	v45 =	vadd.f32 v47, v34  }
0x208: {  	[tilespmem:$0x26D0] =	vst v32;
	v4 =	vadd.f32 v7, v4;
	v0 =	vadd.f32 v28, v0;
	v36 =	vld [tilespmem:$0x15D0]  }
0x209: {  	[tilespmem:$0x26F0] =	vst v29;
	v13 =	vadd.f32 v39, v38;
	v47 =	vadd.f32 v48, v45;
	v48 =	vld [tilespmem:$0x1FC80]  }
0x20a: {  	[tilespmem:$0x27D0] =	vst v11;
	v4 =	vadd.f32 v8, v4;
	v0 =	vadd.f32 v16, v0;
	v39 =	vld [tilespmem:$0x1650]  }
0x20b: {  	[tilespmem:$0x2700] =	vst v37;
	v38 =	vadd.f32 v56, v53;
	v13 =	vadd.f32 v41, v13;
	v41 =	vld [tilespmem:$0x16D0]  }
0x20c: {  	[tilespmem:$0x2710] =	vst v40;
	v53 =	vadd.f32 v9, v4;
	v52 =	vadd.f32 v50, v47;
	v47 =	vld [tilespmem:$0x15E0]  }
0x20d: {  	[tilespmem:$0x2720] =	vst v42;
	v9 =	vadd.f32 v23, v55;
	v10 =	vadd.f32 v35, v10;
	v50 =	vld [tilespmem:$0x15F0]  }
0x20e: {  	[tilespmem:$0x2820] =	vst v3;
	v29 =	vadd.f32 v58, v38;
	v17 =	vadd.f32 v51, v52;
	v52 =	vld [tilespmem:$0x1670]  }
0x20f: {  	[tilespmem:$0x2750] =	vst v57;
	v56 =	vld [tilespmem:$0x16F0];
	v9 =	vadd.f32 v27, v9;
	v10 =	vadd.f32 v46, v10  }
0x210: {  	[tilespmem:$0x2760] =	vst v59;
	v13 =	vadd.f32 v43, v13;
	v43 =	vld [tilespmem:$0x1750];
	v45 =	vadd.f32 v60, v29  }
0x211: {  	[tilespmem:$0x2780] =	vst v2;
	v58 =	vld [tilespmem:$0x1760];
	v10 =	vadd.f32 v48, v10;
	v57 =	vadd.f32 v39, v36  }
0x212: {  	v59 =	vld [tilespmem:$0x1770];
	[tilespmem:$0x2830] =	vst v0;
	v48 =	vadd.f32 v62, v45;
	v7 =	vadd.f32 v49, v47  }
0x213: {  	[tilespmem:$0x2790] =	vst v1;
	v60 =	vld [tilespmem:$0x17E0];
	v5 =	vadd.f32 v41, v57;
	v8 =	vadd.f32 v52, v50  }
0x214: {  	[tilespmem:$0x27A0] =	vst v20;
	v46 =	vld [tilespmem:$0x1850];
	v51 =	vadd.f32 v63, v48;
	v4 =	vadd.f32 v54, v7  }
0x215: {  	[tilespmem:$0x2810] =	vst v53;
	v62 =	vld [tilespmem:$0x1860];
	v5 =	vadd.f32 v43, v5;
	v8 =	vadd.f32 v56, v8  }
0x216: {  	[tilespmem:$0x27E0] =	vst v13;
	v13 =	vld [tilespmem:$0x1870];
	v63 =	vadd.f32 v21, v9;
	v4 =	vadd.f32 v58, v4  }
0x217: {  	[tilespmem:$0x27F0] =	vst v17;
	v14 =	vadd.f32 v44, v5;
	v15 =	vadd.f32 v59, v8  }
0x218: {  	[tilespmem:$0x27C0] =	vst v10;
	v2 =	vadd.f32 v31, v63;
	v16 =	vadd.f32 v60, v4  }
0x219: {  	[tilespmem:$0x2800] =	vst v51;
	v17 =	vadd.f32 v46, v14;
	v18 =	vadd.f32 v61, v15  }
0x21a: {  	[tilespmem:$0x2840] =	vst v2;
	v19 =	vadd.f32 v62, v16  }
0x21b: {  	[tilespmem:$0x2850] =	vst v17;
	v20 =	vadd.f32 v13, v18  }
0x21c: {  	[tilespmem:$0x2860] =	vst v19  }
0x21d: {  	[tilespmem:$0x2870] =	vst v20  }
0x21e: {  	[hbm4b:s5+s2] =	stream.linear.scatter [tilespmem:s14], [sflag:$0x1], $0x400, $0x38;
	[tilespmem:$0x2C80] =	vst v63  }
0x21f: {  	_ =	swait.ge [sflag:s15], $0xC00  }
0x220: {  	[sflag:s15] =	ssyncset.done $0x0  }
0x221: {  	[sflag:s15] =	ssyncadd.s32 $0xFFFFF400  }
0x222: {  	v60 =	vld [tilespmem:$0x1880]  }
0x223: {  	v24 =	vld [tilespmem:$0x1900]  }
0x224: {  	v32 =	vld [tilespmem:$0x1980]  }
0x225: {  	v35 =	vld [tilespmem:$0x1A00]  }
0x226: {  	v51 =	vld [tilespmem:$0x1A80]  }
0x227: {  	v21 =	vld [tilespmem:$0x1B00]  }
0x228: {  	v46 =	vld [tilespmem:$0x1890]  }
0x229: {  	v47 =	vld [tilespmem:$0x1910]  }
0x22a: {  	v48 =	vld [tilespmem:$0x1990]  }
0x22b: {  	v49 =	vld [tilespmem:$0x1A10]  }
0x22c: {  	v50 =	vld [tilespmem:$0x1A90]  }
0x22d: {  	v58 =	vld [tilespmem:$0x1B10]  }
0x22e: {  	v61 =	vld [tilespmem:$0x18A0]  }
0x22f: {  	v1 =	vld [tilespmem:$0x1920]  }
0x230: {  	v5 =	vld [tilespmem:$0x19A0]  }
0x231: {  	v14 =	vld [tilespmem:$0x1A20]  }
0x232: {  	v27 =	vld [tilespmem:$0x1AA0]  }
0x233: {  	v44 =	vld [tilespmem:$0x1B20]  }
0x234: {  	v23 =	vld [tilespmem:$0x18B0]  }
0x235: {  	v0 =	vld [tilespmem:$0x1930]  }
0x236: {  	v2 =	vld [tilespmem:$0x19B0]  }
0x237: {  	v8 =	vld [tilespmem:$0x1A30]  }
0x238: {  	v17 =	vld [tilespmem:$0x1AB0]  }
0x239: {  	v34 =	vld [tilespmem:$0x1B30]  }
0x23a: {  	v20 =	vld [tilespmem:$0x18C0]  }
0x23b: {  	v18 =	vld [tilespmem:$0x1940]  }
0x23c: {  	v30 =	vld [tilespmem:$0x19C0]  }
0x23d: {  	v55 =	vld [tilespmem:$0x1A40]  }
0x23e: {  	v22 =	vld [tilespmem:$0x1AC0]  }
0x23f: {  	v25 =	vld [tilespmem:$0x1B40]  }
0x240: {  	v12 =	vld [tilespmem:$0x18D0]  }
0x241: {  	v10 =	vld [tilespmem:$0x1950]  }
0x242: {  	v40 =	vld [tilespmem:$0x1A50]  }
0x243: {  	v26 =	vld [tilespmem:$0x1AD0]  }
0x244: {  	v28 =	vld [tilespmem:$0x1B50]  }
0x245: {  	v7 =	vld [tilespmem:$0x18E0]  }
0x246: {  	v6 =	vld [tilespmem:$0x1960]  }
0x247: {  	v15 =	vld [tilespmem:$0x19E0]  }
0x248: {  	v31 =	vld [tilespmem:$0x1A60]  }
0x249: {  	v54 =	vld [tilespmem:$0x1AE0]  }
0x24a: {  	v29 =	vld [tilespmem:$0x1B60]  }
0x24b: {  	v4 =	vld [tilespmem:$0x18F0]  }
0x24c: {  	v3 =	vld [tilespmem:$0x1970]  }
0x24d: {  	v9 =	vld [tilespmem:$0x19F0]  }
0x24e: {  	v37 =	vld [tilespmem:$0x1AF0]  }
0x24f: {  	v59 =	vld [tilespmem:$0x1B70]  }
0x250: {  	v43 =	vld [tilespmem:$0x1B80]  }
0x251: {  	v39 =	vld [tilespmem:$0x1C00]  }
0x252: {  	v62 =	vld [tilespmem:$0x1C80]  }
0x253: {  	v33 =	vld [tilespmem:$0x1D00]  }
0x254: {  	v36 =	vld [tilespmem:$0x1D80]  }
0x255: {  	v38 =	vld [tilespmem:$0x1E00]  }
0x256: {  	v45 =	vld [tilespmem:$0x1C90]  }
0x257: {  	v41 =	vld [tilespmem:$0x1D10]  }
0x258: {  	v42 =	vld [tilespmem:$0x1D90]  }
0x259: {  	v52 =	vld [tilespmem:$0x1E10]  }
0x25a: {  	v19 =	vld [tilespmem:$0x1BA0]  }
0x25b: {  	v16 =	vld [tilespmem:$0x1C20]  }
0x25c: {  	v63 =	vld [tilespmem:$0x1D20]  }
0x25d: {  	v53 =	vld [tilespmem:$0x1DA0]  }
0x25e: {  	v56 =	vld [tilespmem:$0x1E20]  }
0x25f: {  	v13 =	vld [tilespmem:$0x1BB0]  }
0x260: {  	v11 =	vld [tilespmem:$0x1C30]  }
0x261: {  	v57 =	vld [tilespmem:$0x1DB0]  }
0x262: {  	[tilespmem:$0x1FC90] =	vst v21;
	v21 =	vld [tilespmem:$0x19D0]  }
0x263: {  	[tilespmem:$0x1FCA0] =	vst v22;
	v22 =	vld [tilespmem:$0x1A70]  }
0x264: {  	[tilespmem:$0x1FCE0] =	vst v29;
	v29 =	vld [tilespmem:$0x1B90]  }
0x265: {  	[tilespmem:$0x1FCB0] =	vst v26;
	v26 =	vld [tilespmem:$0x1C10]  }
0x266: {  	[tilespmem:$0x1FD10] =	vst v36;
	v36 =	vld [tilespmem:$0x1CA0]  }
0x267: {  	[tilespmem:$0x1FCC0] =	vst v25;
	v25 =	vld [tilespmem:$0x1CB0]  }
0x268: {  	[tilespmem:$0x1FD00] =	vst v41;
	v41 =	vld [tilespmem:$0x1D30]  }
0x269: {  	[tilespmem:$0x1FCF0] =	vst v33;
	v33 =	vld [tilespmem:$0x1E30]  }
0x26a: {  	[tilespmem:$0x1FD30] =	vst v38;
	v38 =	vld [tilespmem:$0x1BC0]  }
0x26b: {  	[tilespmem:$0x1FD20] =	vst v42;
	v42 =	vld [tilespmem:$0x1C40]  }
0x26c: {  	[tilespmem:$0x1FD50] =	vst v52;
	v52 =	vld [tilespmem:$0x1CC0]  }
0x26d: {  	[tilespmem:$0x1FD40] =	vst v53;
	v53 =	vld [tilespmem:$0x1D40]  }
0x26e: {  	[tilespmem:$0x1FD70] =	vst v56;
	v56 =	vld [tilespmem:$0x1DC0]  }
0x26f: {  	[tilespmem:$0x1FD60] =	vst v57;
	v57 =	vld [tilespmem:$0x1E40]  }
0x270: {  	[tilespmem:$0x1FCD0] =	vst v28;
	v28 =	vld [tilespmem:$0x1C70]  }
0x271: {  	v24 =	vadd.f32 v24, v60;
	v60 =	vld [tilespmem:$0x1FB0]  }
0x272: {  	v47 =	vadd.f32 v47, v46;
	v46 =	vld [tilespmem:$0x2030]  }
0x273: {  	v1 =	vadd.f32 v1, v61;
	v61 =	vld [tilespmem:$0x2130]  }
0x274: {  	v6 =	vadd.f32 v6, v7;
	v7 =	vld [tilespmem:$0x1F50]  }
0x275: {  	v3 =	vadd.f32 v3, v4;
	v4 =	vld [tilespmem:$0x1FD0]  }
0x276: {  	v16 =	vadd.f32 v16, v19;
	v19 =	vld [tilespmem:$0x2160]  }
0x277: {  	v11 =	vadd.f32 v11, v13;
	v13 =	vld [tilespmem:$0x1EF0]  }
0x278: {  	v0 =	vadd.f32 v0, v23;
	v24 =	vadd.f32 v32, v24;
	v32 =	vld [tilespmem:$0x20B0]  }
0x279: {  	v47 =	vadd.f32 v48, v47;
	v48 =	vld [tilespmem:$0x1FC0]  }
0x27a: {  	v0 =	vadd.f32 v2, v0;
	v6 =	vadd.f32 v15, v6;
	v15 =	vld [tilespmem:$0x1F60]  }
0x27b: {  	v23 =	vadd.f32 v49, v47;
	v47 =	vld [tilespmem:$0x1EC0]  }
0x27c: {  	v0 =	vadd.f32 v8, v0;
	v8 =	vld [tilespmem:$0x1ED0]  }
0x27d: {  	v6 =	vadd.f32 v31, v6;
	v31 =	vld [tilespmem:$0x1FCF0]  }
0x27e: {  	[tilespmem:$0x1FDA0] =	vst v33;
	v33 =	vld [tilespmem:$0x1BD0]  }
0x27f: {  	[tilespmem:$0x1FE10] =	vst v56;
	v56 =	vld [tilespmem:$0x1C50]  }
0x280: {  	[tilespmem:$0x1FD80] =	vst v38;
	v38 =	vld [tilespmem:$0x1CD0]  }
0x281: {  	[tilespmem:$0x1FD90] =	vst v42;
	v42 =	vld [tilespmem:$0x1D50]  }
0x282: {  	[tilespmem:$0x1FDC0] =	vst v52;
	v52 =	vld [tilespmem:$0x1DD0]  }
0x283: {  	[tilespmem:$0x1FDE0] =	vst v53;
	v53 =	vld [tilespmem:$0x1E50]  }
0x284: {  	v3 =	vadd.f32 v9, v3;
	[tilespmem:$0x1FE50] =	vst v57;
	v57 =	vld [tilespmem:$0x1CE0]  }
0x285: {  	[tilespmem:$0x1FFD0] =	vst v61;
	v61 =	vld [tilespmem:$0x1F40]  }
0x286: {  	v3 =	vadd.f32 v22, v3;
	v22 =	vld [tilespmem:$0x1FCD0]  }
0x287: {  	v24 =	vadd.f32 v35, v24;
	v11 =	vadd.f32 v25, v11;
	v25 =	vld [tilespmem:$0x1FF0]  }
0x288: {  	v1 =	vadd.f32 v5, v1;
	v16 =	vadd.f32 v36, v16;
	v36 =	vld [tilespmem:$0x1FD10]  }
0x289: {  	v35 =	vadd.f32 v51, v24;
	v51 =	vld [tilespmem:$0x1FC90]  }
0x28a: {  	v1 =	vadd.f32 v14, v1;
	v24 =	vld [tilespmem:$0x2040]  }
0x28b: {  	v5 =	vadd.f32 v50, v23;
	v23 =	vld [tilespmem:$0x20C0]  }
0x28c: {  	v14 =	vadd.f32 v27, v1;
	v1 =	vld [tilespmem:$0x20D0]  }
0x28d: {  	v0 =	vadd.f32 v17, v0;
	v17 =	vld [tilespmem:$0x1FCA0]  }
0x28e: {  	v27 =	vadd.f32 v18, v20;
	v20 =	vld [tilespmem:$0x1FCB0]  }
0x28f: {  	v3 =	vadd.f32 v37, v3;
	v37 =	vld [tilespmem:$0x1FD20]  }
0x290: {  	v11 =	vadd.f32 v41, v11;
	v41 =	vld [tilespmem:$0x1FD50]  }
0x291: {  	v49 =	vadd.f32 v58, v5;
	v5 =	vadd.f32 v44, v14;
	v44 =	vld [tilespmem:$0x2140]  }
0x292: {  	v14 =	vld [tilespmem:$0x1EE0]  }
0x293: {  	v2 =	vadd.f32 v30, v27;
	v30 =	vadd.f32 v26, v29;
	v26 =	vld [tilespmem:$0x1F70]  }
0x294: {  	v29 =	vld [tilespmem:$0x20F0]  }
0x295: {  	v27 =	vadd.f32 v39, v43;
	v39 =	vld [tilespmem:$0x1FD30]  }
0x296: {  	[tilespmem:$0x1FDF0] =	vst v57;
	v57 =	vld [tilespmem:$0x1D70]  }
0x297: {  	v43 =	vld [tilespmem:$0x1FD60]  }
0x298: {  	v7 =	vadd.f32 v7, v8;
	v8 =	vld [tilespmem:$0x23B0]  }
0x299: {  	[tilespmem:$0x1FE00] =	vst v42;
	v42 =	vld [tilespmem:$0x1BE0]  }
0x29a: {  	[tilespmem:$0x1FDD0] =	vst v38;
	v38 =	vld [tilespmem:$0x1C60]  }
0x29b: {  	[tilespmem:$0x1FE40] =	vst v57;
	v57 =	vld [tilespmem:$0x1DF0]  }
0x29c: {  	[tilespmem:$0x1FDB0] =	vst v33;
	v33 =	vld [tilespmem:$0x1D60]  }
0x29d: {  	[tilespmem:$0x1FE30] =	vst v52;
	v52 =	vld [tilespmem:$0x1DE0]  }
0x29e: {  	[tilespmem:$0x1FE70] =	vst v53;
	v53 =	vld [tilespmem:$0x1E60]  }
0x29f: {  	v2 =	vadd.f32 v55, v2;
	v55 =	vld [tilespmem:$0x1FDA0]  }
0x2a0: {  	[tilespmem:$0x1FE80] =	vst v57;
	v57 =	vld [tilespmem:$0x1E70]  }
0x2a1: {  	v47 =	vadd.f32 v61, v47;
	v61 =	vld [tilespmem:$0x2330]  }
0x2a2: {  	v50 =	vadd.f32 v51, v35;
	v51 =	vadd.f32 v10, v12;
	v10 =	vld [tilespmem:$0x2050]  }
0x2a3: {  	[tilespmem:$0x1FFE0] =	vst v23;
	v23 =	vld [tilespmem:$0x1FCE0]  }
0x2a4: {  	v35 =	vadd.f32 v34, v0;
	v34 =	vld [tilespmem:$0x1FD00]  }
0x2a5: {  	[tilespmem:$0x1FEC0] =	vst v57;
	v57 =	vld [tilespmem:$0x1E80]  }
0x2a6: {  	v16 =	vadd.f32 v63, v16;
	v63 =	vld [tilespmem:$0x1FDD0]  }
0x2a7: {  	v18 =	vadd.f32 v17, v2;
	v2 =	vld [tilespmem:$0x2150]  }
0x2a8: {  	v17 =	vld [tilespmem:$0x1FE0]  }
0x2a9: {  	v0 =	vadd.f32 v21, v51;
	v21 =	vld [tilespmem:$0x1FCC0]  }
0x2aa: {  	[tilespmem:$0x1FEA0] =	vst v57;
	v57 =	vld [tilespmem:$0x1F00]  }
0x2ab: {  	[tilespmem:$0x1FFF0] =	vst v44;
	v44 =	vld [tilespmem:$0x1FD70]  }
0x2ac: {  	v51 =	vld [tilespmem:$0x1FD90]  }
0x2ad: {  	v11 =	vadd.f32 v43, v11;
	v43 =	vld [tilespmem:$0x1FE10]  }
0x2ae: {  	v14 =	vadd.f32 v15, v14;
	v15 =	vld [tilespmem:$0x2430]  }
0x2af: {  	v48 =	vadd.f32 v48, v47;
	[tilespmem:$0x1FEB0] =	vst v57;
	v57 =	vld [tilespmem:$0x1F80]  }
0x2b0: {  	[tilespmem:$0x2880] =	vst v50;
	v50 =	vadd.f32 v26, v13;
	v13 =	vld [tilespmem:$0x21C0]  }
0x2b1: {  	v24 =	vadd.f32 v24, v48;
	v48 =	vld [tilespmem:$0x21D0]  }
0x2b2: {  	[tilespmem:$0x1FE20] =	vst v33;
	v33 =	vld [tilespmem:$0x1BF0]  }
0x2b3: {  	[tilespmem:$0x1FE60] =	vst v52;
	v52 =	vld [tilespmem:$0x1CF0]  }
0x2b4: {  	[tilespmem:$0x1FEF0] =	vst v57;
	v57 =	vld [tilespmem:$0x2000]  }
0x2b5: {  	[tilespmem:$0x1FE90] =	vst v53;
	v53 =	vld [tilespmem:$0x1F30]  }
0x2b6: {  	v58 =	vadd.f32 v40, v0;
	v40 =	vld [tilespmem:$0x1FD40]  }
0x2b7: {  	v38 =	vadd.f32 v38, v42;
	v42 =	vld [tilespmem:$0x1FE00]  }
0x2b8: {  	v11 =	vadd.f32 v55, v11;
	v55 =	vld [tilespmem:$0x1FE70]  }
0x2b9: {  	[tilespmem:$0x1FF30] =	vst v57;
	v57 =	vld [tilespmem:$0x2080]  }
0x2ba: {  	v6 =	vadd.f32 v54, v6;
	v0 =	vld [tilespmem:$0x2230]  }
0x2bb: {  	v4 =	vadd.f32 v4, v7;
	v7 =	vadd.f32 v25, v50;
	v25 =	vld [tilespmem:$0x1FFE0]  }
0x2bc: {  	v50 =	vld [tilespmem:$0x2250]  }
0x2bd: {  	v6 =	vadd.f32 v23, v6;
	v23 =	vld [tilespmem:$0x1FDE0]  }
0x2be: {  	[tilespmem:$0x1FF60] =	vst v57;
	v57 =	vld [tilespmem:$0x2100]  }
0x2bf: {  	v4 =	vadd.f32 v10, v4;
	v10 =	vld [tilespmem:$0x22C0]  }
0x2c0: {  	v12 =	vadd.f32 v20, v58;
	v20 =	vld [tilespmem:$0x2060]  }
0x2c1: {  	v58 =	vld [tilespmem:$0x1FDB0]  }
0x2c2: {  	v14 =	vadd.f32 v17, v14;
	v17 =	vld [tilespmem:$0x2240]  }
0x2c3: {  	[tilespmem:$0x1FF90] =	vst v57;
	v57 =	vld [tilespmem:$0x1E90]  }
0x2c4: {  	v9 =	vadd.f32 v21, v18;
	v18 =	vadd.f32 v62, v27;
	v27 =	vld [tilespmem:$0x2070]  }
0x2c5: {  	v21 =	vadd.f32 v45, v30;
	v30 =	vld [tilespmem:$0x2170]  }
0x2c6: {  	v45 =	vld [tilespmem:$0x1FD80]  }
0x2c7: {  	v62 =	vld [tilespmem:$0x1FDC0]  }
0x2c8: {  	[tilespmem:$0x1FED0] =	vst v57;
	v57 =	vld [tilespmem:$0x1F10]  }
0x2c9: {  	v12 =	vadd.f32 v22, v12;
	v22 =	vld [tilespmem:$0x20E0]  }
0x2ca: {  	v18 =	vadd.f32 v31, v18;
	v31 =	vld [tilespmem:$0x2180]  }
0x2cb: {  	v16 =	vadd.f32 v40, v16;
	v40 =	vld [tilespmem:$0x2300]  }
0x2cc: {  	v28 =	vadd.f32 v28, v33;
	v33 =	vld [tilespmem:$0x2380]  }
0x2cd: {  	v3 =	vadd.f32 v59, v3;
	[tilespmem:$0x1FEE0] =	vst v57;
	v57 =	vld [tilespmem:$0x1F90]  }
0x2ce: {  	[tilespmem:$0x28C0] =	vst v9;
	v9 =	vld [tilespmem:$0x2440]  }
0x2cf: {  	[tilespmem:$0x28F0] =	vst v3;
	v3 =	vadd.f32 v50, v48;
	v50 =	vld [tilespmem:$0x2370]  }
0x2d0: {  	v18 =	vadd.f32 v36, v18;
	v36 =	vld [tilespmem:$0x2200]  }
0x2d1: {  	v16 =	vadd.f32 v44, v16;
	v44 =	vld [tilespmem:$0x1FE20]  }
0x2d2: {  	[tilespmem:$0x1FF20] =	vst v57;
	v57 =	vld [tilespmem:$0x2010]  }
0x2d3: {  	v28 =	vadd.f32 v52, v28;
	v52 =	vld [tilespmem:$0x1FE50]  }
0x2d4: {  	v21 =	vadd.f32 v34, v21;
	v59 =	vadd.f32 v56, v58;
	v56 =	vld [tilespmem:$0x1FE80]  }
0x2d5: {  	v58 =	vld [tilespmem:$0x1FE90]  }
0x2d6: {  	v21 =	vadd.f32 v37, v21;
	v26 =	vadd.f32 v20, v14;
	v14 =	vld [tilespmem:$0x2340]  }
0x2d7: {  	[tilespmem:$0x1FF50] =	vst v57;
	v57 =	vld [tilespmem:$0x2090]  }
0x2d8: {  	v21 =	vadd.f32 v41, v21;
	v41 =	vld [tilespmem:$0x1FDF0]  }
0x2d9: {  	v54 =	vadd.f32 v51, v45;
	v45 =	vld [tilespmem:$0x1FE30]  }
0x2da: {  	v51 =	vld [tilespmem:$0x1FE40]  }
0x2db: {  	v34 =	vadd.f32 v62, v54;
	v54 =	vld [tilespmem:$0x1FE60]  }
0x2dc: {  	[tilespmem:$0x1FF80] =	vst v57;
	v57 =	vld [tilespmem:$0x2110]  }
0x2dd: {  	v27 =	vadd.f32 v27, v7;
	v7 =	vld [tilespmem:$0x23C0];
	v38 =	vadd.f32 v41, v38  }
0x2de: {  	v34 =	vadd.f32 v23, v34;
	v23 =	vld [tilespmem:$0x1FEC0]  }
0x2df: {  	v37 =	vadd.f32 v63, v59;
	v38 =	vadd.f32 v44, v38;
	v59 =	vld [tilespmem:$0x1FEA0]  }
0x2e0: {  	v28 =	vadd.f32 v51, v28;
	v62 =	vld [tilespmem:$0x1FEB0]  }
0x2e1: {  	v37 =	vadd.f32 v42, v37;
	v38 =	vadd.f32 v54, v38;
	[tilespmem:$0x1FFB0] =	vst v57;
	v57 =	vld [tilespmem:$0x1EA0]  }
0x2e2: {  	v18 =	vadd.f32 v39, v18;
	v39 =	vld [tilespmem:$0x2280];
	v28 =	vadd.f32 v56, v28  }
0x2e3: {  	v37 =	vadd.f32 v45, v37;
	v38 =	vadd.f32 v58, v38;
	v58 =	vld [tilespmem:$0x1FEF0]  }
0x2e4: {  	v28 =	vadd.f32 v23, v28;
	v23 =	vld [tilespmem:$0x1FF30]  }
0x2e5: {  	v37 =	vadd.f32 v55, v37;
	v55 =	vld [tilespmem:$0x1FED0]  }
0x2e6: {  	v34 =	vadd.f32 v43, v34;
	v63 =	vadd.f32 v62, v59;
	[tilespmem:$0x1FF00] =	vst v57;
	v57 =	vld [tilespmem:$0x1F20]  }
0x2e7: {  	v56 =	vld [tilespmem:$0x1FEE0]  }
0x2e8: {  	v42 =	vld [tilespmem:$0x2190];
	v34 =	vadd.f32 v52, v34;
	v52 =	vadd.f32 v58, v63  }
0x2e9: {  	v1 =	vadd.f32 v1, v4;
	v63 =	vld [tilespmem:$0x1FF20]  }
0x2ea: {  	v47 =	vadd.f32 v29, v27;
	v52 =	vadd.f32 v23, v52;
	v23 =	vld [tilespmem:$0x1FF60]  }
0x2eb: {  	v1 =	vadd.f32 v2, v1;
	[tilespmem:$0x1FF10] =	vst v57;
	v57 =	vld [tilespmem:$0x1FA0]  }
0x2ec: {  	v2 =	vadd.f32 v30, v47;
	v30 =	vld [tilespmem:$0x22D0];
	v55 =	vadd.f32 v56, v55  }
0x2ed: {  	[tilespmem:$0x2890] =	vst v49;
	v49 =	vadd.f32 v36, v31;
	v36 =	vld [tilespmem:$0x23D0]  }
0x2ee: {  	v55 =	vadd.f32 v63, v55;
	v63 =	vld [tilespmem:$0x1FF50]  }
0x2ef: {  	v52 =	vadd.f32 v23, v52;
	v23 =	vld [tilespmem:$0x1FF80]  }
0x2f0: {  	[tilespmem:$0x1FF40] =	vst v57;
	v57 =	vld [tilespmem:$0x2020]  }
0x2f1: {  	v59 =	vld [tilespmem:$0x1FF00]  }
0x2f2: {  	v62 =	vld [tilespmem:$0x1FF10]  }
0x2f3: {  	v47 =	vld [tilespmem:$0x2360]  }
0x2f4: {  	v45 =	vld [tilespmem:$0x2310];
	v55 =	vadd.f32 v63, v55  }
0x2f5: {  	[tilespmem:$0x1FF70] =	vst v57;
	v57 =	vld [tilespmem:$0x20A0]  }
0x2f6: {  	v55 =	vadd.f32 v23, v55;
	v23 =	vld [tilespmem:$0x1FF90]  }
0x2f7: {  	v58 =	vadd.f32 v62, v59;
	v62 =	vld [tilespmem:$0x1FF40]  }
0x2f8: {  	v51 =	vld [tilespmem:$0x2390]  }
0x2f9: {  	v63 =	vld [tilespmem:$0x1FF70]  }
0x2fa: {  	[tilespmem:$0x1FFA0] =	vst v57;
	v57 =	vld [tilespmem:$0x2120]  }
0x2fb: {  	v52 =	vadd.f32 v23, v52;
	v23 =	vld [tilespmem:$0x1FFA0]  }
0x2fc: {  	v41 =	vld [tilespmem:$0x2400];
	v58 =	vadd.f32 v62, v58  }
0x2fd: {  	v43 =	vld [tilespmem:$0x2210]  }
0x2fe: {  	[tilespmem:$0x28E0] =	vst v6;
	v44 =	vld [tilespmem:$0x2290];
	v58 =	vadd.f32 v63, v58  }
0x2ff: {  	v6 =	vadd.f32 v39, v49;
	[tilespmem:$0x1FFC0] =	vst v57;
	v57 =	vld [tilespmem:$0x1EB0]  }
0x300: {  	v58 =	vadd.f32 v23, v58;
	v23 =	vld [tilespmem:$0x1FFB0]  }
0x301: {  	v6 =	vadd.f32 v40, v6;
	v40 =	vld [tilespmem:$0x21E0]  }
0x302: {  	v54 =	vld [tilespmem:$0x2410]  }
0x303: {  	v29 =	vadd.f32 v43, v42;
	v42 =	vld [tilespmem:$0x2260]  }
0x304: {  	[tilespmem:$0x28B0] =	vst v35;
	v35 =	vadd.f32 v22, v26;
	v43 =	vld [tilespmem:$0x21F0]  }
0x305: {  	v53 =	vadd.f32 v53, v57;
	v55 =	vadd.f32 v23, v55;
	v23 =	vld [tilespmem:$0x1FFC0]  }
0x306: {  	[tilespmem:$0x28A0] =	vst v5;
	v4 =	vadd.f32 v19, v35;
	v35 =	vadd.f32 v44, v29;
	v44 =	vld [tilespmem:$0x2270]  }
0x307: {  	[tilespmem:$0x2930] =	vst v11;
	v56 =	vld [tilespmem:$0x21A0];
	v53 =	vadd.f32 v60, v53  }
0x308: {  	[tilespmem:$0x28D0] =	vst v12;
	v59 =	vld [tilespmem:$0x2220]  }
0x309: {  	[tilespmem:$0x29D0] =	vst v1;
	v11 =	vadd.f32 v45, v35;
	v46 =	vadd.f32 v46, v53;
	v53 =	vld [tilespmem:$0x21B0]  }
0x30a: {  	v13 =	vadd.f32 v17, v13;
	[tilespmem:$0x2920] =	vst v16;
	v58 =	vadd.f32 v23, v58;
	v23 =	vld [tilespmem:$0x1FFD0]  }
0x30b: {  	v5 =	vadd.f32 v25, v24;
	[tilespmem:$0x2900] =	vst v18;
	v11 =	vadd.f32 v51, v11;
	v57 =	vld [tilespmem:$0x22A0]  }
0x30c: {  	v48 =	vadd.f32 v10, v13;
	[tilespmem:$0x2910] =	vst v21;
	v32 =	vadd.f32 v32, v46;
	v46 =	vld [tilespmem:$0x22B0]  }
0x30d: {  	[tilespmem:$0x29E0] =	vst v4;
	v6 =	vadd.f32 v33, v6;
	v45 =	vld [tilespmem:$0x22E0];
	v11 =	vadd.f32 v54, v11  }
0x30e: {  	[tilespmem:$0x29F0] =	vst v2;
	v54 =	vadd.f32 v14, v48;
	v62 =	vld [tilespmem:$0x2320];
	v31 =	vadd.f32 v59, v56  }
0x30f: {  	[tilespmem:$0x2950] =	vst v37;
	v0 =	vadd.f32 v0, v53;
	v23 =	vadd.f32 v23, v32;
	v32 =	vld [tilespmem:$0x1FFF0]  }
0x310: {  	[tilespmem:$0x2940] =	vst v34;
	v6 =	vadd.f32 v41, v6;
	v4 =	vadd.f32 v7, v54;
	v60 =	vld [tilespmem:$0x23A0]  }
0x311: {  	[tilespmem:$0x2970] =	vst v28;
	v16 =	vadd.f32 v57, v31;
	v0 =	vadd.f32 v46, v0;
	v46 =	vld [tilespmem:$0x22F0]  }
0x312: {  	[tilespmem:$0x2960] =	vst v38;
	v49 =	vadd.f32 v42, v40;
	v51 =	vadd.f32 v30, v3;
	v63 =	vld [tilespmem:$0x2420]  }
0x313: {  	[tilespmem:$0x2A00] =	vst v6;
	v4 =	vadd.f32 v9, v4;
	v16 =	vadd.f32 v62, v16;
	v53 =	vld [tilespmem:$0x23E0]  }
0x314: {  	[tilespmem:$0x2980] =	vst v52;
	v52 =	vadd.f32 v44, v43;
	v5 =	vadd.f32 v32, v5;
	v32 =	vld [tilespmem:$0x2350]  }
0x315: {  	v56 =	vld [tilespmem:$0x23F0];
	[tilespmem:$0x2990] =	vst v55;
	v55 =	vadd.f32 v45, v49;
	v16 =	vadd.f32 v60, v16  }
0x316: {  	[tilespmem:$0x29A0] =	vst v58;
	v58 =	vld [tilespmem:$0x2460];
	v0 =	vadd.f32 v61, v0;
	v57 =	vadd.f32 v46, v52  }
0x317: {  	v59 =	vld [tilespmem:$0x2470];
	v16 =	vadd.f32 v63, v16;
	[tilespmem:$0x29C0] =	vst v5;
	v5 =	vadd.f32 v47, v55  }
0x318: {  	v39 =	vld [tilespmem:$0x2450];
	[tilespmem:$0x2A10] =	vst v11;
	v0 =	vadd.f32 v8, v0;
	v2 =	vadd.f32 v50, v57  }
0x319: {  	[tilespmem:$0x2A40] =	vst v4;
	v5 =	vadd.f32 v53, v5;
	v1 =	vadd.f32 v32, v51  }
0x31a: {  	[tilespmem:$0x29B0] =	vst v23;
	v0 =	vadd.f32 v15, v0;
	v61 =	vadd.f32 v56, v2  }
0x31b: {  	[tilespmem:$0x2A20] =	vst v16;
	v62 =	vadd.f32 v58, v5;
	v1 =	vadd.f32 v36, v1  }
0x31c: {  	[tilespmem:$0x2A30] =	vst v0;
	v63 =	vadd.f32 v59, v61  }
0x31d: {  	[tilespmem:$0x2A60] =	vst v62;
	v60 =	vadd.f32 v39, v1  }
0x31e: {  	[tilespmem:$0x2A70] =	vst v63  }
0x31f: {  	[tilespmem:$0x2A50] =	vst v60  }
0x320: {  	[hbm4b:s6+s2] =	stream.linear.scatter [tilespmem:s16], [sflag:$0x3], $0x200, $0x38;
	[tilespmem:$0x2C80] =	vst v63  }
0x321: {  	p0 =	sne.s32 s7, $0x1;
	_ =	swait.ge [sflag:s8], $0x200  }
.Ltmp0:
0x322: {  	[sflag:s8] =	ssyncset.done $0x0;
	(pc) =	sbr.rel @p0 .LBB2_1-.Ltmp0, $4  }
0x323: {  	[sflag:s8] =	ssyncadd.s32 $0xFFFFFE00  }
0x324: {  	_ =	swait.ge [sflag:s13], $0x400  }
0x325: {  	[sflag:s13] =	ssyncset.done $0x0  }
0x326: {  	s7 =	sadd.s32 $0xFFFFFFFF, s7;
	[sflag:s13] =	ssyncadd.s32 $0xFFFFFC00  }
0x327: {  	_ =	sfence.sel $0x180000  }
0x328: {  	[bflag:$0x0] =	sbarrier.arrive $0xFFFF  }
0x329: {  	p0 =	sne.s32 s1, $0x0;
	_ =	strace $0x90000047  }
0x32a: {  	s0 =	sadd.s32 @!p0 $0x100000, s0;
	[bflag:$0x2] =	sbarrier.arrive $0xFFFF  }
0x32b: {  	[sflag:s0] =	ssyncadd.tile.s32 @!p0 $0x1;
	_ =	shalt  }
.Lfunc_end2:
_tile_overlayer_lowered:
.L_overlay_start_2:
0x32c: {  	(tag) =	ssettag $0x2  }
0x32d: {  	s0 =	rddreg [dreg:$0x0];
	s2 =	stileid.u32  }
0x32e: {  	s1 =	rddreg [dreg:$0x1];
	p0 =	sne.s32 s2, $0x0  }
0x32f: {  	s3 =	rddreg [dreg:$0x2];
	[bflag:$0x3] =	sbarrier.arrive $0xFFFF;
	s2 =	simm.s32 @!p0 $0x1C03  }
0x330: {  	[timem:s3], [sflag:s2] =	dma.local @!p0 [hbm:s0], s1  }
0x331: {  	s0 =	simm.s32 @!p0 $0x3  }
0x332: {  	_ =	swait.ge @!p0 [sflag:s0], s1  }
0x333: {  	s1 =	ssub.s32 @!p0 $0x0, s1;
	[sflag:s0] =	ssyncset.done @!p0 $0x0  }
0x334: {  	[sflag:s0] =	ssyncadd.s32 @!p0 s1  }
0x335: {  	[bflag:$0x3] =	sbarrier.arrive $0xFFFF  }
0x336: {  	_ =	shalt  }

</sc_bundles>
